<compile_context>
chip_gen: v7x
topology: tpu7x:2x2x1
jax: 0.10.2.dev20260603
libtpu: 0.0.44.dev20260713+nightly
codegen_flags: <defaults>
</compile_context>

<pallas_src>
import functools

import jax
import jax.numpy as jnp
from jax import lax
from jax.experimental import pallas as pl
from jax.experimental.pallas import tpu as pltpu
from jax.experimental.pallas import tpu_sc as plsc

NC = 2
NS = 16
NW = NC * NS
CHUNK = 128


def _round_up(v, m):
    return (v + m - 1) // m * m




def _deg_body(rows_pad, ept, dst_hbm, out_hbm, dv0, dv1, dv2, dv3, ones_v,
              stage_v, acc_sh, sem_d0, sem_d1, sem_d2, sem_d3,
              sem_s0, sem_s1):
    c = lax.axis_index("c")
    s = lax.axis_index("s")
    wid = c * NS + s
    rpt = rows_pad // NS
    r0 = s * rpt
    dst_v = (dv0, dv1, dv2, dv3)
    sem_d = (sem_d0, sem_d1, sem_d2, sem_d3)
    sem_s = (sem_s0, sem_s1)
    zero16 = jnp.zeros((16,), jnp.float32)
    for i in range(CHUNK // 16):
        ones_v[pl.ds(i * 16, 16)] = jnp.full((16,), 1.0, jnp.float32)

    def zbody(k, carry):
        stage_v[pl.ds(k * 16, 16)] = zero16
        return carry

    lax.fori_loop(0, rpt // 16, zbody, 0)
    pltpu.sync_copy(stage_v, acc_sh.at[pl.ds(r0, rpt)])
    plsc.subcore_barrier()

    def issue_idx(j, q):
        pltpu.async_copy(dst_hbm.at[wid * ept + j], dst_v[q], sem_d[q])

    def step(j, q, wait_prev=True, nxt_idx=True):
        b = q % 2
        pltpu.make_async_copy(dst_hbm.at[0], dst_v[q], sem_d[q]).wait()
        if wait_prev:
            pltpu.make_async_copy(dst_hbm.at[0], dst_v[b],
                                  sem_s[b]).wait()
        pltpu.async_copy(ones_v, acc_sh.at[dst_v[q]], sem_s[b], add=True)
        if nxt_idx:
            issue_idx(j + 2, (q + 2) % 4)

    issue_idx(0, 0)
    issue_idx(1, 1)
    step(0, 0, wait_prev=False)
    step(1, 1, wait_prev=False)

    def body(k, carry):
        j = k * 4 + 2
        step(j + 0, 2)
        step(j + 1, 3)
        step(j + 2, 0)
        step(j + 3, 1)
        return carry

    lax.fori_loop(0, (ept - 4) // 4, body, 0)
    step(ept - 2, (ept - 2) % 4, nxt_idx=False)
    step(ept - 1, (ept - 1) % 4, nxt_idx=False)
    pltpu.make_async_copy(dst_hbm.at[0], dst_v[0], sem_s[0]).wait()
    pltpu.make_async_copy(dst_hbm.at[0], dst_v[1], sem_s[1]).wait()
    plsc.subcore_barrier()
    pltpu.sync_copy(acc_sh.at[pl.ds(r0, rpt)], stage_v)
    pltpu.sync_copy(stage_v, out_hbm.at[pl.ds(c * rows_pad + r0, rpt)])


def _spmm_body(rows_pad, ept, d, hs_hbm, src_hbm, dst_hbm, out_hbm,
               src_v0, src_v1, dv0, dv1, dv2, dv3, rows_v0, rows_v1, acc_sh,
               sem_i0, sem_i1, sem_d0, sem_d1, sem_d2, sem_d3,
               sem_g0, sem_g1, sem_s0, sem_s1):
    c = lax.axis_index("c")
    s = lax.axis_index("s")
    wid = c * NS + s
    rpt = rows_pad // NS
    r0 = s * rpt
    nstage = rpt // CHUNK
    src_v = (src_v0, src_v1)
    dst_v = (dv0, dv1, dv2, dv3)
    rows_v = (rows_v0, rows_v1)
    sem_i = (sem_i0, sem_i1)
    sem_d = (sem_d0, sem_d1, sem_d2, sem_d3)
    sem_g = (sem_g0, sem_g1)
    sem_s = (sem_s0, sem_s1)
    zero16 = jnp.zeros((16,), jnp.float32)

    def zbody(k, carry):
        for j in range(d // 16):
            rows_v0[k, pl.ds(j * 16, 16)] = zero16
        return carry

    lax.fori_loop(0, CHUNK, zbody, 0)
    for i in range(nstage):
        pltpu.sync_copy(rows_v0, acc_sh.at[pl.ds(r0 + i * CHUNK, CHUNK)])
    plsc.subcore_barrier()

    def issue_idx(j, b, q):
        pltpu.async_copy(src_hbm.at[wid * ept + j], src_v[b], sem_i[b])
        pltpu.async_copy(dst_hbm.at[wid * ept + j], dst_v[q], sem_d[q])

    def issue_gather(b):
        pltpu.make_async_copy(src_hbm.at[0], src_v[b], sem_i[b]).wait()
        pltpu.async_copy(hs_hbm.at[src_v[b]], rows_v[b], sem_g[b])

    def step(j, b, q, wait_prev=True, nxt_idx=True, nxt_gather=True):
        b1 = 1 - b
        pltpu.make_async_copy(hs_hbm.at[pl.ds(0, CHUNK)],
                              rows_v[b], sem_g[b]).wait()
        pltpu.make_async_copy(src_hbm.at[0], dst_v[q], sem_d[q]).wait()
        pltpu.async_copy(rows_v[b], acc_sh.at[dst_v[q]], sem_s[b], add=True)
        if nxt_idx:
            issue_idx(j + 2, b, (q + 2) % 4)
        if wait_prev:
            pltpu.make_async_copy(hs_hbm.at[pl.ds(0, CHUNK)],
                                  rows_v[b1], sem_s[b1]).wait()
        if nxt_gather:
            issue_gather(b1)

    issue_idx(0, 0, 0)
    issue_idx(1, 1, 1)
    issue_gather(0)
    step(0, 0, 0, wait_prev=False)
    step(1, 1, 1)

    def body(k, carry):
        j = k * 4 + 2
        step(j + 0, 0, 2)
        step(j + 1, 1, 3)
        step(j + 2, 0, 0)
        step(j + 3, 1, 1)
        return carry

    lax.fori_loop(0, (ept - 4) // 4, body, 0)
    step(ept - 2, 0, (ept - 2) % 4, nxt_idx=False)
    step(ept - 1, 1, (ept - 1) % 4, nxt_idx=False, nxt_gather=False)
    pltpu.make_async_copy(hs_hbm.at[pl.ds(0, CHUNK)],
                          rows_v[1], sem_s[1]).wait()
    plsc.subcore_barrier()
    for i in range(nstage):
        pltpu.sync_copy(acc_sh.at[pl.ds(r0 + i * CHUNK, CHUNK)], rows_v0)
        pltpu.sync_copy(rows_v0,
                        out_hbm.at[pl.ds(c * rows_pad + r0 + i * CHUNK,
                                         CHUNK)])


def _make_deg_kernel(rows_pad, ept):
    mesh = plsc.VectorSubcoreMesh(core_axis_name="c", subcore_axis_name="s")
    return pl.kernel(
        functools.partial(_deg_body, rows_pad, ept),
        out_type=jax.ShapeDtypeStruct((NC * rows_pad,), jnp.float32),
        mesh=mesh,
        scratch_types=(
            [pltpu.VMEM((CHUNK,), jnp.int32) for _ in range(4)]
            + [pltpu.VMEM((CHUNK,), jnp.float32),
               pltpu.VMEM((rows_pad // NS,), jnp.float32),
               pltpu.VMEM_SHARED((rows_pad,), jnp.float32)]
            + [pltpu.SemaphoreType.DMA for _ in range(6)]
        ),
    )


def _make_spmm_kernel(rows_pad, ept, d, ncores=NC):
    mesh = plsc.VectorSubcoreMesh(core_axis_name="c", subcore_axis_name="s",
                                  num_cores=ncores)
    return pl.kernel(
        functools.partial(_spmm_body, rows_pad, ept, d),
        out_type=jax.ShapeDtypeStruct((ncores * rows_pad, d), jnp.float32),
        mesh=mesh,
        scratch_types=(
            [pltpu.VMEM((CHUNK,), jnp.int32) for _ in range(6)]
            + [pltpu.VMEM((CHUNK, d), jnp.float32) for _ in range(2)]
            + [pltpu.VMEM_SHARED((rows_pad, d), jnp.float32)]
            + [pltpu.SemaphoreType.DMA for _ in range(10)]
        ),
    )




def _tc1_body(x_ref, w_ref, da_ref, db_ref, hs_ref, dis_ref):
    dis = lax.rsqrt(da_ref[...] + db_ref[...] + 1.0)
    t = jnp.dot(x_ref[...], w_ref[...], preferred_element_type=jnp.float32)
    hs_ref[...] = t * dis
    dis_ref[...] = dis


def _tc2_body(aa_ref, ab_ref, hs_ref, dis_ref, b_ref, w_ref, out_ref):
    dis = dis_ref[...]
    pre = (aa_ref[...] + ab_ref[...] + hs_ref[...]) * dis + b_ref[...]
    h = jnp.maximum(pre, 0.0)
    out_ref[...] = dis * jnp.dot(h, w_ref[...],
                                 preferred_element_type=jnp.float32)


def _tc3_body(aa_ref, ab_ref, hs_ref, dis_ref, b_ref, out_ref):
    out_ref[...] = ((aa_ref[...] + ab_ref[...] + hs_ref[...]) * dis_ref[...]
                    + b_ref[...])


def _row_spec(br, d):
    return pl.BlockSpec((br, d), lambda i: (i, 0))


def _full_spec(shape):
    return pl.BlockSpec(shape, lambda i: (0,) * len(shape))




def kernel(x, edge_index, W1, b1, W2, b2):
    n, d = x.shape
    e = edge_index.shape[1]

    src = edge_index[0].astype(jnp.int32)
    dst = edge_index[1].astype(jnp.int32)

    ncores = 2
    nw = ncores * NS
    ept = _round_up(-(-e // (nw * CHUNK)), 4)
    e_pad = nw * CHUNK * ept
    rows_pad = _round_up(n + 1, NS * CHUNK)

    src_p = jnp.concatenate(
        [src, jnp.zeros((e_pad - e,), jnp.int32)]).reshape(-1, CHUNK)
    dst_p = jnp.concatenate(
        [dst, jnp.full((e_pad - e,), n, jnp.int32)]).reshape(-1, CHUNK)

    ept_deg = _round_up(-(-e_pad // (NW * CHUNK)), 1)
    deg_out = _make_deg_kernel(rows_pad, ept_deg)(
        dst_p.reshape(NW * ept_deg, CHUNK))
    da = deg_out[0 * rows_pad:0 * rows_pad + n].reshape(n, 1)
    db = deg_out[1 * rows_pad:1 * rows_pad + n].reshape(n, 1)

    br = 2000 if n % 2000 == 0 else n
    grid = (n // br,)

    hs1, dis = pl.pallas_call(
        _tc1_body,
        grid=grid,
        in_specs=[_row_spec(br, d), _full_spec((d, d)),
                  _row_spec(br, 1), _row_spec(br, 1)],
        out_specs=[_row_spec(br, d), _row_spec(br, 1)],
        out_shape=[jax.ShapeDtypeStruct((n, d), jnp.float32),
                   jax.ShapeDtypeStruct((n, 1), jnp.float32)],
    )(x, W1, da, db)

    spmm = _make_spmm_kernel(rows_pad, ept, d, ncores=ncores)

    def _zero_agg():
        return jnp.zeros((n, d), jnp.float32)

    agg1 = spmm(hs1, src_p, dst_p)
    a1a = agg1[0 * rows_pad:0 * rows_pad + n]
    a1b = (agg1[1 * rows_pad:1 * rows_pad + n] if ncores == 2
           else _zero_agg())

    hs2 = pl.pallas_call(
        _tc2_body,
        grid=grid,
        in_specs=[_row_spec(br, d), _row_spec(br, d), _row_spec(br, d),
                  _row_spec(br, 1), _full_spec((1, d)), _full_spec((d, d))],
        out_specs=_row_spec(br, d),
        out_shape=jax.ShapeDtypeStruct((n, d), jnp.float32),
    )(a1a, a1b, hs1, dis, b1.reshape(1, d), W2)

    agg2 = spmm(hs2, src_p, dst_p)
    a2a = agg2[0 * rows_pad:0 * rows_pad + n]
    a2b = (agg2[1 * rows_pad:1 * rows_pad + n] if ncores == 2
           else _zero_agg())

    out = pl.pallas_call(
        _tc3_body,
        grid=grid,
        in_specs=[_row_spec(br, d), _row_spec(br, d), _row_spec(br, d),
                  _row_spec(br, 1), _full_spec((1, d))],
        out_specs=_row_spec(br, d),
        out_shape=jax.ShapeDtypeStruct((n, d), jnp.float32),
    )(a2a, a2b, hs2, dis, b2.reshape(1, d))

    return out

# --- scband reference (transcript-rebuilt; emitter-appended) ---
"""Pipeline reference for scband-gaedecoder-36051955482714 (READ-ONLY COPY).

The authoritative reference and input builder live on the scoring server;
editing this copy changes nothing except your own understanding.
"""

import jax, jax.numpy as jnp
import numpy as np


def gcn_conv(x, edge_index, W, b):
    # Faithful PyG GCNConv: add self-loops, symmetric degree norm, linear transform, scatter-add aggregate.
    N = x.shape[0]
    loop = jnp.arange(N, dtype=edge_index.dtype)
    src = jnp.concatenate([edge_index[0], loop])
    dst = jnp.concatenate([edge_index[1], loop])
    h = x @ W
    deg = jnp.zeros((N,), dtype=h.dtype).at[dst].add(1.0)
    deg_inv_sqrt = jnp.where(deg > 0, jax.lax.rsqrt(jnp.maximum(deg, 1e-12)), 0.0)
    norm = deg_inv_sqrt[src] * deg_inv_sqrt[dst]
    msgs = h[src] * norm[:, None]
    out = jnp.zeros((N, W.shape[1]), dtype=h.dtype).at[dst].add(msgs)
    return out + b


def setup_inputs(seed: int = 0) -> dict:
    key = jax.random.key(seed)
    k_x, k_e, k_w1, k_b1, k_w2, k_b2 = (jax.random.fold_in(key, i) for i in range(6))
    N, E = 10000, 320000
    d_in, d_hid, d_out = 128, 128, 128
    x = jax.random.normal(k_x, (N, d_in), dtype=jnp.float32)
    edge_index = jax.random.randint(k_e, (2, E), 0, N, dtype=jnp.int64)
    s1 = 1.0 / np.sqrt(d_in)
    s2 = 1.0 / np.sqrt(d_hid)
    W1 = jax.random.uniform(k_w1, (d_in, d_hid), dtype=jnp.float32, minval=-s1, maxval=s1)
    b1 = jnp.zeros((d_hid,), dtype=jnp.float32)
    W2 = jax.random.uniform(k_w2, (d_hid, d_out), dtype=jnp.float32, minval=-s2, maxval=s2)
    b2 = jnp.zeros((d_out,), dtype=jnp.float32)
    return {"x": x, "edge_index": edge_index, "W1": W1, "b1": b1, "W2": W2, "b2": b2}


def reference(x, edge_index, W1, b1, W2, b2):
    h = jax.nn.relu(gcn_conv(x, edge_index, W1, b1))
    out = gcn_conv(h, edge_index, W2, b2)
    return out

if __name__ == "__main__":
    import jax
    _d = setup_inputs()
    print(jax.jit(kernel)(*tuple(_d.values())))

</pallas_src>

<mosaic_0001>
#map = affine_map<(d0, d1) -> (0, 0)>
module attributes {stable_mosaic.version = 14 : i64} {
  func.func @_spmm_body(%arg0: i32, %arg1: i32, %arg2: memref<10000x128xf32, #tpu.memory_space<hbm>>, %arg3: memref<2560x128xi32, #tpu.memory_space<hbm>>, %arg4: memref<2560x128xi32, #tpu.memory_space<hbm>>, %arg5: memref<20480x128xf32, #tpu.memory_space<hbm>>, %arg6: memref<128xi32, #tpu.memory_space<vmem>>, %arg7: memref<128xi32, #tpu.memory_space<vmem>>, %arg8: memref<128xi32, #tpu.memory_space<vmem>>, %arg9: memref<128xi32, #tpu.memory_space<vmem>>, %arg10: memref<128xi32, #tpu.memory_space<vmem>>, %arg11: memref<128xi32, #tpu.memory_space<vmem>>, %arg12: memref<128x128xf32, #tpu.memory_space<vmem>>, %arg13: memref<128x128xf32, #tpu.memory_space<vmem>>, %arg14: memref<10240x128xf32, #tpu.memory_space<vmem_shared>>, %arg15: memref<!tpu.dma_semaphore, #tpu.memory_space<semaphore_mem>>, %arg16: memref<!tpu.dma_semaphore, #tpu.memory_space<semaphore_mem>>, %arg17: memref<!tpu.dma_semaphore, #tpu.memory_space<semaphore_mem>>, %arg18: memref<!tpu.dma_semaphore, #tpu.memory_space<semaphore_mem>>, %arg19: memref<!tpu.dma_semaphore, #tpu.memory_space<semaphore_mem>>, %arg20: memref<!tpu.dma_semaphore, #tpu.memory_space<semaphore_mem>>, %arg21: memref<!tpu.dma_semaphore, #tpu.memory_space<semaphore_mem>>, %arg22: memref<!tpu.dma_semaphore, #tpu.memory_space<semaphore_mem>>, %arg23: memref<!tpu.dma_semaphore, #tpu.memory_space<semaphore_mem>>, %arg24: memref<!tpu.dma_semaphore, #tpu.memory_space<semaphore_mem>>) attributes {dimension_semantics = [#tpu.dimension_semantics<core_parallel>, #tpu.dimension_semantics<subcore_parallel>], iteration_bounds = array<i64: 2, 16>, scalar_prefetch = 0 : i64, scratch_operands = 19 : i64, tpu.core_type = #tpu.core_type<sc_vector_subcore>, window_params = [{transform_indices = #map}, {transform_indices = #map}, {transform_indices = #map}, {transform_indices = #map}]} {
    %mul3A = arith.constant 16 : i32
    %mul3A_0 = arith.muli %arg0, %mul3A : i32
    %add3A = arith.addi %mul3A_0, %arg1 : i32
    %mul3A_1 = arith.constant 640 : i32
    %mul3A_2 = arith.muli %arg1, %mul3A_1 : i32
    %broadcast_in_dim3A = arith.constant 0.000000e+00 : f32
    %broadcast_in_dim3A_3 = vector.broadcast %broadcast_in_dim3A : f32 to vector<16xf32>
    %scan3A = arith.constant 0 : i32
    %scan3A_4 = arith.constant 0 : i32
    %scan3A_5 = arith.constant 128 : i32
    %scan3A_6 = arith.addi %scan3A_4, %scan3A_5 : i32
    %scan3A_7 = arith.constant 1 : i32
    scf.for %scan3A_267 = %scan3A_4 to %scan3A_6 step %scan3A_7  : i32 {
      %swap3A = arith.index_cast %scan3A_267 : i32 to index
      %swap3A_268 = arith.constant 0 : index
      %swap3A_269 = tpu.vector_load %arg12[%swap3A, %swap3A_268] {strides = array<i32>} : memref<128x128xf32, #tpu.memory_space<vmem>>, vector<1x16xf32>,
      %swap3A_270 = vector.shape_cast %swap3A_269 : vector<1x16xf32> to vector<16xf32>
      %swap3A_271 = vector.shape_cast %broadcast_in_dim3A_3 : vector<16xf32> to vector<1x16xf32>
      tpu.vector_store %arg12[%swap3A, %swap3A_268], %swap3A_271 {strides = array<i32>} : memref<128x128xf32, #tpu.memory_space<vmem>>, vector<1x16xf32>,
      %swap3A_272 = arith.index_cast %scan3A_267 : i32 to index
      %swap3A_273 = arith.constant 16 : index
      %swap3A_274 = tpu.vector_load %arg12[%swap3A_272, %swap3A_273] {strides = array<i32>} : memref<128x128xf32, #tpu.memory_space<vmem>>, vector<1x16xf32>,
      %swap3A_275 = vector.shape_cast %swap3A_274 : vector<1x16xf32> to vector<16xf32>
      %swap3A_276 = vector.shape_cast %broadcast_in_dim3A_3 : vector<16xf32> to vector<1x16xf32>
      tpu.vector_store %arg12[%swap3A_272, %swap3A_273], %swap3A_276 {strides = array<i32>} : memref<128x128xf32, #tpu.memory_space<vmem>>, vector<1x16xf32>,
      %swap3A_277 = arith.index_cast %scan3A_267 : i32 to index
      %swap3A_278 = arith.constant 32 : index
      %swap3A_279 = tpu.vector_load %arg12[%swap3A_277, %swap3A_278] {strides = array<i32>} : memref<128x128xf32, #tpu.memory_space<vmem>>, vector<1x16xf32>,
      %swap3A_280 = vector.shape_cast %swap3A_279 : vector<1x16xf32> to vector<16xf32>
      %swap3A_281 = vector.shape_cast %broadcast_in_dim3A_3 : vector<16xf32> to vector<1x16xf32>
      tpu.vector_store %arg12[%swap3A_277, %swap3A_278], %swap3A_281 {strides = array<i32>} : memref<128x128xf32, #tpu.memory_space<vmem>>, vector<1x16xf32>,
      %swap3A_282 = arith.index_cast %scan3A_267 : i32 to index
      %swap3A_283 = arith.constant 48 : index
      %swap3A_284 = tpu.vector_load %arg12[%swap3A_282, %swap3A_283] {strides = array<i32>} : memref<128x128xf32, #tpu.memory_space<vmem>>, vector<1x16xf32>,
      %swap3A_285 = vector.shape_cast %swap3A_284 : vector<1x16xf32> to vector<16xf32>
      %swap3A_286 = vector.shape_cast %broadcast_in_dim3A_3 : vector<16xf32> to vector<1x16xf32>
      tpu.vector_store %arg12[%swap3A_282, %swap3A_283], %swap3A_286 {strides = array<i32>} : memref<128x128xf32, #tpu.memory_space<vmem>>, vector<1x16xf32>,
      %swap3A_287 = arith.index_cast %scan3A_267 : i32 to index
      %swap3A_288 = arith.constant 64 : index
      %swap3A_289 = tpu.vector_load %arg12[%swap3A_287, %swap3A_288] {strides = array<i32>} : memref<128x128xf32, #tpu.memory_space<vmem>>, vector<1x16xf32>,
      %swap3A_290 = vector.shape_cast %swap3A_289 : vector<1x16xf32> to vector<16xf32>
      %swap3A_291 = vector.shape_cast %broadcast_in_dim3A_3 : vector<16xf32> to vector<1x16xf32>
      tpu.vector_store %arg12[%swap3A_287, %swap3A_288], %swap3A_291 {strides = array<i32>} : memref<128x128xf32, #tpu.memory_space<vmem>>, vector<1x16xf32>,
      %swap3A_292 = arith.index_cast %scan3A_267 : i32 to index
      %swap3A_293 = arith.constant 80 : index
      %swap3A_294 = tpu.vector_load %arg12[%swap3A_292, %swap3A_293] {strides = array<i32>} : memref<128x128xf32, #tpu.memory_space<vmem>>, vector<1x16xf32>,
      %swap3A_295 = vector.shape_cast %swap3A_294 : vector<1x16xf32> to vector<16xf32>
      %swap3A_296 = vector.shape_cast %broadcast_in_dim3A_3 : vector<16xf32> to vector<1x16xf32>
      tpu.vector_store %arg12[%swap3A_292, %swap3A_293], %swap3A_296 {strides = array<i32>} : memref<128x128xf32, #tpu.memory_space<vmem>>, vector<1x16xf32>,
      %swap3A_297 = arith.index_cast %scan3A_267 : i32 to index
      %swap3A_298 = arith.constant 96 : index
      %swap3A_299 = tpu.vector_load %arg12[%swap3A_297, %swap3A_298] {strides = array<i32>} : memref<128x128xf32, #tpu.memory_space<vmem>>, vector<1x16xf32>,
      %swap3A_300 = vector.shape_cast %swap3A_299 : vector<1x16xf32> to vector<16xf32>
      %swap3A_301 = vector.shape_cast %broadcast_in_dim3A_3 : vector<16xf32> to vector<1x16xf32>
      tpu.vector_store %arg12[%swap3A_297, %swap3A_298], %swap3A_301 {strides = array<i32>} : memref<128x128xf32, #tpu.memory_space<vmem>>, vector<1x16xf32>,
      %swap3A_302 = arith.index_cast %scan3A_267 : i32 to index
      %swap3A_303 = arith.constant 112 : index
      %swap3A_304 = tpu.vector_load %arg12[%swap3A_302, %swap3A_303] {strides = array<i32>} : memref<128x128xf32, #tpu.memory_space<vmem>>, vector<1x16xf32>,
      %swap3A_305 = vector.shape_cast %swap3A_304 : vector<1x16xf32> to vector<16xf32>
      %swap3A_306 = vector.shape_cast %broadcast_in_dim3A_3 : vector<16xf32> to vector<1x16xf32>
      tpu.vector_store %arg12[%swap3A_302, %swap3A_303], %swap3A_306 {strides = array<i32>} : memref<128x128xf32, #tpu.memory_space<vmem>>, vector<1x16xf32>,
    }
    %scan3A_8 = arith.constant 128 : i32
    %add3A_9 = arith.constant 0 : i32
    %add3A_10 = arith.addi %mul3A_2, %add3A_9 : i32
    "tpu.region"() ({
      %run_scoped3A = tpu.sem_alloc : memref<!tpu.dma_semaphore, #tpu.memory_space<semaphore_mem>>
      %dma_start3A_267 = arith.constant 0 : i32
      %dma_start3A_268 = tpu.memref_slice %arg14[%add3A_10, %dma_start3A_267] : memref<10240x128xf32, #tpu.memory_space<vmem_shared>> -> memref<128x128xf32, #tpu.memory_space<vmem_shared>>
      %dma_start3A_269 = arith.constant 0 : i32
      %dma_start3A_270 = tpu.memref_slice %arg14[%add3A_10, %dma_start3A_269] : memref<10240x128xf32, #tpu.memory_space<vmem_shared>> -> memref<128x128xf32, #tpu.memory_space<vmem_shared>>
      tpu.enqueue_dma source(%arg12 : memref<128x128xf32, #tpu.memory_space<vmem>>) target(%dma_start3A_270 : memref<128x128xf32, #tpu.memory_space<vmem_shared>>) target_semaphore(%run_scoped3A : memref<!tpu.dma_semaphore, #tpu.memory_space<semaphore_mem>>)
      %dma_wait3A_271 = arith.constant 0 : i32
      %dma_wait3A_272 = tpu.memref_slice %arg14[%add3A_10, %dma_wait3A_271] : memref<10240x128xf32, #tpu.memory_space<vmem_shared>> -> memref<128x128xf32, #tpu.memory_space<vmem_shared>>
      %dma_wait3A_273 = arith.constant 0 : i32
      %dma_wait3A_274 = tpu.memref_slice %arg14[%add3A_10, %dma_wait3A_273] : memref<10240x128xf32, #tpu.memory_space<vmem_shared>> -> memref<128x128xf32, #tpu.memory_space<vmem_shared>>
      tpu.wait_dma2 semaphore(%run_scoped3A : memref<!tpu.dma_semaphore, #tpu.memory_space<semaphore_mem>>) src(%arg12 : memref<128x128xf32, #tpu.memory_space<vmem>>) dst(%dma_wait3A_274 : memref<128x128xf32, #tpu.memory_space<vmem_shared>>)
      tpu.yield
    }) : () -> ()
    %add3A_11 = arith.constant 128 : i32
    %add3A_12 = arith.addi %mul3A_2, %add3A_11 : i32
    "tpu.region"() ({
      %run_scoped3A = tpu.sem_alloc : memref<!tpu.dma_semaphore, #tpu.memory_space<semaphore_mem>>
      %dma_start3A_267 = arith.constant 0 : i32
      %dma_start3A_268 = tpu.memref_slice %arg14[%add3A_12, %dma_start3A_267] : memref<10240x128xf32, #tpu.memory_space<vmem_shared>> -> memref<128x128xf32, #tpu.memory_space<vmem_shared>>
      %dma_start3A_269 = arith.constant 0 : i32
      %dma_start3A_270 = tpu.memref_slice %arg14[%add3A_12, %dma_start3A_269] : memref<10240x128xf32, #tpu.memory_space<vmem_shared>> -> memref<128x128xf32, #tpu.memory_space<vmem_shared>>
      tpu.enqueue_dma source(%arg12 : memref<128x128xf32, #tpu.memory_space<vmem>>) target(%dma_start3A_270 : memref<128x128xf32, #tpu.memory_space<vmem_shared>>) target_semaphore(%run_scoped3A : memref<!tpu.dma_semaphore, #tpu.memory_space<semaphore_mem>>)
      %dma_wait3A_271 = arith.constant 0 : i32
      %dma_wait3A_272 = tpu.memref_slice %arg14[%add3A_12, %dma_wait3A_271] : memref<10240x128xf32, #tpu.memory_space<vmem_shared>> -> memref<128x128xf32, #tpu.memory_space<vmem_shared>>
      %dma_wait3A_273 = arith.constant 0 : i32
      %dma_wait3A_274 = tpu.memref_slice %arg14[%add3A_12, %dma_wait3A_273] : memref<10240x128xf32, #tpu.memory_space<vmem_shared>> -> memref<128x128xf32, #tpu.memory_space<vmem_shared>>
      tpu.wait_dma2 semaphore(%run_scoped3A : memref<!tpu.dma_semaphore, #tpu.memory_space<semaphore_mem>>) src(%arg12 : memref<128x128xf32, #tpu.memory_space<vmem>>) dst(%dma_wait3A_274 : memref<128x128xf32, #tpu.memory_space<vmem_shared>>)
      tpu.yield
    }) : () -> ()
    %add3A_13 = arith.constant 256 : i32
    %add3A_14 = arith.addi %mul3A_2, %add3A_13 : i32
    "tpu.region"() ({
      %run_scoped3A = tpu.sem_alloc : memref<!tpu.dma_semaphore, #tpu.memory_space<semaphore_mem>>
      %dma_start3A_267 = arith.constant 0 : i32
      %dma_start3A_268 = tpu.memref_slice %arg14[%add3A_14, %dma_start3A_267] : memref<10240x128xf32, #tpu.memory_space<vmem_shared>> -> memref<128x128xf32, #tpu.memory_space<vmem_shared>>
      %dma_start3A_269 = arith.constant 0 : i32
      %dma_start3A_270 = tpu.memref_slice %arg14[%add3A_14, %dma_start3A_269] : memref<10240x128xf32, #tpu.memory_space<vmem_shared>> -> memref<128x128xf32, #tpu.memory_space<vmem_shared>>
      tpu.enqueue_dma source(%arg12 : memref<128x128xf32, #tpu.memory_space<vmem>>) target(%dma_start3A_270 : memref<128x128xf32, #tpu.memory_space<vmem_shared>>) target_semaphore(%run_scoped3A : memref<!tpu.dma_semaphore, #tpu.memory_space<semaphore_mem>>)
      %dma_wait3A_271 = arith.constant 0 : i32
      %dma_wait3A_272 = tpu.memref_slice %arg14[%add3A_14, %dma_wait3A_271] : memref<10240x128xf32, #tpu.memory_space<vmem_shared>> -> memref<128x128xf32, #tpu.memory_space<vmem_shared>>
      %dma_wait3A_273 = arith.constant 0 : i32
      %dma_wait3A_274 = tpu.memref_slice %arg14[%add3A_14, %dma_wait3A_273] : memref<10240x128xf32, #tpu.memory_space<vmem_shared>> -> memref<128x128xf32, #tpu.memory_space<vmem_shared>>
      tpu.wait_dma2 semaphore(%run_scoped3A : memref<!tpu.dma_semaphore, #tpu.memory_space<semaphore_mem>>) src(%arg12 : memref<128x128xf32, #tpu.memory_space<vmem>>) dst(%dma_wait3A_274 : memref<128x128xf32, #tpu.memory_space<vmem_shared>>)
      tpu.yield
    }) : () -> ()
    %add3A_15 = arith.constant 384 : i32
    %add3A_16 = arith.addi %mul3A_2, %add3A_15 : i32
    "tpu.region"() ({
      %run_scoped3A = tpu.sem_alloc : memref<!tpu.dma_semaphore, #tpu.memory_space<semaphore_mem>>
      %dma_start3A_267 = arith.constant 0 : i32
      %dma_start3A_268 = tpu.memref_slice %arg14[%add3A_16, %dma_start3A_267] : memref<10240x128xf32, #tpu.memory_space<vmem_shared>> -> memref<128x128xf32, #tpu.memory_space<vmem_shared>>
      %dma_start3A_269 = arith.constant 0 : i32
      %dma_start3A_270 = tpu.memref_slice %arg14[%add3A_16, %dma_start3A_269] : memref<10240x128xf32, #tpu.memory_space<vmem_shared>> -> memref<128x128xf32, #tpu.memory_space<vmem_shared>>
      tpu.enqueue_dma source(%arg12 : memref<128x128xf32, #tpu.memory_space<vmem>>) target(%dma_start3A_270 : memref<128x128xf32, #tpu.memory_space<vmem_shared>>) target_semaphore(%run_scoped3A : memref<!tpu.dma_semaphore, #tpu.memory_space<semaphore_mem>>)
      %dma_wait3A_271 = arith.constant 0 : i32
      %dma_wait3A_272 = tpu.memref_slice %arg14[%add3A_16, %dma_wait3A_271] : memref<10240x128xf32, #tpu.memory_space<vmem_shared>> -> memref<128x128xf32, #tpu.memory_space<vmem_shared>>
      %dma_wait3A_273 = arith.constant 0 : i32
      %dma_wait3A_274 = tpu.memref_slice %arg14[%add3A_16, %dma_wait3A_273] : memref<10240x128xf32, #tpu.memory_space<vmem_shared>> -> memref<128x128xf32, #tpu.memory_space<vmem_shared>>
      tpu.wait_dma2 semaphore(%run_scoped3A : memref<!tpu.dma_semaphore, #tpu.memory_space<semaphore_mem>>) src(%arg12 : memref<128x128xf32, #tpu.memory_space<vmem>>) dst(%dma_wait3A_274 : memref<128x128xf32, #tpu.memory_space<vmem_shared>>)
      tpu.yield
    }) : () -> ()
    %add3A_17 = arith.constant 512 : i32
    %add3A_18 = arith.addi %mul3A_2, %add3A_17 : i32
    "tpu.region"() ({
      %run_scoped3A = tpu.sem_alloc : memref<!tpu.dma_semaphore, #tpu.memory_space<semaphore_mem>>
      %dma_start3A_267 = arith.constant 0 : i32
      %dma_start3A_268 = tpu.memref_slice %arg14[%add3A_18, %dma_start3A_267] : memref<10240x128xf32, #tpu.memory_space<vmem_shared>> -> memref<128x128xf32, #tpu.memory_space<vmem_shared>>
      %dma_start3A_269 = arith.constant 0 : i32
      %dma_start3A_270 = tpu.memref_slice %arg14[%add3A_18, %dma_start3A_269] : memref<10240x128xf32, #tpu.memory_space<vmem_shared>> -> memref<128x128xf32, #tpu.memory_space<vmem_shared>>
      tpu.enqueue_dma source(%arg12 : memref<128x128xf32, #tpu.memory_space<vmem>>) target(%dma_start3A_270 : memref<128x128xf32, #tpu.memory_space<vmem_shared>>) target_semaphore(%run_scoped3A : memref<!tpu.dma_semaphore, #tpu.memory_space<semaphore_mem>>)
      %dma_wait3A_271 = arith.constant 0 : i32
      %dma_wait3A_272 = tpu.memref_slice %arg14[%add3A_18, %dma_wait3A_271] : memref<10240x128xf32, #tpu.memory_space<vmem_shared>> -> memref<128x128xf32, #tpu.memory_space<vmem_shared>>
      %dma_wait3A_273 = arith.constant 0 : i32
      %dma_wait3A_274 = tpu.memref_slice %arg14[%add3A_18, %dma_wait3A_273] : memref<10240x128xf32, #tpu.memory_space<vmem_shared>> -> memref<128x128xf32, #tpu.memory_space<vmem_shared>>
      tpu.wait_dma2 semaphore(%run_scoped3A : memref<!tpu.dma_semaphore, #tpu.memory_space<semaphore_mem>>) src(%arg12 : memref<128x128xf32, #tpu.memory_space<vmem>>) dst(%dma_wait3A_274 : memref<128x128xf32, #tpu.memory_space<vmem_shared>>)
      tpu.yield
    }) : () -> ()
    %barrier3A = arith.constant 0 : index
    tpu.barrier barrier_id(%barrier3A)
    %mul3A_19 = arith.constant 80 : i32
    %mul3A_20 = arith.muli %add3A, %mul3A_19 : i32
    %add3A_21 = arith.constant 0 : i32
    %add3A_22 = arith.addi %mul3A_20, %add3A_21 : i32
    %dma_start3A = arith.constant 0 : i32
    %dma_start3A_23 = tpu.memref_slice %arg3[%add3A_22, %dma_start3A] : memref<2560x128xi32, #tpu.memory_space<hbm>> -> memref<1x128xi32, #tpu.memory_space<hbm>>
    %dma_start3A_24 = tpu.memref_squeeze %dma_start3A_23 : memref<1x128xi32, #tpu.memory_space<hbm>> -> memref<128xi32, #tpu.memory_space<hbm>>
    %dma_start3A_25 = arith.constant 0 : i32
    %dma_start3A_26 = tpu.memref_slice %arg3[%add3A_22, %dma_start3A_25] : memref<2560x128xi32, #tpu.memory_space<hbm>> -> memref<1x128xi32, #tpu.memory_space<hbm>>
    %dma_start3A_27 = tpu.memref_squeeze %dma_start3A_26 : memref<1x128xi32, #tpu.memory_space<hbm>> -> memref<128xi32, #tpu.memory_space<hbm>>
    tpu.enqueue_dma source(%dma_start3A_27 : memref<128xi32, #tpu.memory_space<hbm>>) target(%arg6 : memref<128xi32, #tpu.memory_space<vmem>>) target_semaphore(%arg15 : memref<!tpu.dma_semaphore, #tpu.memory_space<semaphore_mem>>)
    %mul3A_28 = arith.constant 80 : i32
    %mul3A_29 = arith.muli %add3A, %mul3A_28 : i32
    %add3A_30 = arith.constant 0 : i32
    %add3A_31 = arith.addi %mul3A_29, %add3A_30 : i32
    %dma_start3A_32 = arith.constant 0 : i32
    %dma_start3A_33 = tpu.memref_slice %arg4[%add3A_31, %dma_start3A_32] : memref<2560x128xi32, #tpu.memory_space<hbm>> -> memref<1x128xi32, #tpu.memory_space<hbm>>
    %dma_start3A_34 = tpu.memref_squeeze %dma_start3A_33 : memref<1x128xi32, #tpu.memory_space<hbm>> -> memref<128xi32, #tpu.memory_space<hbm>>
    %dma_start3A_35 = arith.constant 0 : i32
    %dma_start3A_36 = tpu.memref_slice %arg4[%add3A_31, %dma_start3A_35] : memref<2560x128xi32, #tpu.memory_space<hbm>> -> memref<1x128xi32, #tpu.memory_space<hbm>>
    %dma_start3A_37 = tpu.memref_squeeze %dma_start3A_36 : memref<1x128xi32, #tpu.memory_space<hbm>> -> memref<128xi32, #tpu.memory_space<hbm>>
    tpu.enqueue_dma source(%dma_start3A_37 : memref<128xi32, #tpu.memory_space<hbm>>) target(%arg8 : memref<128xi32, #tpu.memory_space<vmem>>) target_semaphore(%arg17 : memref<!tpu.dma_semaphore, #tpu.memory_space<semaphore_mem>>)
    %mul3A_38 = arith.constant 80 : i32
    %mul3A_39 = arith.muli %add3A, %mul3A_38 : i32
    %add3A_40 = arith.constant 1 : i32
    %add3A_41 = arith.addi %mul3A_39, %add3A_40 : i32
    %dma_start3A_42 = arith.constant 0 : i32
    %dma_start3A_43 = tpu.memref_slice %arg3[%add3A_41, %dma_start3A_42] : memref<2560x128xi32, #tpu.memory_space<hbm>> -> memref<1x128xi32, #tpu.memory_space<hbm>>
    %dma_start3A_44 = tpu.memref_squeeze %dma_start3A_43 : memref<1x128xi32, #tpu.memory_space<hbm>> -> memref<128xi32, #tpu.memory_space<hbm>>
    %dma_start3A_45 = arith.constant 0 : i32
    %dma_start3A_46 = tpu.memref_slice %arg3[%add3A_41, %dma_start3A_45] : memref<2560x128xi32, #tpu.memory_space<hbm>> -> memref<1x128xi32, #tpu.memory_space<hbm>>
    %dma_start3A_47 = tpu.memref_squeeze %dma_start3A_46 : memref<1x128xi32, #tpu.memory_space<hbm>> -> memref<128xi32, #tpu.memory_space<hbm>>
    tpu.enqueue_dma source(%dma_start3A_47 : memref<128xi32, #tpu.memory_space<hbm>>) target(%arg7 : memref<128xi32, #tpu.memory_space<vmem>>) target_semaphore(%arg16 : memref<!tpu.dma_semaphore, #tpu.memory_space<semaphore_mem>>)
    %mul3A_48 = arith.constant 80 : i32
    %mul3A_49 = arith.muli %add3A, %mul3A_48 : i32
    %add3A_50 = arith.constant 1 : i32
    %add3A_51 = arith.addi %mul3A_49, %add3A_50 : i32
    %dma_start3A_52 = arith.constant 0 : i32
    %dma_start3A_53 = tpu.memref_slice %arg4[%add3A_51, %dma_start3A_52] : memref<2560x128xi32, #tpu.memory_space<hbm>> -> memref<1x128xi32, #tpu.memory_space<hbm>>
    %dma_start3A_54 = tpu.memref_squeeze %dma_start3A_53 : memref<1x128xi32, #tpu.memory_space<hbm>> -> memref<128xi32, #tpu.memory_space<hbm>>
    %dma_start3A_55 = arith.constant 0 : i32
    %dma_start3A_56 = tpu.memref_slice %arg4[%add3A_51, %dma_start3A_55] : memref<2560x128xi32, #tpu.memory_space<hbm>> -> memref<1x128xi32, #tpu.memory_space<hbm>>
    %dma_start3A_57 = tpu.memref_squeeze %dma_start3A_56 : memref<1x128xi32, #tpu.memory_space<hbm>> -> memref<128xi32, #tpu.memory_space<hbm>>
    tpu.enqueue_dma source(%dma_start3A_57 : memref<128xi32, #tpu.memory_space<hbm>>) target(%arg9 : memref<128xi32, #tpu.memory_space<vmem>>) target_semaphore(%arg18 : memref<!tpu.dma_semaphore, #tpu.memory_space<semaphore_mem>>)
    %dma_wait3A = arith.constant 0 : i32
    %dma_wait3A_58 = arith.constant 0 : i32
    %dma_wait3A_59 = tpu.memref_slice %arg3[%dma_wait3A, %dma_wait3A_58] : memref<2560x128xi32, #tpu.memory_space<hbm>> -> memref<1x128xi32, #tpu.memory_space<hbm>>
    %dma_wait3A_60 = tpu.memref_squeeze %dma_wait3A_59 : memref<1x128xi32, #tpu.memory_space<hbm>> -> memref<128xi32, #tpu.memory_space<hbm>>
    %dma_wait3A_61 = arith.constant 0 : i32
    %dma_wait3A_62 = tpu.memref_slice %arg3[%dma_wait3A, %dma_wait3A_61] : memref<2560x128xi32, #tpu.memory_space<hbm>> -> memref<1x128xi32, #tpu.memory_space<hbm>>
    %dma_wait3A_63 = tpu.memref_squeeze %dma_wait3A_62 : memref<1x128xi32, #tpu.memory_space<hbm>> -> memref<128xi32, #tpu.memory_space<hbm>>
    tpu.wait_dma2 semaphore(%arg15 : memref<!tpu.dma_semaphore, #tpu.memory_space<semaphore_mem>>) src(%dma_wait3A_63 : memref<128xi32, #tpu.memory_space<hbm>>) dst(%arg6 : memref<128xi32, #tpu.memory_space<vmem>>)
    %dma_start3A_64 = arith.constant 0 : i32
    %dma_start3A_65 = arith.constant 0 : i32
    %dma_start3A_66 = tpu.memref_slice %arg2[%dma_start3A_64, %dma_start3A_65] : memref<10000x128xf32, #tpu.memory_space<hbm>> -> memref<10000x128xf32, #tpu.memory_space<hbm>>
    tpu.enqueue_indirect_dma source(%dma_start3A_66 : memref<10000x128xf32, #tpu.memory_space<hbm>>) target(%arg12 : memref<128x128xf32, #tpu.memory_space<vmem>>) offsets(%arg6 : memref<128xi32, #tpu.memory_space<vmem>>) semaphore(%arg21 : memref<!tpu.dma_semaphore, #tpu.memory_space<semaphore_mem>>)
    %dma_wait3A_67 = arith.constant 0 : i32
    %dma_wait3A_68 = arith.constant 0 : i32
    %dma_wait3A_69 = tpu.memref_slice %arg2[%dma_wait3A_67, %dma_wait3A_68] : memref<10000x128xf32, #tpu.memory_space<hbm>> -> memref<128x128xf32, #tpu.memory_space<hbm>>
    %dma_wait3A_70 = arith.constant 0 : i32
    %dma_wait3A_71 = arith.constant 0 : i32
    %dma_wait3A_72 = tpu.memref_slice %arg2[%dma_wait3A_70, %dma_wait3A_71] : memref<10000x128xf32, #tpu.memory_space<hbm>> -> memref<128x128xf32, #tpu.memory_space<hbm>>
    tpu.wait_dma2 semaphore(%arg21 : memref<!tpu.dma_semaphore, #tpu.memory_space<semaphore_mem>>) src(%dma_wait3A_72 : memref<128x128xf32, #tpu.memory_space<hbm>>) dst(%arg12 : memref<128x128xf32, #tpu.memory_space<vmem>>)
    %dma_wait3A_73 = arith.constant 0 : i32
    %dma_wait3A_74 = arith.constant 0 : i32
    %dma_wait3A_75 = tpu.memref_slice %arg3[%dma_wait3A_73, %dma_wait3A_74] : memref<2560x128xi32, #tpu.memory_space<hbm>> -> memref<1x128xi32, #tpu.memory_space<hbm>>
    %dma_wait3A_76 = tpu.memref_squeeze %dma_wait3A_75 : memref<1x128xi32, #tpu.memory_space<hbm>> -> memref<128xi32, #tpu.memory_space<hbm>>
    %dma_wait3A_77 = arith.constant 0 : i32
    %dma_wait3A_78 = tpu.memref_slice %arg3[%dma_wait3A_73, %dma_wait3A_77] : memref<2560x128xi32, #tpu.memory_space<hbm>> -> memref<1x128xi32, #tpu.memory_space<hbm>>
    %dma_wait3A_79 = tpu.memref_squeeze %dma_wait3A_78 : memref<1x128xi32, #tpu.memory_space<hbm>> -> memref<128xi32, #tpu.memory_space<hbm>>
    tpu.wait_dma2 semaphore(%arg17 : memref<!tpu.dma_semaphore, #tpu.memory_space<semaphore_mem>>) src(%dma_wait3A_79 : memref<128xi32, #tpu.memory_space<hbm>>) dst(%arg8 : memref<128xi32, #tpu.memory_space<vmem>>)
    %dma_start3A_80 = arith.constant 0 : i32
    %dma_start3A_81 = arith.constant 0 : i32
    %dma_start3A_82 = tpu.memref_slice %arg14[%dma_start3A_80, %dma_start3A_81] : memref<10240x128xf32, #tpu.memory_space<vmem_shared>> -> memref<10240x128xf32, #tpu.memory_space<vmem_shared>>
    tpu.enqueue_indirect_dma source(%arg12 : memref<128x128xf32, #tpu.memory_space<vmem>>) target(%dma_start3A_82 : memref<10240x128xf32, #tpu.memory_space<vmem_shared>>) offsets(%arg8 : memref<128xi32, #tpu.memory_space<vmem>>) semaphore(%arg23 : memref<!tpu.dma_semaphore, #tpu.memory_space<semaphore_mem>>) {add = true}
    %mul3A_83 = arith.constant 80 : i32
    %mul3A_84 = arith.muli %add3A, %mul3A_83 : i32
    %add3A_85 = arith.constant 2 : i32
    %add3A_86 = arith.addi %mul3A_84, %add3A_85 : i32
    %dma_start3A_87 = arith.constant 0 : i32
    %dma_start3A_88 = tpu.memref_slice %arg3[%add3A_86, %dma_start3A_87] : memref<2560x128xi32, #tpu.memory_space<hbm>> -> memref<1x128xi32, #tpu.memory_space<hbm>>
    %dma_start3A_89 = tpu.memref_squeeze %dma_start3A_88 : memref<1x128xi32, #tpu.memory_space<hbm>> -> memref<128xi32, #tpu.memory_space<hbm>>
    %dma_start3A_90 = arith.constant 0 : i32
    %dma_start3A_91 = tpu.memref_slice %arg3[%add3A_86, %dma_start3A_90] : memref<2560x128xi32, #tpu.memory_space<hbm>> -> memref<1x128xi32, #tpu.memory_space<hbm>>
    %dma_start3A_92 = tpu.memref_squeeze %dma_start3A_91 : memref<1x128xi32, #tpu.memory_space<hbm>> -> memref<128xi32, #tpu.memory_space<hbm>>
    tpu.enqueue_dma source(%dma_start3A_92 : memref<128xi32, #tpu.memory_space<hbm>>) target(%arg6 : memref<128xi32, #tpu.memory_space<vmem>>) target_semaphore(%arg15 : memref<!tpu.dma_semaphore, #tpu.memory_space<semaphore_mem>>)
    %mul3A_93 = arith.constant 80 : i32
    %mul3A_94 = arith.muli %add3A, %mul3A_93 : i32
    %add3A_95 = arith.constant 2 : i32
    %add3A_96 = arith.addi %mul3A_94, %add3A_95 : i32
    %dma_start3A_97 = arith.constant 0 : i32
    %dma_start3A_98 = tpu.memref_slice %arg4[%add3A_96, %dma_start3A_97] : memref<2560x128xi32, #tpu.memory_space<hbm>> -> memref<1x128xi32, #tpu.memory_space<hbm>>
    %dma_start3A_99 = tpu.memref_squeeze %dma_start3A_98 : memref<1x128xi32, #tpu.memory_space<hbm>> -> memref<128xi32, #tpu.memory_space<hbm>>
    %dma_start3A_100 = arith.constant 0 : i32
    %dma_start3A_101 = tpu.memref_slice %arg4[%add3A_96, %dma_start3A_100] : memref<2560x128xi32, #tpu.memory_space<hbm>> -> memref<1x128xi32, #tpu.memory_space<hbm>>
    %dma_start3A_102 = tpu.memref_squeeze %dma_start3A_101 : memref<1x128xi32, #tpu.memory_space<hbm>> -> memref<128xi32, #tpu.memory_space<hbm>>
    tpu.enqueue_dma source(%dma_start3A_102 : memref<128xi32, #tpu.memory_space<hbm>>) target(%arg10 : memref<128xi32, #tpu.memory_space<vmem>>) target_semaphore(%arg19 : memref<!tpu.dma_semaphore, #tpu.memory_space<semaphore_mem>>)
    %dma_wait3A_103 = arith.constant 0 : i32
    %dma_wait3A_104 = arith.constant 0 : i32
    %dma_wait3A_105 = tpu.memref_slice %arg3[%dma_wait3A_103, %dma_wait3A_104] : memref<2560x128xi32, #tpu.memory_space<hbm>> -> memref<1x128xi32, #tpu.memory_space<hbm>>
    %dma_wait3A_106 = tpu.memref_squeeze %dma_wait3A_105 : memref<1x128xi32, #tpu.memory_space<hbm>> -> memref<128xi32, #tpu.memory_space<hbm>>
    %dma_wait3A_107 = arith.constant 0 : i32
    %dma_wait3A_108 = tpu.memref_slice %arg3[%dma_wait3A_103, %dma_wait3A_107] : memref<2560x128xi32, #tpu.memory_space<hbm>> -> memref<1x128xi32, #tpu.memory_space<hbm>>
    %dma_wait3A_109 = tpu.memref_squeeze %dma_wait3A_108 : memref<1x128xi32, #tpu.memory_space<hbm>> -> memref<128xi32, #tpu.memory_space<hbm>>
    tpu.wait_dma2 semaphore(%arg16 : memref<!tpu.dma_semaphore, #tpu.memory_space<semaphore_mem>>) src(%dma_wait3A_109 : memref<128xi32, #tpu.memory_space<hbm>>) dst(%arg7 : memref<128xi32, #tpu.memory_space<vmem>>)
    %dma_start3A_110 = arith.constant 0 : i32
    %dma_start3A_111 = arith.constant 0 : i32
    %dma_start3A_112 = tpu.memref_slice %arg2[%dma_start3A_110, %dma_start3A_111] : memref<10000x128xf32, #tpu.memory_space<hbm>> -> memref<10000x128xf32, #tpu.memory_space<hbm>>
    tpu.enqueue_indirect_dma source(%dma_start3A_112 : memref<10000x128xf32, #tpu.memory_space<hbm>>) target(%arg13 : memref<128x128xf32, #tpu.memory_space<vmem>>) offsets(%arg7 : memref<128xi32, #tpu.memory_space<vmem>>) semaphore(%arg22 : memref<!tpu.dma_semaphore, #tpu.memory_space<semaphore_mem>>)
    %dma_wait3A_113 = arith.constant 0 : i32
    %dma_wait3A_114 = arith.constant 0 : i32
    %dma_wait3A_115 = tpu.memref_slice %arg2[%dma_wait3A_113, %dma_wait3A_114] : memref<10000x128xf32, #tpu.memory_space<hbm>> -> memref<128x128xf32, #tpu.memory_space<hbm>>
    %dma_wait3A_116 = arith.constant 0 : i32
    %dma_wait3A_117 = arith.constant 0 : i32
    %dma_wait3A_118 = tpu.memref_slice %arg2[%dma_wait3A_116, %dma_wait3A_117] : memref<10000x128xf32, #tpu.memory_space<hbm>> -> memref<128x128xf32, #tpu.memory_space<hbm>>
    tpu.wait_dma2 semaphore(%arg22 : memref<!tpu.dma_semaphore, #tpu.memory_space<semaphore_mem>>) src(%dma_wait3A_118 : memref<128x128xf32, #tpu.memory_space<hbm>>) dst(%arg13 : memref<128x128xf32, #tpu.memory_space<vmem>>)
    %dma_wait3A_119 = arith.constant 0 : i32
    %dma_wait3A_120 = arith.constant 0 : i32
    %dma_wait3A_121 = tpu.memref_slice %arg3[%dma_wait3A_119, %dma_wait3A_120] : memref<2560x128xi32, #tpu.memory_space<hbm>> -> memref<1x128xi32, #tpu.memory_space<hbm>>
    %dma_wait3A_122 = tpu.memref_squeeze %dma_wait3A_121 : memref<1x128xi32, #tpu.memory_space<hbm>> -> memref<128xi32, #tpu.memory_space<hbm>>
    %dma_wait3A_123 = arith.constant 0 : i32
    %dma_wait3A_124 = tpu.memref_slice %arg3[%dma_wait3A_119, %dma_wait3A_123] : memref<2560x128xi32, #tpu.memory_space<hbm>> -> memref<1x128xi32, #tpu.memory_space<hbm>>
    %dma_wait3A_125 = tpu.memref_squeeze %dma_wait3A_124 : memref<1x128xi32, #tpu.memory_space<hbm>> -> memref<128xi32, #tpu.memory_space<hbm>>
    tpu.wait_dma2 semaphore(%arg18 : memref<!tpu.dma_semaphore, #tpu.memory_space<semaphore_mem>>) src(%dma_wait3A_125 : memref<128xi32, #tpu.memory_space<hbm>>) dst(%arg9 : memref<128xi32, #tpu.memory_space<vmem>>)
    %dma_start3A_126 = arith.constant 0 : i32
    %dma_start3A_127 = arith.constant 0 : i32
    %dma_start3A_128 = tpu.memref_slice %arg14[%dma_start3A_126, %dma_start3A_127] : memref<10240x128xf32, #tpu.memory_space<vmem_shared>> -> memref<10240x128xf32, #tpu.memory_space<vmem_shared>>
    tpu.enqueue_indirect_dma source(%arg13 : memref<128x128xf32, #tpu.memory_space<vmem>>) target(%dma_start3A_128 : memref<10240x128xf32, #tpu.memory_space<vmem_shared>>) offsets(%arg9 : memref<128xi32, #tpu.memory_space<vmem>>) semaphore(%arg24 : memref<!tpu.dma_semaphore, #tpu.memory_space<semaphore_mem>>) {add = true}
    %mul3A_129 = arith.constant 80 : i32
    %mul3A_130 = arith.muli %add3A, %mul3A_129 : i32
    %add3A_131 = arith.constant 3 : i32
    %add3A_132 = arith.addi %mul3A_130, %add3A_131 : i32
    %dma_start3A_133 = arith.constant 0 : i32
    %dma_start3A_134 = tpu.memref_slice %arg3[%add3A_132, %dma_start3A_133] : memref<2560x128xi32, #tpu.memory_space<hbm>> -> memref<1x128xi32, #tpu.memory_space<hbm>>
    %dma_start3A_135 = tpu.memref_squeeze %dma_start3A_134 : memref<1x128xi32, #tpu.memory_space<hbm>> -> memref<128xi32, #tpu.memory_space<hbm>>
    %dma_start3A_136 = arith.constant 0 : i32
    %dma_start3A_137 = tpu.memref_slice %arg3[%add3A_132, %dma_start3A_136] : memref<2560x128xi32, #tpu.memory_space<hbm>> -> memref<1x128xi32, #tpu.memory_space<hbm>>
    %dma_start3A_138 = tpu.memref_squeeze %dma_start3A_137 : memref<1x128xi32, #tpu.memory_space<hbm>> -> memref<128xi32, #tpu.memory_space<hbm>>
    tpu.enqueue_dma source(%dma_start3A_138 : memref<128xi32, #tpu.memory_space<hbm>>) target(%arg7 : memref<128xi32, #tpu.memory_space<vmem>>) target_semaphore(%arg16 : memref<!tpu.dma_semaphore, #tpu.memory_space<semaphore_mem>>)
    %mul3A_139 = arith.constant 80 : i32
    %mul3A_140 = arith.muli %add3A, %mul3A_139 : i32
    %add3A_141 = arith.constant 3 : i32
    %add3A_142 = arith.addi %mul3A_140, %add3A_141 : i32
    %dma_start3A_143 = arith.constant 0 : i32
    %dma_start3A_144 = tpu.memref_slice %arg4[%add3A_142, %dma_start3A_143] : memref<2560x128xi32, #tpu.memory_space<hbm>> -> memref<1x128xi32, #tpu.memory_space<hbm>>
    %dma_start3A_145 = tpu.memref_squeeze %dma_start3A_144 : memref<1x128xi32, #tpu.memory_space<hbm>> -> memref<128xi32, #tpu.memory_space<hbm>>
    %dma_start3A_146 = arith.constant 0 : i32
    %dma_start3A_147 = tpu.memref_slice %arg4[%add3A_142, %dma_start3A_146] : memref<2560x128xi32, #tpu.memory_space<hbm>> -> memref<1x128xi32, #tpu.memory_space<hbm>>
    %dma_start3A_148 = tpu.memref_squeeze %dma_start3A_147 : memref<1x128xi32, #tpu.memory_space<hbm>> -> memref<128xi32, #tpu.memory_space<hbm>>
    tpu.enqueue_dma source(%dma_start3A_148 : memref<128xi32, #tpu.memory_space<hbm>>) target(%arg11 : memref<128xi32, #tpu.memory_space<vmem>>) target_semaphore(%arg20 : memref<!tpu.dma_semaphore, #tpu.memory_space<semaphore_mem>>)
    %dma_wait3A_149 = arith.constant 0 : i32
    %dma_wait3A_150 = arith.constant 0 : i32
    %dma_wait3A_151 = tpu.memref_slice %arg2[%dma_wait3A_149, %dma_wait3A_150] : memref<10000x128xf32, #tpu.memory_space<hbm>> -> memref<128x128xf32, #tpu.memory_space<hbm>>
    %dma_wait3A_152 = arith.constant 0 : i32
    %dma_wait3A_153 = arith.constant 0 : i32
    %dma_wait3A_154 = tpu.memref_slice %arg2[%dma_wait3A_152, %dma_wait3A_153] : memref<10000x128xf32, #tpu.memory_space<hbm>> -> memref<128x128xf32, #tpu.memory_space<hbm>>
    tpu.wait_dma2 semaphore(%arg23 : memref<!tpu.dma_semaphore, #tpu.memory_space<semaphore_mem>>) src(%dma_wait3A_154 : memref<128x128xf32, #tpu.memory_space<hbm>>) dst(%arg12 : memref<128x128xf32, #tpu.memory_space<vmem>>)
    %dma_wait3A_155 = arith.constant 0 : i32
    %dma_wait3A_156 = arith.constant 0 : i32
    %dma_wait3A_157 = tpu.memref_slice %arg3[%dma_wait3A_155, %dma_wait3A_156] : memref<2560x128xi32, #tpu.memory_space<hbm>> -> memref<1x128xi32, #tpu.memory_space<hbm>>
    %dma_wait3A_158 = tpu.memref_squeeze %dma_wait3A_157 : memref<1x128xi32, #tpu.memory_space<hbm>> -> memref<128xi32, #tpu.memory_space<hbm>>
    %dma_wait3A_159 = arith.constant 0 : i32
    %dma_wait3A_160 = tpu.memref_slice %arg3[%dma_wait3A_155, %dma_wait3A_159] : memref<2560x128xi32, #tpu.memory_space<hbm>> -> memref<1x128xi32, #tpu.memory_space<hbm>>
    %dma_wait3A_161 = tpu.memref_squeeze %dma_wait3A_160 : memref<1x128xi32, #tpu.memory_space<hbm>> -> memref<128xi32, #tpu.memory_space<hbm>>
    tpu.wait_dma2 semaphore(%arg15 : memref<!tpu.dma_semaphore, #tpu.memory_space<semaphore_mem>>) src(%dma_wait3A_161 : memref<128xi32, #tpu.memory_space<hbm>>) dst(%arg6 : memref<128xi32, #tpu.memory_space<vmem>>)
    %dma_start3A_162 = arith.constant 0 : i32
    %dma_start3A_163 = arith.constant 0 : i32
    %dma_start3A_164 = tpu.memref_slice %arg2[%dma_start3A_162, %dma_start3A_163] : memref<10000x128xf32, #tpu.memory_space<hbm>> -> memref<10000x128xf32, #tpu.memory_space<hbm>>
    tpu.enqueue_indirect_dma source(%dma_start3A_164 : memref<10000x128xf32, #tpu.memory_space<hbm>>) target(%arg12 : memref<128x128xf32, #tpu.memory_space<vmem>>) offsets(%arg6 : memref<128xi32, #tpu.memory_space<vmem>>) semaphore(%arg21 : memref<!tpu.dma_semaphore, #tpu.memory_space<semaphore_mem>>)
    %scan3A_165 = arith.constant 0 : i32
    %scan3A_166 = arith.constant 0 : i32
    %scan3A_167 = arith.constant 19 : i32
    %scan3A_168 = arith.addi %scan3A_166, %scan3A_167 : i32
    %scan3A_169 = arith.constant 1 : i32
    scf.for %scan3A_267 = %scan3A_166 to %scan3A_168 step %scan3A_169  : i32 {
      %mul3A_268 = arith.constant 4 : i32
      %mul3A_269 = arith.muli %scan3A_267, %mul3A_268 : i32
      %add3A_270 = arith.constant 2 : i32
      %add3A_271 = arith.addi %mul3A_269, %add3A_270 : i32
      %add3A_272 = arith.constant 0 : i32
      %add3A_273 = arith.addi %add3A_271, %add3A_272 : i32
      %dma_wait3A_274 = arith.constant 0 : i32
      %dma_wait3A_275 = arith.constant 0 : i32
      %dma_wait3A_276 = tpu.memref_slice %arg2[%dma_wait3A_274, %dma_wait3A_275] : memref<10000x128xf32, #tpu.memory_space<hbm>> -> memref<128x128xf32, #tpu.memory_space<hbm>>
      %dma_wait3A_277 = arith.constant 0 : i32
      %dma_wait3A_278 = arith.constant 0 : i32
      %dma_wait3A_279 = tpu.memref_slice %arg2[%dma_wait3A_277, %dma_wait3A_278] : memref<10000x128xf32, #tpu.memory_space<hbm>> -> memref<128x128xf32, #tpu.memory_space<hbm>>
      tpu.wait_dma2 semaphore(%arg21 : memref<!tpu.dma_semaphore, #tpu.memory_space<semaphore_mem>>) src(%dma_wait3A_279 : memref<128x128xf32, #tpu.memory_space<hbm>>) dst(%arg12 : memref<128x128xf32, #tpu.memory_space<vmem>>)
      %dma_wait3A_280 = arith.constant 0 : i32
      %dma_wait3A_281 = arith.constant 0 : i32
      %dma_wait3A_282 = tpu.memref_slice %arg3[%dma_wait3A_280, %dma_wait3A_281] : memref<2560x128xi32, #tpu.memory_space<hbm>> -> memref<1x128xi32, #tpu.memory_space<hbm>>
      %dma_wait3A_283 = tpu.memref_squeeze %dma_wait3A_282 : memref<1x128xi32, #tpu.memory_space<hbm>> -> memref<128xi32, #tpu.memory_space<hbm>>
      %dma_wait3A_284 = arith.constant 0 : i32
      %dma_wait3A_285 = tpu.memref_slice %arg3[%dma_wait3A_280, %dma_wait3A_284] : memref<2560x128xi32, #tpu.memory_space<hbm>> -> memref<1x128xi32, #tpu.memory_space<hbm>>
      %dma_wait3A_286 = tpu.memref_squeeze %dma_wait3A_285 : memref<1x128xi32, #tpu.memory_space<hbm>> -> memref<128xi32, #tpu.memory_space<hbm>>
      tpu.wait_dma2 semaphore(%arg19 : memref<!tpu.dma_semaphore, #tpu.memory_space<semaphore_mem>>) src(%dma_wait3A_286 : memref<128xi32, #tpu.memory_space<hbm>>) dst(%arg10 : memref<128xi32, #tpu.memory_space<vmem>>)
      %dma_start3A_287 = arith.constant 0 : i32
      %dma_start3A_288 = arith.constant 0 : i32
      %dma_start3A_289 = tpu.memref_slice %arg14[%dma_start3A_287, %dma_start3A_288] : memref<10240x128xf32, #tpu.memory_space<vmem_shared>> -> memref<10240x128xf32, #tpu.memory_space<vmem_shared>>
      tpu.enqueue_indirect_dma source(%arg12 : memref<128x128xf32, #tpu.memory_space<vmem>>) target(%dma_start3A_289 : memref<10240x128xf32, #tpu.memory_space<vmem_shared>>) offsets(%arg10 : memref<128xi32, #tpu.memory_space<vmem>>) semaphore(%arg23 : memref<!tpu.dma_semaphore, #tpu.memory_space<semaphore_mem>>) {add = true}
      %add3A_290 = arith.constant 2 : i32
      %add3A_291 = arith.addi %add3A_273, %add3A_290 : i32
      %mul3A_292 = arith.constant 80 : i32
      %mul3A_293 = arith.muli %add3A, %mul3A_292 : i32
      %add3A_294 = arith.addi %mul3A_293, %add3A_291 : i32
      %dma_start3A_295 = arith.constant 0 : i32
      %dma_start3A_296 = tpu.memref_slice %arg3[%add3A_294, %dma_start3A_295] : memref<2560x128xi32, #tpu.memory_space<hbm>> -> memref<1x128xi32, #tpu.memory_space<hbm>>
      %dma_start3A_297 = tpu.memref_squeeze %dma_start3A_296 : memref<1x128xi32, #tpu.memory_space<hbm>> -> memref<128xi32, #tpu.memory_space<hbm>>
      %dma_start3A_298 = arith.constant 0 : i32
      %dma_start3A_299 = tpu.memref_slice %arg3[%add3A_294, %dma_start3A_298] : memref<2560x128xi32, #tpu.memory_space<hbm>> -> memref<1x128xi32, #tpu.memory_space<hbm>>
      %dma_start3A_300 = tpu.memref_squeeze %dma_start3A_299 : memref<1x128xi32, #tpu.memory_space<hbm>> -> memref<128xi32, #tpu.memory_space<hbm>>
      tpu.enqueue_dma source(%dma_start3A_300 : memref<128xi32, #tpu.memory_space<hbm>>) target(%arg6 : memref<128xi32, #tpu.memory_space<vmem>>) target_semaphore(%arg15 : memref<!tpu.dma_semaphore, #tpu.memory_space<semaphore_mem>>)
      %mul3A_301 = arith.constant 80 : i32
      %mul3A_302 = arith.muli %add3A, %mul3A_301 : i32
      %add3A_303 = arith.addi %mul3A_302, %add3A_291 : i32
      %dma_start3A_304 = arith.constant 0 : i32
      %dma_start3A_305 = tpu.memref_slice %arg4[%add3A_303, %dma_start3A_304] : memref<2560x128xi32, #tpu.memory_space<hbm>> -> memref<1x128xi32, #tpu.memory_space<hbm>>
      %dma_start3A_306 = tpu.memref_squeeze %dma_start3A_305 : memref<1x128xi32, #tpu.memory_space<hbm>> -> memref<128xi32, #tpu.memory_space<hbm>>
      %dma_start3A_307 = arith.constant 0 : i32
      %dma_start3A_308 = tpu.memref_slice %arg4[%add3A_303, %dma_start3A_307] : memref<2560x128xi32, #tpu.memory_space<hbm>> -> memref<1x128xi32, #tpu.memory_space<hbm>>
      %dma_start3A_309 = tpu.memref_squeeze %dma_start3A_308 : memref<1x128xi32, #tpu.memory_space<hbm>> -> memref<128xi32, #tpu.memory_space<hbm>>
      tpu.enqueue_dma source(%dma_start3A_309 : memref<128xi32, #tpu.memory_space<hbm>>) target(%arg8 : memref<128xi32, #tpu.memory_space<vmem>>) target_semaphore(%arg17 : memref<!tpu.dma_semaphore, #tpu.memory_space<semaphore_mem>>)
      %dma_wait3A_310 = arith.constant 0 : i32
      %dma_wait3A_311 = arith.constant 0 : i32
      %dma_wait3A_312 = tpu.memref_slice %arg2[%dma_wait3A_310, %dma_wait3A_311] : memref<10000x128xf32, #tpu.memory_space<hbm>> -> memref<128x128xf32, #tpu.memory_space<hbm>>
      %dma_wait3A_313 = arith.constant 0 : i32
      %dma_wait3A_314 = arith.constant 0 : i32
      %dma_wait3A_315 = tpu.memref_slice %arg2[%dma_wait3A_313, %dma_wait3A_314] : memref<10000x128xf32, #tpu.memory_space<hbm>> -> memref<128x128xf32, #tpu.memory_space<hbm>>
      tpu.wait_dma2 semaphore(%arg24 : memref<!tpu.dma_semaphore, #tpu.memory_space<semaphore_mem>>) src(%dma_wait3A_315 : memref<128x128xf32, #tpu.memory_space<hbm>>) dst(%arg13 : memref<128x128xf32, #tpu.memory_space<vmem>>)
      %dma_wait3A_316 = arith.constant 0 : i32
      %dma_wait3A_317 = arith.constant 0 : i32
      %dma_wait3A_318 = tpu.memref_slice %arg3[%dma_wait3A_316, %dma_wait3A_317] : memref<2560x128xi32, #tpu.memory_space<hbm>> -> memref<1x128xi32, #tpu.memory_space<hbm>>
      %dma_wait3A_319 = tpu.memref_squeeze %dma_wait3A_318 : memref<1x128xi32, #tpu.memory_space<hbm>> -> memref<128xi32, #tpu.memory_space<hbm>>
      %dma_wait3A_320 = arith.constant 0 : i32
      %dma_wait3A_321 = tpu.memref_slice %arg3[%dma_wait3A_316, %dma_wait3A_320] : memref<2560x128xi32, #tpu.memory_space<hbm>> -> memref<1x128xi32, #tpu.memory_space<hbm>>
      %dma_wait3A_322 = tpu.memref_squeeze %dma_wait3A_321 : memref<1x128xi32, #tpu.memory_space<hbm>> -> memref<128xi32, #tpu.memory_space<hbm>>
      tpu.wait_dma2 semaphore(%arg16 : memref<!tpu.dma_semaphore, #tpu.memory_space<semaphore_mem>>) src(%dma_wait3A_322 : memref<128xi32, #tpu.memory_space<hbm>>) dst(%arg7 : memref<128xi32, #tpu.memory_space<vmem>>)
      %dma_start3A_323 = arith.constant 0 : i32
      %dma_start3A_324 = arith.constant 0 : i32
      %dma_start3A_325 = tpu.memref_slice %arg2[%dma_start3A_323, %dma_start3A_324] : memref<10000x128xf32, #tpu.memory_space<hbm>> -> memref<10000x128xf32, #tpu.memory_space<hbm>>
      tpu.enqueue_indirect_dma source(%dma_start3A_325 : memref<10000x128xf32, #tpu.memory_space<hbm>>) target(%arg13 : memref<128x128xf32, #tpu.memory_space<vmem>>) offsets(%arg7 : memref<128xi32, #tpu.memory_space<vmem>>) semaphore(%arg22 : memref<!tpu.dma_semaphore, #tpu.memory_space<semaphore_mem>>)
      %add3A_326 = arith.constant 1 : i32
      %add3A_327 = arith.addi %add3A_271, %add3A_326 : i32
      %dma_wait3A_328 = arith.constant 0 : i32
      %dma_wait3A_329 = arith.constant 0 : i32
      %dma_wait3A_330 = tpu.memref_slice %arg2[%dma_wait3A_328, %dma_wait3A_329] : memref<10000x128xf32, #tpu.memory_space<hbm>> -> memref<128x128xf32, #tpu.memory_space<hbm>>
      %dma_wait3A_331 = arith.constant 0 : i32
      %dma_wait3A_332 = arith.constant 0 : i32
      %dma_wait3A_333 = tpu.memref_slice %arg2[%dma_wait3A_331, %dma_wait3A_332] : memref<10000x128xf32, #tpu.memory_space<hbm>> -> memref<128x128xf32, #tpu.memory_space<hbm>>
      tpu.wait_dma2 semaphore(%arg22 : memref<!tpu.dma_semaphore, #tpu.memory_space<semaphore_mem>>) src(%dma_wait3A_333 : memref<128x128xf32, #tpu.memory_space<hbm>>) dst(%arg13 : memref<128x128xf32, #tpu.memory_space<vmem>>)
      %dma_wait3A_334 = arith.constant 0 : i32
      %dma_wait3A_335 = arith.constant 0 : i32
      %dma_wait3A_336 = tpu.memref_slice %arg3[%dma_wait3A_334, %dma_wait3A_335] : memref<2560x128xi32, #tpu.memory_space<hbm>> -> memref<1x128xi32, #tpu.memory_space<hbm>>
      %dma_wait3A_337 = tpu.memref_squeeze %dma_wait3A_336 : memref<1x128xi32, #tpu.memory_space<hbm>> -> memref<128xi32, #tpu.memory_space<hbm>>
      %dma_wait3A_338 = arith.constant 0 : i32
      %dma_wait3A_339 = tpu.memref_slice %arg3[%dma_wait3A_334, %dma_wait3A_338] : memref<2560x128xi32, #tpu.memory_space<hbm>> -> memref<1x128xi32, #tpu.memory_space<hbm>>
      %dma_wait3A_340 = tpu.memref_squeeze %dma_wait3A_339 : memref<1x128xi32, #tpu.memory_space<hbm>> -> memref<128xi32, #tpu.memory_space<hbm>>
      tpu.wait_dma2 semaphore(%arg20 : memref<!tpu.dma_semaphore, #tpu.memory_space<semaphore_mem>>) src(%dma_wait3A_340 : memref<128xi32, #tpu.memory_space<hbm>>) dst(%arg11 : memref<128xi32, #tpu.memory_space<vmem>>)
      %dma_start3A_341 = arith.constant 0 : i32
      %dma_start3A_342 = arith.constant 0 : i32
      %dma_start3A_343 = tpu.memref_slice %arg14[%dma_start3A_341, %dma_start3A_342] : memref<10240x128xf32, #tpu.memory_space<vmem_shared>> -> memref<10240x128xf32, #tpu.memory_space<vmem_shared>>
      tpu.enqueue_indirect_dma source(%arg13 : memref<128x128xf32, #tpu.memory_space<vmem>>) target(%dma_start3A_343 : memref<10240x128xf32, #tpu.memory_space<vmem_shared>>) offsets(%arg11 : memref<128xi32, #tpu.memory_space<vmem>>) semaphore(%arg24 : memref<!tpu.dma_semaphore, #tpu.memory_space<semaphore_mem>>) {add = true}
      %add3A_344 = arith.constant 2 : i32
      %add3A_345 = arith.addi %add3A_327, %add3A_344 : i32
      %mul3A_346 = arith.constant 80 : i32
      %mul3A_347 = arith.muli %add3A, %mul3A_346 : i32
      %add3A_348 = arith.addi %mul3A_347, %add3A_345 : i32
      %dma_start3A_349 = arith.constant 0 : i32
      %dma_start3A_350 = tpu.memref_slice %arg3[%add3A_348, %dma_start3A_349] : memref<2560x128xi32, #tpu.memory_space<hbm>> -> memref<1x128xi32, #tpu.memory_space<hbm>>
      %dma_start3A_351 = tpu.memref_squeeze %dma_start3A_350 : memref<1x128xi32, #tpu.memory_space<hbm>> -> memref<128xi32, #tpu.memory_space<hbm>>
      %dma_start3A_352 = arith.constant 0 : i32
      %dma_start3A_353 = tpu.memref_slice %arg3[%add3A_348, %dma_start3A_352] : memref<2560x128xi32, #tpu.memory_space<hbm>> -> memref<1x128xi32, #tpu.memory_space<hbm>>
      %dma_start3A_354 = tpu.memref_squeeze %dma_start3A_353 : memref<1x128xi32, #tpu.memory_space<hbm>> -> memref<128xi32, #tpu.memory_space<hbm>>
      tpu.enqueue_dma source(%dma_start3A_354 : memref<128xi32, #tpu.memory_space<hbm>>) target(%arg7 : memref<128xi32, #tpu.memory_space<vmem>>) target_semaphore(%arg16 : memref<!tpu.dma_semaphore, #tpu.memory_space<semaphore_mem>>)
      %mul3A_355 = arith.constant 80 : i32
      %mul3A_356 = arith.muli %add3A, %mul3A_355 : i32
      %add3A_357 = arith.addi %mul3A_356, %add3A_345 : i32
      %dma_start3A_358 = arith.constant 0 : i32
      %dma_start3A_359 = tpu.memref_slice %arg4[%add3A_357, %dma_start3A_358] : memref<2560x128xi32, #tpu.memory_space<hbm>> -> memref<1x128xi32, #tpu.memory_space<hbm>>
      %dma_start3A_360 = tpu.memref_squeeze %dma_start3A_359 : memref<1x128xi32, #tpu.memory_space<hbm>> -> memref<128xi32, #tpu.memory_space<hbm>>
      %dma_start3A_361 = arith.constant 0 : i32
      %dma_start3A_362 = tpu.memref_slice %arg4[%add3A_357, %dma_start3A_361] : memref<2560x128xi32, #tpu.memory_space<hbm>> -> memref<1x128xi32, #tpu.memory_space<hbm>>
      %dma_start3A_363 = tpu.memref_squeeze %dma_start3A_362 : memref<1x128xi32, #tpu.memory_space<hbm>> -> memref<128xi32, #tpu.memory_space<hbm>>
      tpu.enqueue_dma source(%dma_start3A_363 : memref<128xi32, #tpu.memory_space<hbm>>) target(%arg9 : memref<128xi32, #tpu.memory_space<vmem>>) target_semaphore(%arg18 : memref<!tpu.dma_semaphore, #tpu.memory_space<semaphore_mem>>)
      %dma_wait3A_364 = arith.constant 0 : i32
      %dma_wait3A_365 = arith.constant 0 : i32
      %dma_wait3A_366 = tpu.memref_slice %arg2[%dma_wait3A_364, %dma_wait3A_365] : memref<10000x128xf32, #tpu.memory_space<hbm>> -> memref<128x128xf32, #tpu.memory_space<hbm>>
      %dma_wait3A_367 = arith.constant 0 : i32
      %dma_wait3A_368 = arith.constant 0 : i32
      %dma_wait3A_369 = tpu.memref_slice %arg2[%dma_wait3A_367, %dma_wait3A_368] : memref<10000x128xf32, #tpu.memory_space<hbm>> -> memref<128x128xf32, #tpu.memory_space<hbm>>
      tpu.wait_dma2 semaphore(%arg23 : memref<!tpu.dma_semaphore, #tpu.memory_space<semaphore_mem>>) src(%dma_wait3A_369 : memref<128x128xf32, #tpu.memory_space<hbm>>) dst(%arg12 : memref<128x128xf32, #tpu.memory_space<vmem>>)
      %dma_wait3A_370 = arith.constant 0 : i32
      %dma_wait3A_371 = arith.constant 0 : i32
      %dma_wait3A_372 = tpu.memref_slice %arg3[%dma_wait3A_370, %dma_wait3A_371] : memref<2560x128xi32, #tpu.memory_space<hbm>> -> memref<1x128xi32, #tpu.memory_space<hbm>>
      %dma_wait3A_373 = tpu.memref_squeeze %dma_wait3A_372 : memref<1x128xi32, #tpu.memory_space<hbm>> -> memref<128xi32, #tpu.memory_space<hbm>>
      %dma_wait3A_374 = arith.constant 0 : i32
      %dma_wait3A_375 = tpu.memref_slice %arg3[%dma_wait3A_370, %dma_wait3A_374] : memref<2560x128xi32, #tpu.memory_space<hbm>> -> memref<1x128xi32, #tpu.memory_space<hbm>>
      %dma_wait3A_376 = tpu.memref_squeeze %dma_wait3A_375 : memref<1x128xi32, #tpu.memory_space<hbm>> -> memref<128xi32, #tpu.memory_space<hbm>>
      tpu.wait_dma2 semaphore(%arg15 : memref<!tpu.dma_semaphore, #tpu.memory_space<semaphore_mem>>) src(%dma_wait3A_376 : memref<128xi32, #tpu.memory_space<hbm>>) dst(%arg6 : memref<128xi32, #tpu.memory_space<vmem>>)
      %dma_start3A_377 = arith.constant 0 : i32
      %dma_start3A_378 = arith.constant 0 : i32
      %dma_start3A_379 = tpu.memref_slice %arg2[%dma_start3A_377, %dma_start3A_378] : memref<10000x128xf32, #tpu.memory_space<hbm>> -> memref<10000x128xf32, #tpu.memory_space<hbm>>
      tpu.enqueue_indirect_dma source(%dma_start3A_379 : memref<10000x128xf32, #tpu.memory_space<hbm>>) target(%arg12 : memref<128x128xf32, #tpu.memory_space<vmem>>) offsets(%arg6 : memref<128xi32, #tpu.memory_space<vmem>>) semaphore(%arg21 : memref<!tpu.dma_semaphore, #tpu.memory_space<semaphore_mem>>)
      %add3A_380 = arith.constant 2 : i32
      %add3A_381 = arith.addi %add3A_271, %add3A_380 : i32
      %dma_wait3A_382 = arith.constant 0 : i32
      %dma_wait3A_383 = arith.constant 0 : i32
      %dma_wait3A_384 = tpu.memref_slice %arg2[%dma_wait3A_382, %dma_wait3A_383] : memref<10000x128xf32, #tpu.memory_space<hbm>> -> memref<128x128xf32, #tpu.memory_space<hbm>>
      %dma_wait3A_385 = arith.constant 0 : i32
      %dma_wait3A_386 = arith.constant 0 : i32
      %dma_wait3A_387 = tpu.memref_slice %arg2[%dma_wait3A_385, %dma_wait3A_386] : memref<10000x128xf32, #tpu.memory_space<hbm>> -> memref<128x128xf32, #tpu.memory_space<hbm>>
      tpu.wait_dma2 semaphore(%arg21 : memref<!tpu.dma_semaphore, #tpu.memory_space<semaphore_mem>>) src(%dma_wait3A_387 : memref<128x128xf32, #tpu.memory_space<hbm>>) dst(%arg12 : memref<128x128xf32, #tpu.memory_space<vmem>>)
      %dma_wait3A_388 = arith.constant 0 : i32
      %dma_wait3A_389 = arith.constant 0 : i32
      %dma_wait3A_390 = tpu.memref_slice %arg3[%dma_wait3A_388, %dma_wait3A_389] : memref<2560x128xi32, #tpu.memory_space<hbm>> -> memref<1x128xi32, #tpu.memory_space<hbm>>
      %dma_wait3A_391 = tpu.memref_squeeze %dma_wait3A_390 : memref<1x128xi32, #tpu.memory_space<hbm>> -> memref<128xi32, #tpu.memory_space<hbm>>
      %dma_wait3A_392 = arith.constant 0 : i32
      %dma_wait3A_393 = tpu.memref_slice %arg3[%dma_wait3A_388, %dma_wait3A_392] : memref<2560x128xi32, #tpu.memory_space<hbm>> -> memref<1x128xi32, #tpu.memory_space<hbm>>
      %dma_wait3A_394 = tpu.memref_squeeze %dma_wait3A_393 : memref<1x128xi32, #tpu.memory_space<hbm>> -> memref<128xi32, #tpu.memory_space<hbm>>
      tpu.wait_dma2 semaphore(%arg17 : memref<!tpu.dma_semaphore, #tpu.memory_space<semaphore_mem>>) src(%dma_wait3A_394 : memref<128xi32, #tpu.memory_space<hbm>>) dst(%arg8 : memref<128xi32, #tpu.memory_space<vmem>>)
      %dma_start3A_395 = arith.constant 0 : i32
      %dma_start3A_396 = arith.constant 0 : i32
      %dma_start3A_397 = tpu.memref_slice %arg14[%dma_start3A_395, %dma_start3A_396] : memref<10240x128xf32, #tpu.memory_space<vmem_shared>> -> memref<10240x128xf32, #tpu.memory_space<vmem_shared>>
      tpu.enqueue_indirect_dma source(%arg12 : memref<128x128xf32, #tpu.memory_space<vmem>>) target(%dma_start3A_397 : memref<10240x128xf32, #tpu.memory_space<vmem_shared>>) offsets(%arg8 : memref<128xi32, #tpu.memory_space<vmem>>) semaphore(%arg23 : memref<!tpu.dma_semaphore, #tpu.memory_space<semaphore_mem>>) {add = true}
      %add3A_398 = arith.constant 2 : i32
      %add3A_399 = arith.addi %add3A_381, %add3A_398 : i32
      %mul3A_400 = arith.constant 80 : i32
      %mul3A_401 = arith.muli %add3A, %mul3A_400 : i32
      %add3A_402 = arith.addi %mul3A_401, %add3A_399 : i32
      %dma_start3A_403 = arith.constant 0 : i32
      %dma_start3A_404 = tpu.memref_slice %arg3[%add3A_402, %dma_start3A_403] : memref<2560x128xi32, #tpu.memory_space<hbm>> -> memref<1x128xi32, #tpu.memory_space<hbm>>
      %dma_start3A_405 = tpu.memref_squeeze %dma_start3A_404 : memref<1x128xi32, #tpu.memory_space<hbm>> -> memref<128xi32, #tpu.memory_space<hbm>>
      %dma_start3A_406 = arith.constant 0 : i32
      %dma_start3A_407 = tpu.memref_slice %arg3[%add3A_402, %dma_start3A_406] : memref<2560x128xi32, #tpu.memory_space<hbm>> -> memref<1x128xi32, #tpu.memory_space<hbm>>
      %dma_start3A_408 = tpu.memref_squeeze %dma_start3A_407 : memref<1x128xi32, #tpu.memory_space<hbm>> -> memref<128xi32, #tpu.memory_space<hbm>>
      tpu.enqueue_dma source(%dma_start3A_408 : memref<128xi32, #tpu.memory_space<hbm>>) target(%arg6 : memref<128xi32, #tpu.memory_space<vmem>>) target_semaphore(%arg15 : memref<!tpu.dma_semaphore, #tpu.memory_space<semaphore_mem>>)
      %mul3A_409 = arith.constant 80 : i32
      %mul3A_410 = arith.muli %add3A, %mul3A_409 : i32
      %add3A_411 = arith.addi %mul3A_410, %add3A_399 : i32
      %dma_start3A_412 = arith.constant 0 : i32
      %dma_start3A_413 = tpu.memref_slice %arg4[%add3A_411, %dma_start3A_412] : memref<2560x128xi32, #tpu.memory_space<hbm>> -> memref<1x128xi32, #tpu.memory_space<hbm>>
      %dma_start3A_414 = tpu.memref_squeeze %dma_start3A_413 : memref<1x128xi32, #tpu.memory_space<hbm>> -> memref<128xi32, #tpu.memory_space<hbm>>
      %dma_start3A_415 = arith.constant 0 : i32
      %dma_start3A_416 = tpu.memref_slice %arg4[%add3A_411, %dma_start3A_415] : memref<2560x128xi32, #tpu.memory_space<hbm>> -> memref<1x128xi32, #tpu.memory_space<hbm>>
      %dma_start3A_417 = tpu.memref_squeeze %dma_start3A_416 : memref<1x128xi32, #tpu.memory_space<hbm>> -> memref<128xi32, #tpu.memory_space<hbm>>
      tpu.enqueue_dma source(%dma_start3A_417 : memref<128xi32, #tpu.memory_space<hbm>>) target(%arg10 : memref<128xi32, #tpu.memory_space<vmem>>) target_semaphore(%arg19 : memref<!tpu.dma_semaphore, #tpu.memory_space<semaphore_mem>>)
      %dma_wait3A_418 = arith.constant 0 : i32
      %dma_wait3A_419 = arith.constant 0 : i32
      %dma_wait3A_420 = tpu.memref_slice %arg2[%dma_wait3A_418, %dma_wait3A_419] : memref<10000x128xf32, #tpu.memory_space<hbm>> -> memref<128x128xf32, #tpu.memory_space<hbm>>
      %dma_wait3A_421 = arith.constant 0 : i32
      %dma_wait3A_422 = arith.constant 0 : i32
      %dma_wait3A_423 = tpu.memref_slice %arg2[%dma_wait3A_421, %dma_wait3A_422] : memref<10000x128xf32, #tpu.memory_space<hbm>> -> memref<128x128xf32, #tpu.memory_space<hbm>>
      tpu.wait_dma2 semaphore(%arg24 : memref<!tpu.dma_semaphore, #tpu.memory_space<semaphore_mem>>) src(%dma_wait3A_423 : memref<128x128xf32, #tpu.memory_space<hbm>>) dst(%arg13 : memref<128x128xf32, #tpu.memory_space<vmem>>)
      %dma_wait3A_424 = arith.constant 0 : i32
      %dma_wait3A_425 = arith.constant 0 : i32
      %dma_wait3A_426 = tpu.memref_slice %arg3[%dma_wait3A_424, %dma_wait3A_425] : memref<2560x128xi32, #tpu.memory_space<hbm>> -> memref<1x128xi32, #tpu.memory_space<hbm>>
      %dma_wait3A_427 = tpu.memref_squeeze %dma_wait3A_426 : memref<1x128xi32, #tpu.memory_space<hbm>> -> memref<128xi32, #tpu.memory_space<hbm>>
      %dma_wait3A_428 = arith.constant 0 : i32
      %dma_wait3A_429 = tpu.memref_slice %arg3[%dma_wait3A_424, %dma_wait3A_428] : memref<2560x128xi32, #tpu.memory_space<hbm>> -> memref<1x128xi32, #tpu.memory_space<hbm>>
      %dma_wait3A_430 = tpu.memref_squeeze %dma_wait3A_429 : memref<1x128xi32, #tpu.memory_space<hbm>> -> memref<128xi32, #tpu.memory_space<hbm>>
      tpu.wait_dma2 semaphore(%arg16 : memref<!tpu.dma_semaphore, #tpu.memory_space<semaphore_mem>>) src(%dma_wait3A_430 : memref<128xi32, #tpu.memory_space<hbm>>) dst(%arg7 : memref<128xi32, #tpu.memory_space<vmem>>)
      %dma_start3A_431 = arith.constant 0 : i32
      %dma_start3A_432 = arith.constant 0 : i32
      %dma_start3A_433 = tpu.memref_slice %arg2[%dma_start3A_431, %dma_start3A_432] : memref<10000x128xf32, #tpu.memory_space<hbm>> -> memref<10000x128xf32, #tpu.memory_space<hbm>>
      tpu.enqueue_indirect_dma source(%dma_start3A_433 : memref<10000x128xf32, #tpu.memory_space<hbm>>) target(%arg13 : memref<128x128xf32, #tpu.memory_space<vmem>>) offsets(%arg7 : memref<128xi32, #tpu.memory_space<vmem>>) semaphore(%arg22 : memref<!tpu.dma_semaphore, #tpu.memory_space<semaphore_mem>>)
      %add3A_434 = arith.constant 3 : i32
      %add3A_435 = arith.addi %add3A_271, %add3A_434 : i32
      %dma_wait3A_436 = arith.constant 0 : i32
      %dma_wait3A_437 = arith.constant 0 : i32
      %dma_wait3A_438 = tpu.memref_slice %arg2[%dma_wait3A_436, %dma_wait3A_437] : memref<10000x128xf32, #tpu.memory_space<hbm>> -> memref<128x128xf32, #tpu.memory_space<hbm>>
      %dma_wait3A_439 = arith.constant 0 : i32
      %dma_wait3A_440 = arith.constant 0 : i32
      %dma_wait3A_441 = tpu.memref_slice %arg2[%dma_wait3A_439, %dma_wait3A_440] : memref<10000x128xf32, #tpu.memory_space<hbm>> -> memref<128x128xf32, #tpu.memory_space<hbm>>
      tpu.wait_dma2 semaphore(%arg22 : memref<!tpu.dma_semaphore, #tpu.memory_space<semaphore_mem>>) src(%dma_wait3A_441 : memref<128x128xf32, #tpu.memory_space<hbm>>) dst(%arg13 : memref<128x128xf32, #tpu.memory_space<vmem>>)
      %dma_wait3A_442 = arith.constant 0 : i32
      %dma_wait3A_443 = arith.constant 0 : i32
      %dma_wait3A_444 = tpu.memref_slice %arg3[%dma_wait3A_442, %dma_wait3A_443] : memref<2560x128xi32, #tpu.memory_space<hbm>> -> memref<1x128xi32, #tpu.memory_space<hbm>>
      %dma_wait3A_445 = tpu.memref_squeeze %dma_wait3A_444 : memref<1x128xi32, #tpu.memory_space<hbm>> -> memref<128xi32, #tpu.memory_space<hbm>>
      %dma_wait3A_446 = arith.constant 0 : i32
      %dma_wait3A_447 = tpu.memref_slice %arg3[%dma_wait3A_442, %dma_wait3A_446] : memref<2560x128xi32, #tpu.memory_space<hbm>> -> memref<1x128xi32, #tpu.memory_space<hbm>>
      %dma_wait3A_448 = tpu.memref_squeeze %dma_wait3A_447 : memref<1x128xi32, #tpu.memory_space<hbm>> -> memref<128xi32, #tpu.memory_space<hbm>>
      tpu.wait_dma2 semaphore(%arg18 : memref<!tpu.dma_semaphore, #tpu.memory_space<semaphore_mem>>) src(%dma_wait3A_448 : memref<128xi32, #tpu.memory_space<hbm>>) dst(%arg9 : memref<128xi32, #tpu.memory_space<vmem>>)
      %dma_start3A_449 = arith.constant 0 : i32
      %dma_start3A_450 = arith.constant 0 : i32
      %dma_start3A_451 = tpu.memref_slice %arg14[%dma_start3A_449, %dma_start3A_450] : memref<10240x128xf32, #tpu.memory_space<vmem_shared>> -> memref<10240x128xf32, #tpu.memory_space<vmem_shared>>
      tpu.enqueue_indirect_dma source(%arg13 : memref<128x128xf32, #tpu.memory_space<vmem>>) target(%dma_start3A_451 : memref<10240x128xf32, #tpu.memory_space<vmem_shared>>) offsets(%arg9 : memref<128xi32, #tpu.memory_space<vmem>>) semaphore(%arg24 : memref<!tpu.dma_semaphore, #tpu.memory_space<semaphore_mem>>) {add = true}
      %add3A_452 = arith.constant 2 : i32
      %add3A_453 = arith.addi %add3A_435, %add3A_452 : i32
      %mul3A_454 = arith.constant 80 : i32
      %mul3A_455 = arith.muli %add3A, %mul3A_454 : i32
      %add3A_456 = arith.addi %mul3A_455, %add3A_453 : i32
      %dma_start3A_457 = arith.constant 0 : i32
      %dma_start3A_458 = tpu.memref_slice %arg3[%add3A_456, %dma_start3A_457] : memref<2560x128xi32, #tpu.memory_space<hbm>> -> memref<1x128xi32, #tpu.memory_space<hbm>>
      %dma_start3A_459 = tpu.memref_squeeze %dma_start3A_458 : memref<1x128xi32, #tpu.memory_space<hbm>> -> memref<128xi32, #tpu.memory_space<hbm>>
      %dma_start3A_460 = arith.constant 0 : i32
      %dma_start3A_461 = tpu.memref_slice %arg3[%add3A_456, %dma_start3A_460] : memref<2560x128xi32, #tpu.memory_space<hbm>> -> memref<1x128xi32, #tpu.memory_space<hbm>>
      %dma_start3A_462 = tpu.memref_squeeze %dma_start3A_461 : memref<1x128xi32, #tpu.memory_space<hbm>> -> memref<128xi32, #tpu.memory_space<hbm>>
      tpu.enqueue_dma source(%dma_start3A_462 : memref<128xi32, #tpu.memory_space<hbm>>) target(%arg7 : memref<128xi32, #tpu.memory_space<vmem>>) target_semaphore(%arg16 : memref<!tpu.dma_semaphore, #tpu.memory_space<semaphore_mem>>)
      %mul3A_463 = arith.constant 80 : i32
      %mul3A_464 = arith.muli %add3A, %mul3A_463 : i32
      %add3A_465 = arith.addi %mul3A_464, %add3A_453 : i32
      %dma_start3A_466 = arith.constant 0 : i32
      %dma_start3A_467 = tpu.memref_slice %arg4[%add3A_465, %dma_start3A_466] : memref<2560x128xi32, #tpu.memory_space<hbm>> -> memref<1x128xi32, #tpu.memory_space<hbm>>
      %dma_start3A_468 = tpu.memref_squeeze %dma_start3A_467 : memref<1x128xi32, #tpu.memory_space<hbm>> -> memref<128xi32, #tpu.memory_space<hbm>>
      %dma_start3A_469 = arith.constant 0 : i32
      %dma_start3A_470 = tpu.memref_slice %arg4[%add3A_465, %dma_start3A_469] : memref<2560x128xi32, #tpu.memory_space<hbm>> -> memref<1x128xi32, #tpu.memory_space<hbm>>
      %dma_start3A_471 = tpu.memref_squeeze %dma_start3A_470 : memref<1x128xi32, #tpu.memory_space<hbm>> -> memref<128xi32, #tpu.memory_space<hbm>>
      tpu.enqueue_dma source(%dma_start3A_471 : memref<128xi32, #tpu.memory_space<hbm>>) target(%arg11 : memref<128xi32, #tpu.memory_space<vmem>>) target_semaphore(%arg20 : memref<!tpu.dma_semaphore, #tpu.memory_space<semaphore_mem>>)
      %dma_wait3A_472 = arith.constant 0 : i32
      %dma_wait3A_473 = arith.constant 0 : i32
      %dma_wait3A_474 = tpu.memref_slice %arg2[%dma_wait3A_472, %dma_wait3A_473] : memref<10000x128xf32, #tpu.memory_space<hbm>> -> memref<128x128xf32, #tpu.memory_space<hbm>>
      %dma_wait3A_475 = arith.constant 0 : i32
      %dma_wait3A_476 = arith.constant 0 : i32
      %dma_wait3A_477 = tpu.memref_slice %arg2[%dma_wait3A_475, %dma_wait3A_476] : memref<10000x128xf32, #tpu.memory_space<hbm>> -> memref<128x128xf32, #tpu.memory_space<hbm>>
      tpu.wait_dma2 semaphore(%arg23 : memref<!tpu.dma_semaphore, #tpu.memory_space<semaphore_mem>>) src(%dma_wait3A_477 : memref<128x128xf32, #tpu.memory_space<hbm>>) dst(%arg12 : memref<128x128xf32, #tpu.memory_space<vmem>>)
      %dma_wait3A_478 = arith.constant 0 : i32
      %dma_wait3A_479 = arith.constant 0 : i32
      %dma_wait3A_480 = tpu.memref_slice %arg3[%dma_wait3A_478, %dma_wait3A_479] : memref<2560x128xi32, #tpu.memory_space<hbm>> -> memref<1x128xi32, #tpu.memory_space<hbm>>
      %dma_wait3A_481 = tpu.memref_squeeze %dma_wait3A_480 : memref<1x128xi32, #tpu.memory_space<hbm>> -> memref<128xi32, #tpu.memory_space<hbm>>
      %dma_wait3A_482 = arith.constant 0 : i32
      %dma_wait3A_483 = tpu.memref_slice %arg3[%dma_wait3A_478, %dma_wait3A_482] : memref<2560x128xi32, #tpu.memory_space<hbm>> -> memref<1x128xi32, #tpu.memory_space<hbm>>
      %dma_wait3A_484 = tpu.memref_squeeze %dma_wait3A_483 : memref<1x128xi32, #tpu.memory_space<hbm>> -> memref<128xi32, #tpu.memory_space<hbm>>
      tpu.wait_dma2 semaphore(%arg15 : memref<!tpu.dma_semaphore, #tpu.memory_space<semaphore_mem>>) src(%dma_wait3A_484 : memref<128xi32, #tpu.memory_space<hbm>>) dst(%arg6 : memref<128xi32, #tpu.memory_space<vmem>>)
      %dma_start3A_485 = arith.constant 0 : i32
      %dma_start3A_486 = arith.constant 0 : i32
      %dma_start3A_487 = tpu.memref_slice %arg2[%dma_start3A_485, %dma_start3A_486] : memref<10000x128xf32, #tpu.memory_space<hbm>> -> memref<10000x128xf32, #tpu.memory_space<hbm>>
      tpu.enqueue_indirect_dma source(%dma_start3A_487 : memref<10000x128xf32, #tpu.memory_space<hbm>>) target(%arg12 : memref<128x128xf32, #tpu.memory_space<vmem>>) offsets(%arg6 : memref<128xi32, #tpu.memory_space<vmem>>) semaphore(%arg21 : memref<!tpu.dma_semaphore, #tpu.memory_space<semaphore_mem>>)
    }
    %scan3A_170 = arith.constant 19 : i32
    %dma_wait3A_171 = arith.constant 0 : i32
    %dma_wait3A_172 = arith.constant 0 : i32
    %dma_wait3A_173 = tpu.memref_slice %arg2[%dma_wait3A_171, %dma_wait3A_172] : memref<10000x128xf32, #tpu.memory_space<hbm>> -> memref<128x128xf32, #tpu.memory_space<hbm>>
    %dma_wait3A_174 = arith.constant 0 : i32
    %dma_wait3A_175 = arith.constant 0 : i32
    %dma_wait3A_176 = tpu.memref_slice %arg2[%dma_wait3A_174, %dma_wait3A_175] : memref<10000x128xf32, #tpu.memory_space<hbm>> -> memref<128x128xf32, #tpu.memory_space<hbm>>
    tpu.wait_dma2 semaphore(%arg21 : memref<!tpu.dma_semaphore, #tpu.memory_space<semaphore_mem>>) src(%dma_wait3A_176 : memref<128x128xf32, #tpu.memory_space<hbm>>) dst(%arg12 : memref<128x128xf32, #tpu.memory_space<vmem>>)
    %dma_wait3A_177 = arith.constant 0 : i32
    %dma_wait3A_178 = arith.constant 0 : i32
    %dma_wait3A_179 = tpu.memref_slice %arg3[%dma_wait3A_177, %dma_wait3A_178] : memref<2560x128xi32, #tpu.memory_space<hbm>> -> memref<1x128xi32, #tpu.memory_space<hbm>>
    %dma_wait3A_180 = tpu.memref_squeeze %dma_wait3A_179 : memref<1x128xi32, #tpu.memory_space<hbm>> -> memref<128xi32, #tpu.memory_space<hbm>>
    %dma_wait3A_181 = arith.constant 0 : i32
    %dma_wait3A_182 = tpu.memref_slice %arg3[%dma_wait3A_177, %dma_wait3A_181] : memref<2560x128xi32, #tpu.memory_space<hbm>> -> memref<1x128xi32, #tpu.memory_space<hbm>>
    %dma_wait3A_183 = tpu.memref_squeeze %dma_wait3A_182 : memref<1x128xi32, #tpu.memory_space<hbm>> -> memref<128xi32, #tpu.memory_space<hbm>>
    tpu.wait_dma2 semaphore(%arg19 : memref<!tpu.dma_semaphore, #tpu.memory_space<semaphore_mem>>) src(%dma_wait3A_183 : memref<128xi32, #tpu.memory_space<hbm>>) dst(%arg10 : memref<128xi32, #tpu.memory_space<vmem>>)
    %dma_start3A_184 = arith.constant 0 : i32
    %dma_start3A_185 = arith.constant 0 : i32
    %dma_start3A_186 = tpu.memref_slice %arg14[%dma_start3A_184, %dma_start3A_185] : memref<10240x128xf32, #tpu.memory_space<vmem_shared>> -> memref<10240x128xf32, #tpu.memory_space<vmem_shared>>
    tpu.enqueue_indirect_dma source(%arg12 : memref<128x128xf32, #tpu.memory_space<vmem>>) target(%dma_start3A_186 : memref<10240x128xf32, #tpu.memory_space<vmem_shared>>) offsets(%arg10 : memref<128xi32, #tpu.memory_space<vmem>>) semaphore(%arg23 : memref<!tpu.dma_semaphore, #tpu.memory_space<semaphore_mem>>) {add = true}
    %dma_wait3A_187 = arith.constant 0 : i32
    %dma_wait3A_188 = arith.constant 0 : i32
    %dma_wait3A_189 = tpu.memref_slice %arg2[%dma_wait3A_187, %dma_wait3A_188] : memref<10000x128xf32, #tpu.memory_space<hbm>> -> memref<128x128xf32, #tpu.memory_space<hbm>>
    %dma_wait3A_190 = arith.constant 0 : i32
    %dma_wait3A_191 = arith.constant 0 : i32
    %dma_wait3A_192 = tpu.memref_slice %arg2[%dma_wait3A_190, %dma_wait3A_191] : memref<10000x128xf32, #tpu.memory_space<hbm>> -> memref<128x128xf32, #tpu.memory_space<hbm>>
    tpu.wait_dma2 semaphore(%arg24 : memref<!tpu.dma_semaphore, #tpu.memory_space<semaphore_mem>>) src(%dma_wait3A_192 : memref<128x128xf32, #tpu.memory_space<hbm>>) dst(%arg13 : memref<128x128xf32, #tpu.memory_space<vmem>>)
    %dma_wait3A_193 = arith.constant 0 : i32
    %dma_wait3A_194 = arith.constant 0 : i32
    %dma_wait3A_195 = tpu.memref_slice %arg3[%dma_wait3A_193, %dma_wait3A_194] : memref<2560x128xi32, #tpu.memory_space<hbm>> -> memref<1x128xi32, #tpu.memory_space<hbm>>
    %dma_wait3A_196 = tpu.memref_squeeze %dma_wait3A_195 : memref<1x128xi32, #tpu.memory_space<hbm>> -> memref<128xi32, #tpu.memory_space<hbm>>
    %dma_wait3A_197 = arith.constant 0 : i32
    %dma_wait3A_198 = tpu.memref_slice %arg3[%dma_wait3A_193, %dma_wait3A_197] : memref<2560x128xi32, #tpu.memory_space<hbm>> -> memref<1x128xi32, #tpu.memory_space<hbm>>
    %dma_wait3A_199 = tpu.memref_squeeze %dma_wait3A_198 : memref<1x128xi32, #tpu.memory_space<hbm>> -> memref<128xi32, #tpu.memory_space<hbm>>
    tpu.wait_dma2 semaphore(%arg16 : memref<!tpu.dma_semaphore, #tpu.memory_space<semaphore_mem>>) src(%dma_wait3A_199 : memref<128xi32, #tpu.memory_space<hbm>>) dst(%arg7 : memref<128xi32, #tpu.memory_space<vmem>>)
    %dma_start3A_200 = arith.constant 0 : i32
    %dma_start3A_201 = arith.constant 0 : i32
    %dma_start3A_202 = tpu.memref_slice %arg2[%dma_start3A_200, %dma_start3A_201] : memref<10000x128xf32, #tpu.memory_space<hbm>> -> memref<10000x128xf32, #tpu.memory_space<hbm>>
    tpu.enqueue_indirect_dma source(%dma_start3A_202 : memref<10000x128xf32, #tpu.memory_space<hbm>>) target(%arg13 : memref<128x128xf32, #tpu.memory_space<vmem>>) offsets(%arg7 : memref<128xi32, #tpu.memory_space<vmem>>) semaphore(%arg22 : memref<!tpu.dma_semaphore, #tpu.memory_space<semaphore_mem>>)
    %dma_wait3A_203 = arith.constant 0 : i32
    %dma_wait3A_204 = arith.constant 0 : i32
    %dma_wait3A_205 = tpu.memref_slice %arg2[%dma_wait3A_203, %dma_wait3A_204] : memref<10000x128xf32, #tpu.memory_space<hbm>> -> memref<128x128xf32, #tpu.memory_space<hbm>>
    %dma_wait3A_206 = arith.constant 0 : i32
    %dma_wait3A_207 = arith.constant 0 : i32
    %dma_wait3A_208 = tpu.memref_slice %arg2[%dma_wait3A_206, %dma_wait3A_207] : memref<10000x128xf32, #tpu.memory_space<hbm>> -> memref<128x128xf32, #tpu.memory_space<hbm>>
    tpu.wait_dma2 semaphore(%arg22 : memref<!tpu.dma_semaphore, #tpu.memory_space<semaphore_mem>>) src(%dma_wait3A_208 : memref<128x128xf32, #tpu.memory_space<hbm>>) dst(%arg13 : memref<128x128xf32, #tpu.memory_space<vmem>>)
    %dma_wait3A_209 = arith.constant 0 : i32
    %dma_wait3A_210 = arith.constant 0 : i32
    %dma_wait3A_211 = tpu.memref_slice %arg3[%dma_wait3A_209, %dma_wait3A_210] : memref<2560x128xi32, #tpu.memory_space<hbm>> -> memref<1x128xi32, #tpu.memory_space<hbm>>
    %dma_wait3A_212 = tpu.memref_squeeze %dma_wait3A_211 : memref<1x128xi32, #tpu.memory_space<hbm>> -> memref<128xi32, #tpu.memory_space<hbm>>
    %dma_wait3A_213 = arith.constant 0 : i32
    %dma_wait3A_214 = tpu.memref_slice %arg3[%dma_wait3A_209, %dma_wait3A_213] : memref<2560x128xi32, #tpu.memory_space<hbm>> -> memref<1x128xi32, #tpu.memory_space<hbm>>
    %dma_wait3A_215 = tpu.memref_squeeze %dma_wait3A_214 : memref<1x128xi32, #tpu.memory_space<hbm>> -> memref<128xi32, #tpu.memory_space<hbm>>
    tpu.wait_dma2 semaphore(%arg20 : memref<!tpu.dma_semaphore, #tpu.memory_space<semaphore_mem>>) src(%dma_wait3A_215 : memref<128xi32, #tpu.memory_space<hbm>>) dst(%arg11 : memref<128xi32, #tpu.memory_space<vmem>>)
    %dma_start3A_216 = arith.constant 0 : i32
    %dma_start3A_217 = arith.constant 0 : i32
    %dma_start3A_218 = tpu.memref_slice %arg14[%dma_start3A_216, %dma_start3A_217] : memref<10240x128xf32, #tpu.memory_space<vmem_shared>> -> memref<10240x128xf32, #tpu.memory_space<vmem_shared>>
    tpu.enqueue_indirect_dma source(%arg13 : memref<128x128xf32, #tpu.memory_space<vmem>>) target(%dma_start3A_218 : memref<10240x128xf32, #tpu.memory_space<vmem_shared>>) offsets(%arg11 : memref<128xi32, #tpu.memory_space<vmem>>) semaphore(%arg24 : memref<!tpu.dma_semaphore, #tpu.memory_space<semaphore_mem>>) {add = true}
    %dma_wait3A_219 = arith.constant 0 : i32
    %dma_wait3A_220 = arith.constant 0 : i32
    %dma_wait3A_221 = tpu.memref_slice %arg2[%dma_wait3A_219, %dma_wait3A_220] : memref<10000x128xf32, #tpu.memory_space<hbm>> -> memref<128x128xf32, #tpu.memory_space<hbm>>
    %dma_wait3A_222 = arith.constant 0 : i32
    %dma_wait3A_223 = arith.constant 0 : i32
    %dma_wait3A_224 = tpu.memref_slice %arg2[%dma_wait3A_222, %dma_wait3A_223] : memref<10000x128xf32, #tpu.memory_space<hbm>> -> memref<128x128xf32, #tpu.memory_space<hbm>>
    tpu.wait_dma2 semaphore(%arg23 : memref<!tpu.dma_semaphore, #tpu.memory_space<semaphore_mem>>) src(%dma_wait3A_224 : memref<128x128xf32, #tpu.memory_space<hbm>>) dst(%arg12 : memref<128x128xf32, #tpu.memory_space<vmem>>)
    %dma_wait3A_225 = arith.constant 0 : i32
    %dma_wait3A_226 = arith.constant 0 : i32
    %dma_wait3A_227 = tpu.memref_slice %arg2[%dma_wait3A_225, %dma_wait3A_226] : memref<10000x128xf32, #tpu.memory_space<hbm>> -> memref<128x128xf32, #tpu.memory_space<hbm>>
    %dma_wait3A_228 = arith.constant 0 : i32
    %dma_wait3A_229 = arith.constant 0 : i32
    %dma_wait3A_230 = tpu.memref_slice %arg2[%dma_wait3A_228, %dma_wait3A_229] : memref<10000x128xf32, #tpu.memory_space<hbm>> -> memref<128x128xf32, #tpu.memory_space<hbm>>
    tpu.wait_dma2 semaphore(%arg24 : memref<!tpu.dma_semaphore, #tpu.memory_space<semaphore_mem>>) src(%dma_wait3A_230 : memref<128x128xf32, #tpu.memory_space<hbm>>) dst(%arg13 : memref<128x128xf32, #tpu.memory_space<vmem>>)
    %barrier3A_231 = arith.constant 0 : index
    tpu.barrier barrier_id(%barrier3A_231)
    %add3A_232 = arith.constant 0 : i32
    %add3A_233 = arith.addi %mul3A_2, %add3A_232 : i32
    "tpu.region"() ({
      %run_scoped3A = tpu.sem_alloc : memref<!tpu.dma_semaphore, #tpu.memory_space<semaphore_mem>>
      %dma_start3A_267 = arith.constant 0 : i32
      %dma_start3A_268 = tpu.memref_slice %arg14[%add3A_233, %dma_start3A_267] : memref<10240x128xf32, #tpu.memory_space<vmem_shared>> -> memref<128x128xf32, #tpu.memory_space<vmem_shared>>
      %dma_start3A_269 = arith.constant 0 : i32
      %dma_start3A_270 = tpu.memref_slice %arg14[%add3A_233, %dma_start3A_269] : memref<10240x128xf32, #tpu.memory_space<vmem_shared>> -> memref<128x128xf32, #tpu.memory_space<vmem_shared>>
      tpu.enqueue_dma source(%dma_start3A_270 : memref<128x128xf32, #tpu.memory_space<vmem_shared>>) target(%arg12 : memref<128x128xf32, #tpu.memory_space<vmem>>) target_semaphore(%run_scoped3A : memref<!tpu.dma_semaphore, #tpu.memory_space<semaphore_mem>>)
      %dma_wait3A_271 = arith.constant 0 : i32
      %dma_wait3A_272 = tpu.memref_slice %arg14[%add3A_233, %dma_wait3A_271] : memref<10240x128xf32, #tpu.memory_space<vmem_shared>> -> memref<128x128xf32, #tpu.memory_space<vmem_shared>>
      %dma_wait3A_273 = arith.constant 0 : i32
      %dma_wait3A_274 = tpu.memref_slice %arg14[%add3A_233, %dma_wait3A_273] : memref<10240x128xf32, #tpu.memory_space<vmem_shared>> -> memref<128x128xf32, #tpu.memory_space<vmem_shared>>
      tpu.wait_dma2 semaphore(%run_scoped3A : memref<!tpu.dma_semaphore, #tpu.memory_space<semaphore_mem>>) src(%dma_wait3A_274 : memref<128x128xf32, #tpu.memory_space<vmem_shared>>) dst(%arg12 : memref<128x128xf32, #tpu.memory_space<vmem>>)
      tpu.yield
    }) : () -> ()
    %mul3A_234 = arith.constant 10240 : i32
    %mul3A_235 = arith.muli %arg0, %mul3A_234 : i32
    %add3A_236 = arith.addi %mul3A_235, %mul3A_2 : i32
    %add3A_237 = arith.constant 0 : i32
    %add3A_238 = arith.addi %add3A_236, %add3A_237 : i32
    "tpu.region"() ({
      %run_scoped3A = tpu.sem_alloc : memref<!tpu.dma_semaphore, #tpu.memory_space<semaphore_mem>>
      %dma_start3A_267 = arith.constant 0 : i32
      %dma_start3A_268 = tpu.memref_slice %arg5[%add3A_238, %dma_start3A_267] : memref<20480x128xf32, #tpu.memory_space<hbm>> -> memref<128x128xf32, #tpu.memory_space<hbm>>
      %dma_start3A_269 = arith.constant 0 : i32
      %dma_start3A_270 = tpu.memref_slice %arg5[%add3A_238, %dma_start3A_269] : memref<20480x128xf32, #tpu.memory_space<hbm>> -> memref<128x128xf32, #tpu.memory_space<hbm>>
      tpu.enqueue_dma source(%arg12 : memref<128x128xf32, #tpu.memory_space<vmem>>) target(%dma_start3A_270 : memref<128x128xf32, #tpu.memory_space<hbm>>) target_semaphore(%run_scoped3A : memref<!tpu.dma_semaphore, #tpu.memory_space<semaphore_mem>>)
      %dma_wait3A_271 = arith.constant 0 : i32
      %dma_wait3A_272 = tpu.memref_slice %arg5[%add3A_238, %dma_wait3A_271] : memref<20480x128xf32, #tpu.memory_space<hbm>> -> memref<128x128xf32, #tpu.memory_space<hbm>>
      %dma_wait3A_273 = arith.constant 0 : i32
      %dma_wait3A_274 = tpu.memref_slice %arg5[%add3A_238, %dma_wait3A_273] : memref<20480x128xf32, #tpu.memory_space<hbm>> -> memref<128x128xf32, #tpu.memory_space<hbm>>
      tpu.wait_dma2 semaphore(%run_scoped3A : memref<!tpu.dma_semaphore, #tpu.memory_space<semaphore_mem>>) src(%arg12 : memref<128x128xf32, #tpu.memory_space<vmem>>) dst(%dma_wait3A_274 : memref<128x128xf32, #tpu.memory_space<hbm>>)
      tpu.yield
    }) : () -> ()
    %add3A_239 = arith.constant 128 : i32
    %add3A_240 = arith.addi %mul3A_2, %add3A_239 : i32
    "tpu.region"() ({
      %run_scoped3A = tpu.sem_alloc : memref<!tpu.dma_semaphore, #tpu.memory_space<semaphore_mem>>
      %dma_start3A_267 = arith.constant 0 : i32
      %dma_start3A_268 = tpu.memref_slice %arg14[%add3A_240, %dma_start3A_267] : memref<10240x128xf32, #tpu.memory_space<vmem_shared>> -> memref<128x128xf32, #tpu.memory_space<vmem_shared>>
      %dma_start3A_269 = arith.constant 0 : i32
      %dma_start3A_270 = tpu.memref_slice %arg14[%add3A_240, %dma_start3A_269] : memref<10240x128xf32, #tpu.memory_space<vmem_shared>> -> memref<128x128xf32, #tpu.memory_space<vmem_shared>>
      tpu.enqueue_dma source(%dma_start3A_270 : memref<128x128xf32, #tpu.memory_space<vmem_shared>>) target(%arg12 : memref<128x128xf32, #tpu.memory_space<vmem>>) target_semaphore(%run_scoped3A : memref<!tpu.dma_semaphore, #tpu.memory_space<semaphore_mem>>)
      %dma_wait3A_271 = arith.constant 0 : i32
      %dma_wait3A_272 = tpu.memref_slice %arg14[%add3A_240, %dma_wait3A_271] : memref<10240x128xf32, #tpu.memory_space<vmem_shared>> -> memref<128x128xf32, #tpu.memory_space<vmem_shared>>
      %dma_wait3A_273 = arith.constant 0 : i32
      %dma_wait3A_274 = tpu.memref_slice %arg14[%add3A_240, %dma_wait3A_273] : memref<10240x128xf32, #tpu.memory_space<vmem_shared>> -> memref<128x128xf32, #tpu.memory_space<vmem_shared>>
      tpu.wait_dma2 semaphore(%run_scoped3A : memref<!tpu.dma_semaphore, #tpu.memory_space<semaphore_mem>>) src(%dma_wait3A_274 : memref<128x128xf32, #tpu.memory_space<vmem_shared>>) dst(%arg12 : memref<128x128xf32, #tpu.memory_space<vmem>>)
      tpu.yield
    }) : () -> ()
    %mul3A_241 = arith.constant 10240 : i32
    %mul3A_242 = arith.muli %arg0, %mul3A_241 : i32
    %add3A_243 = arith.addi %mul3A_242, %mul3A_2 : i32
    %add3A_244 = arith.constant 128 : i32
    %add3A_245 = arith.addi %add3A_243, %add3A_244 : i32
    "tpu.region"() ({
      %run_scoped3A = tpu.sem_alloc : memref<!tpu.dma_semaphore, #tpu.memory_space<semaphore_mem>>
      %dma_start3A_267 = arith.constant 0 : i32
      %dma_start3A_268 = tpu.memref_slice %arg5[%add3A_245, %dma_start3A_267] : memref<20480x128xf32, #tpu.memory_space<hbm>> -> memref<128x128xf32, #tpu.memory_space<hbm>>
      %dma_start3A_269 = arith.constant 0 : i32
      %dma_start3A_270 = tpu.memref_slice %arg5[%add3A_245, %dma_start3A_269] : memref<20480x128xf32, #tpu.memory_space<hbm>> -> memref<128x128xf32, #tpu.memory_space<hbm>>
      tpu.enqueue_dma source(%arg12 : memref<128x128xf32, #tpu.memory_space<vmem>>) target(%dma_start3A_270 : memref<128x128xf32, #tpu.memory_space<hbm>>) target_semaphore(%run_scoped3A : memref<!tpu.dma_semaphore, #tpu.memory_space<semaphore_mem>>)
      %dma_wait3A_271 = arith.constant 0 : i32
      %dma_wait3A_272 = tpu.memref_slice %arg5[%add3A_245, %dma_wait3A_271] : memref<20480x128xf32, #tpu.memory_space<hbm>> -> memref<128x128xf32, #tpu.memory_space<hbm>>
      %dma_wait3A_273 = arith.constant 0 : i32
      %dma_wait3A_274 = tpu.memref_slice %arg5[%add3A_245, %dma_wait3A_273] : memref<20480x128xf32, #tpu.memory_space<hbm>> -> memref<128x128xf32, #tpu.memory_space<hbm>>
      tpu.wait_dma2 semaphore(%run_scoped3A : memref<!tpu.dma_semaphore, #tpu.memory_space<semaphore_mem>>) src(%arg12 : memref<128x128xf32, #tpu.memory_space<vmem>>) dst(%dma_wait3A_274 : memref<128x128xf32, #tpu.memory_space<hbm>>)
      tpu.yield
    }) : () -> ()
    %add3A_246 = arith.constant 256 : i32
    %add3A_247 = arith.addi %mul3A_2, %add3A_246 : i32
    "tpu.region"() ({
      %run_scoped3A = tpu.sem_alloc : memref<!tpu.dma_semaphore, #tpu.memory_space<semaphore_mem>>
      %dma_start3A_267 = arith.constant 0 : i32
      %dma_start3A_268 = tpu.memref_slice %arg14[%add3A_247, %dma_start3A_267] : memref<10240x128xf32, #tpu.memory_space<vmem_shared>> -> memref<128x128xf32, #tpu.memory_space<vmem_shared>>
      %dma_start3A_269 = arith.constant 0 : i32
      %dma_start3A_270 = tpu.memref_slice %arg14[%add3A_247, %dma_start3A_269] : memref<10240x128xf32, #tpu.memory_space<vmem_shared>> -> memref<128x128xf32, #tpu.memory_space<vmem_shared>>
      tpu.enqueue_dma source(%dma_start3A_270 : memref<128x128xf32, #tpu.memory_space<vmem_shared>>) target(%arg12 : memref<128x128xf32, #tpu.memory_space<vmem>>) target_semaphore(%run_scoped3A : memref<!tpu.dma_semaphore, #tpu.memory_space<semaphore_mem>>)
      %dma_wait3A_271 = arith.constant 0 : i32
      %dma_wait3A_272 = tpu.memref_slice %arg14[%add3A_247, %dma_wait3A_271] : memref<10240x128xf32, #tpu.memory_space<vmem_shared>> -> memref<128x128xf32, #tpu.memory_space<vmem_shared>>
      %dma_wait3A_273 = arith.constant 0 : i32
      %dma_wait3A_274 = tpu.memref_slice %arg14[%add3A_247, %dma_wait3A_273] : memref<10240x128xf32, #tpu.memory_space<vmem_shared>> -> memref<128x128xf32, #tpu.memory_space<vmem_shared>>
      tpu.wait_dma2 semaphore(%run_scoped3A : memref<!tpu.dma_semaphore, #tpu.memory_space<semaphore_mem>>) src(%dma_wait3A_274 : memref<128x128xf32, #tpu.memory_space<vmem_shared>>) dst(%arg12 : memref<128x128xf32, #tpu.memory_space<vmem>>)
      tpu.yield
    }) : () -> ()
    %mul3A_248 = arith.constant 10240 : i32
    %mul3A_249 = arith.muli %arg0, %mul3A_248 : i32
    %add3A_250 = arith.addi %mul3A_249, %mul3A_2 : i32
    %add3A_251 = arith.constant 256 : i32
    %add3A_252 = arith.addi %add3A_250, %add3A_251 : i32
    "tpu.region"() ({
      %run_scoped3A = tpu.sem_alloc : memref<!tpu.dma_semaphore, #tpu.memory_space<semaphore_mem>>
      %dma_start3A_267 = arith.constant 0 : i32
      %dma_start3A_268 = tpu.memref_slice %arg5[%add3A_252, %dma_start3A_267] : memref<20480x128xf32, #tpu.memory_space<hbm>> -> memref<128x128xf32, #tpu.memory_space<hbm>>
      %dma_start3A_269 = arith.constant 0 : i32
      %dma_start3A_270 = tpu.memref_slice %arg5[%add3A_252, %dma_start3A_269] : memref<20480x128xf32, #tpu.memory_space<hbm>> -> memref<128x128xf32, #tpu.memory_space<hbm>>
      tpu.enqueue_dma source(%arg12 : memref<128x128xf32, #tpu.memory_space<vmem>>) target(%dma_start3A_270 : memref<128x128xf32, #tpu.memory_space<hbm>>) target_semaphore(%run_scoped3A : memref<!tpu.dma_semaphore, #tpu.memory_space<semaphore_mem>>)
      %dma_wait3A_271 = arith.constant 0 : i32
      %dma_wait3A_272 = tpu.memref_slice %arg5[%add3A_252, %dma_wait3A_271] : memref<20480x128xf32, #tpu.memory_space<hbm>> -> memref<128x128xf32, #tpu.memory_space<hbm>>
      %dma_wait3A_273 = arith.constant 0 : i32
      %dma_wait3A_274 = tpu.memref_slice %arg5[%add3A_252, %dma_wait3A_273] : memref<20480x128xf32, #tpu.memory_space<hbm>> -> memref<128x128xf32, #tpu.memory_space<hbm>>
      tpu.wait_dma2 semaphore(%run_scoped3A : memref<!tpu.dma_semaphore, #tpu.memory_space<semaphore_mem>>) src(%arg12 : memref<128x128xf32, #tpu.memory_space<vmem>>) dst(%dma_wait3A_274 : memref<128x128xf32, #tpu.memory_space<hbm>>)
      tpu.yield
    }) : () -> ()
    %add3A_253 = arith.constant 384 : i32
    %add3A_254 = arith.addi %mul3A_2, %add3A_253 : i32
    "tpu.region"() ({
      %run_scoped3A = tpu.sem_alloc : memref<!tpu.dma_semaphore, #tpu.memory_space<semaphore_mem>>
      %dma_start3A_267 = arith.constant 0 : i32
      %dma_start3A_268 = tpu.memref_slice %arg14[%add3A_254, %dma_start3A_267] : memref<10240x128xf32, #tpu.memory_space<vmem_shared>> -> memref<128x128xf32, #tpu.memory_space<vmem_shared>>
      %dma_start3A_269 = arith.constant 0 : i32
      %dma_start3A_270 = tpu.memref_slice %arg14[%add3A_254, %dma_start3A_269] : memref<10240x128xf32, #tpu.memory_space<vmem_shared>> -> memref<128x128xf32, #tpu.memory_space<vmem_shared>>
      tpu.enqueue_dma source(%dma_start3A_270 : memref<128x128xf32, #tpu.memory_space<vmem_shared>>) target(%arg12 : memref<128x128xf32, #tpu.memory_space<vmem>>) target_semaphore(%run_scoped3A : memref<!tpu.dma_semaphore, #tpu.memory_space<semaphore_mem>>)
      %dma_wait3A_271 = arith.constant 0 : i32
      %dma_wait3A_272 = tpu.memref_slice %arg14[%add3A_254, %dma_wait3A_271] : memref<10240x128xf32, #tpu.memory_space<vmem_shared>> -> memref<128x128xf32, #tpu.memory_space<vmem_shared>>
      %dma_wait3A_273 = arith.constant 0 : i32
      %dma_wait3A_274 = tpu.memref_slice %arg14[%add3A_254, %dma_wait3A_273] : memref<10240x128xf32, #tpu.memory_space<vmem_shared>> -> memref<128x128xf32, #tpu.memory_space<vmem_shared>>
      tpu.wait_dma2 semaphore(%run_scoped3A : memref<!tpu.dma_semaphore, #tpu.memory_space<semaphore_mem>>) src(%dma_wait3A_274 : memref<128x128xf32, #tpu.memory_space<vmem_shared>>) dst(%arg12 : memref<128x128xf32, #tpu.memory_space<vmem>>)
      tpu.yield
    }) : () -> ()
    %mul3A_255 = arith.constant 10240 : i32
    %mul3A_256 = arith.muli %arg0, %mul3A_255 : i32
    %add3A_257 = arith.addi %mul3A_256, %mul3A_2 : i32
    %add3A_258 = arith.constant 384 : i32
    %add3A_259 = arith.addi %add3A_257, %add3A_258 : i32
    "tpu.region"() ({
      %run_scoped3A = tpu.sem_alloc : memref<!tpu.dma_semaphore, #tpu.memory_space<semaphore_mem>>
      %dma_start3A_267 = arith.constant 0 : i32
      %dma_start3A_268 = tpu.memref_slice %arg5[%add3A_259, %dma_start3A_267] : memref<20480x128xf32, #tpu.memory_space<hbm>> -> memref<128x128xf32, #tpu.memory_space<hbm>>
      %dma_start3A_269 = arith.constant 0 : i32
      %dma_start3A_270 = tpu.memref_slice %arg5[%add3A_259, %dma_start3A_269] : memref<20480x128xf32, #tpu.memory_space<hbm>> -> memref<128x128xf32, #tpu.memory_space<hbm>>
      tpu.enqueue_dma source(%arg12 : memref<128x128xf32, #tpu.memory_space<vmem>>) target(%dma_start3A_270 : memref<128x128xf32, #tpu.memory_space<hbm>>) target_semaphore(%run_scoped3A : memref<!tpu.dma_semaphore, #tpu.memory_space<semaphore_mem>>)
      %dma_wait3A_271 = arith.constant 0 : i32
      %dma_wait3A_272 = tpu.memref_slice %arg5[%add3A_259, %dma_wait3A_271] : memref<20480x128xf32, #tpu.memory_space<hbm>> -> memref<128x128xf32, #tpu.memory_space<hbm>>
      %dma_wait3A_273 = arith.constant 0 : i32
      %dma_wait3A_274 = tpu.memref_slice %arg5[%add3A_259, %dma_wait3A_273] : memref<20480x128xf32, #tpu.memory_space<hbm>> -> memref<128x128xf32, #tpu.memory_space<hbm>>
      tpu.wait_dma2 semaphore(%run_scoped3A : memref<!tpu.dma_semaphore, #tpu.memory_space<semaphore_mem>>) src(%arg12 : memref<128x128xf32, #tpu.memory_space<vmem>>) dst(%dma_wait3A_274 : memref<128x128xf32, #tpu.memory_space<hbm>>)
      tpu.yield
    }) : () -> ()
    %add3A_260 = arith.constant 512 : i32
    %add3A_261 = arith.addi %mul3A_2, %add3A_260 : i32
    "tpu.region"() ({
      %run_scoped3A = tpu.sem_alloc : memref<!tpu.dma_semaphore, #tpu.memory_space<semaphore_mem>>
      %dma_start3A_267 = arith.constant 0 : i32
      %dma_start3A_268 = tpu.memref_slice %arg14[%add3A_261, %dma_start3A_267] : memref<10240x128xf32, #tpu.memory_space<vmem_shared>> -> memref<128x128xf32, #tpu.memory_space<vmem_shared>>
      %dma_start3A_269 = arith.constant 0 : i32
      %dma_start3A_270 = tpu.memref_slice %arg14[%add3A_261, %dma_start3A_269] : memref<10240x128xf32, #tpu.memory_space<vmem_shared>> -> memref<128x128xf32, #tpu.memory_space<vmem_shared>>
      tpu.enqueue_dma source(%dma_start3A_270 : memref<128x128xf32, #tpu.memory_space<vmem_shared>>) target(%arg12 : memref<128x128xf32, #tpu.memory_space<vmem>>) target_semaphore(%run_scoped3A : memref<!tpu.dma_semaphore, #tpu.memory_space<semaphore_mem>>)
      %dma_wait3A_271 = arith.constant 0 : i32
      %dma_wait3A_272 = tpu.memref_slice %arg14[%add3A_261, %dma_wait3A_271] : memref<10240x128xf32, #tpu.memory_space<vmem_shared>> -> memref<128x128xf32, #tpu.memory_space<vmem_shared>>
      %dma_wait3A_273 = arith.constant 0 : i32
      %dma_wait3A_274 = tpu.memref_slice %arg14[%add3A_261, %dma_wait3A_273] : memref<10240x128xf32, #tpu.memory_space<vmem_shared>> -> memref<128x128xf32, #tpu.memory_space<vmem_shared>>
      tpu.wait_dma2 semaphore(%run_scoped3A : memref<!tpu.dma_semaphore, #tpu.memory_space<semaphore_mem>>) src(%dma_wait3A_274 : memref<128x128xf32, #tpu.memory_space<vmem_shared>>) dst(%arg12 : memref<128x128xf32, #tpu.memory_space<vmem>>)
      tpu.yield
    }) : () -> ()
    %mul3A_262 = arith.constant 10240 : i32
    %mul3A_263 = arith.muli %arg0, %mul3A_262 : i32
    %add3A_264 = arith.addi %mul3A_263, %mul3A_2 : i32
    %add3A_265 = arith.constant 512 : i32
    %add3A_266 = arith.addi %add3A_264, %add3A_265 : i32
    "tpu.region"() ({
      %run_scoped3A = tpu.sem_alloc : memref<!tpu.dma_semaphore, #tpu.memory_space<semaphore_mem>>
      %dma_start3A_267 = arith.constant 0 : i32
      %dma_start3A_268 = tpu.memref_slice %arg5[%add3A_266, %dma_start3A_267] : memref<20480x128xf32, #tpu.memory_space<hbm>> -> memref<128x128xf32, #tpu.memory_space<hbm>>
      %dma_start3A_269 = arith.constant 0 : i32
      %dma_start3A_270 = tpu.memref_slice %arg5[%add3A_266, %dma_start3A_269] : memref<20480x128xf32, #tpu.memory_space<hbm>> -> memref<128x128xf32, #tpu.memory_space<hbm>>
      tpu.enqueue_dma source(%arg12 : memref<128x128xf32, #tpu.memory_space<vmem>>) target(%dma_start3A_270 : memref<128x128xf32, #tpu.memory_space<hbm>>) target_semaphore(%run_scoped3A : memref<!tpu.dma_semaphore, #tpu.memory_space<semaphore_mem>>)
      %dma_wait3A_271 = arith.constant 0 : i32
      %dma_wait3A_272 = tpu.memref_slice %arg5[%add3A_266, %dma_wait3A_271] : memref<20480x128xf32, #tpu.memory_space<hbm>> -> memref<128x128xf32, #tpu.memory_space<hbm>>
      %dma_wait3A_273 = arith.constant 0 : i32
      %dma_wait3A_274 = tpu.memref_slice %arg5[%add3A_266, %dma_wait3A_273] : memref<20480x128xf32, #tpu.memory_space<hbm>> -> memref<128x128xf32, #tpu.memory_space<hbm>>
      tpu.wait_dma2 semaphore(%run_scoped3A : memref<!tpu.dma_semaphore, #tpu.memory_space<semaphore_mem>>) src(%arg12 : memref<128x128xf32, #tpu.memory_space<vmem>>) dst(%dma_wait3A_274 : memref<128x128xf32, #tpu.memory_space<hbm>>)
      tpu.yield
    }) : () -> ()
    return
  }
}

#map = affine_map<(d0, d1) -> (0, 0)>
#map1 = affine_map<(d0, d1) -> (0)>
module attributes {stable_mosaic.version = 14 : i64} {
  func.func @_deg_body(%arg0: i32, %arg1: i32, %arg2: memref<2560x128xi32, #tpu.memory_space<hbm>>, %arg3: memref<20480xf32, #tpu.memory_space<hbm>>, %arg4: memref<128xi32, #tpu.memory_space<vmem>>, %arg5: memref<128xi32, #tpu.memory_space<vmem>>, %arg6: memref<128xi32, #tpu.memory_space<vmem>>, %arg7: memref<128xi32, #tpu.memory_space<vmem>>, %arg8: memref<128xf32, #tpu.memory_space<vmem>>, %arg9: memref<640xf32, #tpu.memory_space<vmem>>, %arg10: memref<10240xf32, #tpu.memory_space<vmem_shared>>, %arg11: memref<!tpu.dma_semaphore, #tpu.memory_space<semaphore_mem>>, %arg12: memref<!tpu.dma_semaphore, #tpu.memory_space<semaphore_mem>>, %arg13: memref<!tpu.dma_semaphore, #tpu.memory_space<semaphore_mem>>, %arg14: memref<!tpu.dma_semaphore, #tpu.memory_space<semaphore_mem>>, %arg15: memref<!tpu.dma_semaphore, #tpu.memory_space<semaphore_mem>>, %arg16: memref<!tpu.dma_semaphore, #tpu.memory_space<semaphore_mem>>) attributes {dimension_semantics = [#tpu.dimension_semantics<core_parallel>, #tpu.dimension_semantics<subcore_parallel>], iteration_bounds = array<i64: 2, 16>, scalar_prefetch = 0 : i64, scratch_operands = 13 : i64, tpu.core_type = #tpu.core_type<sc_vector_subcore>, window_params = [{transform_indices = #map}, {transform_indices = #map1}]} {
    %mul3A = arith.constant 16 : i32
    %mul3A_0 = arith.muli %arg0, %mul3A : i32
    %add3A = arith.addi %mul3A_0, %arg1 : i32
    %mul3A_1 = arith.constant 640 : i32
    %mul3A_2 = arith.muli %arg1, %mul3A_1 : i32
    %broadcast_in_dim3A = arith.constant 0.000000e+00 : f32
    %broadcast_in_dim3A_3 = vector.broadcast %broadcast_in_dim3A : f32 to vector<16xf32>
    %broadcast_in_dim3A_4 = arith.constant 1.000000e+00 : f32
    %broadcast_in_dim3A_5 = vector.broadcast %broadcast_in_dim3A_4 : f32 to vector<16xf32>
    %swap3A = arith.constant 0 : index
    %swap3A_6 = tpu.vector_load %arg8[%swap3A] {strides = array<i32>} : memref<128xf32, #tpu.memory_space<vmem>>, vector<16xf32>,
    %swap3A_7 = vector.shape_cast %swap3A_6 : vector<16xf32> to vector<16xf32>
    %swap3A_8 = vector.shape_cast %broadcast_in_dim3A_5 : vector<16xf32> to vector<16xf32>
    tpu.vector_store %arg8[%swap3A], %swap3A_8 {strides = array<i32>} : memref<128xf32, #tpu.memory_space<vmem>>, vector<16xf32>,
    %broadcast_in_dim3A_9 = arith.constant 1.000000e+00 : f32
    %broadcast_in_dim3A_10 = vector.broadcast %broadcast_in_dim3A_9 : f32 to vector<16xf32>
    %swap3A_11 = arith.constant 16 : index
    %swap3A_12 = tpu.vector_load %arg8[%swap3A_11] {strides = array<i32>} : memref<128xf32, #tpu.memory_space<vmem>>, vector<16xf32>,
    %swap3A_13 = vector.shape_cast %swap3A_12 : vector<16xf32> to vector<16xf32>
    %swap3A_14 = vector.shape_cast %broadcast_in_dim3A_10 : vector<16xf32> to vector<16xf32>
    tpu.vector_store %arg8[%swap3A_11], %swap3A_14 {strides = array<i32>} : memref<128xf32, #tpu.memory_space<vmem>>, vector<16xf32>,
    %broadcast_in_dim3A_15 = arith.constant 1.000000e+00 : f32
    %broadcast_in_dim3A_16 = vector.broadcast %broadcast_in_dim3A_15 : f32 to vector<16xf32>
    %swap3A_17 = arith.constant 32 : index
    %swap3A_18 = tpu.vector_load %arg8[%swap3A_17] {strides = array<i32>} : memref<128xf32, #tpu.memory_space<vmem>>, vector<16xf32>,
    %swap3A_19 = vector.shape_cast %swap3A_18 : vector<16xf32> to vector<16xf32>
    %swap3A_20 = vector.shape_cast %broadcast_in_dim3A_16 : vector<16xf32> to vector<16xf32>
    tpu.vector_store %arg8[%swap3A_17], %swap3A_20 {strides = array<i32>} : memref<128xf32, #tpu.memory_space<vmem>>, vector<16xf32>,
    %broadcast_in_dim3A_21 = arith.constant 1.000000e+00 : f32
    %broadcast_in_dim3A_22 = vector.broadcast %broadcast_in_dim3A_21 : f32 to vector<16xf32>
    %swap3A_23 = arith.constant 48 : index
    %swap3A_24 = tpu.vector_load %arg8[%swap3A_23] {strides = array<i32>} : memref<128xf32, #tpu.memory_space<vmem>>, vector<16xf32>,
    %swap3A_25 = vector.shape_cast %swap3A_24 : vector<16xf32> to vector<16xf32>
    %swap3A_26 = vector.shape_cast %broadcast_in_dim3A_22 : vector<16xf32> to vector<16xf32>
    tpu.vector_store %arg8[%swap3A_23], %swap3A_26 {strides = array<i32>} : memref<128xf32, #tpu.memory_space<vmem>>, vector<16xf32>,
    %broadcast_in_dim3A_27 = arith.constant 1.000000e+00 : f32
    %broadcast_in_dim3A_28 = vector.broadcast %broadcast_in_dim3A_27 : f32 to vector<16xf32>
    %swap3A_29 = arith.constant 64 : index
    %swap3A_30 = tpu.vector_load %arg8[%swap3A_29] {strides = array<i32>} : memref<128xf32, #tpu.memory_space<vmem>>, vector<16xf32>,
    %swap3A_31 = vector.shape_cast %swap3A_30 : vector<16xf32> to vector<16xf32>
    %swap3A_32 = vector.shape_cast %broadcast_in_dim3A_28 : vector<16xf32> to vector<16xf32>
    tpu.vector_store %arg8[%swap3A_29], %swap3A_32 {strides = array<i32>} : memref<128xf32, #tpu.memory_space<vmem>>, vector<16xf32>,
    %broadcast_in_dim3A_33 = arith.constant 1.000000e+00 : f32
    %broadcast_in_dim3A_34 = vector.broadcast %broadcast_in_dim3A_33 : f32 to vector<16xf32>
    %swap3A_35 = arith.constant 80 : index
    %swap3A_36 = tpu.vector_load %arg8[%swap3A_35] {strides = array<i32>} : memref<128xf32, #tpu.memory_space<vmem>>, vector<16xf32>,
    %swap3A_37 = vector.shape_cast %swap3A_36 : vector<16xf32> to vector<16xf32>
    %swap3A_38 = vector.shape_cast %broadcast_in_dim3A_34 : vector<16xf32> to vector<16xf32>
    tpu.vector_store %arg8[%swap3A_35], %swap3A_38 {strides = array<i32>} : memref<128xf32, #tpu.memory_space<vmem>>, vector<16xf32>,
    %broadcast_in_dim3A_39 = arith.constant 1.000000e+00 : f32
    %broadcast_in_dim3A_40 = vector.broadcast %broadcast_in_dim3A_39 : f32 to vector<16xf32>
    %swap3A_41 = arith.constant 96 : index
    %swap3A_42 = tpu.vector_load %arg8[%swap3A_41] {strides = array<i32>} : memref<128xf32, #tpu.memory_space<vmem>>, vector<16xf32>,
    %swap3A_43 = vector.shape_cast %swap3A_42 : vector<16xf32> to vector<16xf32>
    %swap3A_44 = vector.shape_cast %broadcast_in_dim3A_40 : vector<16xf32> to vector<16xf32>
    tpu.vector_store %arg8[%swap3A_41], %swap3A_44 {strides = array<i32>} : memref<128xf32, #tpu.memory_space<vmem>>, vector<16xf32>,
    %broadcast_in_dim3A_45 = arith.constant 1.000000e+00 : f32
    %broadcast_in_dim3A_46 = vector.broadcast %broadcast_in_dim3A_45 : f32 to vector<16xf32>
    %swap3A_47 = arith.constant 112 : index
    %swap3A_48 = tpu.vector_load %arg8[%swap3A_47] {strides = array<i32>} : memref<128xf32, #tpu.memory_space<vmem>>, vector<16xf32>,
    %swap3A_49 = vector.shape_cast %swap3A_48 : vector<16xf32> to vector<16xf32>
    %swap3A_50 = vector.shape_cast %broadcast_in_dim3A_46 : vector<16xf32> to vector<16xf32>
    tpu.vector_store %arg8[%swap3A_47], %swap3A_50 {strides = array<i32>} : memref<128xf32, #tpu.memory_space<vmem>>, vector<16xf32>,
    %scan3A = arith.constant 0 : i32
    %scan3A_51 = arith.constant 0 : i32
    %scan3A_52 = arith.constant 40 : i32
    %scan3A_53 = arith.addi %scan3A_51, %scan3A_52 : i32
    %scan3A_54 = arith.constant 1 : i32
    scf.for %scan3A_168 = %scan3A_51 to %scan3A_53 step %scan3A_54  : i32 {
      %mul3A_169 = arith.constant 16 : i32
      %mul3A_170 = arith.muli %scan3A_168, %mul3A_169 : i32
      %swap3A_171 = arith.index_cast %mul3A_170 : i32 to index
      %swap3A_172 = tpu.vector_load %arg9[%swap3A_171] {strides = array<i32>} : memref<640xf32, #tpu.memory_space<vmem>>, vector<16xf32>,
      %swap3A_173 = vector.shape_cast %swap3A_172 : vector<16xf32> to vector<16xf32>
      %swap3A_174 = vector.shape_cast %broadcast_in_dim3A_3 : vector<16xf32> to vector<16xf32>
      tpu.vector_store %arg9[%swap3A_171], %swap3A_174 {strides = array<i32>} : memref<640xf32, #tpu.memory_space<vmem>>, vector<16xf32>,
    }
    %scan3A_55 = arith.constant 40 : i32
    "tpu.region"() ({
      %run_scoped3A = tpu.sem_alloc : memref<!tpu.dma_semaphore, #tpu.memory_space<semaphore_mem>>
      %dma_start3A_168 = tpu.memref_slice %arg10[%mul3A_2] : memref<10240xf32, #tpu.memory_space<vmem_shared>> -> memref<640xf32, #tpu.memory_space<vmem_shared>>
      %dma_start3A_169 = tpu.memref_slice %arg10[%mul3A_2] : memref<10240xf32, #tpu.memory_space<vmem_shared>> -> memref<640xf32, #tpu.memory_space<vmem_shared>>
      tpu.enqueue_dma source(%arg9 : memref<640xf32, #tpu.memory_space<vmem>>) target(%dma_start3A_169 : memref<640xf32, #tpu.memory_space<vmem_shared>>) target_semaphore(%run_scoped3A : memref<!tpu.dma_semaphore, #tpu.memory_space<semaphore_mem>>)
      %dma_wait3A_170 = tpu.memref_slice %arg10[%mul3A_2] : memref<10240xf32, #tpu.memory_space<vmem_shared>> -> memref<640xf32, #tpu.memory_space<vmem_shared>>
      %dma_wait3A_171 = tpu.memref_slice %arg10[%mul3A_2] : memref<10240xf32, #tpu.memory_space<vmem_shared>> -> memref<640xf32, #tpu.memory_space<vmem_shared>>
      tpu.wait_dma2 semaphore(%run_scoped3A : memref<!tpu.dma_semaphore, #tpu.memory_space<semaphore_mem>>) src(%arg9 : memref<640xf32, #tpu.memory_space<vmem>>) dst(%dma_wait3A_171 : memref<640xf32, #tpu.memory_space<vmem_shared>>)
      tpu.yield
    }) : () -> ()
    %barrier3A = arith.constant 0 : index
    tpu.barrier barrier_id(%barrier3A)
    %mul3A_56 = arith.constant 80 : i32
    %mul3A_57 = arith.muli %add3A, %mul3A_56 : i32
    %add3A_58 = arith.constant 0 : i32
    %add3A_59 = arith.addi %mul3A_57, %add3A_58 : i32
    %dma_start3A = arith.constant 0 : i32
    %dma_start3A_60 = tpu.memref_slice %arg2[%add3A_59, %dma_start3A] : memref<2560x128xi32, #tpu.memory_space<hbm>> -> memref<1x128xi32, #tpu.memory_space<hbm>>
    %dma_start3A_61 = tpu.memref_squeeze %dma_start3A_60 : memref<1x128xi32, #tpu.memory_space<hbm>> -> memref<128xi32, #tpu.memory_space<hbm>>
    %dma_start3A_62 = arith.constant 0 : i32
    %dma_start3A_63 = tpu.memref_slice %arg2[%add3A_59, %dma_start3A_62] : memref<2560x128xi32, #tpu.memory_space<hbm>> -> memref<1x128xi32, #tpu.memory_space<hbm>>
    %dma_start3A_64 = tpu.memref_squeeze %dma_start3A_63 : memref<1x128xi32, #tpu.memory_space<hbm>> -> memref<128xi32, #tpu.memory_space<hbm>>
    tpu.enqueue_dma source(%dma_start3A_64 : memref<128xi32, #tpu.memory_space<hbm>>) target(%arg4 : memref<128xi32, #tpu.memory_space<vmem>>) target_semaphore(%arg11 : memref<!tpu.dma_semaphore, #tpu.memory_space<semaphore_mem>>)
    %mul3A_65 = arith.constant 80 : i32
    %mul3A_66 = arith.muli %add3A, %mul3A_65 : i32
    %add3A_67 = arith.constant 1 : i32
    %add3A_68 = arith.addi %mul3A_66, %add3A_67 : i32
    %dma_start3A_69 = arith.constant 0 : i32
    %dma_start3A_70 = tpu.memref_slice %arg2[%add3A_68, %dma_start3A_69] : memref<2560x128xi32, #tpu.memory_space<hbm>> -> memref<1x128xi32, #tpu.memory_space<hbm>>
    %dma_start3A_71 = tpu.memref_squeeze %dma_start3A_70 : memref<1x128xi32, #tpu.memory_space<hbm>> -> memref<128xi32, #tpu.memory_space<hbm>>
    %dma_start3A_72 = arith.constant 0 : i32
    %dma_start3A_73 = tpu.memref_slice %arg2[%add3A_68, %dma_start3A_72] : memref<2560x128xi32, #tpu.memory_space<hbm>> -> memref<1x128xi32, #tpu.memory_space<hbm>>
    %dma_start3A_74 = tpu.memref_squeeze %dma_start3A_73 : memref<1x128xi32, #tpu.memory_space<hbm>> -> memref<128xi32, #tpu.memory_space<hbm>>
    tpu.enqueue_dma source(%dma_start3A_74 : memref<128xi32, #tpu.memory_space<hbm>>) target(%arg5 : memref<128xi32, #tpu.memory_space<vmem>>) target_semaphore(%arg12 : memref<!tpu.dma_semaphore, #tpu.memory_space<semaphore_mem>>)
    %dma_wait3A = arith.constant 0 : i32
    %dma_wait3A_75 = arith.constant 0 : i32
    %dma_wait3A_76 = tpu.memref_slice %arg2[%dma_wait3A, %dma_wait3A_75] : memref<2560x128xi32, #tpu.memory_space<hbm>> -> memref<1x128xi32, #tpu.memory_space<hbm>>
    %dma_wait3A_77 = tpu.memref_squeeze %dma_wait3A_76 : memref<1x128xi32, #tpu.memory_space<hbm>> -> memref<128xi32, #tpu.memory_space<hbm>>
    %dma_wait3A_78 = arith.constant 0 : i32
    %dma_wait3A_79 = tpu.memref_slice %arg2[%dma_wait3A, %dma_wait3A_78] : memref<2560x128xi32, #tpu.memory_space<hbm>> -> memref<1x128xi32, #tpu.memory_space<hbm>>
    %dma_wait3A_80 = tpu.memref_squeeze %dma_wait3A_79 : memref<1x128xi32, #tpu.memory_space<hbm>> -> memref<128xi32, #tpu.memory_space<hbm>>
    tpu.wait_dma2 semaphore(%arg11 : memref<!tpu.dma_semaphore, #tpu.memory_space<semaphore_mem>>) src(%dma_wait3A_80 : memref<128xi32, #tpu.memory_space<hbm>>) dst(%arg4 : memref<128xi32, #tpu.memory_space<vmem>>)
    %dma_start3A_81 = arith.constant 0 : i32
    %dma_start3A_82 = tpu.memref_slice %arg10[%dma_start3A_81] : memref<10240xf32, #tpu.memory_space<vmem_shared>> -> memref<10240xf32, #tpu.memory_space<vmem_shared>>
    tpu.enqueue_indirect_dma source(%arg8 : memref<128xf32, #tpu.memory_space<vmem>>) target(%dma_start3A_82 : memref<10240xf32, #tpu.memory_space<vmem_shared>>) offsets(%arg4 : memref<128xi32, #tpu.memory_space<vmem>>) semaphore(%arg15 : memref<!tpu.dma_semaphore, #tpu.memory_space<semaphore_mem>>) {add = true}
    %mul3A_83 = arith.constant 80 : i32
    %mul3A_84 = arith.muli %add3A, %mul3A_83 : i32
    %add3A_85 = arith.constant 2 : i32
    %add3A_86 = arith.addi %mul3A_84, %add3A_85 : i32
    %dma_start3A_87 = arith.constant 0 : i32
    %dma_start3A_88 = tpu.memref_slice %arg2[%add3A_86, %dma_start3A_87] : memref<2560x128xi32, #tpu.memory_space<hbm>> -> memref<1x128xi32, #tpu.memory_space<hbm>>
    %dma_start3A_89 = tpu.memref_squeeze %dma_start3A_88 : memref<1x128xi32, #tpu.memory_space<hbm>> -> memref<128xi32, #tpu.memory_space<hbm>>
    %dma_start3A_90 = arith.constant 0 : i32
    %dma_start3A_91 = tpu.memref_slice %arg2[%add3A_86, %dma_start3A_90] : memref<2560x128xi32, #tpu.memory_space<hbm>> -> memref<1x128xi32, #tpu.memory_space<hbm>>
    %dma_start3A_92 = tpu.memref_squeeze %dma_start3A_91 : memref<1x128xi32, #tpu.memory_space<hbm>> -> memref<128xi32, #tpu.memory_space<hbm>>
    tpu.enqueue_dma source(%dma_start3A_92 : memref<128xi32, #tpu.memory_space<hbm>>) target(%arg6 : memref<128xi32, #tpu.memory_space<vmem>>) target_semaphore(%arg13 : memref<!tpu.dma_semaphore, #tpu.memory_space<semaphore_mem>>)
    %dma_wait3A_93 = arith.constant 0 : i32
    %dma_wait3A_94 = arith.constant 0 : i32
    %dma_wait3A_95 = tpu.memref_slice %arg2[%dma_wait3A_93, %dma_wait3A_94] : memref<2560x128xi32, #tpu.memory_space<hbm>> -> memref<1x128xi32, #tpu.memory_space<hbm>>
    %dma_wait3A_96 = tpu.memref_squeeze %dma_wait3A_95 : memref<1x128xi32, #tpu.memory_space<hbm>> -> memref<128xi32, #tpu.memory_space<hbm>>
    %dma_wait3A_97 = arith.constant 0 : i32
    %dma_wait3A_98 = tpu.memref_slice %arg2[%dma_wait3A_93, %dma_wait3A_97] : memref<2560x128xi32, #tpu.memory_space<hbm>> -> memref<1x128xi32, #tpu.memory_space<hbm>>
    %dma_wait3A_99 = tpu.memref_squeeze %dma_wait3A_98 : memref<1x128xi32, #tpu.memory_space<hbm>> -> memref<128xi32, #tpu.memory_space<hbm>>
    tpu.wait_dma2 semaphore(%arg12 : memref<!tpu.dma_semaphore, #tpu.memory_space<semaphore_mem>>) src(%dma_wait3A_99 : memref<128xi32, #tpu.memory_space<hbm>>) dst(%arg5 : memref<128xi32, #tpu.memory_space<vmem>>)
    %dma_start3A_100 = arith.constant 0 : i32
    %dma_start3A_101 = tpu.memref_slice %arg10[%dma_start3A_100] : memref<10240xf32, #tpu.memory_space<vmem_shared>> -> memref<10240xf32, #tpu.memory_space<vmem_shared>>
    tpu.enqueue_indirect_dma source(%arg8 : memref<128xf32, #tpu.memory_space<vmem>>) target(%dma_start3A_101 : memref<10240xf32, #tpu.memory_space<vmem_shared>>) offsets(%arg5 : memref<128xi32, #tpu.memory_space<vmem>>) semaphore(%arg16 : memref<!tpu.dma_semaphore, #tpu.memory_space<semaphore_mem>>) {add = true}
    %mul3A_102 = arith.constant 80 : i32
    %mul3A_103 = arith.muli %add3A, %mul3A_102 : i32
    %add3A_104 = arith.constant 3 : i32
    %add3A_105 = arith.addi %mul3A_103, %add3A_104 : i32
    %dma_start3A_106 = arith.constant 0 : i32
    %dma_start3A_107 = tpu.memref_slice %arg2[%add3A_105, %dma_start3A_106] : memref<2560x128xi32, #tpu.memory_space<hbm>> -> memref<1x128xi32, #tpu.memory_space<hbm>>
    %dma_start3A_108 = tpu.memref_squeeze %dma_start3A_107 : memref<1x128xi32, #tpu.memory_space<hbm>> -> memref<128xi32, #tpu.memory_space<hbm>>
    %dma_start3A_109 = arith.constant 0 : i32
    %dma_start3A_110 = tpu.memref_slice %arg2[%add3A_105, %dma_start3A_109] : memref<2560x128xi32, #tpu.memory_space<hbm>> -> memref<1x128xi32, #tpu.memory_space<hbm>>
    %dma_start3A_111 = tpu.memref_squeeze %dma_start3A_110 : memref<1x128xi32, #tpu.memory_space<hbm>> -> memref<128xi32, #tpu.memory_space<hbm>>
    tpu.enqueue_dma source(%dma_start3A_111 : memref<128xi32, #tpu.memory_space<hbm>>) target(%arg7 : memref<128xi32, #tpu.memory_space<vmem>>) target_semaphore(%arg14 : memref<!tpu.dma_semaphore, #tpu.memory_space<semaphore_mem>>)
    %scan3A_112 = arith.constant 0 : i32
    %scan3A_113 = arith.constant 0 : i32
    %scan3A_114 = arith.constant 19 : i32
    %scan3A_115 = arith.addi %scan3A_113, %scan3A_114 : i32
    %scan3A_116 = arith.constant 1 : i32
    scf.for %scan3A_168 = %scan3A_113 to %scan3A_115 step %scan3A_116  : i32 {
      %mul3A_169 = arith.constant 4 : i32
      %mul3A_170 = arith.muli %scan3A_168, %mul3A_169 : i32
      %add3A_171 = arith.constant 2 : i32
      %add3A_172 = arith.addi %mul3A_170, %add3A_171 : i32
      %add3A_173 = arith.constant 0 : i32
      %add3A_174 = arith.addi %add3A_172, %add3A_173 : i32
      %dma_wait3A_175 = arith.constant 0 : i32
      %dma_wait3A_176 = arith.constant 0 : i32
      %dma_wait3A_177 = tpu.memref_slice %arg2[%dma_wait3A_175, %dma_wait3A_176] : memref<2560x128xi32, #tpu.memory_space<hbm>> -> memref<1x128xi32, #tpu.memory_space<hbm>>
      %dma_wait3A_178 = tpu.memref_squeeze %dma_wait3A_177 : memref<1x128xi32, #tpu.memory_space<hbm>> -> memref<128xi32, #tpu.memory_space<hbm>>
      %dma_wait3A_179 = arith.constant 0 : i32
      %dma_wait3A_180 = tpu.memref_slice %arg2[%dma_wait3A_175, %dma_wait3A_179] : memref<2560x128xi32, #tpu.memory_space<hbm>> -> memref<1x128xi32, #tpu.memory_space<hbm>>
      %dma_wait3A_181 = tpu.memref_squeeze %dma_wait3A_180 : memref<1x128xi32, #tpu.memory_space<hbm>> -> memref<128xi32, #tpu.memory_space<hbm>>
      tpu.wait_dma2 semaphore(%arg13 : memref<!tpu.dma_semaphore, #tpu.memory_space<semaphore_mem>>) src(%dma_wait3A_181 : memref<128xi32, #tpu.memory_space<hbm>>) dst(%arg6 : memref<128xi32, #tpu.memory_space<vmem>>)
      %dma_wait3A_182 = arith.constant 0 : i32
      %dma_wait3A_183 = arith.constant 0 : i32
      %dma_wait3A_184 = tpu.memref_slice %arg2[%dma_wait3A_182, %dma_wait3A_183] : memref<2560x128xi32, #tpu.memory_space<hbm>> -> memref<1x128xi32, #tpu.memory_space<hbm>>
      %dma_wait3A_185 = tpu.memref_squeeze %dma_wait3A_184 : memref<1x128xi32, #tpu.memory_space<hbm>> -> memref<128xi32, #tpu.memory_space<hbm>>
      %dma_wait3A_186 = arith.constant 0 : i32
      %dma_wait3A_187 = tpu.memref_slice %arg2[%dma_wait3A_182, %dma_wait3A_186] : memref<2560x128xi32, #tpu.memory_space<hbm>> -> memref<1x128xi32, #tpu.memory_space<hbm>>
      %dma_wait3A_188 = tpu.memref_squeeze %dma_wait3A_187 : memref<1x128xi32, #tpu.memory_space<hbm>> -> memref<128xi32, #tpu.memory_space<hbm>>
      tpu.wait_dma2 semaphore(%arg15 : memref<!tpu.dma_semaphore, #tpu.memory_space<semaphore_mem>>) src(%dma_wait3A_188 : memref<128xi32, #tpu.memory_space<hbm>>) dst(%arg4 : memref<128xi32, #tpu.memory_space<vmem>>)
      %dma_start3A_189 = arith.constant 0 : i32
      %dma_start3A_190 = tpu.memref_slice %arg10[%dma_start3A_189] : memref<10240xf32, #tpu.memory_space<vmem_shared>> -> memref<10240xf32, #tpu.memory_space<vmem_shared>>
      tpu.enqueue_indirect_dma source(%arg8 : memref<128xf32, #tpu.memory_space<vmem>>) target(%dma_start3A_190 : memref<10240xf32, #tpu.memory_space<vmem_shared>>) offsets(%arg6 : memref<128xi32, #tpu.memory_space<vmem>>) semaphore(%arg15 : memref<!tpu.dma_semaphore, #tpu.memory_space<semaphore_mem>>) {add = true}
      %add3A_191 = arith.constant 2 : i32
      %add3A_192 = arith.addi %add3A_174, %add3A_191 : i32
      %mul3A_193 = arith.constant 80 : i32
      %mul3A_194 = arith.muli %add3A, %mul3A_193 : i32
      %add3A_195 = arith.addi %mul3A_194, %add3A_192 : i32
      %dma_start3A_196 = arith.constant 0 : i32
      %dma_start3A_197 = tpu.memref_slice %arg2[%add3A_195, %dma_start3A_196] : memref<2560x128xi32, #tpu.memory_space<hbm>> -> memref<1x128xi32, #tpu.memory_space<hbm>>
      %dma_start3A_198 = tpu.memref_squeeze %dma_start3A_197 : memref<1x128xi32, #tpu.memory_space<hbm>> -> memref<128xi32, #tpu.memory_space<hbm>>
      %dma_start3A_199 = arith.constant 0 : i32
      %dma_start3A_200 = tpu.memref_slice %arg2[%add3A_195, %dma_start3A_199] : memref<2560x128xi32, #tpu.memory_space<hbm>> -> memref<1x128xi32, #tpu.memory_space<hbm>>
      %dma_start3A_201 = tpu.memref_squeeze %dma_start3A_200 : memref<1x128xi32, #tpu.memory_space<hbm>> -> memref<128xi32, #tpu.memory_space<hbm>>
      tpu.enqueue_dma source(%dma_start3A_201 : memref<128xi32, #tpu.memory_space<hbm>>) target(%arg4 : memref<128xi32, #tpu.memory_space<vmem>>) target_semaphore(%arg11 : memref<!tpu.dma_semaphore, #tpu.memory_space<semaphore_mem>>)
      %add3A_202 = arith.constant 1 : i32
      %add3A_203 = arith.addi %add3A_172, %add3A_202 : i32
      %dma_wait3A_204 = arith.constant 0 : i32
      %dma_wait3A_205 = arith.constant 0 : i32
      %dma_wait3A_206 = tpu.memref_slice %arg2[%dma_wait3A_204, %dma_wait3A_205] : memref<2560x128xi32, #tpu.memory_space<hbm>> -> memref<1x128xi32, #tpu.memory_space<hbm>>
      %dma_wait3A_207 = tpu.memref_squeeze %dma_wait3A_206 : memref<1x128xi32, #tpu.memory_space<hbm>> -> memref<128xi32, #tpu.memory_space<hbm>>
      %dma_wait3A_208 = arith.constant 0 : i32
      %dma_wait3A_209 = tpu.memref_slice %arg2[%dma_wait3A_204, %dma_wait3A_208] : memref<2560x128xi32, #tpu.memory_space<hbm>> -> memref<1x128xi32, #tpu.memory_space<hbm>>
      %dma_wait3A_210 = tpu.memref_squeeze %dma_wait3A_209 : memref<1x128xi32, #tpu.memory_space<hbm>> -> memref<128xi32, #tpu.memory_space<hbm>>
      tpu.wait_dma2 semaphore(%arg14 : memref<!tpu.dma_semaphore, #tpu.memory_space<semaphore_mem>>) src(%dma_wait3A_210 : memref<128xi32, #tpu.memory_space<hbm>>) dst(%arg7 : memref<128xi32, #tpu.memory_space<vmem>>)
      %dma_wait3A_211 = arith.constant 0 : i32
      %dma_wait3A_212 = arith.constant 0 : i32
      %dma_wait3A_213 = tpu.memref_slice %arg2[%dma_wait3A_211, %dma_wait3A_212] : memref<2560x128xi32, #tpu.memory_space<hbm>> -> memref<1x128xi32, #tpu.memory_space<hbm>>
      %dma_wait3A_214 = tpu.memref_squeeze %dma_wait3A_213 : memref<1x128xi32, #tpu.memory_space<hbm>> -> memref<128xi32, #tpu.memory_space<hbm>>
      %dma_wait3A_215 = arith.constant 0 : i32
      %dma_wait3A_216 = tpu.memref_slice %arg2[%dma_wait3A_211, %dma_wait3A_215] : memref<2560x128xi32, #tpu.memory_space<hbm>> -> memref<1x128xi32, #tpu.memory_space<hbm>>
      %dma_wait3A_217 = tpu.memref_squeeze %dma_wait3A_216 : memref<1x128xi32, #tpu.memory_space<hbm>> -> memref<128xi32, #tpu.memory_space<hbm>>
      tpu.wait_dma2 semaphore(%arg16 : memref<!tpu.dma_semaphore, #tpu.memory_space<semaphore_mem>>) src(%dma_wait3A_217 : memref<128xi32, #tpu.memory_space<hbm>>) dst(%arg5 : memref<128xi32, #tpu.memory_space<vmem>>)
      %dma_start3A_218 = arith.constant 0 : i32
      %dma_start3A_219 = tpu.memref_slice %arg10[%dma_start3A_218] : memref<10240xf32, #tpu.memory_space<vmem_shared>> -> memref<10240xf32, #tpu.memory_space<vmem_shared>>
      tpu.enqueue_indirect_dma source(%arg8 : memref<128xf32, #tpu.memory_space<vmem>>) target(%dma_start3A_219 : memref<10240xf32, #tpu.memory_space<vmem_shared>>) offsets(%arg7 : memref<128xi32, #tpu.memory_space<vmem>>) semaphore(%arg16 : memref<!tpu.dma_semaphore, #tpu.memory_space<semaphore_mem>>) {add = true}
      %add3A_220 = arith.constant 2 : i32
      %add3A_221 = arith.addi %add3A_203, %add3A_220 : i32
      %mul3A_222 = arith.constant 80 : i32
      %mul3A_223 = arith.muli %add3A, %mul3A_222 : i32
      %add3A_224 = arith.addi %mul3A_223, %add3A_221 : i32
      %dma_start3A_225 = arith.constant 0 : i32
      %dma_start3A_226 = tpu.memref_slice %arg2[%add3A_224, %dma_start3A_225] : memref<2560x128xi32, #tpu.memory_space<hbm>> -> memref<1x128xi32, #tpu.memory_space<hbm>>
      %dma_start3A_227 = tpu.memref_squeeze %dma_start3A_226 : memref<1x128xi32, #tpu.memory_space<hbm>> -> memref<128xi32, #tpu.memory_space<hbm>>
      %dma_start3A_228 = arith.constant 0 : i32
      %dma_start3A_229 = tpu.memref_slice %arg2[%add3A_224, %dma_start3A_228] : memref<2560x128xi32, #tpu.memory_space<hbm>> -> memref<1x128xi32, #tpu.memory_space<hbm>>
      %dma_start3A_230 = tpu.memref_squeeze %dma_start3A_229 : memref<1x128xi32, #tpu.memory_space<hbm>> -> memref<128xi32, #tpu.memory_space<hbm>>
      tpu.enqueue_dma source(%dma_start3A_230 : memref<128xi32, #tpu.memory_space<hbm>>) target(%arg5 : memref<128xi32, #tpu.memory_space<vmem>>) target_semaphore(%arg12 : memref<!tpu.dma_semaphore, #tpu.memory_space<semaphore_mem>>)
      %add3A_231 = arith.constant 2 : i32
      %add3A_232 = arith.addi %add3A_172, %add3A_231 : i32
      %dma_wait3A_233 = arith.constant 0 : i32
      %dma_wait3A_234 = arith.constant 0 : i32
      %dma_wait3A_235 = tpu.memref_slice %arg2[%dma_wait3A_233, %dma_wait3A_234] : memref<2560x128xi32, #tpu.memory_space<hbm>> -> memref<1x128xi32, #tpu.memory_space<hbm>>
      %dma_wait3A_236 = tpu.memref_squeeze %dma_wait3A_235 : memref<1x128xi32, #tpu.memory_space<hbm>> -> memref<128xi32, #tpu.memory_space<hbm>>
      %dma_wait3A_237 = arith.constant 0 : i32
      %dma_wait3A_238 = tpu.memref_slice %arg2[%dma_wait3A_233, %dma_wait3A_237] : memref<2560x128xi32, #tpu.memory_space<hbm>> -> memref<1x128xi32, #tpu.memory_space<hbm>>
      %dma_wait3A_239 = tpu.memref_squeeze %dma_wait3A_238 : memref<1x128xi32, #tpu.memory_space<hbm>> -> memref<128xi32, #tpu.memory_space<hbm>>
      tpu.wait_dma2 semaphore(%arg11 : memref<!tpu.dma_semaphore, #tpu.memory_space<semaphore_mem>>) src(%dma_wait3A_239 : memref<128xi32, #tpu.memory_space<hbm>>) dst(%arg4 : memref<128xi32, #tpu.memory_space<vmem>>)
      %dma_wait3A_240 = arith.constant 0 : i32
      %dma_wait3A_241 = arith.constant 0 : i32
      %dma_wait3A_242 = tpu.memref_slice %arg2[%dma_wait3A_240, %dma_wait3A_241] : memref<2560x128xi32, #tpu.memory_space<hbm>> -> memref<1x128xi32, #tpu.memory_space<hbm>>
      %dma_wait3A_243 = tpu.memref_squeeze %dma_wait3A_242 : memref<1x128xi32, #tpu.memory_space<hbm>> -> memref<128xi32, #tpu.memory_space<hbm>>
      %dma_wait3A_244 = arith.constant 0 : i32
      %dma_wait3A_245 = tpu.memref_slice %arg2[%dma_wait3A_240, %dma_wait3A_244] : memref<2560x128xi32, #tpu.memory_space<hbm>> -> memref<1x128xi32, #tpu.memory_space<hbm>>
      %dma_wait3A_246 = tpu.memref_squeeze %dma_wait3A_245 : memref<1x128xi32, #tpu.memory_space<hbm>> -> memref<128xi32, #tpu.memory_space<hbm>>
      tpu.wait_dma2 semaphore(%arg15 : memref<!tpu.dma_semaphore, #tpu.memory_space<semaphore_mem>>) src(%dma_wait3A_246 : memref<128xi32, #tpu.memory_space<hbm>>) dst(%arg4 : memref<128xi32, #tpu.memory_space<vmem>>)
      %dma_start3A_247 = arith.constant 0 : i32
      %dma_start3A_248 = tpu.memref_slice %arg10[%dma_start3A_247] : memref<10240xf32, #tpu.memory_space<vmem_shared>> -> memref<10240xf32, #tpu.memory_space<vmem_shared>>
      tpu.enqueue_indirect_dma source(%arg8 : memref<128xf32, #tpu.memory_space<vmem>>) target(%dma_start3A_248 : memref<10240xf32, #tpu.memory_space<vmem_shared>>) offsets(%arg4 : memref<128xi32, #tpu.memory_space<vmem>>) semaphore(%arg15 : memref<!tpu.dma_semaphore, #tpu.memory_space<semaphore_mem>>) {add = true}
      %add3A_249 = arith.constant 2 : i32
      %add3A_250 = arith.addi %add3A_232, %add3A_249 : i32
      %mul3A_251 = arith.constant 80 : i32
      %mul3A_252 = arith.muli %add3A, %mul3A_251 : i32
      %add3A_253 = arith.addi %mul3A_252, %add3A_250 : i32
      %dma_start3A_254 = arith.constant 0 : i32
      %dma_start3A_255 = tpu.memref_slice %arg2[%add3A_253, %dma_start3A_254] : memref<2560x128xi32, #tpu.memory_space<hbm>> -> memref<1x128xi32, #tpu.memory_space<hbm>>
      %dma_start3A_256 = tpu.memref_squeeze %dma_start3A_255 : memref<1x128xi32, #tpu.memory_space<hbm>> -> memref<128xi32, #tpu.memory_space<hbm>>
      %dma_start3A_257 = arith.constant 0 : i32
      %dma_start3A_258 = tpu.memref_slice %arg2[%add3A_253, %dma_start3A_257] : memref<2560x128xi32, #tpu.memory_space<hbm>> -> memref<1x128xi32, #tpu.memory_space<hbm>>
      %dma_start3A_259 = tpu.memref_squeeze %dma_start3A_258 : memref<1x128xi32, #tpu.memory_space<hbm>> -> memref<128xi32, #tpu.memory_space<hbm>>
      tpu.enqueue_dma source(%dma_start3A_259 : memref<128xi32, #tpu.memory_space<hbm>>) target(%arg6 : memref<128xi32, #tpu.memory_space<vmem>>) target_semaphore(%arg13 : memref<!tpu.dma_semaphore, #tpu.memory_space<semaphore_mem>>)
      %add3A_260 = arith.constant 3 : i32
      %add3A_261 = arith.addi %add3A_172, %add3A_260 : i32
      %dma_wait3A_262 = arith.constant 0 : i32
      %dma_wait3A_263 = arith.constant 0 : i32
      %dma_wait3A_264 = tpu.memref_slice %arg2[%dma_wait3A_262, %dma_wait3A_263] : memref<2560x128xi32, #tpu.memory_space<hbm>> -> memref<1x128xi32, #tpu.memory_space<hbm>>
      %dma_wait3A_265 = tpu.memref_squeeze %dma_wait3A_264 : memref<1x128xi32, #tpu.memory_space<hbm>> -> memref<128xi32, #tpu.memory_space<hbm>>
      %dma_wait3A_266 = arith.constant 0 : i32
      %dma_wait3A_267 = tpu.memref_slice %arg2[%dma_wait3A_262, %dma_wait3A_266] : memref<2560x128xi32, #tpu.memory_space<hbm>> -> memref<1x128xi32, #tpu.memory_space<hbm>>
      %dma_wait3A_268 = tpu.memref_squeeze %dma_wait3A_267 : memref<1x128xi32, #tpu.memory_space<hbm>> -> memref<128xi32, #tpu.memory_space<hbm>>
      tpu.wait_dma2 semaphore(%arg12 : memref<!tpu.dma_semaphore, #tpu.memory_space<semaphore_mem>>) src(%dma_wait3A_268 : memref<128xi32, #tpu.memory_space<hbm>>) dst(%arg5 : memref<128xi32, #tpu.memory_space<vmem>>)
      %dma_wait3A_269 = arith.constant 0 : i32
      %dma_wait3A_270 = arith.constant 0 : i32
      %dma_wait3A_271 = tpu.memref_slice %arg2[%dma_wait3A_269, %dma_wait3A_270] : memref<2560x128xi32, #tpu.memory_space<hbm>> -> memref<1x128xi32, #tpu.memory_space<hbm>>
      %dma_wait3A_272 = tpu.memref_squeeze %dma_wait3A_271 : memref<1x128xi32, #tpu.memory_space<hbm>> -> memref<128xi32, #tpu.memory_space<hbm>>
      %dma_wait3A_273 = arith.constant 0 : i32
      %dma_wait3A_274 = tpu.memref_slice %arg2[%dma_wait3A_269, %dma_wait3A_273] : memref<2560x128xi32, #tpu.memory_space<hbm>> -> memref<1x128xi32, #tpu.memory_space<hbm>>
      %dma_wait3A_275 = tpu.memref_squeeze %dma_wait3A_274 : memref<1x128xi32, #tpu.memory_space<hbm>> -> memref<128xi32, #tpu.memory_space<hbm>>
      tpu.wait_dma2 semaphore(%arg16 : memref<!tpu.dma_semaphore, #tpu.memory_space<semaphore_mem>>) src(%dma_wait3A_275 : memref<128xi32, #tpu.memory_space<hbm>>) dst(%arg5 : memref<128xi32, #tpu.memory_space<vmem>>)
      %dma_start3A_276 = arith.constant 0 : i32
      %dma_start3A_277 = tpu.memref_slice %arg10[%dma_start3A_276] : memref<10240xf32, #tpu.memory_space<vmem_shared>> -> memref<10240xf32, #tpu.memory_space<vmem_shared>>
      tpu.enqueue_indirect_dma source(%arg8 : memref<128xf32, #tpu.memory_space<vmem>>) target(%dma_start3A_277 : memref<10240xf32, #tpu.memory_space<vmem_shared>>) offsets(%arg5 : memref<128xi32, #tpu.memory_space<vmem>>) semaphore(%arg16 : memref<!tpu.dma_semaphore, #tpu.memory_space<semaphore_mem>>) {add = true}
      %add3A_278 = arith.constant 2 : i32
      %add3A_279 = arith.addi %add3A_261, %add3A_278 : i32
      %mul3A_280 = arith.constant 80 : i32
      %mul3A_281 = arith.muli %add3A, %mul3A_280 : i32
      %add3A_282 = arith.addi %mul3A_281, %add3A_279 : i32
      %dma_start3A_283 = arith.constant 0 : i32
      %dma_start3A_284 = tpu.memref_slice %arg2[%add3A_282, %dma_start3A_283] : memref<2560x128xi32, #tpu.memory_space<hbm>> -> memref<1x128xi32, #tpu.memory_space<hbm>>
      %dma_start3A_285 = tpu.memref_squeeze %dma_start3A_284 : memref<1x128xi32, #tpu.memory_space<hbm>> -> memref<128xi32, #tpu.memory_space<hbm>>
      %dma_start3A_286 = arith.constant 0 : i32
      %dma_start3A_287 = tpu.memref_slice %arg2[%add3A_282, %dma_start3A_286] : memref<2560x128xi32, #tpu.memory_space<hbm>> -> memref<1x128xi32, #tpu.memory_space<hbm>>
      %dma_start3A_288 = tpu.memref_squeeze %dma_start3A_287 : memref<1x128xi32, #tpu.memory_space<hbm>> -> memref<128xi32, #tpu.memory_space<hbm>>
      tpu.enqueue_dma source(%dma_start3A_288 : memref<128xi32, #tpu.memory_space<hbm>>) target(%arg7 : memref<128xi32, #tpu.memory_space<vmem>>) target_semaphore(%arg14 : memref<!tpu.dma_semaphore, #tpu.memory_space<semaphore_mem>>)
    }
    %scan3A_117 = arith.constant 19 : i32
    %dma_wait3A_118 = arith.constant 0 : i32
    %dma_wait3A_119 = arith.constant 0 : i32
    %dma_wait3A_120 = tpu.memref_slice %arg2[%dma_wait3A_118, %dma_wait3A_119] : memref<2560x128xi32, #tpu.memory_space<hbm>> -> memref<1x128xi32, #tpu.memory_space<hbm>>
    %dma_wait3A_121 = tpu.memref_squeeze %dma_wait3A_120 : memref<1x128xi32, #tpu.memory_space<hbm>> -> memref<128xi32, #tpu.memory_space<hbm>>
    %dma_wait3A_122 = arith.constant 0 : i32
    %dma_wait3A_123 = tpu.memref_slice %arg2[%dma_wait3A_118, %dma_wait3A_122] : memref<2560x128xi32, #tpu.memory_space<hbm>> -> memref<1x128xi32, #tpu.memory_space<hbm>>
    %dma_wait3A_124 = tpu.memref_squeeze %dma_wait3A_123 : memref<1x128xi32, #tpu.memory_space<hbm>> -> memref<128xi32, #tpu.memory_space<hbm>>
    tpu.wait_dma2 semaphore(%arg13 : memref<!tpu.dma_semaphore, #tpu.memory_space<semaphore_mem>>) src(%dma_wait3A_124 : memref<128xi32, #tpu.memory_space<hbm>>) dst(%arg6 : memref<128xi32, #tpu.memory_space<vmem>>)
    %dma_wait3A_125 = arith.constant 0 : i32
    %dma_wait3A_126 = arith.constant 0 : i32
    %dma_wait3A_127 = tpu.memref_slice %arg2[%dma_wait3A_125, %dma_wait3A_126] : memref<2560x128xi32, #tpu.memory_space<hbm>> -> memref<1x128xi32, #tpu.memory_space<hbm>>
    %dma_wait3A_128 = tpu.memref_squeeze %dma_wait3A_127 : memref<1x128xi32, #tpu.memory_space<hbm>> -> memref<128xi32, #tpu.memory_space<hbm>>
    %dma_wait3A_129 = arith.constant 0 : i32
    %dma_wait3A_130 = tpu.memref_slice %arg2[%dma_wait3A_125, %dma_wait3A_129] : memref<2560x128xi32, #tpu.memory_space<hbm>> -> memref<1x128xi32, #tpu.memory_space<hbm>>
    %dma_wait3A_131 = tpu.memref_squeeze %dma_wait3A_130 : memref<1x128xi32, #tpu.memory_space<hbm>> -> memref<128xi32, #tpu.memory_space<hbm>>
    tpu.wait_dma2 semaphore(%arg15 : memref<!tpu.dma_semaphore, #tpu.memory_space<semaphore_mem>>) src(%dma_wait3A_131 : memref<128xi32, #tpu.memory_space<hbm>>) dst(%arg4 : memref<128xi32, #tpu.memory_space<vmem>>)
    %dma_start3A_132 = arith.constant 0 : i32
    %dma_start3A_133 = tpu.memref_slice %arg10[%dma_start3A_132] : memref<10240xf32, #tpu.memory_space<vmem_shared>> -> memref<10240xf32, #tpu.memory_space<vmem_shared>>
    tpu.enqueue_indirect_dma source(%arg8 : memref<128xf32, #tpu.memory_space<vmem>>) target(%dma_start3A_133 : memref<10240xf32, #tpu.memory_space<vmem_shared>>) offsets(%arg6 : memref<128xi32, #tpu.memory_space<vmem>>) semaphore(%arg15 : memref<!tpu.dma_semaphore, #tpu.memory_space<semaphore_mem>>) {add = true}
    %dma_wait3A_134 = arith.constant 0 : i32
    %dma_wait3A_135 = arith.constant 0 : i32
    %dma_wait3A_136 = tpu.memref_slice %arg2[%dma_wait3A_134, %dma_wait3A_135] : memref<2560x128xi32, #tpu.memory_space<hbm>> -> memref<1x128xi32, #tpu.memory_space<hbm>>
    %dma_wait3A_137 = tpu.memref_squeeze %dma_wait3A_136 : memref<1x128xi32, #tpu.memory_space<hbm>> -> memref<128xi32, #tpu.memory_space<hbm>>
    %dma_wait3A_138 = arith.constant 0 : i32
    %dma_wait3A_139 = tpu.memref_slice %arg2[%dma_wait3A_134, %dma_wait3A_138] : memref<2560x128xi32, #tpu.memory_space<hbm>> -> memref<1x128xi32, #tpu.memory_space<hbm>>
    %dma_wait3A_140 = tpu.memref_squeeze %dma_wait3A_139 : memref<1x128xi32, #tpu.memory_space<hbm>> -> memref<128xi32, #tpu.memory_space<hbm>>
    tpu.wait_dma2 semaphore(%arg14 : memref<!tpu.dma_semaphore, #tpu.memory_space<semaphore_mem>>) src(%dma_wait3A_140 : memref<128xi32, #tpu.memory_space<hbm>>) dst(%arg7 : memref<128xi32, #tpu.memory_space<vmem>>)
    %dma_wait3A_141 = arith.constant 0 : i32
    %dma_wait3A_142 = arith.constant 0 : i32
    %dma_wait3A_143 = tpu.memref_slice %arg2[%dma_wait3A_141, %dma_wait3A_142] : memref<2560x128xi32, #tpu.memory_space<hbm>> -> memref<1x128xi32, #tpu.memory_space<hbm>>
    %dma_wait3A_144 = tpu.memref_squeeze %dma_wait3A_143 : memref<1x128xi32, #tpu.memory_space<hbm>> -> memref<128xi32, #tpu.memory_space<hbm>>
    %dma_wait3A_145 = arith.constant 0 : i32
    %dma_wait3A_146 = tpu.memref_slice %arg2[%dma_wait3A_141, %dma_wait3A_145] : memref<2560x128xi32, #tpu.memory_space<hbm>> -> memref<1x128xi32, #tpu.memory_space<hbm>>
    %dma_wait3A_147 = tpu.memref_squeeze %dma_wait3A_146 : memref<1x128xi32, #tpu.memory_space<hbm>> -> memref<128xi32, #tpu.memory_space<hbm>>
    tpu.wait_dma2 semaphore(%arg16 : memref<!tpu.dma_semaphore, #tpu.memory_space<semaphore_mem>>) src(%dma_wait3A_147 : memref<128xi32, #tpu.memory_space<hbm>>) dst(%arg5 : memref<128xi32, #tpu.memory_space<vmem>>)
    %dma_start3A_148 = arith.constant 0 : i32
    %dma_start3A_149 = tpu.memref_slice %arg10[%dma_start3A_148] : memref<10240xf32, #tpu.memory_space<vmem_shared>> -> memref<10240xf32, #tpu.memory_space<vmem_shared>>
    tpu.enqueue_indirect_dma source(%arg8 : memref<128xf32, #tpu.memory_space<vmem>>) target(%dma_start3A_149 : memref<10240xf32, #tpu.memory_space<vmem_shared>>) offsets(%arg7 : memref<128xi32, #tpu.memory_space<vmem>>) semaphore(%arg16 : memref<!tpu.dma_semaphore, #tpu.memory_space<semaphore_mem>>) {add = true}
    %dma_wait3A_150 = arith.constant 0 : i32
    %dma_wait3A_151 = arith.constant 0 : i32
    %dma_wait3A_152 = tpu.memref_slice %arg2[%dma_wait3A_150, %dma_wait3A_151] : memref<2560x128xi32, #tpu.memory_space<hbm>> -> memref<1x128xi32, #tpu.memory_space<hbm>>
    %dma_wait3A_153 = tpu.memref_squeeze %dma_wait3A_152 : memref<1x128xi32, #tpu.memory_space<hbm>> -> memref<128xi32, #tpu.memory_space<hbm>>
    %dma_wait3A_154 = arith.constant 0 : i32
    %dma_wait3A_155 = tpu.memref_slice %arg2[%dma_wait3A_150, %dma_wait3A_154] : memref<2560x128xi32, #tpu.memory_space<hbm>> -> memref<1x128xi32, #tpu.memory_space<hbm>>
    %dma_wait3A_156 = tpu.memref_squeeze %dma_wait3A_155 : memref<1x128xi32, #tpu.memory_space<hbm>> -> memref<128xi32, #tpu.memory_space<hbm>>
    tpu.wait_dma2 semaphore(%arg15 : memref<!tpu.dma_semaphore, #tpu.memory_space<semaphore_mem>>) src(%dma_wait3A_156 : memref<128xi32, #tpu.memory_space<hbm>>) dst(%arg4 : memref<128xi32, #tpu.memory_space<vmem>>)
    %dma_wait3A_157 = arith.constant 0 : i32
    %dma_wait3A_158 = arith.constant 0 : i32
    %dma_wait3A_159 = tpu.memref_slice %arg2[%dma_wait3A_157, %dma_wait3A_158] : memref<2560x128xi32, #tpu.memory_space<hbm>> -> memref<1x128xi32, #tpu.memory_space<hbm>>
    %dma_wait3A_160 = tpu.memref_squeeze %dma_wait3A_159 : memref<1x128xi32, #tpu.memory_space<hbm>> -> memref<128xi32, #tpu.memory_space<hbm>>
    %dma_wait3A_161 = arith.constant 0 : i32
    %dma_wait3A_162 = tpu.memref_slice %arg2[%dma_wait3A_157, %dma_wait3A_161] : memref<2560x128xi32, #tpu.memory_space<hbm>> -> memref<1x128xi32, #tpu.memory_space<hbm>>
    %dma_wait3A_163 = tpu.memref_squeeze %dma_wait3A_162 : memref<1x128xi32, #tpu.memory_space<hbm>> -> memref<128xi32, #tpu.memory_space<hbm>>
    tpu.wait_dma2 semaphore(%arg16 : memref<!tpu.dma_semaphore, #tpu.memory_space<semaphore_mem>>) src(%dma_wait3A_163 : memref<128xi32, #tpu.memory_space<hbm>>) dst(%arg5 : memref<128xi32, #tpu.memory_space<vmem>>)
    %barrier3A_164 = arith.constant 0 : index
    tpu.barrier barrier_id(%barrier3A_164)
    "tpu.region"() ({
      %run_scoped3A = tpu.sem_alloc : memref<!tpu.dma_semaphore, #tpu.memory_space<semaphore_mem>>
      %dma_start3A_168 = tpu.memref_slice %arg10[%mul3A_2] : memref<10240xf32, #tpu.memory_space<vmem_shared>> -> memref<640xf32, #tpu.memory_space<vmem_shared>>
      %dma_start3A_169 = tpu.memref_slice %arg10[%mul3A_2] : memref<10240xf32, #tpu.memory_space<vmem_shared>> -> memref<640xf32, #tpu.memory_space<vmem_shared>>
      tpu.enqueue_dma source(%dma_start3A_169 : memref<640xf32, #tpu.memory_space<vmem_shared>>) target(%arg9 : memref<640xf32, #tpu.memory_space<vmem>>) target_semaphore(%run_scoped3A : memref<!tpu.dma_semaphore, #tpu.memory_space<semaphore_mem>>)
      %dma_wait3A_170 = tpu.memref_slice %arg10[%mul3A_2] : memref<10240xf32, #tpu.memory_space<vmem_shared>> -> memref<640xf32, #tpu.memory_space<vmem_shared>>
      %dma_wait3A_171 = tpu.memref_slice %arg10[%mul3A_2] : memref<10240xf32, #tpu.memory_space<vmem_shared>> -> memref<640xf32, #tpu.memory_space<vmem_shared>>
      tpu.wait_dma2 semaphore(%run_scoped3A : memref<!tpu.dma_semaphore, #tpu.memory_space<semaphore_mem>>) src(%dma_wait3A_171 : memref<640xf32, #tpu.memory_space<vmem_shared>>) dst(%arg9 : memref<640xf32, #tpu.memory_space<vmem>>)
      tpu.yield
    }) : () -> ()
    %mul3A_165 = arith.constant 10240 : i32
    %mul3A_166 = arith.muli %arg0, %mul3A_165 : i32
    %add3A_167 = arith.addi %mul3A_166, %mul3A_2 : i32
    "tpu.region"() ({
      %run_scoped3A = tpu.sem_alloc : memref<!tpu.dma_semaphore, #tpu.memory_space<semaphore_mem>>
      %dma_start3A_168 = tpu.memref_slice %arg3[%add3A_167] : memref<20480xf32, #tpu.memory_space<hbm>> -> memref<640xf32, #tpu.memory_space<hbm>>
      %dma_start3A_169 = tpu.memref_slice %arg3[%add3A_167] : memref<20480xf32, #tpu.memory_space<hbm>> -> memref<640xf32, #tpu.memory_space<hbm>>
      tpu.enqueue_dma source(%arg9 : memref<640xf32, #tpu.memory_space<vmem>>) target(%dma_start3A_169 : memref<640xf32, #tpu.memory_space<hbm>>) target_semaphore(%run_scoped3A : memref<!tpu.dma_semaphore, #tpu.memory_space<semaphore_mem>>)
      %dma_wait3A_170 = tpu.memref_slice %arg3[%add3A_167] : memref<20480xf32, #tpu.memory_space<hbm>> -> memref<640xf32, #tpu.memory_space<hbm>>
      %dma_wait3A_171 = tpu.memref_slice %arg3[%add3A_167] : memref<20480xf32, #tpu.memory_space<hbm>> -> memref<640xf32, #tpu.memory_space<hbm>>
      tpu.wait_dma2 semaphore(%run_scoped3A : memref<!tpu.dma_semaphore, #tpu.memory_space<semaphore_mem>>) src(%arg9 : memref<640xf32, #tpu.memory_space<vmem>>) dst(%dma_wait3A_171 : memref<640xf32, #tpu.memory_space<hbm>>)
      tpu.yield
    }) : () -> ()
    return
  }
}

#map = affine_map<(d0, d1) -> (0, 0)>
module attributes {stable_mosaic.version = 14 : i64} {
  func.func @_spmm_body(%arg0: i32, %arg1: i32, %arg2: memref<10000x128xf32, #tpu.memory_space<hbm>>, %arg3: memref<2560x128xi32, #tpu.memory_space<hbm>>, %arg4: memref<2560x128xi32, #tpu.memory_space<hbm>>, %arg5: memref<20480x128xf32, #tpu.memory_space<hbm>>, %arg6: memref<128xi32, #tpu.memory_space<vmem>>, %arg7: memref<128xi32, #tpu.memory_space<vmem>>, %arg8: memref<128xi32, #tpu.memory_space<vmem>>, %arg9: memref<128xi32, #tpu.memory_space<vmem>>, %arg10: memref<128xi32, #tpu.memory_space<vmem>>, %arg11: memref<128xi32, #tpu.memory_space<vmem>>, %arg12: memref<128x128xf32, #tpu.memory_space<vmem>>, %arg13: memref<128x128xf32, #tpu.memory_space<vmem>>, %arg14: memref<10240x128xf32, #tpu.memory_space<vmem_shared>>, %arg15: memref<!tpu.dma_semaphore, #tpu.memory_space<semaphore_mem>>, %arg16: memref<!tpu.dma_semaphore, #tpu.memory_space<semaphore_mem>>, %arg17: memref<!tpu.dma_semaphore, #tpu.memory_space<semaphore_mem>>, %arg18: memref<!tpu.dma_semaphore, #tpu.memory_space<semaphore_mem>>, %arg19: memref<!tpu.dma_semaphore, #tpu.memory_space<semaphore_mem>>, %arg20: memref<!tpu.dma_semaphore, #tpu.memory_space<semaphore_mem>>, %arg21: memref<!tpu.dma_semaphore, #tpu.memory_space<semaphore_mem>>, %arg22: memref<!tpu.dma_semaphore, #tpu.memory_space<semaphore_mem>>, %arg23: memref<!tpu.dma_semaphore, #tpu.memory_space<semaphore_mem>>, %arg24: memref<!tpu.dma_semaphore, #tpu.memory_space<semaphore_mem>>) attributes {dimension_semantics = [#tpu.dimension_semantics<core_parallel>, #tpu.dimension_semantics<subcore_parallel>], iteration_bounds = array<i64: 2, 16>, scalar_prefetch = 0 : i64, scratch_operands = 19 : i64, tpu.core_type = #tpu.core_type<sc_vector_subcore>, window_params = [{transform_indices = #map}, {transform_indices = #map}, {transform_indices = #map}, {transform_indices = #map}]} {
    %mul3A = arith.constant 16 : i32
    %mul3A_0 = arith.muli %arg0, %mul3A : i32
    %add3A = arith.addi %mul3A_0, %arg1 : i32
    %mul3A_1 = arith.constant 640 : i32
    %mul3A_2 = arith.muli %arg1, %mul3A_1 : i32
    %broadcast_in_dim3A = arith.constant 0.000000e+00 : f32
    %broadcast_in_dim3A_3 = vector.broadcast %broadcast_in_dim3A : f32 to vector<16xf32>
    %scan3A = arith.constant 0 : i32
    %scan3A_4 = arith.constant 0 : i32
    %scan3A_5 = arith.constant 128 : i32
    %scan3A_6 = arith.addi %scan3A_4, %scan3A_5 : i32
    %scan3A_7 = arith.constant 1 : i32
    scf.for %scan3A_267 = %scan3A_4 to %scan3A_6 step %scan3A_7  : i32 {
      %swap3A = arith.index_cast %scan3A_267 : i32 to index
      %swap3A_268 = arith.constant 0 : index
      %swap3A_269 = tpu.vector_load %arg12[%swap3A, %swap3A_268] {strides = array<i32>} : memref<128x128xf32, #tpu.memory_space<vmem>>, vector<1x16xf32>,
      %swap3A_270 = vector.shape_cast %swap3A_269 : vector<1x16xf32> to vector<16xf32>
      %swap3A_271 = vector.shape_cast %broadcast_in_dim3A_3 : vector<16xf32> to vector<1x16xf32>
      tpu.vector_store %arg12[%swap3A, %swap3A_268], %swap3A_271 {strides = array<i32>} : memref<128x128xf32, #tpu.memory_space<vmem>>, vector<1x16xf32>,
      %swap3A_272 = arith.index_cast %scan3A_267 : i32 to index
      %swap3A_273 = arith.constant 16 : index
      %swap3A_274 = tpu.vector_load %arg12[%swap3A_272, %swap3A_273] {strides = array<i32>} : memref<128x128xf32, #tpu.memory_space<vmem>>, vector<1x16xf32>,
      %swap3A_275 = vector.shape_cast %swap3A_274 : vector<1x16xf32> to vector<16xf32>
      %swap3A_276 = vector.shape_cast %broadcast_in_dim3A_3 : vector<16xf32> to vector<1x16xf32>
      tpu.vector_store %arg12[%swap3A_272, %swap3A_273], %swap3A_276 {strides = array<i32>} : memref<128x128xf32, #tpu.memory_space<vmem>>, vector<1x16xf32>,
      %swap3A_277 = arith.index_cast %scan3A_267 : i32 to index
      %swap3A_278 = arith.constant 32 : index
      %swap3A_279 = tpu.vector_load %arg12[%swap3A_277, %swap3A_278] {strides = array<i32>} : memref<128x128xf32, #tpu.memory_space<vmem>>, vector<1x16xf32>,
      %swap3A_280 = vector.shape_cast %swap3A_279 : vector<1x16xf32> to vector<16xf32>
      %swap3A_281 = vector.shape_cast %broadcast_in_dim3A_3 : vector<16xf32> to vector<1x16xf32>
      tpu.vector_store %arg12[%swap3A_277, %swap3A_278], %swap3A_281 {strides = array<i32>} : memref<128x128xf32, #tpu.memory_space<vmem>>, vector<1x16xf32>,
      %swap3A_282 = arith.index_cast %scan3A_267 : i32 to index
      %swap3A_283 = arith.constant 48 : index
      %swap3A_284 = tpu.vector_load %arg12[%swap3A_282, %swap3A_283] {strides = array<i32>} : memref<128x128xf32, #tpu.memory_space<vmem>>, vector<1x16xf32>,
      %swap3A_285 = vector.shape_cast %swap3A_284 : vector<1x16xf32> to vector<16xf32>
      %swap3A_286 = vector.shape_cast %broadcast_in_dim3A_3 : vector<16xf32> to vector<1x16xf32>
      tpu.vector_store %arg12[%swap3A_282, %swap3A_283], %swap3A_286 {strides = array<i32>} : memref<128x128xf32, #tpu.memory_space<vmem>>, vector<1x16xf32>,
      %swap3A_287 = arith.index_cast %scan3A_267 : i32 to index
      %swap3A_288 = arith.constant 64 : index
      %swap3A_289 = tpu.vector_load %arg12[%swap3A_287, %swap3A_288] {strides = array<i32>} : memref<128x128xf32, #tpu.memory_space<vmem>>, vector<1x16xf32>,
      %swap3A_290 = vector.shape_cast %swap3A_289 : vector<1x16xf32> to vector<16xf32>
      %swap3A_291 = vector.shape_cast %broadcast_in_dim3A_3 : vector<16xf32> to vector<1x16xf32>
      tpu.vector_store %arg12[%swap3A_287, %swap3A_288], %swap3A_291 {strides = array<i32>} : memref<128x128xf32, #tpu.memory_space<vmem>>, vector<1x16xf32>,
      %swap3A_292 = arith.index_cast %scan3A_267 : i32 to index
      %swap3A_293 = arith.constant 80 : index
      %swap3A_294 = tpu.vector_load %arg12[%swap3A_292, %swap3A_293] {strides = array<i32>} : memref<128x128xf32, #tpu.memory_space<vmem>>, vector<1x16xf32>,
      %swap3A_295 = vector.shape_cast %swap3A_294 : vector<1x16xf32> to vector<16xf32>
      %swap3A_296 = vector.shape_cast %broadcast_in_dim3A_3 : vector<16xf32> to vector<1x16xf32>
      tpu.vector_store %arg12[%swap3A_292, %swap3A_293], %swap3A_296 {strides = array<i32>} : memref<128x128xf32, #tpu.memory_space<vmem>>, vector<1x16xf32>,
      %swap3A_297 = arith.index_cast %scan3A_267 : i32 to index
      %swap3A_298 = arith.constant 96 : index
      %swap3A_299 = tpu.vector_load %arg12[%swap3A_297, %swap3A_298] {strides = array<i32>} : memref<128x128xf32, #tpu.memory_space<vmem>>, vector<1x16xf32>,
      %swap3A_300 = vector.shape_cast %swap3A_299 : vector<1x16xf32> to vector<16xf32>
      %swap3A_301 = vector.shape_cast %broadcast_in_dim3A_3 : vector<16xf32> to vector<1x16xf32>
      tpu.vector_store %arg12[%swap3A_297, %swap3A_298], %swap3A_301 {strides = array<i32>} : memref<128x128xf32, #tpu.memory_space<vmem>>, vector<1x16xf32>,
      %swap3A_302 = arith.index_cast %scan3A_267 : i32 to index
      %swap3A_303 = arith.constant 112 : index
      %swap3A_304 = tpu.vector_load %arg12[%swap3A_302, %swap3A_303] {strides = array<i32>} : memref<128x128xf32, #tpu.memory_space<vmem>>, vector<1x16xf32>,
      %swap3A_305 = vector.shape_cast %swap3A_304 : vector<1x16xf32> to vector<16xf32>
      %swap3A_306 = vector.shape_cast %broadcast_in_dim3A_3 : vector<16xf32> to vector<1x16xf32>
      tpu.vector_store %arg12[%swap3A_302, %swap3A_303], %swap3A_306 {strides = array<i32>} : memref<128x128xf32, #tpu.memory_space<vmem>>, vector<1x16xf32>,
    }
    %scan3A_8 = arith.constant 128 : i32
    %add3A_9 = arith.constant 0 : i32
    %add3A_10 = arith.addi %mul3A_2, %add3A_9 : i32
    "tpu.region"() ({
      %run_scoped3A = tpu.sem_alloc : memref<!tpu.dma_semaphore, #tpu.memory_space<semaphore_mem>>
      %dma_start3A_267 = arith.constant 0 : i32
      %dma_start3A_268 = tpu.memref_slice %arg14[%add3A_10, %dma_start3A_267] : memref<10240x128xf32, #tpu.memory_space<vmem_shared>> -> memref<128x128xf32, #tpu.memory_space<vmem_shared>>
      %dma_start3A_269 = arith.constant 0 : i32
      %dma_start3A_270 = tpu.memref_slice %arg14[%add3A_10, %dma_start3A_269] : memref<10240x128xf32, #tpu.memory_space<vmem_shared>> -> memref<128x128xf32, #tpu.memory_space<vmem_shared>>
      tpu.enqueue_dma source(%arg12 : memref<128x128xf32, #tpu.memory_space<vmem>>) target(%dma_start3A_270 : memref<128x128xf32, #tpu.memory_space<vmem_shared>>) target_semaphore(%run_scoped3A : memref<!tpu.dma_semaphore, #tpu.memory_space<semaphore_mem>>)
      %dma_wait3A_271 = arith.constant 0 : i32
      %dma_wait3A_272 = tpu.memref_slice %arg14[%add3A_10, %dma_wait3A_271] : memref<10240x128xf32, #tpu.memory_space<vmem_shared>> -> memref<128x128xf32, #tpu.memory_space<vmem_shared>>
      %dma_wait3A_273 = arith.constant 0 : i32
      %dma_wait3A_274 = tpu.memref_slice %arg14[%add3A_10, %dma_wait3A_273] : memref<10240x128xf32, #tpu.memory_space<vmem_shared>> -> memref<128x128xf32, #tpu.memory_space<vmem_shared>>
      tpu.wait_dma2 semaphore(%run_scoped3A : memref<!tpu.dma_semaphore, #tpu.memory_space<semaphore_mem>>) src(%arg12 : memref<128x128xf32, #tpu.memory_space<vmem>>) dst(%dma_wait3A_274 : memref<128x128xf32, #tpu.memory_space<vmem_shared>>)
      tpu.yield
    }) : () -> ()
    %add3A_11 = arith.constant 128 : i32
    %add3A_12 = arith.addi %mul3A_2, %add3A_11 : i32
    "tpu.region"() ({
      %run_scoped3A = tpu.sem_alloc : memref<!tpu.dma_semaphore, #tpu.memory_space<semaphore_mem>>
      %dma_start3A_267 = arith.constant 0 : i32
      %dma_start3A_268 = tpu.memref_slice %arg14[%add3A_12, %dma_start3A_267] : memref<10240x128xf32, #tpu.memory_space<vmem_shared>> -> memref<128x128xf32, #tpu.memory_space<vmem_shared>>
      %dma_start3A_269 = arith.constant 0 : i32
      %dma_start3A_270 = tpu.memref_slice %arg14[%add3A_12, %dma_start3A_269] : memref<10240x128xf32, #tpu.memory_space<vmem_shared>> -> memref<128x128xf32, #tpu.memory_space<vmem_shared>>
      tpu.enqueue_dma source(%arg12 : memref<128x128xf32, #tpu.memory_space<vmem>>) target(%dma_start3A_270 : memref<128x128xf32, #tpu.memory_space<vmem_shared>>) target_semaphore(%run_scoped3A : memref<!tpu.dma_semaphore, #tpu.memory_space<semaphore_mem>>)
      %dma_wait3A_271 = arith.constant 0 : i32
      %dma_wait3A_272 = tpu.memref_slice %arg14[%add3A_12, %dma_wait3A_271] : memref<10240x128xf32, #tpu.memory_space<vmem_shared>> -> memref<128x128xf32, #tpu.memory_space<vmem_shared>>
      %dma_wait3A_273 = arith.constant 0 : i32
      %dma_wait3A_274 = tpu.memref_slice %arg14[%add3A_12, %dma_wait3A_273] : memref<10240x128xf32, #tpu.memory_space<vmem_shared>> -> memref<128x128xf32, #tpu.memory_space<vmem_shared>>
      tpu.wait_dma2 semaphore(%run_scoped3A : memref<!tpu.dma_semaphore, #tpu.memory_space<semaphore_mem>>) src(%arg12 : memref<128x128xf32, #tpu.memory_space<vmem>>) dst(%dma_wait3A_274 : memref<128x128xf32, #tpu.memory_space<vmem_shared>>)
      tpu.yield
    }) : () -> ()
    %add3A_13 = arith.constant 256 : i32
    %add3A_14 = arith.addi %mul3A_2, %add3A_13 : i32
    "tpu.region"() ({
      %run_scoped3A = tpu.sem_alloc : memref<!tpu.dma_semaphore, #tpu.memory_space<semaphore_mem>>
      %dma_start3A_267 = arith.constant 0 : i32
      %dma_start3A_268 = tpu.memref_slice %arg14[%add3A_14, %dma_start3A_267] : memref<10240x128xf32, #tpu.memory_space<vmem_shared>> -> memref<128x128xf32, #tpu.memory_space<vmem_shared>>
      %dma_start3A_269 = arith.constant 0 : i32
      %dma_start3A_270 = tpu.memref_slice %arg14[%add3A_14, %dma_start3A_269] : memref<10240x128xf32, #tpu.memory_space<vmem_shared>> -> memref<128x128xf32, #tpu.memory_space<vmem_shared>>
      tpu.enqueue_dma source(%arg12 : memref<128x128xf32, #tpu.memory_space<vmem>>) target(%dma_start3A_270 : memref<128x128xf32, #tpu.memory_space<vmem_shared>>) target_semaphore(%run_scoped3A : memref<!tpu.dma_semaphore, #tpu.memory_space<semaphore_mem>>)
      %dma_wait3A_271 = arith.constant 0 : i32
      %dma_wait3A_272 = tpu.memref_slice %arg14[%add3A_14, %dma_wait3A_271] : memref<10240x128xf32, #tpu.memory_space<vmem_shared>> -> memref<128x128xf32, #tpu.memory_space<vmem_shared>>
      %dma_wait3A_273 = arith.constant 0 : i32
      %dma_wait3A_274 = tpu.memref_slice %arg14[%add3A_14, %dma_wait3A_273] : memref<10240x128xf32, #tpu.memory_space<vmem_shared>> -> memref<128x128xf32, #tpu.memory_space<vmem_shared>>
      tpu.wait_dma2 semaphore(%run_scoped3A : memref<!tpu.dma_semaphore, #tpu.memory_space<semaphore_mem>>) src(%arg12 : memref<128x128xf32, #tpu.memory_space<vmem>>) dst(%dma_wait3A_274 : memref<128x128xf32, #tpu.memory_space<vmem_shared>>)
      tpu.yield
    }) : () -> ()
    %add3A_15 = arith.constant 384 : i32
    %add3A_16 = arith.addi %mul3A_2, %add3A_15 : i32
    "tpu.region"() ({
      %run_scoped3A = tpu.sem_alloc : memref<!tpu.dma_semaphore, #tpu.memory_space<semaphore_mem>>
      %dma_start3A_267 = arith.constant 0 : i32
      %dma_start3A_268 = tpu.memref_slice %arg14[%add3A_16, %dma_start3A_267] : memref<10240x128xf32, #tpu.memory_space<vmem_shared>> -> memref<128x128xf32, #tpu.memory_space<vmem_shared>>
      %dma_start3A_269 = arith.constant 0 : i32
      %dma_start3A_270 = tpu.memref_slice %arg14[%add3A_16, %dma_start3A_269] : memref<10240x128xf32, #tpu.memory_space<vmem_shared>> -> memref<128x128xf32, #tpu.memory_space<vmem_shared>>
      tpu.enqueue_dma source(%arg12 : memref<128x128xf32, #tpu.memory_space<vmem>>) target(%dma_start3A_270 : memref<128x128xf32, #tpu.memory_space<vmem_shared>>) target_semaphore(%run_scoped3A : memref<!tpu.dma_semaphore, #tpu.memory_space<semaphore_mem>>)
      %dma_wait3A_271 = arith.constant 0 : i32
      %dma_wait3A_272 = tpu.memref_slice %arg14[%add3A_16, %dma_wait3A_271] : memref<10240x128xf32, #tpu.memory_space<vmem_shared>> -> memref<128x128xf32, #tpu.memory_space<vmem_shared>>
      %dma_wait3A_273 = arith.constant 0 : i32
      %dma_wait3A_274 = tpu.memref_slice %arg14[%add3A_16, %dma_wait3A_273] : memref<10240x128xf32, #tpu.memory_space<vmem_shared>> -> memref<128x128xf32, #tpu.memory_space<vmem_shared>>
      tpu.wait_dma2 semaphore(%run_scoped3A : memref<!tpu.dma_semaphore, #tpu.memory_space<semaphore_mem>>) src(%arg12 : memref<128x128xf32, #tpu.memory_space<vmem>>) dst(%dma_wait3A_274 : memref<128x128xf32, #tpu.memory_space<vmem_shared>>)
      tpu.yield
    }) : () -> ()
    %add3A_17 = arith.constant 512 : i32
    %add3A_18 = arith.addi %mul3A_2, %add3A_17 : i32
    "tpu.region"() ({
      %run_scoped3A = tpu.sem_alloc : memref<!tpu.dma_semaphore, #tpu.memory_space<semaphore_mem>>
      %dma_start3A_267 = arith.constant 0 : i32
      %dma_start3A_268 = tpu.memref_slice %arg14[%add3A_18, %dma_start3A_267] : memref<10240x128xf32, #tpu.memory_space<vmem_shared>> -> memref<128x128xf32, #tpu.memory_space<vmem_shared>>
      %dma_start3A_269 = arith.constant 0 : i32
      %dma_start3A_270 = tpu.memref_slice %arg14[%add3A_18, %dma_start3A_269] : memref<10240x128xf32, #tpu.memory_space<vmem_shared>> -> memref<128x128xf32, #tpu.memory_space<vmem_shared>>
      tpu.enqueue_dma source(%arg12 : memref<128x128xf32, #tpu.memory_space<vmem>>) target(%dma_start3A_270 : memref<128x128xf32, #tpu.memory_space<vmem_shared>>) target_semaphore(%run_scoped3A : memref<!tpu.dma_semaphore, #tpu.memory_space<semaphore_mem>>)
      %dma_wait3A_271 = arith.constant 0 : i32
      %dma_wait3A_272 = tpu.memref_slice %arg14[%add3A_18, %dma_wait3A_271] : memref<10240x128xf32, #tpu.memory_space<vmem_shared>> -> memref<128x128xf32, #tpu.memory_space<vmem_shared>>
      %dma_wait3A_273 = arith.constant 0 : i32
      %dma_wait3A_274 = tpu.memref_slice %arg14[%add3A_18, %dma_wait3A_273] : memref<10240x128xf32, #tpu.memory_space<vmem_shared>> -> memref<128x128xf32, #tpu.memory_space<vmem_shared>>
      tpu.wait_dma2 semaphore(%run_scoped3A : memref<!tpu.dma_semaphore, #tpu.memory_space<semaphore_mem>>) src(%arg12 : memref<128x128xf32, #tpu.memory_space<vmem>>) dst(%dma_wait3A_274 : memref<128x128xf32, #tpu.memory_space<vmem_shared>>)
      tpu.yield
    }) : () -> ()
    %barrier3A = arith.constant 0 : index
    tpu.barrier barrier_id(%barrier3A)
    %mul3A_19 = arith.constant 80 : i32
    %mul3A_20 = arith.muli %add3A, %mul3A_19 : i32
    %add3A_21 = arith.constant 0 : i32
    %add3A_22 = arith.addi %mul3A_20, %add3A_21 : i32
    %dma_start3A = arith.constant 0 : i32
    %dma_start3A_23 = tpu.memref_slice %arg3[%add3A_22, %dma_start3A] : memref<2560x128xi32, #tpu.memory_space<hbm>> -> memref<1x128xi32, #tpu.memory_space<hbm>>
    %dma_start3A_24 = tpu.memref_squeeze %dma_start3A_23 : memref<1x128xi32, #tpu.memory_space<hbm>> -> memref<128xi32, #tpu.memory_space<hbm>>
    %dma_start3A_25 = arith.constant 0 : i32
    %dma_start3A_26 = tpu.memref_slice %arg3[%add3A_22, %dma_start3A_25] : memref<2560x128xi32, #tpu.memory_space<hbm>> -> memref<1x128xi32, #tpu.memory_space<hbm>>
    %dma_start3A_27 = tpu.memref_squeeze %dma_start3A_26 : memref<1x128xi32, #tpu.memory_space<hbm>> -> memref<128xi32, #tpu.memory_space<hbm>>
    tpu.enqueue_dma source(%dma_start3A_27 : memref<128xi32, #tpu.memory_space<hbm>>) target(%arg6 : memref<128xi32, #tpu.memory_space<vmem>>) target_semaphore(%arg15 : memref<!tpu.dma_semaphore, #tpu.memory_space<semaphore_mem>>)
    %mul3A_28 = arith.constant 80 : i32
    %mul3A_29 = arith.muli %add3A, %mul3A_28 : i32
    %add3A_30 = arith.constant 0 : i32
    %add3A_31 = arith.addi %mul3A_29, %add3A_30 : i32
    %dma_start3A_32 = arith.constant 0 : i32
    %dma_start3A_33 = tpu.memref_slice %arg4[%add3A_31, %dma_start3A_32] : memref<2560x128xi32, #tpu.memory_space<hbm>> -> memref<1x128xi32, #tpu.memory_space<hbm>>
    %dma_start3A_34 = tpu.memref_squeeze %dma_start3A_33 : memref<1x128xi32, #tpu.memory_space<hbm>> -> memref<128xi32, #tpu.memory_space<hbm>>
    %dma_start3A_35 = arith.constant 0 : i32
    %dma_start3A_36 = tpu.memref_slice %arg4[%add3A_31, %dma_start3A_35] : memref<2560x128xi32, #tpu.memory_space<hbm>> -> memref<1x128xi32, #tpu.memory_space<hbm>>
    %dma_start3A_37 = tpu.memref_squeeze %dma_start3A_36 : memref<1x128xi32, #tpu.memory_space<hbm>> -> memref<128xi32, #tpu.memory_space<hbm>>
    tpu.enqueue_dma source(%dma_start3A_37 : memref<128xi32, #tpu.memory_space<hbm>>) target(%arg8 : memref<128xi32, #tpu.memory_space<vmem>>) target_semaphore(%arg17 : memref<!tpu.dma_semaphore, #tpu.memory_space<semaphore_mem>>)
    %mul3A_38 = arith.constant 80 : i32
    %mul3A_39 = arith.muli %add3A, %mul3A_38 : i32
    %add3A_40 = arith.constant 1 : i32
    %add3A_41 = arith.addi %mul3A_39, %add3A_40 : i32
    %dma_start3A_42 = arith.constant 0 : i32
    %dma_start3A_43 = tpu.memref_slice %arg3[%add3A_41, %dma_start3A_42] : memref<2560x128xi32, #tpu.memory_space<hbm>> -> memref<1x128xi32, #tpu.memory_space<hbm>>
    %dma_start3A_44 = tpu.memref_squeeze %dma_start3A_43 : memref<1x128xi32, #tpu.memory_space<hbm>> -> memref<128xi32, #tpu.memory_space<hbm>>
    %dma_start3A_45 = arith.constant 0 : i32
    %dma_start3A_46 = tpu.memref_slice %arg3[%add3A_41, %dma_start3A_45] : memref<2560x128xi32, #tpu.memory_space<hbm>> -> memref<1x128xi32, #tpu.memory_space<hbm>>
    %dma_start3A_47 = tpu.memref_squeeze %dma_start3A_46 : memref<1x128xi32, #tpu.memory_space<hbm>> -> memref<128xi32, #tpu.memory_space<hbm>>
    tpu.enqueue_dma source(%dma_start3A_47 : memref<128xi32, #tpu.memory_space<hbm>>) target(%arg7 : memref<128xi32, #tpu.memory_space<vmem>>) target_semaphore(%arg16 : memref<!tpu.dma_semaphore, #tpu.memory_space<semaphore_mem>>)
    %mul3A_48 = arith.constant 80 : i32
    %mul3A_49 = arith.muli %add3A, %mul3A_48 : i32
    %add3A_50 = arith.constant 1 : i32
    %add3A_51 = arith.addi %mul3A_49, %add3A_50 : i32
    %dma_start3A_52 = arith.constant 0 : i32
    %dma_start3A_53 = tpu.memref_slice %arg4[%add3A_51, %dma_start3A_52] : memref<2560x128xi32, #tpu.memory_space<hbm>> -> memref<1x128xi32, #tpu.memory_space<hbm>>
    %dma_start3A_54 = tpu.memref_squeeze %dma_start3A_53 : memref<1x128xi32, #tpu.memory_space<hbm>> -> memref<128xi32, #tpu.memory_space<hbm>>
    %dma_start3A_55 = arith.constant 0 : i32
    %dma_start3A_56 = tpu.memref_slice %arg4[%add3A_51, %dma_start3A_55] : memref<2560x128xi32, #tpu.memory_space<hbm>> -> memref<1x128xi32, #tpu.memory_space<hbm>>
    %dma_start3A_57 = tpu.memref_squeeze %dma_start3A_56 : memref<1x128xi32, #tpu.memory_space<hbm>> -> memref<128xi32, #tpu.memory_space<hbm>>
    tpu.enqueue_dma source(%dma_start3A_57 : memref<128xi32, #tpu.memory_space<hbm>>) target(%arg9 : memref<128xi32, #tpu.memory_space<vmem>>) target_semaphore(%arg18 : memref<!tpu.dma_semaphore, #tpu.memory_space<semaphore_mem>>)
    %dma_wait3A = arith.constant 0 : i32
    %dma_wait3A_58 = arith.constant 0 : i32
    %dma_wait3A_59 = tpu.memref_slice %arg3[%dma_wait3A, %dma_wait3A_58] : memref<2560x128xi32, #tpu.memory_space<hbm>> -> memref<1x128xi32, #tpu.memory_space<hbm>>
    %dma_wait3A_60 = tpu.memref_squeeze %dma_wait3A_59 : memref<1x128xi32, #tpu.memory_space<hbm>> -> memref<128xi32, #tpu.memory_space<hbm>>
    %dma_wait3A_61 = arith.constant 0 : i32
    %dma_wait3A_62 = tpu.memref_slice %arg3[%dma_wait3A, %dma_wait3A_61] : memref<2560x128xi32, #tpu.memory_space<hbm>> -> memref<1x128xi32, #tpu.memory_space<hbm>>
    %dma_wait3A_63 = tpu.memref_squeeze %dma_wait3A_62 : memref<1x128xi32, #tpu.memory_space<hbm>> -> memref<128xi32, #tpu.memory_space<hbm>>
    tpu.wait_dma2 semaphore(%arg15 : memref<!tpu.dma_semaphore, #tpu.memory_space<semaphore_mem>>) src(%dma_wait3A_63 : memref<128xi32, #tpu.memory_space<hbm>>) dst(%arg6 : memref<128xi32, #tpu.memory_space<vmem>>)
    %dma_start3A_64 = arith.constant 0 : i32
    %dma_start3A_65 = arith.constant 0 : i32
    %dma_start3A_66 = tpu.memref_slice %arg2[%dma_start3A_64, %dma_start3A_65] : memref<10000x128xf32, #tpu.memory_space<hbm>> -> memref<10000x128xf32, #tpu.memory_space<hbm>>
    tpu.enqueue_indirect_dma source(%dma_start3A_66 : memref<10000x128xf32, #tpu.memory_space<hbm>>) target(%arg12 : memref<128x128xf32, #tpu.memory_space<vmem>>) offsets(%arg6 : memref<128xi32, #tpu.memory_space<vmem>>) semaphore(%arg21 : memref<!tpu.dma_semaphore, #tpu.memory_space<semaphore_mem>>)
    %dma_wait3A_67 = arith.constant 0 : i32
    %dma_wait3A_68 = arith.constant 0 : i32
    %dma_wait3A_69 = tpu.memref_slice %arg2[%dma_wait3A_67, %dma_wait3A_68] : memref<10000x128xf32, #tpu.memory_space<hbm>> -> memref<128x128xf32, #tpu.memory_space<hbm>>
    %dma_wait3A_70 = arith.constant 0 : i32
    %dma_wait3A_71 = arith.constant 0 : i32
    %dma_wait3A_72 = tpu.memref_slice %arg2[%dma_wait3A_70, %dma_wait3A_71] : memref<10000x128xf32, #tpu.memory_space<hbm>> -> memref<128x128xf32, #tpu.memory_space<hbm>>
    tpu.wait_dma2 semaphore(%arg21 : memref<!tpu.dma_semaphore, #tpu.memory_space<semaphore_mem>>) src(%dma_wait3A_72 : memref<128x128xf32, #tpu.memory_space<hbm>>) dst(%arg12 : memref<128x128xf32, #tpu.memory_space<vmem>>)
    %dma_wait3A_73 = arith.constant 0 : i32
    %dma_wait3A_74 = arith.constant 0 : i32
    %dma_wait3A_75 = tpu.memref_slice %arg3[%dma_wait3A_73, %dma_wait3A_74] : memref<2560x128xi32, #tpu.memory_space<hbm>> -> memref<1x128xi32, #tpu.memory_space<hbm>>
    %dma_wait3A_76 = tpu.memref_squeeze %dma_wait3A_75 : memref<1x128xi32, #tpu.memory_space<hbm>> -> memref<128xi32, #tpu.memory_space<hbm>>
    %dma_wait3A_77 = arith.constant 0 : i32
    %dma_wait3A_78 = tpu.memref_slice %arg3[%dma_wait3A_73, %dma_wait3A_77] : memref<2560x128xi32, #tpu.memory_space<hbm>> -> memref<1x128xi32, #tpu.memory_space<hbm>>
    %dma_wait3A_79 = tpu.memref_squeeze %dma_wait3A_78 : memref<1x128xi32, #tpu.memory_space<hbm>> -> memref<128xi32, #tpu.memory_space<hbm>>
    tpu.wait_dma2 semaphore(%arg17 : memref<!tpu.dma_semaphore, #tpu.memory_space<semaphore_mem>>) src(%dma_wait3A_79 : memref<128xi32, #tpu.memory_space<hbm>>) dst(%arg8 : memref<128xi32, #tpu.memory_space<vmem>>)
    %dma_start3A_80 = arith.constant 0 : i32
    %dma_start3A_81 = arith.constant 0 : i32
    %dma_start3A_82 = tpu.memref_slice %arg14[%dma_start3A_80, %dma_start3A_81] : memref<10240x128xf32, #tpu.memory_space<vmem_shared>> -> memref<10240x128xf32, #tpu.memory_space<vmem_shared>>
    tpu.enqueue_indirect_dma source(%arg12 : memref<128x128xf32, #tpu.memory_space<vmem>>) target(%dma_start3A_82 : memref<10240x128xf32, #tpu.memory_space<vmem_shared>>) offsets(%arg8 : memref<128xi32, #tpu.memory_space<vmem>>) semaphore(%arg23 : memref<!tpu.dma_semaphore, #tpu.memory_space<semaphore_mem>>) {add = true}
    %mul3A_83 = arith.constant 80 : i32
    %mul3A_84 = arith.muli %add3A, %mul3A_83 : i32
    %add3A_85 = arith.constant 2 : i32
    %add3A_86 = arith.addi %mul3A_84, %add3A_85 : i32
    %dma_start3A_87 = arith.constant 0 : i32
    %dma_start3A_88 = tpu.memref_slice %arg3[%add3A_86, %dma_start3A_87] : memref<2560x128xi32, #tpu.memory_space<hbm>> -> memref<1x128xi32, #tpu.memory_space<hbm>>
    %dma_start3A_89 = tpu.memref_squeeze %dma_start3A_88 : memref<1x128xi32, #tpu.memory_space<hbm>> -> memref<128xi32, #tpu.memory_space<hbm>>
    %dma_start3A_90 = arith.constant 0 : i32
    %dma_start3A_91 = tpu.memref_slice %arg3[%add3A_86, %dma_start3A_90] : memref<2560x128xi32, #tpu.memory_space<hbm>> -> memref<1x128xi32, #tpu.memory_space<hbm>>
    %dma_start3A_92 = tpu.memref_squeeze %dma_start3A_91 : memref<1x128xi32, #tpu.memory_space<hbm>> -> memref<128xi32, #tpu.memory_space<hbm>>
    tpu.enqueue_dma source(%dma_start3A_92 : memref<128xi32, #tpu.memory_space<hbm>>) target(%arg6 : memref<128xi32, #tpu.memory_space<vmem>>) target_semaphore(%arg15 : memref<!tpu.dma_semaphore, #tpu.memory_space<semaphore_mem>>)
    %mul3A_93 = arith.constant 80 : i32
    %mul3A_94 = arith.muli %add3A, %mul3A_93 : i32
    %add3A_95 = arith.constant 2 : i32
    %add3A_96 = arith.addi %mul3A_94, %add3A_95 : i32
    %dma_start3A_97 = arith.constant 0 : i32
    %dma_start3A_98 = tpu.memref_slice %arg4[%add3A_96, %dma_start3A_97] : memref<2560x128xi32, #tpu.memory_space<hbm>> -> memref<1x128xi32, #tpu.memory_space<hbm>>
    %dma_start3A_99 = tpu.memref_squeeze %dma_start3A_98 : memref<1x128xi32, #tpu.memory_space<hbm>> -> memref<128xi32, #tpu.memory_space<hbm>>
    %dma_start3A_100 = arith.constant 0 : i32
    %dma_start3A_101 = tpu.memref_slice %arg4[%add3A_96, %dma_start3A_100] : memref<2560x128xi32, #tpu.memory_space<hbm>> -> memref<1x128xi32, #tpu.memory_space<hbm>>
    %dma_start3A_102 = tpu.memref_squeeze %dma_start3A_101 : memref<1x128xi32, #tpu.memory_space<hbm>> -> memref<128xi32, #tpu.memory_space<hbm>>
    tpu.enqueue_dma source(%dma_start3A_102 : memref<128xi32, #tpu.memory_space<hbm>>) target(%arg10 : memref<128xi32, #tpu.memory_space<vmem>>) target_semaphore(%arg19 : memref<!tpu.dma_semaphore, #tpu.memory_space<semaphore_mem>>)
    %dma_wait3A_103 = arith.constant 0 : i32
    %dma_wait3A_104 = arith.constant 0 : i32
    %dma_wait3A_105 = tpu.memref_slice %arg3[%dma_wait3A_103, %dma_wait3A_104] : memref<2560x128xi32, #tpu.memory_space<hbm>> -> memref<1x128xi32, #tpu.memory_space<hbm>>
    %dma_wait3A_106 = tpu.memref_squeeze %dma_wait3A_105 : memref<1x128xi32, #tpu.memory_space<hbm>> -> memref<128xi32, #tpu.memory_space<hbm>>
    %dma_wait3A_107 = arith.constant 0 : i32
    %dma_wait3A_108 = tpu.memref_slice %arg3[%dma_wait3A_103, %dma_wait3A_107] : memref<2560x128xi32, #tpu.memory_space<hbm>> -> memref<1x128xi32, #tpu.memory_space<hbm>>
    %dma_wait3A_109 = tpu.memref_squeeze %dma_wait3A_108 : memref<1x128xi32, #tpu.memory_space<hbm>> -> memref<128xi32, #tpu.memory_space<hbm>>
    tpu.wait_dma2 semaphore(%arg16 : memref<!tpu.dma_semaphore, #tpu.memory_space<semaphore_mem>>) src(%dma_wait3A_109 : memref<128xi32, #tpu.memory_space<hbm>>) dst(%arg7 : memref<128xi32, #tpu.memory_space<vmem>>)
    %dma_start3A_110 = arith.constant 0 : i32
    %dma_start3A_111 = arith.constant 0 : i32
    %dma_start3A_112 = tpu.memref_slice %arg2[%dma_start3A_110, %dma_start3A_111] : memref<10000x128xf32, #tpu.memory_space<hbm>> -> memref<10000x128xf32, #tpu.memory_space<hbm>>
    tpu.enqueue_indirect_dma source(%dma_start3A_112 : memref<10000x128xf32, #tpu.memory_space<hbm>>) target(%arg13 : memref<128x128xf32, #tpu.memory_space<vmem>>) offsets(%arg7 : memref<128xi32, #tpu.memory_space<vmem>>) semaphore(%arg22 : memref<!tpu.dma_semaphore, #tpu.memory_space<semaphore_mem>>)
    %dma_wait3A_113 = arith.constant 0 : i32
    %dma_wait3A_114 = arith.constant 0 : i32
    %dma_wait3A_115 = tpu.memref_slice %arg2[%dma_wait3A_113, %dma_wait3A_114] : memref<10000x128xf32, #tpu.memory_space<hbm>> -> memref<128x128xf32, #tpu.memory_space<hbm>>
    %dma_wait3A_116 = arith.constant 0 : i32
    %dma_wait3A_117 = arith.constant 0 : i32
    %dma_wait3A_118 = tpu.memref_slice %arg2[%dma_wait3A_116, %dma_wait3A_117] : memref<10000x128xf32, #tpu.memory_space<hbm>> -> memref<128x128xf32, #tpu.memory_space<hbm>>
    tpu.wait_dma2 semaphore(%arg22 : memref<!tpu.dma_semaphore, #tpu.memory_space<semaphore_mem>>) src(%dma_wait3A_118 : memref<128x128xf32, #tpu.memory_space<hbm>>) dst(%arg13 : memref<128x128xf32, #tpu.memory_space<vmem>>)
    %dma_wait3A_119 = arith.constant 0 : i32
    %dma_wait3A_120 = arith.constant 0 : i32
    %dma_wait3A_121 = tpu.memref_slice %arg3[%dma_wait3A_119, %dma_wait3A_120] : memref<2560x128xi32, #tpu.memory_space<hbm>> -> memref<1x128xi32, #tpu.memory_space<hbm>>
    %dma_wait3A_122 = tpu.memref_squeeze %dma_wait3A_121 : memref<1x128xi32, #tpu.memory_space<hbm>> -> memref<128xi32, #tpu.memory_space<hbm>>
    %dma_wait3A_123 = arith.constant 0 : i32
    %dma_wait3A_124 = tpu.memref_slice %arg3[%dma_wait3A_119, %dma_wait3A_123] : memref<2560x128xi32, #tpu.memory_space<hbm>> -> memref<1x128xi32, #tpu.memory_space<hbm>>
    %dma_wait3A_125 = tpu.memref_squeeze %dma_wait3A_124 : memref<1x128xi32, #tpu.memory_space<hbm>> -> memref<128xi32, #tpu.memory_space<hbm>>
    tpu.wait_dma2 semaphore(%arg18 : memref<!tpu.dma_semaphore, #tpu.memory_space<semaphore_mem>>) src(%dma_wait3A_125 : memref<128xi32, #tpu.memory_space<hbm>>) dst(%arg9 : memref<128xi32, #tpu.memory_space<vmem>>)
    %dma_start3A_126 = arith.constant 0 : i32
    %dma_start3A_127 = arith.constant 0 : i32
    %dma_start3A_128 = tpu.memref_slice %arg14[%dma_start3A_126, %dma_start3A_127] : memref<10240x128xf32, #tpu.memory_space<vmem_shared>> -> memref<10240x128xf32, #tpu.memory_space<vmem_shared>>
    tpu.enqueue_indirect_dma source(%arg13 : memref<128x128xf32, #tpu.memory_space<vmem>>) target(%dma_start3A_128 : memref<10240x128xf32, #tpu.memory_space<vmem_shared>>) offsets(%arg9 : memref<128xi32, #tpu.memory_space<vmem>>) semaphore(%arg24 : memref<!tpu.dma_semaphore, #tpu.memory_space<semaphore_mem>>) {add = true}
    %mul3A_129 = arith.constant 80 : i32
    %mul3A_130 = arith.muli %add3A, %mul3A_129 : i32
    %add3A_131 = arith.constant 3 : i32
    %add3A_132 = arith.addi %mul3A_130, %add3A_131 : i32
    %dma_start3A_133 = arith.constant 0 : i32
    %dma_start3A_134 = tpu.memref_slice %arg3[%add3A_132, %dma_start3A_133] : memref<2560x128xi32, #tpu.memory_space<hbm>> -> memref<1x128xi32, #tpu.memory_space<hbm>>
    %dma_start3A_135 = tpu.memref_squeeze %dma_start3A_134 : memref<1x128xi32, #tpu.memory_space<hbm>> -> memref<128xi32, #tpu.memory_space<hbm>>
    %dma_start3A_136 = arith.constant 0 : i32
    %dma_start3A_137 = tpu.memref_slice %arg3[%add3A_132, %dma_start3A_136] : memref<2560x128xi32, #tpu.memory_space<hbm>> -> memref<1x128xi32, #tpu.memory_space<hbm>>
    %dma_start3A_138 = tpu.memref_squeeze %dma_start3A_137 : memref<1x128xi32, #tpu.memory_space<hbm>> -> memref<128xi32, #tpu.memory_space<hbm>>
    tpu.enqueue_dma source(%dma_start3A_138 : memref<128xi32, #tpu.memory_space<hbm>>) target(%arg7 : memref<128xi32, #tpu.memory_space<vmem>>) target_semaphore(%arg16 : memref<!tpu.dma_semaphore, #tpu.memory_space<semaphore_mem>>)
    %mul3A_139 = arith.constant 80 : i32
    %mul3A_140 = arith.muli %add3A, %mul3A_139 : i32
    %add3A_141 = arith.constant 3 : i32
    %add3A_142 = arith.addi %mul3A_140, %add3A_141 : i32
    %dma_start3A_143 = arith.constant 0 : i32
    %dma_start3A_144 = tpu.memref_slice %arg4[%add3A_142, %dma_start3A_143] : memref<2560x128xi32, #tpu.memory_space<hbm>> -> memref<1x128xi32, #tpu.memory_space<hbm>>
    %dma_start3A_145 = tpu.memref_squeeze %dma_start3A_144 : memref<1x128xi32, #tpu.memory_space<hbm>> -> memref<128xi32, #tpu.memory_space<hbm>>
    %dma_start3A_146 = arith.constant 0 : i32
    %dma_start3A_147 = tpu.memref_slice %arg4[%add3A_142, %dma_start3A_146] : memref<2560x128xi32, #tpu.memory_space<hbm>> -> memref<1x128xi32, #tpu.memory_space<hbm>>
    %dma_start3A_148 = tpu.memref_squeeze %dma_start3A_147 : memref<1x128xi32, #tpu.memory_space<hbm>> -> memref<128xi32, #tpu.memory_space<hbm>>
    tpu.enqueue_dma source(%dma_start3A_148 : memref<128xi32, #tpu.memory_space<hbm>>) target(%arg11 : memref<128xi32, #tpu.memory_space<vmem>>) target_semaphore(%arg20 : memref<!tpu.dma_semaphore, #tpu.memory_space<semaphore_mem>>)
    %dma_wait3A_149 = arith.constant 0 : i32
    %dma_wait3A_150 = arith.constant 0 : i32
    %dma_wait3A_151 = tpu.memref_slice %arg2[%dma_wait3A_149, %dma_wait3A_150] : memref<10000x128xf32, #tpu.memory_space<hbm>> -> memref<128x128xf32, #tpu.memory_space<hbm>>
    %dma_wait3A_152 = arith.constant 0 : i32
    %dma_wait3A_153 = arith.constant 0 : i32
    %dma_wait3A_154 = tpu.memref_slice %arg2[%dma_wait3A_152, %dma_wait3A_153] : memref<10000x128xf32, #tpu.memory_space<hbm>> -> memref<128x128xf32, #tpu.memory_space<hbm>>
    tpu.wait_dma2 semaphore(%arg23 : memref<!tpu.dma_semaphore, #tpu.memory_space<semaphore_mem>>) src(%dma_wait3A_154 : memref<128x128xf32, #tpu.memory_space<hbm>>) dst(%arg12 : memref<128x128xf32, #tpu.memory_space<vmem>>)
    %dma_wait3A_155 = arith.constant 0 : i32
    %dma_wait3A_156 = arith.constant 0 : i32
    %dma_wait3A_157 = tpu.memref_slice %arg3[%dma_wait3A_155, %dma_wait3A_156] : memref<2560x128xi32, #tpu.memory_space<hbm>> -> memref<1x128xi32, #tpu.memory_space<hbm>>
    %dma_wait3A_158 = tpu.memref_squeeze %dma_wait3A_157 : memref<1x128xi32, #tpu.memory_space<hbm>> -> memref<128xi32, #tpu.memory_space<hbm>>
    %dma_wait3A_159 = arith.constant 0 : i32
    %dma_wait3A_160 = tpu.memref_slice %arg3[%dma_wait3A_155, %dma_wait3A_159] : memref<2560x128xi32, #tpu.memory_space<hbm>> -> memref<1x128xi32, #tpu.memory_space<hbm>>
    %dma_wait3A_161 = tpu.memref_squeeze %dma_wait3A_160 : memref<1x128xi32, #tpu.memory_space<hbm>> -> memref<128xi32, #tpu.memory_space<hbm>>
    tpu.wait_dma2 semaphore(%arg15 : memref<!tpu.dma_semaphore, #tpu.memory_space<semaphore_mem>>) src(%dma_wait3A_161 : memref<128xi32, #tpu.memory_space<hbm>>) dst(%arg6 : memref<128xi32, #tpu.memory_space<vmem>>)
    %dma_start3A_162 = arith.constant 0 : i32
    %dma_start3A_163 = arith.constant 0 : i32
    %dma_start3A_164 = tpu.memref_slice %arg2[%dma_start3A_162, %dma_start3A_163] : memref<10000x128xf32, #tpu.memory_space<hbm>> -> memref<10000x128xf32, #tpu.memory_space<hbm>>
    tpu.enqueue_indirect_dma source(%dma_start3A_164 : memref<10000x128xf32, #tpu.memory_space<hbm>>) target(%arg12 : memref<128x128xf32, #tpu.memory_space<vmem>>) offsets(%arg6 : memref<128xi32, #tpu.memory_space<vmem>>) semaphore(%arg21 : memref<!tpu.dma_semaphore, #tpu.memory_space<semaphore_mem>>)
    %scan3A_165 = arith.constant 0 : i32
    %scan3A_166 = arith.constant 0 : i32
    %scan3A_167 = arith.constant 19 : i32
    %scan3A_168 = arith.addi %scan3A_166, %scan3A_167 : i32
    %scan3A_169 = arith.constant 1 : i32
    scf.for %scan3A_267 = %scan3A_166 to %scan3A_168 step %scan3A_169  : i32 {
      %mul3A_268 = arith.constant 4 : i32
      %mul3A_269 = arith.muli %scan3A_267, %mul3A_268 : i32
      %add3A_270 = arith.constant 2 : i32
      %add3A_271 = arith.addi %mul3A_269, %add3A_270 : i32
      %add3A_272 = arith.constant 0 : i32
      %add3A_273 = arith.addi %add3A_271, %add3A_272 : i32
      %dma_wait3A_274 = arith.constant 0 : i32
      %dma_wait3A_275 = arith.constant 0 : i32
      %dma_wait3A_276 = tpu.memref_slice %arg2[%dma_wait3A_274, %dma_wait3A_275] : memref<10000x128xf32, #tpu.memory_space<hbm>> -> memref<128x128xf32, #tpu.memory_space<hbm>>
      %dma_wait3A_277 = arith.constant 0 : i32
      %dma_wait3A_278 = arith.constant 0 : i32
      %dma_wait3A_279 = tpu.memref_slice %arg2[%dma_wait3A_277, %dma_wait3A_278] : memref<10000x128xf32, #tpu.memory_space<hbm>> -> memref<128x128xf32, #tpu.memory_space<hbm>>
      tpu.wait_dma2 semaphore(%arg21 : memref<!tpu.dma_semaphore, #tpu.memory_space<semaphore_mem>>) src(%dma_wait3A_279 : memref<128x128xf32, #tpu.memory_space<hbm>>) dst(%arg12 : memref<128x128xf32, #tpu.memory_space<vmem>>)
      %dma_wait3A_280 = arith.constant 0 : i32
      %dma_wait3A_281 = arith.constant 0 : i32
      %dma_wait3A_282 = tpu.memref_slice %arg3[%dma_wait3A_280, %dma_wait3A_281] : memref<2560x128xi32, #tpu.memory_space<hbm>> -> memref<1x128xi32, #tpu.memory_space<hbm>>
      %dma_wait3A_283 = tpu.memref_squeeze %dma_wait3A_282 : memref<1x128xi32, #tpu.memory_space<hbm>> -> memref<128xi32, #tpu.memory_space<hbm>>
      %dma_wait3A_284 = arith.constant 0 : i32
      %dma_wait3A_285 = tpu.memref_slice %arg3[%dma_wait3A_280, %dma_wait3A_284] : memref<2560x128xi32, #tpu.memory_space<hbm>> -> memref<1x128xi32, #tpu.memory_space<hbm>>
      %dma_wait3A_286 = tpu.memref_squeeze %dma_wait3A_285 : memref<1x128xi32, #tpu.memory_space<hbm>> -> memref<128xi32, #tpu.memory_space<hbm>>
      tpu.wait_dma2 semaphore(%arg19 : memref<!tpu.dma_semaphore, #tpu.memory_space<semaphore_mem>>) src(%dma_wait3A_286 : memref<128xi32, #tpu.memory_space<hbm>>) dst(%arg10 : memref<128xi32, #tpu.memory_space<vmem>>)
      %dma_start3A_287 = arith.constant 0 : i32
      %dma_start3A_288 = arith.constant 0 : i32
      %dma_start3A_289 = tpu.memref_slice %arg14[%dma_start3A_287, %dma_start3A_288] : memref<10240x128xf32, #tpu.memory_space<vmem_shared>> -> memref<10240x128xf32, #tpu.memory_space<vmem_shared>>
      tpu.enqueue_indirect_dma source(%arg12 : memref<128x128xf32, #tpu.memory_space<vmem>>) target(%dma_start3A_289 : memref<10240x128xf32, #tpu.memory_space<vmem_shared>>) offsets(%arg10 : memref<128xi32, #tpu.memory_space<vmem>>) semaphore(%arg23 : memref<!tpu.dma_semaphore, #tpu.memory_space<semaphore_mem>>) {add = true}
      %add3A_290 = arith.constant 2 : i32
      %add3A_291 = arith.addi %add3A_273, %add3A_290 : i32
      %mul3A_292 = arith.constant 80 : i32
      %mul3A_293 = arith.muli %add3A, %mul3A_292 : i32
      %add3A_294 = arith.addi %mul3A_293, %add3A_291 : i32
      %dma_start3A_295 = arith.constant 0 : i32
      %dma_start3A_296 = tpu.memref_slice %arg3[%add3A_294, %dma_start3A_295] : memref<2560x128xi32, #tpu.memory_space<hbm>> -> memref<1x128xi32, #tpu.memory_space<hbm>>
      %dma_start3A_297 = tpu.memref_squeeze %dma_start3A_296 : memref<1x128xi32, #tpu.memory_space<hbm>> -> memref<128xi32, #tpu.memory_space<hbm>>
      %dma_start3A_298 = arith.constant 0 : i32
      %dma_start3A_299 = tpu.memref_slice %arg3[%add3A_294, %dma_start3A_298] : memref<2560x128xi32, #tpu.memory_space<hbm>> -> memref<1x128xi32, #tpu.memory_space<hbm>>
      %dma_start3A_300 = tpu.memref_squeeze %dma_start3A_299 : memref<1x128xi32, #tpu.memory_space<hbm>> -> memref<128xi32, #tpu.memory_space<hbm>>
      tpu.enqueue_dma source(%dma_start3A_300 : memref<128xi32, #tpu.memory_space<hbm>>) target(%arg6 : memref<128xi32, #tpu.memory_space<vmem>>) target_semaphore(%arg15 : memref<!tpu.dma_semaphore, #tpu.memory_space<semaphore_mem>>)
      %mul3A_301 = arith.constant 80 : i32
      %mul3A_302 = arith.muli %add3A, %mul3A_301 : i32
      %add3A_303 = arith.addi %mul3A_302, %add3A_291 : i32
      %dma_start3A_304 = arith.constant 0 : i32
      %dma_start3A_305 = tpu.memref_slice %arg4[%add3A_303, %dma_start3A_304] : memref<2560x128xi32, #tpu.memory_space<hbm>> -> memref<1x128xi32, #tpu.memory_space<hbm>>
      %dma_start3A_306 = tpu.memref_squeeze %dma_start3A_305 : memref<1x128xi32, #tpu.memory_space<hbm>> -> memref<128xi32, #tpu.memory_space<hbm>>
      %dma_start3A_307 = arith.constant 0 : i32
      %dma_start3A_308 = tpu.memref_slice %arg4[%add3A_303, %dma_start3A_307] : memref<2560x128xi32, #tpu.memory_space<hbm>> -> memref<1x128xi32, #tpu.memory_space<hbm>>
      %dma_start3A_309 = tpu.memref_squeeze %dma_start3A_308 : memref<1x128xi32, #tpu.memory_space<hbm>> -> memref<128xi32, #tpu.memory_space<hbm>>
      tpu.enqueue_dma source(%dma_start3A_309 : memref<128xi32, #tpu.memory_space<hbm>>) target(%arg8 : memref<128xi32, #tpu.memory_space<vmem>>) target_semaphore(%arg17 : memref<!tpu.dma_semaphore, #tpu.memory_space<semaphore_mem>>)
      %dma_wait3A_310 = arith.constant 0 : i32
      %dma_wait3A_311 = arith.constant 0 : i32
      %dma_wait3A_312 = tpu.memref_slice %arg2[%dma_wait3A_310, %dma_wait3A_311] : memref<10000x128xf32, #tpu.memory_space<hbm>> -> memref<128x128xf32, #tpu.memory_space<hbm>>
      %dma_wait3A_313 = arith.constant 0 : i32
      %dma_wait3A_314 = arith.constant 0 : i32
      %dma_wait3A_315 = tpu.memref_slice %arg2[%dma_wait3A_313, %dma_wait3A_314] : memref<10000x128xf32, #tpu.memory_space<hbm>> -> memref<128x128xf32, #tpu.memory_space<hbm>>
      tpu.wait_dma2 semaphore(%arg24 : memref<!tpu.dma_semaphore, #tpu.memory_space<semaphore_mem>>) src(%dma_wait3A_315 : memref<128x128xf32, #tpu.memory_space<hbm>>) dst(%arg13 : memref<128x128xf32, #tpu.memory_space<vmem>>)
      %dma_wait3A_316 = arith.constant 0 : i32
      %dma_wait3A_317 = arith.constant 0 : i32
      %dma_wait3A_318 = tpu.memref_slice %arg3[%dma_wait3A_316, %dma_wait3A_317] : memref<2560x128xi32, #tpu.memory_space<hbm>> -> memref<1x128xi32, #tpu.memory_space<hbm>>
      %dma_wait3A_319 = tpu.memref_squeeze %dma_wait3A_318 : memref<1x128xi32, #tpu.memory_space<hbm>> -> memref<128xi32, #tpu.memory_space<hbm>>
      %dma_wait3A_320 = arith.constant 0 : i32
      %dma_wait3A_321 = tpu.memref_slice %arg3[%dma_wait3A_316, %dma_wait3A_320] : memref<2560x128xi32, #tpu.memory_space<hbm>> -> memref<1x128xi32, #tpu.memory_space<hbm>>
      %dma_wait3A_322 = tpu.memref_squeeze %dma_wait3A_321 : memref<1x128xi32, #tpu.memory_space<hbm>> -> memref<128xi32, #tpu.memory_space<hbm>>
      tpu.wait_dma2 semaphore(%arg16 : memref<!tpu.dma_semaphore, #tpu.memory_space<semaphore_mem>>) src(%dma_wait3A_322 : memref<128xi32, #tpu.memory_space<hbm>>) dst(%arg7 : memref<128xi32, #tpu.memory_space<vmem>>)
      %dma_start3A_323 = arith.constant 0 : i32
      %dma_start3A_324 = arith.constant 0 : i32
      %dma_start3A_325 = tpu.memref_slice %arg2[%dma_start3A_323, %dma_start3A_324] : memref<10000x128xf32, #tpu.memory_space<hbm>> -> memref<10000x128xf32, #tpu.memory_space<hbm>>
      tpu.enqueue_indirect_dma source(%dma_start3A_325 : memref<10000x128xf32, #tpu.memory_space<hbm>>) target(%arg13 : memref<128x128xf32, #tpu.memory_space<vmem>>) offsets(%arg7 : memref<128xi32, #tpu.memory_space<vmem>>) semaphore(%arg22 : memref<!tpu.dma_semaphore, #tpu.memory_space<semaphore_mem>>)
      %add3A_326 = arith.constant 1 : i32
      %add3A_327 = arith.addi %add3A_271, %add3A_326 : i32
      %dma_wait3A_328 = arith.constant 0 : i32
      %dma_wait3A_329 = arith.constant 0 : i32
      %dma_wait3A_330 = tpu.memref_slice %arg2[%dma_wait3A_328, %dma_wait3A_329] : memref<10000x128xf32, #tpu.memory_space<hbm>> -> memref<128x128xf32, #tpu.memory_space<hbm>>
      %dma_wait3A_331 = arith.constant 0 : i32
      %dma_wait3A_332 = arith.constant 0 : i32
      %dma_wait3A_333 = tpu.memref_slice %arg2[%dma_wait3A_331, %dma_wait3A_332] : memref<10000x128xf32, #tpu.memory_space<hbm>> -> memref<128x128xf32, #tpu.memory_space<hbm>>
      tpu.wait_dma2 semaphore(%arg22 : memref<!tpu.dma_semaphore, #tpu.memory_space<semaphore_mem>>) src(%dma_wait3A_333 : memref<128x128xf32, #tpu.memory_space<hbm>>) dst(%arg13 : memref<128x128xf32, #tpu.memory_space<vmem>>)
      %dma_wait3A_334 = arith.constant 0 : i32
      %dma_wait3A_335 = arith.constant 0 : i32
      %dma_wait3A_336 = tpu.memref_slice %arg3[%dma_wait3A_334, %dma_wait3A_335] : memref<2560x128xi32, #tpu.memory_space<hbm>> -> memref<1x128xi32, #tpu.memory_space<hbm>>
      %dma_wait3A_337 = tpu.memref_squeeze %dma_wait3A_336 : memref<1x128xi32, #tpu.memory_space<hbm>> -> memref<128xi32, #tpu.memory_space<hbm>>
      %dma_wait3A_338 = arith.constant 0 : i32
      %dma_wait3A_339 = tpu.memref_slice %arg3[%dma_wait3A_334, %dma_wait3A_338] : memref<2560x128xi32, #tpu.memory_space<hbm>> -> memref<1x128xi32, #tpu.memory_space<hbm>>
      %dma_wait3A_340 = tpu.memref_squeeze %dma_wait3A_339 : memref<1x128xi32, #tpu.memory_space<hbm>> -> memref<128xi32, #tpu.memory_space<hbm>>
      tpu.wait_dma2 semaphore(%arg20 : memref<!tpu.dma_semaphore, #tpu.memory_space<semaphore_mem>>) src(%dma_wait3A_340 : memref<128xi32, #tpu.memory_space<hbm>>) dst(%arg11 : memref<128xi32, #tpu.memory_space<vmem>>)
      %dma_start3A_341 = arith.constant 0 : i32
      %dma_start3A_342 = arith.constant 0 : i32
      %dma_start3A_343 = tpu.memref_slice %arg14[%dma_start3A_341, %dma_start3A_342] : memref<10240x128xf32, #tpu.memory_space<vmem_shared>> -> memref<10240x128xf32, #tpu.memory_space<vmem_shared>>
      tpu.enqueue_indirect_dma source(%arg13 : memref<128x128xf32, #tpu.memory_space<vmem>>) target(%dma_start3A_343 : memref<10240x128xf32, #tpu.memory_space<vmem_shared>>) offsets(%arg11 : memref<128xi32, #tpu.memory_space<vmem>>) semaphore(%arg24 : memref<!tpu.dma_semaphore, #tpu.memory_space<semaphore_mem>>) {add = true}
      %add3A_344 = arith.constant 2 : i32
      %add3A_345 = arith.addi %add3A_327, %add3A_344 : i32
      %mul3A_346 = arith.constant 80 : i32
      %mul3A_347 = arith.muli %add3A, %mul3A_346 : i32
      %add3A_348 = arith.addi %mul3A_347, %add3A_345 : i32
      %dma_start3A_349 = arith.constant 0 : i32
      %dma_start3A_350 = tpu.memref_slice %arg3[%add3A_348, %dma_start3A_349] : memref<2560x128xi32, #tpu.memory_space<hbm>> -> memref<1x128xi32, #tpu.memory_space<hbm>>
      %dma_start3A_351 = tpu.memref_squeeze %dma_start3A_350 : memref<1x128xi32, #tpu.memory_space<hbm>> -> memref<128xi32, #tpu.memory_space<hbm>>
      %dma_start3A_352 = arith.constant 0 : i32
      %dma_start3A_353 = tpu.memref_slice %arg3[%add3A_348, %dma_start3A_352] : memref<2560x128xi32, #tpu.memory_space<hbm>> -> memref<1x128xi32, #tpu.memory_space<hbm>>
      %dma_start3A_354 = tpu.memref_squeeze %dma_start3A_353 : memref<1x128xi32, #tpu.memory_space<hbm>> -> memref<128xi32, #tpu.memory_space<hbm>>
      tpu.enqueue_dma source(%dma_start3A_354 : memref<128xi32, #tpu.memory_space<hbm>>) target(%arg7 : memref<128xi32, #tpu.memory_space<vmem>>) target_semaphore(%arg16 : memref<!tpu.dma_semaphore, #tpu.memory_space<semaphore_mem>>)
      %mul3A_355 = arith.constant 80 : i32
      %mul3A_356 = arith.muli %add3A, %mul3A_355 : i32
      %add3A_357 = arith.addi %mul3A_356, %add3A_345 : i32
      %dma_start3A_358 = arith.constant 0 : i32
      %dma_start3A_359 = tpu.memref_slice %arg4[%add3A_357, %dma_start3A_358] : memref<2560x128xi32, #tpu.memory_space<hbm>> -> memref<1x128xi32, #tpu.memory_space<hbm>>
      %dma_start3A_360 = tpu.memref_squeeze %dma_start3A_359 : memref<1x128xi32, #tpu.memory_space<hbm>> -> memref<128xi32, #tpu.memory_space<hbm>>
      %dma_start3A_361 = arith.constant 0 : i32
      %dma_start3A_362 = tpu.memref_slice %arg4[%add3A_357, %dma_start3A_361] : memref<2560x128xi32, #tpu.memory_space<hbm>> -> memref<1x128xi32, #tpu.memory_space<hbm>>
      %dma_start3A_363 = tpu.memref_squeeze %dma_start3A_362 : memref<1x128xi32, #tpu.memory_space<hbm>> -> memref<128xi32, #tpu.memory_space<hbm>>
      tpu.enqueue_dma source(%dma_start3A_363 : memref<128xi32, #tpu.memory_space<hbm>>) target(%arg9 : memref<128xi32, #tpu.memory_space<vmem>>) target_semaphore(%arg18 : memref<!tpu.dma_semaphore, #tpu.memory_space<semaphore_mem>>)
      %dma_wait3A_364 = arith.constant 0 : i32
      %dma_wait3A_365 = arith.constant 0 : i32
      %dma_wait3A_366 = tpu.memref_slice %arg2[%dma_wait3A_364, %dma_wait3A_365] : memref<10000x128xf32, #tpu.memory_space<hbm>> -> memref<128x128xf32, #tpu.memory_space<hbm>>
      %dma_wait3A_367 = arith.constant 0 : i32
      %dma_wait3A_368 = arith.constant 0 : i32
      %dma_wait3A_369 = tpu.memref_slice %arg2[%dma_wait3A_367, %dma_wait3A_368] : memref<10000x128xf32, #tpu.memory_space<hbm>> -> memref<128x128xf32, #tpu.memory_space<hbm>>
      tpu.wait_dma2 semaphore(%arg23 : memref<!tpu.dma_semaphore, #tpu.memory_space<semaphore_mem>>) src(%dma_wait3A_369 : memref<128x128xf32, #tpu.memory_space<hbm>>) dst(%arg12 : memref<128x128xf32, #tpu.memory_space<vmem>>)
      %dma_wait3A_370 = arith.constant 0 : i32
      %dma_wait3A_371 = arith.constant 0 : i32
      %dma_wait3A_372 = tpu.memref_slice %arg3[%dma_wait3A_370, %dma_wait3A_371] : memref<2560x128xi32, #tpu.memory_space<hbm>> -> memref<1x128xi32, #tpu.memory_space<hbm>>
      %dma_wait3A_373 = tpu.memref_squeeze %dma_wait3A_372 : memref<1x128xi32, #tpu.memory_space<hbm>> -> memref<128xi32, #tpu.memory_space<hbm>>
      %dma_wait3A_374 = arith.constant 0 : i32
      %dma_wait3A_375 = tpu.memref_slice %arg3[%dma_wait3A_370, %dma_wait3A_374] : memref<2560x128xi32, #tpu.memory_space<hbm>> -> memref<1x128xi32, #tpu.memory_space<hbm>>
      %dma_wait3A_376 = tpu.memref_squeeze %dma_wait3A_375 : memref<1x128xi32, #tpu.memory_space<hbm>> -> memref<128xi32, #tpu.memory_space<hbm>>
      tpu.wait_dma2 semaphore(%arg15 : memref<!tpu.dma_semaphore, #tpu.memory_space<semaphore_mem>>) src(%dma_wait3A_376 : memref<128xi32, #tpu.memory_space<hbm>>) dst(%arg6 : memref<128xi32, #tpu.memory_space<vmem>>)
      %dma_start3A_377 = arith.constant 0 : i32
      %dma_start3A_378 = arith.constant 0 : i32
      %dma_start3A_379 = tpu.memref_slice %arg2[%dma_start3A_377, %dma_start3A_378] : memref<10000x128xf32, #tpu.memory_space<hbm>> -> memref<10000x128xf32, #tpu.memory_space<hbm>>
      tpu.enqueue_indirect_dma source(%dma_start3A_379 : memref<10000x128xf32, #tpu.memory_space<hbm>>) target(%arg12 : memref<128x128xf32, #tpu.memory_space<vmem>>) offsets(%arg6 : memref<128xi32, #tpu.memory_space<vmem>>) semaphore(%arg21 : memref<!tpu.dma_semaphore, #tpu.memory_space<semaphore_mem>>)
      %add3A_380 = arith.constant 2 : i32
      %add3A_381 = arith.addi %add3A_271, %add3A_380 : i32
      %dma_wait3A_382 = arith.constant 0 : i32
      %dma_wait3A_383 = arith.constant 0 : i32
      %dma_wait3A_384 = tpu.memref_slice %arg2[%dma_wait3A_382, %dma_wait3A_383] : memref<10000x128xf32, #tpu.memory_space<hbm>> -> memref<128x128xf32, #tpu.memory_space<hbm>>
      %dma_wait3A_385 = arith.constant 0 : i32
      %dma_wait3A_386 = arith.constant 0 : i32
      %dma_wait3A_387 = tpu.memref_slice %arg2[%dma_wait3A_385, %dma_wait3A_386] : memref<10000x128xf32, #tpu.memory_space<hbm>> -> memref<128x128xf32, #tpu.memory_space<hbm>>
      tpu.wait_dma2 semaphore(%arg21 : memref<!tpu.dma_semaphore, #tpu.memory_space<semaphore_mem>>) src(%dma_wait3A_387 : memref<128x128xf32, #tpu.memory_space<hbm>>) dst(%arg12 : memref<128x128xf32, #tpu.memory_space<vmem>>)
      %dma_wait3A_388 = arith.constant 0 : i32
      %dma_wait3A_389 = arith.constant 0 : i32
      %dma_wait3A_390 = tpu.memref_slice %arg3[%dma_wait3A_388, %dma_wait3A_389] : memref<2560x128xi32, #tpu.memory_space<hbm>> -> memref<1x128xi32, #tpu.memory_space<hbm>>
      %dma_wait3A_391 = tpu.memref_squeeze %dma_wait3A_390 : memref<1x128xi32, #tpu.memory_space<hbm>> -> memref<128xi32, #tpu.memory_space<hbm>>
      %dma_wait3A_392 = arith.constant 0 : i32
      %dma_wait3A_393 = tpu.memref_slice %arg3[%dma_wait3A_388, %dma_wait3A_392] : memref<2560x128xi32, #tpu.memory_space<hbm>> -> memref<1x128xi32, #tpu.memory_space<hbm>>
      %dma_wait3A_394 = tpu.memref_squeeze %dma_wait3A_393 : memref<1x128xi32, #tpu.memory_space<hbm>> -> memref<128xi32, #tpu.memory_space<hbm>>
      tpu.wait_dma2 semaphore(%arg17 : memref<!tpu.dma_semaphore, #tpu.memory_space<semaphore_mem>>) src(%dma_wait3A_394 : memref<128xi32, #tpu.memory_space<hbm>>) dst(%arg8 : memref<128xi32, #tpu.memory_space<vmem>>)
      %dma_start3A_395 = arith.constant 0 : i32
      %dma_start3A_396 = arith.constant 0 : i32
      %dma_start3A_397 = tpu.memref_slice %arg14[%dma_start3A_395, %dma_start3A_396] : memref<10240x128xf32, #tpu.memory_space<vmem_shared>> -> memref<10240x128xf32, #tpu.memory_space<vmem_shared>>
      tpu.enqueue_indirect_dma source(%arg12 : memref<128x128xf32, #tpu.memory_space<vmem>>) target(%dma_start3A_397 : memref<10240x128xf32, #tpu.memory_space<vmem_shared>>) offsets(%arg8 : memref<128xi32, #tpu.memory_space<vmem>>) semaphore(%arg23 : memref<!tpu.dma_semaphore, #tpu.memory_space<semaphore_mem>>) {add = true}
      %add3A_398 = arith.constant 2 : i32
      %add3A_399 = arith.addi %add3A_381, %add3A_398 : i32
      %mul3A_400 = arith.constant 80 : i32
      %mul3A_401 = arith.muli %add3A, %mul3A_400 : i32
      %add3A_402 = arith.addi %mul3A_401, %add3A_399 : i32
      %dma_start3A_403 = arith.constant 0 : i32
      %dma_start3A_404 = tpu.memref_slice %arg3[%add3A_402, %dma_start3A_403] : memref<2560x128xi32, #tpu.memory_space<hbm>> -> memref<1x128xi32, #tpu.memory_space<hbm>>
      %dma_start3A_405 = tpu.memref_squeeze %dma_start3A_404 : memref<1x128xi32, #tpu.memory_space<hbm>> -> memref<128xi32, #tpu.memory_space<hbm>>
      %dma_start3A_406 = arith.constant 0 : i32
      %dma_start3A_407 = tpu.memref_slice %arg3[%add3A_402, %dma_start3A_406] : memref<2560x128xi32, #tpu.memory_space<hbm>> -> memref<1x128xi32, #tpu.memory_space<hbm>>
      %dma_start3A_408 = tpu.memref_squeeze %dma_start3A_407 : memref<1x128xi32, #tpu.memory_space<hbm>> -> memref<128xi32, #tpu.memory_space<hbm>>
      tpu.enqueue_dma source(%dma_start3A_408 : memref<128xi32, #tpu.memory_space<hbm>>) target(%arg6 : memref<128xi32, #tpu.memory_space<vmem>>) target_semaphore(%arg15 : memref<!tpu.dma_semaphore, #tpu.memory_space<semaphore_mem>>)
      %mul3A_409 = arith.constant 80 : i32
      %mul3A_410 = arith.muli %add3A, %mul3A_409 : i32
      %add3A_411 = arith.addi %mul3A_410, %add3A_399 : i32
      %dma_start3A_412 = arith.constant 0 : i32
      %dma_start3A_413 = tpu.memref_slice %arg4[%add3A_411, %dma_start3A_412] : memref<2560x128xi32, #tpu.memory_space<hbm>> -> memref<1x128xi32, #tpu.memory_space<hbm>>
      %dma_start3A_414 = tpu.memref_squeeze %dma_start3A_413 : memref<1x128xi32, #tpu.memory_space<hbm>> -> memref<128xi32, #tpu.memory_space<hbm>>
      %dma_start3A_415 = arith.constant 0 : i32
      %dma_start3A_416 = tpu.memref_slice %arg4[%add3A_411, %dma_start3A_415] : memref<2560x128xi32, #tpu.memory_space<hbm>> -> memref<1x128xi32, #tpu.memory_space<hbm>>
      %dma_start3A_417 = tpu.memref_squeeze %dma_start3A_416 : memref<1x128xi32, #tpu.memory_space<hbm>> -> memref<128xi32, #tpu.memory_space<hbm>>
      tpu.enqueue_dma source(%dma_start3A_417 : memref<128xi32, #tpu.memory_space<hbm>>) target(%arg10 : memref<128xi32, #tpu.memory_space<vmem>>) target_semaphore(%arg19 : memref<!tpu.dma_semaphore, #tpu.memory_space<semaphore_mem>>)
      %dma_wait3A_418 = arith.constant 0 : i32
      %dma_wait3A_419 = arith.constant 0 : i32
      %dma_wait3A_420 = tpu.memref_slice %arg2[%dma_wait3A_418, %dma_wait3A_419] : memref<10000x128xf32, #tpu.memory_space<hbm>> -> memref<128x128xf32, #tpu.memory_space<hbm>>
      %dma_wait3A_421 = arith.constant 0 : i32
      %dma_wait3A_422 = arith.constant 0 : i32
      %dma_wait3A_423 = tpu.memref_slice %arg2[%dma_wait3A_421, %dma_wait3A_422] : memref<10000x128xf32, #tpu.memory_space<hbm>> -> memref<128x128xf32, #tpu.memory_space<hbm>>
      tpu.wait_dma2 semaphore(%arg24 : memref<!tpu.dma_semaphore, #tpu.memory_space<semaphore_mem>>) src(%dma_wait3A_423 : memref<128x128xf32, #tpu.memory_space<hbm>>) dst(%arg13 : memref<128x128xf32, #tpu.memory_space<vmem>>)
      %dma_wait3A_424 = arith.constant 0 : i32
      %dma_wait3A_425 = arith.constant 0 : i32
      %dma_wait3A_426 = tpu.memref_slice %arg3[%dma_wait3A_424, %dma_wait3A_425] : memref<2560x128xi32, #tpu.memory_space<hbm>> -> memref<1x128xi32, #tpu.memory_space<hbm>>
      %dma_wait3A_427 = tpu.memref_squeeze %dma_wait3A_426 : memref<1x128xi32, #tpu.memory_space<hbm>> -> memref<128xi32, #tpu.memory_space<hbm>>
      %dma_wait3A_428 = arith.constant 0 : i32
      %dma_wait3A_429 = tpu.memref_slice %arg3[%dma_wait3A_424, %dma_wait3A_428] : memref<2560x128xi32, #tpu.memory_space<hbm>> -> memref<1x128xi32, #tpu.memory_space<hbm>>
      %dma_wait3A_430 = tpu.memref_squeeze %dma_wait3A_429 : memref<1x128xi32, #tpu.memory_space<hbm>> -> memref<128xi32, #tpu.memory_space<hbm>>
      tpu.wait_dma2 semaphore(%arg16 : memref<!tpu.dma_semaphore, #tpu.memory_space<semaphore_mem>>) src(%dma_wait3A_430 : memref<128xi32, #tpu.memory_space<hbm>>) dst(%arg7 : memref<128xi32, #tpu.memory_space<vmem>>)
      %dma_start3A_431 = arith.constant 0 : i32
      %dma_start3A_432 = arith.constant 0 : i32
      %dma_start3A_433 = tpu.memref_slice %arg2[%dma_start3A_431, %dma_start3A_432] : memref<10000x128xf32, #tpu.memory_space<hbm>> -> memref<10000x128xf32, #tpu.memory_space<hbm>>
      tpu.enqueue_indirect_dma source(%dma_start3A_433 : memref<10000x128xf32, #tpu.memory_space<hbm>>) target(%arg13 : memref<128x128xf32, #tpu.memory_space<vmem>>) offsets(%arg7 : memref<128xi32, #tpu.memory_space<vmem>>) semaphore(%arg22 : memref<!tpu.dma_semaphore, #tpu.memory_space<semaphore_mem>>)
      %add3A_434 = arith.constant 3 : i32
      %add3A_435 = arith.addi %add3A_271, %add3A_434 : i32
      %dma_wait3A_436 = arith.constant 0 : i32
      %dma_wait3A_437 = arith.constant 0 : i32
      %dma_wait3A_438 = tpu.memref_slice %arg2[%dma_wait3A_436, %dma_wait3A_437] : memref<10000x128xf32, #tpu.memory_space<hbm>> -> memref<128x128xf32, #tpu.memory_space<hbm>>
      %dma_wait3A_439 = arith.constant 0 : i32
      %dma_wait3A_440 = arith.constant 0 : i32
      %dma_wait3A_441 = tpu.memref_slice %arg2[%dma_wait3A_439, %dma_wait3A_440] : memref<10000x128xf32, #tpu.memory_space<hbm>> -> memref<128x128xf32, #tpu.memory_space<hbm>>
      tpu.wait_dma2 semaphore(%arg22 : memref<!tpu.dma_semaphore, #tpu.memory_space<semaphore_mem>>) src(%dma_wait3A_441 : memref<128x128xf32, #tpu.memory_space<hbm>>) dst(%arg13 : memref<128x128xf32, #tpu.memory_space<vmem>>)
      %dma_wait3A_442 = arith.constant 0 : i32
      %dma_wait3A_443 = arith.constant 0 : i32
      %dma_wait3A_444 = tpu.memref_slice %arg3[%dma_wait3A_442, %dma_wait3A_443] : memref<2560x128xi32, #tpu.memory_space<hbm>> -> memref<1x128xi32, #tpu.memory_space<hbm>>
      %dma_wait3A_445 = tpu.memref_squeeze %dma_wait3A_444 : memref<1x128xi32, #tpu.memory_space<hbm>> -> memref<128xi32, #tpu.memory_space<hbm>>
      %dma_wait3A_446 = arith.constant 0 : i32
      %dma_wait3A_447 = tpu.memref_slice %arg3[%dma_wait3A_442, %dma_wait3A_446] : memref<2560x128xi32, #tpu.memory_space<hbm>> -> memref<1x128xi32, #tpu.memory_space<hbm>>
      %dma_wait3A_448 = tpu.memref_squeeze %dma_wait3A_447 : memref<1x128xi32, #tpu.memory_space<hbm>> -> memref<128xi32, #tpu.memory_space<hbm>>
      tpu.wait_dma2 semaphore(%arg18 : memref<!tpu.dma_semaphore, #tpu.memory_space<semaphore_mem>>) src(%dma_wait3A_448 : memref<128xi32, #tpu.memory_space<hbm>>) dst(%arg9 : memref<128xi32, #tpu.memory_space<vmem>>)
      %dma_start3A_449 = arith.constant 0 : i32
      %dma_start3A_450 = arith.constant 0 : i32
      %dma_start3A_451 = tpu.memref_slice %arg14[%dma_start3A_449, %dma_start3A_450] : memref<10240x128xf32, #tpu.memory_space<vmem_shared>> -> memref<10240x128xf32, #tpu.memory_space<vmem_shared>>
      tpu.enqueue_indirect_dma source(%arg13 : memref<128x128xf32, #tpu.memory_space<vmem>>) target(%dma_start3A_451 : memref<10240x128xf32, #tpu.memory_space<vmem_shared>>) offsets(%arg9 : memref<128xi32, #tpu.memory_space<vmem>>) semaphore(%arg24 : memref<!tpu.dma_semaphore, #tpu.memory_space<semaphore_mem>>) {add = true}
      %add3A_452 = arith.constant 2 : i32
      %add3A_453 = arith.addi %add3A_435, %add3A_452 : i32
      %mul3A_454 = arith.constant 80 : i32
      %mul3A_455 = arith.muli %add3A, %mul3A_454 : i32
      %add3A_456 = arith.addi %mul3A_455, %add3A_453 : i32
      %dma_start3A_457 = arith.constant 0 : i32
      %dma_start3A_458 = tpu.memref_slice %arg3[%add3A_456, %dma_start3A_457] : memref<2560x128xi32, #tpu.memory_space<hbm>> -> memref<1x128xi32, #tpu.memory_space<hbm>>
      %dma_start3A_459 = tpu.memref_squeeze %dma_start3A_458 : memref<1x128xi32, #tpu.memory_space<hbm>> -> memref<128xi32, #tpu.memory_space<hbm>>
      %dma_start3A_460 = arith.constant 0 : i32
      %dma_start3A_461 = tpu.memref_slice %arg3[%add3A_456, %dma_start3A_460] : memref<2560x128xi32, #tpu.memory_space<hbm>> -> memref<1x128xi32, #tpu.memory_space<hbm>>
      %dma_start3A_462 = tpu.memref_squeeze %dma_start3A_461 : memref<1x128xi32, #tpu.memory_space<hbm>> -> memref<128xi32, #tpu.memory_space<hbm>>
      tpu.enqueue_dma source(%dma_start3A_462 : memref<128xi32, #tpu.memory_space<hbm>>) target(%arg7 : memref<128xi32, #tpu.memory_space<vmem>>) target_semaphore(%arg16 : memref<!tpu.dma_semaphore, #tpu.memory_space<semaphore_mem>>)
      %mul3A_463 = arith.constant 80 : i32
      %mul3A_464 = arith.muli %add3A, %mul3A_463 : i32
      %add3A_465 = arith.addi %mul3A_464, %add3A_453 : i32
      %dma_start3A_466 = arith.constant 0 : i32
      %dma_start3A_467 = tpu.memref_slice %arg4[%add3A_465, %dma_start3A_466] : memref<2560x128xi32, #tpu.memory_space<hbm>> -> memref<1x128xi32, #tpu.memory_space<hbm>>
      %dma_start3A_468 = tpu.memref_squeeze %dma_start3A_467 : memref<1x128xi32, #tpu.memory_space<hbm>> -> memref<128xi32, #tpu.memory_space<hbm>>
      %dma_start3A_469 = arith.constant 0 : i32
      %dma_start3A_470 = tpu.memref_slice %arg4[%add3A_465, %dma_start3A_469] : memref<2560x128xi32, #tpu.memory_space<hbm>> -> memref<1x128xi32, #tpu.memory_space<hbm>>
      %dma_start3A_471 = tpu.memref_squeeze %dma_start3A_470 : memref<1x128xi32, #tpu.memory_space<hbm>> -> memref<128xi32, #tpu.memory_space<hbm>>
      tpu.enqueue_dma source(%dma_start3A_471 : memref<128xi32, #tpu.memory_space<hbm>>) target(%arg11 : memref<128xi32, #tpu.memory_space<vmem>>) target_semaphore(%arg20 : memref<!tpu.dma_semaphore, #tpu.memory_space<semaphore_mem>>)
      %dma_wait3A_472 = arith.constant 0 : i32
      %dma_wait3A_473 = arith.constant 0 : i32
      %dma_wait3A_474 = tpu.memref_slice %arg2[%dma_wait3A_472, %dma_wait3A_473] : memref<10000x128xf32, #tpu.memory_space<hbm>> -> memref<128x128xf32, #tpu.memory_space<hbm>>
      %dma_wait3A_475 = arith.constant 0 : i32
      %dma_wait3A_476 = arith.constant 0 : i32
      %dma_wait3A_477 = tpu.memref_slice %arg2[%dma_wait3A_475, %dma_wait3A_476] : memref<10000x128xf32, #tpu.memory_space<hbm>> -> memref<128x128xf32, #tpu.memory_space<hbm>>
      tpu.wait_dma2 semaphore(%arg23 : memref<!tpu.dma_semaphore, #tpu.memory_space<semaphore_mem>>) src(%dma_wait3A_477 : memref<128x128xf32, #tpu.memory_space<hbm>>) dst(%arg12 : memref<128x128xf32, #tpu.memory_space<vmem>>)
      %dma_wait3A_478 = arith.constant 0 : i32
      %dma_wait3A_479 = arith.constant 0 : i32
      %dma_wait3A_480 = tpu.memref_slice %arg3[%dma_wait3A_478, %dma_wait3A_479] : memref<2560x128xi32, #tpu.memory_space<hbm>> -> memref<1x128xi32, #tpu.memory_space<hbm>>
      %dma_wait3A_481 = tpu.memref_squeeze %dma_wait3A_480 : memref<1x128xi32, #tpu.memory_space<hbm>> -> memref<128xi32, #tpu.memory_space<hbm>>
      %dma_wait3A_482 = arith.constant 0 : i32
      %dma_wait3A_483 = tpu.memref_slice %arg3[%dma_wait3A_478, %dma_wait3A_482] : memref<2560x128xi32, #tpu.memory_space<hbm>> -> memref<1x128xi32, #tpu.memory_space<hbm>>
      %dma_wait3A_484 = tpu.memref_squeeze %dma_wait3A_483 : memref<1x128xi32, #tpu.memory_space<hbm>> -> memref<128xi32, #tpu.memory_space<hbm>>
      tpu.wait_dma2 semaphore(%arg15 : memref<!tpu.dma_semaphore, #tpu.memory_space<semaphore_mem>>) src(%dma_wait3A_484 : memref<128xi32, #tpu.memory_space<hbm>>) dst(%arg6 : memref<128xi32, #tpu.memory_space<vmem>>)
      %dma_start3A_485 = arith.constant 0 : i32
      %dma_start3A_486 = arith.constant 0 : i32
      %dma_start3A_487 = tpu.memref_slice %arg2[%dma_start3A_485, %dma_start3A_486] : memref<10000x128xf32, #tpu.memory_space<hbm>> -> memref<10000x128xf32, #tpu.memory_space<hbm>>
      tpu.enqueue_indirect_dma source(%dma_start3A_487 : memref<10000x128xf32, #tpu.memory_space<hbm>>) target(%arg12 : memref<128x128xf32, #tpu.memory_space<vmem>>) offsets(%arg6 : memref<128xi32, #tpu.memory_space<vmem>>) semaphore(%arg21 : memref<!tpu.dma_semaphore, #tpu.memory_space<semaphore_mem>>)
    }
    %scan3A_170 = arith.constant 19 : i32
    %dma_wait3A_171 = arith.constant 0 : i32
    %dma_wait3A_172 = arith.constant 0 : i32
    %dma_wait3A_173 = tpu.memref_slice %arg2[%dma_wait3A_171, %dma_wait3A_172] : memref<10000x128xf32, #tpu.memory_space<hbm>> -> memref<128x128xf32, #tpu.memory_space<hbm>>
    %dma_wait3A_174 = arith.constant 0 : i32
    %dma_wait3A_175 = arith.constant 0 : i32
    %dma_wait3A_176 = tpu.memref_slice %arg2[%dma_wait3A_174, %dma_wait3A_175] : memref<10000x128xf32, #tpu.memory_space<hbm>> -> memref<128x128xf32, #tpu.memory_space<hbm>>
    tpu.wait_dma2 semaphore(%arg21 : memref<!tpu.dma_semaphore, #tpu.memory_space<semaphore_mem>>) src(%dma_wait3A_176 : memref<128x128xf32, #tpu.memory_space<hbm>>) dst(%arg12 : memref<128x128xf32, #tpu.memory_space<vmem>>)
    %dma_wait3A_177 = arith.constant 0 : i32
    %dma_wait3A_178 = arith.constant 0 : i32
    %dma_wait3A_179 = tpu.memref_slice %arg3[%dma_wait3A_177, %dma_wait3A_178] : memref<2560x128xi32, #tpu.memory_space<hbm>> -> memref<1x128xi32, #tpu.memory_space<hbm>>
    %dma_wait3A_180 = tpu.memref_squeeze %dma_wait3A_179 : memref<1x128xi32, #tpu.memory_space<hbm>> -> memref<128xi32, #tpu.memory_space<hbm>>
    %dma_wait3A_181 = arith.constant 0 : i32
    %dma_wait3A_182 = tpu.memref_slice %arg3[%dma_wait3A_177, %dma_wait3A_181] : memref<2560x128xi32, #tpu.memory_space<hbm>> -> memref<1x128xi32, #tpu.memory_space<hbm>>
    %dma_wait3A_183 = tpu.memref_squeeze %dma_wait3A_182 : memref<1x128xi32, #tpu.memory_space<hbm>> -> memref<128xi32, #tpu.memory_space<hbm>>
    tpu.wait_dma2 semaphore(%arg19 : memref<!tpu.dma_semaphore, #tpu.memory_space<semaphore_mem>>) src(%dma_wait3A_183 : memref<128xi32, #tpu.memory_space<hbm>>) dst(%arg10 : memref<128xi32, #tpu.memory_space<vmem>>)
    %dma_start3A_184 = arith.constant 0 : i32
    %dma_start3A_185 = arith.constant 0 : i32
    %dma_start3A_186 = tpu.memref_slice %arg14[%dma_start3A_184, %dma_start3A_185] : memref<10240x128xf32, #tpu.memory_space<vmem_shared>> -> memref<10240x128xf32, #tpu.memory_space<vmem_shared>>
    tpu.enqueue_indirect_dma source(%arg12 : memref<128x128xf32, #tpu.memory_space<vmem>>) target(%dma_start3A_186 : memref<10240x128xf32, #tpu.memory_space<vmem_shared>>) offsets(%arg10 : memref<128xi32, #tpu.memory_space<vmem>>) semaphore(%arg23 : memref<!tpu.dma_semaphore, #tpu.memory_space<semaphore_mem>>) {add = true}
    %dma_wait3A_187 = arith.constant 0 : i32
    %dma_wait3A_188 = arith.constant 0 : i32
    %dma_wait3A_189 = tpu.memref_slice %arg2[%dma_wait3A_187, %dma_wait3A_188] : memref<10000x128xf32, #tpu.memory_space<hbm>> -> memref<128x128xf32, #tpu.memory_space<hbm>>
    %dma_wait3A_190 = arith.constant 0 : i32
    %dma_wait3A_191 = arith.constant 0 : i32
    %dma_wait3A_192 = tpu.memref_slice %arg2[%dma_wait3A_190, %dma_wait3A_191] : memref<10000x128xf32, #tpu.memory_space<hbm>> -> memref<128x128xf32, #tpu.memory_space<hbm>>
    tpu.wait_dma2 semaphore(%arg24 : memref<!tpu.dma_semaphore, #tpu.memory_space<semaphore_mem>>) src(%dma_wait3A_192 : memref<128x128xf32, #tpu.memory_space<hbm>>) dst(%arg13 : memref<128x128xf32, #tpu.memory_space<vmem>>)
    %dma_wait3A_193 = arith.constant 0 : i32
    %dma_wait3A_194 = arith.constant 0 : i32
    %dma_wait3A_195 = tpu.memref_slice %arg3[%dma_wait3A_193, %dma_wait3A_194] : memref<2560x128xi32, #tpu.memory_space<hbm>> -> memref<1x128xi32, #tpu.memory_space<hbm>>
    %dma_wait3A_196 = tpu.memref_squeeze %dma_wait3A_195 : memref<1x128xi32, #tpu.memory_space<hbm>> -> memref<128xi32, #tpu.memory_space<hbm>>
    %dma_wait3A_197 = arith.constant 0 : i32
    %dma_wait3A_198 = tpu.memref_slice %arg3[%dma_wait3A_193, %dma_wait3A_197] : memref<2560x128xi32, #tpu.memory_space<hbm>> -> memref<1x128xi32, #tpu.memory_space<hbm>>
    %dma_wait3A_199 = tpu.memref_squeeze %dma_wait3A_198 : memref<1x128xi32, #tpu.memory_space<hbm>> -> memref<128xi32, #tpu.memory_space<hbm>>
    tpu.wait_dma2 semaphore(%arg16 : memref<!tpu.dma_semaphore, #tpu.memory_space<semaphore_mem>>) src(%dma_wait3A_199 : memref<128xi32, #tpu.memory_space<hbm>>) dst(%arg7 : memref<128xi32, #tpu.memory_space<vmem>>)
    %dma_start3A_200 = arith.constant 0 : i32
    %dma_start3A_201 = arith.constant 0 : i32
    %dma_start3A_202 = tpu.memref_slice %arg2[%dma_start3A_200, %dma_start3A_201] : memref<10000x128xf32, #tpu.memory_space<hbm>> -> memref<10000x128xf32, #tpu.memory_space<hbm>>
    tpu.enqueue_indirect_dma source(%dma_start3A_202 : memref<10000x128xf32, #tpu.memory_space<hbm>>) target(%arg13 : memref<128x128xf32, #tpu.memory_space<vmem>>) offsets(%arg7 : memref<128xi32, #tpu.memory_space<vmem>>) semaphore(%arg22 : memref<!tpu.dma_semaphore, #tpu.memory_space<semaphore_mem>>)
    %dma_wait3A_203 = arith.constant 0 : i32
    %dma_wait3A_204 = arith.constant 0 : i32
    %dma_wait3A_205 = tpu.memref_slice %arg2[%dma_wait3A_203, %dma_wait3A_204] : memref<10000x128xf32, #tpu.memory_space<hbm>> -> memref<128x128xf32, #tpu.memory_space<hbm>>
    %dma_wait3A_206 = arith.constant 0 : i32
    %dma_wait3A_207 = arith.constant 0 : i32
    %dma_wait3A_208 = tpu.memref_slice %arg2[%dma_wait3A_206, %dma_wait3A_207] : memref<10000x128xf32, #tpu.memory_space<hbm>> -> memref<128x128xf32, #tpu.memory_space<hbm>>
    tpu.wait_dma2 semaphore(%arg22 : memref<!tpu.dma_semaphore, #tpu.memory_space<semaphore_mem>>) src(%dma_wait3A_208 : memref<128x128xf32, #tpu.memory_space<hbm>>) dst(%arg13 : memref<128x128xf32, #tpu.memory_space<vmem>>)
    %dma_wait3A_209 = arith.constant 0 : i32
    %dma_wait3A_210 = arith.constant 0 : i32
    %dma_wait3A_211 = tpu.memref_slice %arg3[%dma_wait3A_209, %dma_wait3A_210] : memref<2560x128xi32, #tpu.memory_space<hbm>> -> memref<1x128xi32, #tpu.memory_space<hbm>>
    %dma_wait3A_212 = tpu.memref_squeeze %dma_wait3A_211 : memref<1x128xi32, #tpu.memory_space<hbm>> -> memref<128xi32, #tpu.memory_space<hbm>>
    %dma_wait3A_213 = arith.constant 0 : i32
    %dma_wait3A_214 = tpu.memref_slice %arg3[%dma_wait3A_209, %dma_wait3A_213] : memref<2560x128xi32, #tpu.memory_space<hbm>> -> memref<1x128xi32, #tpu.memory_space<hbm>>
    %dma_wait3A_215 = tpu.memref_squeeze %dma_wait3A_214 : memref<1x128xi32, #tpu.memory_space<hbm>> -> memref<128xi32, #tpu.memory_space<hbm>>
    tpu.wait_dma2 semaphore(%arg20 : memref<!tpu.dma_semaphore, #tpu.memory_space<semaphore_mem>>) src(%dma_wait3A_215 : memref<128xi32, #tpu.memory_space<hbm>>) dst(%arg11 : memref<128xi32, #tpu.memory_space<vmem>>)
    %dma_start3A_216 = arith.constant 0 : i32
    %dma_start3A_217 = arith.constant 0 : i32
    %dma_start3A_218 = tpu.memref_slice %arg14[%dma_start3A_216, %dma_start3A_217] : memref<10240x128xf32, #tpu.memory_space<vmem_shared>> -> memref<10240x128xf32, #tpu.memory_space<vmem_shared>>
    tpu.enqueue_indirect_dma source(%arg13 : memref<128x128xf32, #tpu.memory_space<vmem>>) target(%dma_start3A_218 : memref<10240x128xf32, #tpu.memory_space<vmem_shared>>) offsets(%arg11 : memref<128xi32, #tpu.memory_space<vmem>>) semaphore(%arg24 : memref<!tpu.dma_semaphore, #tpu.memory_space<semaphore_mem>>) {add = true}
    %dma_wait3A_219 = arith.constant 0 : i32
    %dma_wait3A_220 = arith.constant 0 : i32
    %dma_wait3A_221 = tpu.memref_slice %arg2[%dma_wait3A_219, %dma_wait3A_220] : memref<10000x128xf32, #tpu.memory_space<hbm>> -> memref<128x128xf32, #tpu.memory_space<hbm>>
    %dma_wait3A_222 = arith.constant 0 : i32
    %dma_wait3A_223 = arith.constant 0 : i32
    %dma_wait3A_224 = tpu.memref_slice %arg2[%dma_wait3A_222, %dma_wait3A_223] : memref<10000x128xf32, #tpu.memory_space<hbm>> -> memref<128x128xf32, #tpu.memory_space<hbm>>
    tpu.wait_dma2 semaphore(%arg23 : memref<!tpu.dma_semaphore, #tpu.memory_space<semaphore_mem>>) src(%dma_wait3A_224 : memref<128x128xf32, #tpu.memory_space<hbm>>) dst(%arg12 : memref<128x128xf32, #tpu.memory_space<vmem>>)
    %dma_wait3A_225 = arith.constant 0 : i32
    %dma_wait3A_226 = arith.constant 0 : i32
    %dma_wait3A_227 = tpu.memref_slice %arg2[%dma_wait3A_225, %dma_wait3A_226] : memref<10000x128xf32, #tpu.memory_space<hbm>> -> memref<128x128xf32, #tpu.memory_space<hbm>>
    %dma_wait3A_228 = arith.constant 0 : i32
    %dma_wait3A_229 = arith.constant 0 : i32
    %dma_wait3A_230 = tpu.memref_slice %arg2[%dma_wait3A_228, %dma_wait3A_229] : memref<10000x128xf32, #tpu.memory_space<hbm>> -> memref<128x128xf32, #tpu.memory_space<hbm>>
    tpu.wait_dma2 semaphore(%arg24 : memref<!tpu.dma_semaphore, #tpu.memory_space<semaphore_mem>>) src(%dma_wait3A_230 : memref<128x128xf32, #tpu.memory_space<hbm>>) dst(%arg13 : memref<128x128xf32, #tpu.memory_space<vmem>>)
    %barrier3A_231 = arith.constant 0 : index
    tpu.barrier barrier_id(%barrier3A_231)
    %add3A_232 = arith.constant 0 : i32
    %add3A_233 = arith.addi %mul3A_2, %add3A_232 : i32
    "tpu.region"() ({
      %run_scoped3A = tpu.sem_alloc : memref<!tpu.dma_semaphore, #tpu.memory_space<semaphore_mem>>
      %dma_start3A_267 = arith.constant 0 : i32
      %dma_start3A_268 = tpu.memref_slice %arg14[%add3A_233, %dma_start3A_267] : memref<10240x128xf32, #tpu.memory_space<vmem_shared>> -> memref<128x128xf32, #tpu.memory_space<vmem_shared>>
      %dma_start3A_269 = arith.constant 0 : i32
      %dma_start3A_270 = tpu.memref_slice %arg14[%add3A_233, %dma_start3A_269] : memref<10240x128xf32, #tpu.memory_space<vmem_shared>> -> memref<128x128xf32, #tpu.memory_space<vmem_shared>>
      tpu.enqueue_dma source(%dma_start3A_270 : memref<128x128xf32, #tpu.memory_space<vmem_shared>>) target(%arg12 : memref<128x128xf32, #tpu.memory_space<vmem>>) target_semaphore(%run_scoped3A : memref<!tpu.dma_semaphore, #tpu.memory_space<semaphore_mem>>)
      %dma_wait3A_271 = arith.constant 0 : i32
      %dma_wait3A_272 = tpu.memref_slice %arg14[%add3A_233, %dma_wait3A_271] : memref<10240x128xf32, #tpu.memory_space<vmem_shared>> -> memref<128x128xf32, #tpu.memory_space<vmem_shared>>
      %dma_wait3A_273 = arith.constant 0 : i32
      %dma_wait3A_274 = tpu.memref_slice %arg14[%add3A_233, %dma_wait3A_273] : memref<10240x128xf32, #tpu.memory_space<vmem_shared>> -> memref<128x128xf32, #tpu.memory_space<vmem_shared>>
      tpu.wait_dma2 semaphore(%run_scoped3A : memref<!tpu.dma_semaphore, #tpu.memory_space<semaphore_mem>>) src(%dma_wait3A_274 : memref<128x128xf32, #tpu.memory_space<vmem_shared>>) dst(%arg12 : memref<128x128xf32, #tpu.memory_space<vmem>>)
      tpu.yield
    }) : () -> ()
    %mul3A_234 = arith.constant 10240 : i32
    %mul3A_235 = arith.muli %arg0, %mul3A_234 : i32
    %add3A_236 = arith.addi %mul3A_235, %mul3A_2 : i32
    %add3A_237 = arith.constant 0 : i32
    %add3A_238 = arith.addi %add3A_236, %add3A_237 : i32
    "tpu.region"() ({
      %run_scoped3A = tpu.sem_alloc : memref<!tpu.dma_semaphore, #tpu.memory_space<semaphore_mem>>
      %dma_start3A_267 = arith.constant 0 : i32
      %dma_start3A_268 = tpu.memref_slice %arg5[%add3A_238, %dma_start3A_267] : memref<20480x128xf32, #tpu.memory_space<hbm>> -> memref<128x128xf32, #tpu.memory_space<hbm>>
      %dma_start3A_269 = arith.constant 0 : i32
      %dma_start3A_270 = tpu.memref_slice %arg5[%add3A_238, %dma_start3A_269] : memref<20480x128xf32, #tpu.memory_space<hbm>> -> memref<128x128xf32, #tpu.memory_space<hbm>>
      tpu.enqueue_dma source(%arg12 : memref<128x128xf32, #tpu.memory_space<vmem>>) target(%dma_start3A_270 : memref<128x128xf32, #tpu.memory_space<hbm>>) target_semaphore(%run_scoped3A : memref<!tpu.dma_semaphore, #tpu.memory_space<semaphore_mem>>)
      %dma_wait3A_271 = arith.constant 0 : i32
      %dma_wait3A_272 = tpu.memref_slice %arg5[%add3A_238, %dma_wait3A_271] : memref<20480x128xf32, #tpu.memory_space<hbm>> -> memref<128x128xf32, #tpu.memory_space<hbm>>
      %dma_wait3A_273 = arith.constant 0 : i32
      %dma_wait3A_274 = tpu.memref_slice %arg5[%add3A_238, %dma_wait3A_273] : memref<20480x128xf32, #tpu.memory_space<hbm>> -> memref<128x128xf32, #tpu.memory_space<hbm>>
      tpu.wait_dma2 semaphore(%run_scoped3A : memref<!tpu.dma_semaphore, #tpu.memory_space<semaphore_mem>>) src(%arg12 : memref<128x128xf32, #tpu.memory_space<vmem>>) dst(%dma_wait3A_274 : memref<128x128xf32, #tpu.memory_space<hbm>>)
      tpu.yield
    }) : () -> ()
    %add3A_239 = arith.constant 128 : i32
    %add3A_240 = arith.addi %mul3A_2, %add3A_239 : i32
    "tpu.region"() ({
      %run_scoped3A = tpu.sem_alloc : memref<!tpu.dma_semaphore, #tpu.memory_space<semaphore_mem>>
      %dma_start3A_267 = arith.constant 0 : i32
      %dma_start3A_268 = tpu.memref_slice %arg14[%add3A_240, %dma_start3A_267] : memref<10240x128xf32, #tpu.memory_space<vmem_shared>> -> memref<128x128xf32, #tpu.memory_space<vmem_shared>>
      %dma_start3A_269 = arith.constant 0 : i32
      %dma_start3A_270 = tpu.memref_slice %arg14[%add3A_240, %dma_start3A_269] : memref<10240x128xf32, #tpu.memory_space<vmem_shared>> -> memref<128x128xf32, #tpu.memory_space<vmem_shared>>
      tpu.enqueue_dma source(%dma_start3A_270 : memref<128x128xf32, #tpu.memory_space<vmem_shared>>) target(%arg12 : memref<128x128xf32, #tpu.memory_space<vmem>>) target_semaphore(%run_scoped3A : memref<!tpu.dma_semaphore, #tpu.memory_space<semaphore_mem>>)
      %dma_wait3A_271 = arith.constant 0 : i32
      %dma_wait3A_272 = tpu.memref_slice %arg14[%add3A_240, %dma_wait3A_271] : memref<10240x128xf32, #tpu.memory_space<vmem_shared>> -> memref<128x128xf32, #tpu.memory_space<vmem_shared>>
      %dma_wait3A_273 = arith.constant 0 : i32
      %dma_wait3A_274 = tpu.memref_slice %arg14[%add3A_240, %dma_wait3A_273] : memref<10240x128xf32, #tpu.memory_space<vmem_shared>> -> memref<128x128xf32, #tpu.memory_space<vmem_shared>>
      tpu.wait_dma2 semaphore(%run_scoped3A : memref<!tpu.dma_semaphore, #tpu.memory_space<semaphore_mem>>) src(%dma_wait3A_274 : memref<128x128xf32, #tpu.memory_space<vmem_shared>>) dst(%arg12 : memref<128x128xf32, #tpu.memory_space<vmem>>)
      tpu.yield
    }) : () -> ()
    %mul3A_241 = arith.constant 10240 : i32
    %mul3A_242 = arith.muli %arg0, %mul3A_241 : i32
    %add3A_243 = arith.addi %mul3A_242, %mul3A_2 : i32
    %add3A_244 = arith.constant 128 : i32
    %add3A_245 = arith.addi %add3A_243, %add3A_244 : i32
    "tpu.region"() ({
      %run_scoped3A = tpu.sem_alloc : memref<!tpu.dma_semaphore, #tpu.memory_space<semaphore_mem>>
      %dma_start3A_267 = arith.constant 0 : i32
      %dma_start3A_268 = tpu.memref_slice %arg5[%add3A_245, %dma_start3A_267] : memref<20480x128xf32, #tpu.memory_space<hbm>> -> memref<128x128xf32, #tpu.memory_space<hbm>>
      %dma_start3A_269 = arith.constant 0 : i32
      %dma_start3A_270 = tpu.memref_slice %arg5[%add3A_245, %dma_start3A_269] : memref<20480x128xf32, #tpu.memory_space<hbm>> -> memref<128x128xf32, #tpu.memory_space<hbm>>
      tpu.enqueue_dma source(%arg12 : memref<128x128xf32, #tpu.memory_space<vmem>>) target(%dma_start3A_270 : memref<128x128xf32, #tpu.memory_space<hbm>>) target_semaphore(%run_scoped3A : memref<!tpu.dma_semaphore, #tpu.memory_space<semaphore_mem>>)
      %dma_wait3A_271 = arith.constant 0 : i32
      %dma_wait3A_272 = tpu.memref_slice %arg5[%add3A_245, %dma_wait3A_271] : memref<20480x128xf32, #tpu.memory_space<hbm>> -> memref<128x128xf32, #tpu.memory_space<hbm>>
      %dma_wait3A_273 = arith.constant 0 : i32
      %dma_wait3A_274 = tpu.memref_slice %arg5[%add3A_245, %dma_wait3A_273] : memref<20480x128xf32, #tpu.memory_space<hbm>> -> memref<128x128xf32, #tpu.memory_space<hbm>>
      tpu.wait_dma2 semaphore(%run_scoped3A : memref<!tpu.dma_semaphore, #tpu.memory_space<semaphore_mem>>) src(%arg12 : memref<128x128xf32, #tpu.memory_space<vmem>>) dst(%dma_wait3A_274 : memref<128x128xf32, #tpu.memory_space<hbm>>)
      tpu.yield
    }) : () -> ()
    %add3A_246 = arith.constant 256 : i32
    %add3A_247 = arith.addi %mul3A_2, %add3A_246 : i32
    "tpu.region"() ({
      %run_scoped3A = tpu.sem_alloc : memref<!tpu.dma_semaphore, #tpu.memory_space<semaphore_mem>>
      %dma_start3A_267 = arith.constant 0 : i32
      %dma_start3A_268 = tpu.memref_slice %arg14[%add3A_247, %dma_start3A_267] : memref<10240x128xf32, #tpu.memory_space<vmem_shared>> -> memref<128x128xf32, #tpu.memory_space<vmem_shared>>
      %dma_start3A_269 = arith.constant 0 : i32
      %dma_start3A_270 = tpu.memref_slice %arg14[%add3A_247, %dma_start3A_269] : memref<10240x128xf32, #tpu.memory_space<vmem_shared>> -> memref<128x128xf32, #tpu.memory_space<vmem_shared>>
      tpu.enqueue_dma source(%dma_start3A_270 : memref<128x128xf32, #tpu.memory_space<vmem_shared>>) target(%arg12 : memref<128x128xf32, #tpu.memory_space<vmem>>) target_semaphore(%run_scoped3A : memref<!tpu.dma_semaphore, #tpu.memory_space<semaphore_mem>>)
      %dma_wait3A_271 = arith.constant 0 : i32
      %dma_wait3A_272 = tpu.memref_slice %arg14[%add3A_247, %dma_wait3A_271] : memref<10240x128xf32, #tpu.memory_space<vmem_shared>> -> memref<128x128xf32, #tpu.memory_space<vmem_shared>>
      %dma_wait3A_273 = arith.constant 0 : i32
      %dma_wait3A_274 = tpu.memref_slice %arg14[%add3A_247, %dma_wait3A_273] : memref<10240x128xf32, #tpu.memory_space<vmem_shared>> -> memref<128x128xf32, #tpu.memory_space<vmem_shared>>
      tpu.wait_dma2 semaphore(%run_scoped3A : memref<!tpu.dma_semaphore, #tpu.memory_space<semaphore_mem>>) src(%dma_wait3A_274 : memref<128x128xf32, #tpu.memory_space<vmem_shared>>) dst(%arg12 : memref<128x128xf32, #tpu.memory_space<vmem>>)
      tpu.yield
    }) : () -> ()
    %mul3A_248 = arith.constant 10240 : i32
    %mul3A_249 = arith.muli %arg0, %mul3A_248 : i32
    %add3A_250 = arith.addi %mul3A_249, %mul3A_2 : i32
    %add3A_251 = arith.constant 256 : i32
    %add3A_252 = arith.addi %add3A_250, %add3A_251 : i32
    "tpu.region"() ({
      %run_scoped3A = tpu.sem_alloc : memref<!tpu.dma_semaphore, #tpu.memory_space<semaphore_mem>>
      %dma_start3A_267 = arith.constant 0 : i32
      %dma_start3A_268 = tpu.memref_slice %arg5[%add3A_252, %dma_start3A_267] : memref<20480x128xf32, #tpu.memory_space<hbm>> -> memref<128x128xf32, #tpu.memory_space<hbm>>
      %dma_start3A_269 = arith.constant 0 : i32
      %dma_start3A_270 = tpu.memref_slice %arg5[%add3A_252, %dma_start3A_269] : memref<20480x128xf32, #tpu.memory_space<hbm>> -> memref<128x128xf32, #tpu.memory_space<hbm>>
      tpu.enqueue_dma source(%arg12 : memref<128x128xf32, #tpu.memory_space<vmem>>) target(%dma_start3A_270 : memref<128x128xf32, #tpu.memory_space<hbm>>) target_semaphore(%run_scoped3A : memref<!tpu.dma_semaphore, #tpu.memory_space<semaphore_mem>>)
      %dma_wait3A_271 = arith.constant 0 : i32
      %dma_wait3A_272 = tpu.memref_slice %arg5[%add3A_252, %dma_wait3A_271] : memref<20480x128xf32, #tpu.memory_space<hbm>> -> memref<128x128xf32, #tpu.memory_space<hbm>>
      %dma_wait3A_273 = arith.constant 0 : i32
      %dma_wait3A_274 = tpu.memref_slice %arg5[%add3A_252, %dma_wait3A_273] : memref<20480x128xf32, #tpu.memory_space<hbm>> -> memref<128x128xf32, #tpu.memory_space<hbm>>
      tpu.wait_dma2 semaphore(%run_scoped3A : memref<!tpu.dma_semaphore, #tpu.memory_space<semaphore_mem>>) src(%arg12 : memref<128x128xf32, #tpu.memory_space<vmem>>) dst(%dma_wait3A_274 : memref<128x128xf32, #tpu.memory_space<hbm>>)
      tpu.yield
    }) : () -> ()
    %add3A_253 = arith.constant 384 : i32
    %add3A_254 = arith.addi %mul3A_2, %add3A_253 : i32
    "tpu.region"() ({
      %run_scoped3A = tpu.sem_alloc : memref<!tpu.dma_semaphore, #tpu.memory_space<semaphore_mem>>
      %dma_start3A_267 = arith.constant 0 : i32
      %dma_start3A_268 = tpu.memref_slice %arg14[%add3A_254, %dma_start3A_267] : memref<10240x128xf32, #tpu.memory_space<vmem_shared>> -> memref<128x128xf32, #tpu.memory_space<vmem_shared>>
      %dma_start3A_269 = arith.constant 0 : i32
      %dma_start3A_270 = tpu.memref_slice %arg14[%add3A_254, %dma_start3A_269] : memref<10240x128xf32, #tpu.memory_space<vmem_shared>> -> memref<128x128xf32, #tpu.memory_space<vmem_shared>>
      tpu.enqueue_dma source(%dma_start3A_270 : memref<128x128xf32, #tpu.memory_space<vmem_shared>>) target(%arg12 : memref<128x128xf32, #tpu.memory_space<vmem>>) target_semaphore(%run_scoped3A : memref<!tpu.dma_semaphore, #tpu.memory_space<semaphore_mem>>)
      %dma_wait3A_271 = arith.constant 0 : i32
      %dma_wait3A_272 = tpu.memref_slice %arg14[%add3A_254, %dma_wait3A_271] : memref<10240x128xf32, #tpu.memory_space<vmem_shared>> -> memref<128x128xf32, #tpu.memory_space<vmem_shared>>
      %dma_wait3A_273 = arith.constant 0 : i32
      %dma_wait3A_274 = tpu.memref_slice %arg14[%add3A_254, %dma_wait3A_273] : memref<10240x128xf32, #tpu.memory_space<vmem_shared>> -> memref<128x128xf32, #tpu.memory_space<vmem_shared>>
      tpu.wait_dma2 semaphore(%run_scoped3A : memref<!tpu.dma_semaphore, #tpu.memory_space<semaphore_mem>>) src(%dma_wait3A_274 : memref<128x128xf32, #tpu.memory_space<vmem_shared>>) dst(%arg12 : memref<128x128xf32, #tpu.memory_space<vmem>>)
      tpu.yield
    }) : () -> ()
    %mul3A_255 = arith.constant 10240 : i32
    %mul3A_256 = arith.muli %arg0, %mul3A_255 : i32
    %add3A_257 = arith.addi %mul3A_256, %mul3A_2 : i32
    %add3A_258 = arith.constant 384 : i32
    %add3A_259 = arith.addi %add3A_257, %add3A_258 : i32
    "tpu.region"() ({
      %run_scoped3A = tpu.sem_alloc : memref<!tpu.dma_semaphore, #tpu.memory_space<semaphore_mem>>
      %dma_start3A_267 = arith.constant 0 : i32
      %dma_start3A_268 = tpu.memref_slice %arg5[%add3A_259, %dma_start3A_267] : memref<20480x128xf32, #tpu.memory_space<hbm>> -> memref<128x128xf32, #tpu.memory_space<hbm>>
      %dma_start3A_269 = arith.constant 0 : i32
      %dma_start3A_270 = tpu.memref_slice %arg5[%add3A_259, %dma_start3A_269] : memref<20480x128xf32, #tpu.memory_space<hbm>> -> memref<128x128xf32, #tpu.memory_space<hbm>>
      tpu.enqueue_dma source(%arg12 : memref<128x128xf32, #tpu.memory_space<vmem>>) target(%dma_start3A_270 : memref<128x128xf32, #tpu.memory_space<hbm>>) target_semaphore(%run_scoped3A : memref<!tpu.dma_semaphore, #tpu.memory_space<semaphore_mem>>)
      %dma_wait3A_271 = arith.constant 0 : i32
      %dma_wait3A_272 = tpu.memref_slice %arg5[%add3A_259, %dma_wait3A_271] : memref<20480x128xf32, #tpu.memory_space<hbm>> -> memref<128x128xf32, #tpu.memory_space<hbm>>
      %dma_wait3A_273 = arith.constant 0 : i32
      %dma_wait3A_274 = tpu.memref_slice %arg5[%add3A_259, %dma_wait3A_273] : memref<20480x128xf32, #tpu.memory_space<hbm>> -> memref<128x128xf32, #tpu.memory_space<hbm>>
      tpu.wait_dma2 semaphore(%run_scoped3A : memref<!tpu.dma_semaphore, #tpu.memory_space<semaphore_mem>>) src(%arg12 : memref<128x128xf32, #tpu.memory_space<vmem>>) dst(%dma_wait3A_274 : memref<128x128xf32, #tpu.memory_space<hbm>>)
      tpu.yield
    }) : () -> ()
    %add3A_260 = arith.constant 512 : i32
    %add3A_261 = arith.addi %mul3A_2, %add3A_260 : i32
    "tpu.region"() ({
      %run_scoped3A = tpu.sem_alloc : memref<!tpu.dma_semaphore, #tpu.memory_space<semaphore_mem>>
      %dma_start3A_267 = arith.constant 0 : i32
      %dma_start3A_268 = tpu.memref_slice %arg14[%add3A_261, %dma_start3A_267] : memref<10240x128xf32, #tpu.memory_space<vmem_shared>> -> memref<128x128xf32, #tpu.memory_space<vmem_shared>>
      %dma_start3A_269 = arith.constant 0 : i32
      %dma_start3A_270 = tpu.memref_slice %arg14[%add3A_261, %dma_start3A_269] : memref<10240x128xf32, #tpu.memory_space<vmem_shared>> -> memref<128x128xf32, #tpu.memory_space<vmem_shared>>
      tpu.enqueue_dma source(%dma_start3A_270 : memref<128x128xf32, #tpu.memory_space<vmem_shared>>) target(%arg12 : memref<128x128xf32, #tpu.memory_space<vmem>>) target_semaphore(%run_scoped3A : memref<!tpu.dma_semaphore, #tpu.memory_space<semaphore_mem>>)
      %dma_wait3A_271 = arith.constant 0 : i32
      %dma_wait3A_272 = tpu.memref_slice %arg14[%add3A_261, %dma_wait3A_271] : memref<10240x128xf32, #tpu.memory_space<vmem_shared>> -> memref<128x128xf32, #tpu.memory_space<vmem_shared>>
      %dma_wait3A_273 = arith.constant 0 : i32
      %dma_wait3A_274 = tpu.memref_slice %arg14[%add3A_261, %dma_wait3A_273] : memref<10240x128xf32, #tpu.memory_space<vmem_shared>> -> memref<128x128xf32, #tpu.memory_space<vmem_shared>>
      tpu.wait_dma2 semaphore(%run_scoped3A : memref<!tpu.dma_semaphore, #tpu.memory_space<semaphore_mem>>) src(%dma_wait3A_274 : memref<128x128xf32, #tpu.memory_space<vmem_shared>>) dst(%arg12 : memref<128x128xf32, #tpu.memory_space<vmem>>)
      tpu.yield
    }) : () -> ()
    %mul3A_262 = arith.constant 10240 : i32
    %mul3A_263 = arith.muli %arg0, %mul3A_262 : i32
    %add3A_264 = arith.addi %mul3A_263, %mul3A_2 : i32
    %add3A_265 = arith.constant 512 : i32
    %add3A_266 = arith.addi %add3A_264, %add3A_265 : i32
    "tpu.region"() ({
      %run_scoped3A = tpu.sem_alloc : memref<!tpu.dma_semaphore, #tpu.memory_space<semaphore_mem>>
      %dma_start3A_267 = arith.constant 0 : i32
      %dma_start3A_268 = tpu.memref_slice %arg5[%add3A_266, %dma_start3A_267] : memref<20480x128xf32, #tpu.memory_space<hbm>> -> memref<128x128xf32, #tpu.memory_space<hbm>>
      %dma_start3A_269 = arith.constant 0 : i32
      %dma_start3A_270 = tpu.memref_slice %arg5[%add3A_266, %dma_start3A_269] : memref<20480x128xf32, #tpu.memory_space<hbm>> -> memref<128x128xf32, #tpu.memory_space<hbm>>
      tpu.enqueue_dma source(%arg12 : memref<128x128xf32, #tpu.memory_space<vmem>>) target(%dma_start3A_270 : memref<128x128xf32, #tpu.memory_space<hbm>>) target_semaphore(%run_scoped3A : memref<!tpu.dma_semaphore, #tpu.memory_space<semaphore_mem>>)
      %dma_wait3A_271 = arith.constant 0 : i32
      %dma_wait3A_272 = tpu.memref_slice %arg5[%add3A_266, %dma_wait3A_271] : memref<20480x128xf32, #tpu.memory_space<hbm>> -> memref<128x128xf32, #tpu.memory_space<hbm>>
      %dma_wait3A_273 = arith.constant 0 : i32
      %dma_wait3A_274 = tpu.memref_slice %arg5[%add3A_266, %dma_wait3A_273] : memref<20480x128xf32, #tpu.memory_space<hbm>> -> memref<128x128xf32, #tpu.memory_space<hbm>>
      tpu.wait_dma2 semaphore(%run_scoped3A : memref<!tpu.dma_semaphore, #tpu.memory_space<semaphore_mem>>) src(%arg12 : memref<128x128xf32, #tpu.memory_space<vmem>>) dst(%dma_wait3A_274 : memref<128x128xf32, #tpu.memory_space<hbm>>)
      tpu.yield
    }) : () -> ()
    return
  }
}

module attributes {stable_mosaic.version = 14 : i64} {
  func.func @_tc1_body(%arg0: i32, %arg1: memref<2000x128xf32, #tpu.memory_space<vmem>>, %arg2: memref<128x128xf32, #tpu.memory_space<vmem>>, %arg3: memref<2000x1xf32, #tpu.memory_space<vmem>>, %arg4: memref<2000x1xf32, #tpu.memory_space<vmem>>, %arg5: memref<2000x128xf32, #tpu.memory_space<vmem>>, %arg6: memref<2000x1xf32, #tpu.memory_space<vmem>>) attributes {dimension_semantics = [#tpu.dimension_semantics<arbitrary>], iteration_bounds = array<i64: 5>, scalar_prefetch = 0 : i64, scratch_operands = 0 : i64, tpu.core_type = #tpu.core_type<tc>, window_params = [{transform_indices = @transform_0, window_bounds = array<i64: 2000, 128>}, {pipeline_mode = #tpu.pipeline_mode<synchronous>, transform_indices = @transform_1, window_bounds = array<i64: 128, 128>}, {transform_indices = @transform_2, window_bounds = array<i64: 2000, 1>}, {transform_indices = @transform_3, window_bounds = array<i64: 2000, 1>}, {transform_indices = @transform_4, window_bounds = array<i64: 2000, 128>}, {transform_indices = @transform_5, window_bounds = array<i64: 2000, 1>}]} {
    %get3A = arith.constant 0 : index
    %get3A_0 = arith.constant 0 : index
    %get3A_1 = vector.load %arg3[%get3A, %get3A_0] : memref<2000x1xf32, #tpu.memory_space<vmem>>, vector<2000x1xf32>
    %get3A_2 = arith.constant 0 : index
    %get3A_3 = arith.constant 0 : index
    %get3A_4 = vector.load %arg4[%get3A_2, %get3A_3] : memref<2000x1xf32, #tpu.memory_space<vmem>>, vector<2000x1xf32>
    %add3A = arith.addf %get3A_1, %get3A_4 : vector<2000x1xf32>
    %add3A_5 = arith.constant 1.000000e+00 : f32
    %add3A_6 = vector.broadcast %add3A_5 : f32 to vector<2000x1xf32>
    %add3A_7 = arith.addf %add3A, %add3A_6 : vector<2000x1xf32>
    %rsqrt3A = math.rsqrt %add3A_7 : vector<2000x1xf32>
    %get3A_8 = arith.constant 0 : index
    %get3A_9 = arith.constant 0 : index
    %get3A_10 = vector.load %arg1[%get3A_8, %get3A_9] : memref<2000x128xf32, #tpu.memory_space<vmem>>, vector<2000x128xf32>
    %get3A_11 = arith.constant 0 : index
    %get3A_12 = arith.constant 0 : index
    %get3A_13 = vector.load %arg2[%get3A_11, %get3A_12] : memref<128x128xf32, #tpu.memory_space<vmem>>, vector<128x128xf32>
    %dot_general3A = arith.constant dense<0.000000e+00> : vector<2000x128xf32>
    %dot_general3A_14 = tpu.matmul %get3A_10, %get3A_13, %dot_general3A {dimension_numbers = #tpu.dot_dimension_numbers<[1], [0], [0], [1], [0, 0, 1, 1], [], []>, transpose_lhs_hint = false} : vector<2000x128xf32>, vector<128x128xf32>, vector<2000x128xf32> -> vector<2000x128xf32>
    %mul3A = vector.broadcast %rsqrt3A : vector<2000x1xf32> to vector<2000x128xf32>
    %mul3A_15 = arith.mulf %dot_general3A_14, %mul3A : vector<2000x128xf32>
    %swap3A = arith.constant 0 : index
    %swap3A_16 = arith.constant 0 : index
    %swap3A_17 = vector.load %arg5[%swap3A, %swap3A_16] : memref<2000x128xf32, #tpu.memory_space<vmem>>, vector<2000x128xf32>
    tpu.vector_store %arg5[%swap3A, %swap3A_16], %mul3A_15 {strides = array<i32>} : memref<2000x128xf32, #tpu.memory_space<vmem>>, vector<2000x128xf32>,
    %swap3A_18 = arith.constant 0 : index
    %swap3A_19 = arith.constant 0 : index
    %swap3A_20 = vector.load %arg6[%swap3A_18, %swap3A_19] : memref<2000x1xf32, #tpu.memory_space<vmem>>, vector<2000x1xf32>
    tpu.vector_store %arg6[%swap3A_18, %swap3A_19], %rsqrt3A {strides = array<i32>} : memref<2000x1xf32, #tpu.memory_space<vmem>>, vector<2000x1xf32>,
    return
  }
  func.func @transform_0(%arg0: i32) -> (i32, i32) {
    %c0_i32 = arith.constant 0 : i32
    %c0_i32_0 = arith.constant 0 : i32
    return %arg0, %c0_i32 : i32, i32
  }
  func.func @transform_1(%arg0: i32) -> (i32, i32) {
    %c0_i32 = arith.constant 0 : i32
    %c0_i32_0 = arith.constant 0 : i32
    %c0_i32_1 = arith.constant 0 : i32
    return %c0_i32, %c0_i32_0 : i32, i32
  }
  func.func @transform_2(%arg0: i32) -> (i32, i32) {
    %c0_i32 = arith.constant 0 : i32
    %c0_i32_0 = arith.constant 0 : i32
    return %arg0, %c0_i32 : i32, i32
  }
  func.func @transform_3(%arg0: i32) -> (i32, i32) {
    %c0_i32 = arith.constant 0 : i32
    %c0_i32_0 = arith.constant 0 : i32
    return %arg0, %c0_i32 : i32, i32
  }
  func.func @transform_4(%arg0: i32) -> (i32, i32) {
    %c0_i32 = arith.constant 0 : i32
    %c0_i32_0 = arith.constant 0 : i32
    return %arg0, %c0_i32 : i32, i32
  }
  func.func @transform_5(%arg0: i32) -> (i32, i32) {
    %c0_i32 = arith.constant 0 : i32
    %c0_i32_0 = arith.constant 0 : i32
    return %arg0, %c0_i32 : i32, i32
  }
}

module attributes {stable_mosaic.version = 14 : i64} {
  func.func @_tc2_body(%arg0: i32, %arg1: memref<2000x128xf32, #tpu.memory_space<vmem>>, %arg2: memref<2000x128xf32, #tpu.memory_space<vmem>>, %arg3: memref<2000x128xf32, #tpu.memory_space<vmem>>, %arg4: memref<2000x1xf32, #tpu.memory_space<vmem>>, %arg5: memref<1x128xf32, #tpu.memory_space<vmem>>, %arg6: memref<128x128xf32, #tpu.memory_space<vmem>>, %arg7: memref<2000x128xf32, #tpu.memory_space<vmem>>) attributes {dimension_semantics = [#tpu.dimension_semantics<arbitrary>], iteration_bounds = array<i64: 5>, scalar_prefetch = 0 : i64, scratch_operands = 0 : i64, tpu.core_type = #tpu.core_type<tc>, window_params = [{transform_indices = @transform_0, window_bounds = array<i64: 2000, 128>}, {transform_indices = @transform_1, window_bounds = array<i64: 2000, 128>}, {transform_indices = @transform_2, window_bounds = array<i64: 2000, 128>}, {transform_indices = @transform_3, window_bounds = array<i64: 2000, 1>}, {pipeline_mode = #tpu.pipeline_mode<synchronous>, transform_indices = @transform_4, window_bounds = array<i64: 1, 128>}, {pipeline_mode = #tpu.pipeline_mode<synchronous>, transform_indices = @transform_5, window_bounds = array<i64: 128, 128>}, {transform_indices = @transform_6, window_bounds = array<i64: 2000, 128>}]} {
    %get3A = arith.constant 0 : index
    %get3A_0 = arith.constant 0 : index
    %get3A_1 = vector.load %arg4[%get3A, %get3A_0] : memref<2000x1xf32, #tpu.memory_space<vmem>>, vector<2000x1xf32>
    %get3A_2 = arith.constant 0 : index
    %get3A_3 = arith.constant 0 : index
    %get3A_4 = vector.load %arg1[%get3A_2, %get3A_3] : memref<2000x128xf32, #tpu.memory_space<vmem>>, vector<2000x128xf32>
    %get3A_5 = arith.constant 0 : index
    %get3A_6 = arith.constant 0 : index
    %get3A_7 = vector.load %arg2[%get3A_5, %get3A_6] : memref<2000x128xf32, #tpu.memory_space<vmem>>, vector<2000x128xf32>
    %add3A = arith.addf %get3A_4, %get3A_7 : vector<2000x128xf32>
    %get3A_8 = arith.constant 0 : index
    %get3A_9 = arith.constant 0 : index
    %get3A_10 = vector.load %arg3[%get3A_8, %get3A_9] : memref<2000x128xf32, #tpu.memory_space<vmem>>, vector<2000x128xf32>
    %add3A_11 = arith.addf %add3A, %get3A_10 : vector<2000x128xf32>
    %mul3A = vector.broadcast %get3A_1 : vector<2000x1xf32> to vector<2000x128xf32>
    %mul3A_12 = arith.mulf %add3A_11, %mul3A : vector<2000x128xf32>
    %get3A_13 = arith.constant 0 : index
    %get3A_14 = arith.constant 0 : index
    %get3A_15 = vector.load %arg5[%get3A_13, %get3A_14] : memref<1x128xf32, #tpu.memory_space<vmem>>, vector<1x128xf32>
    %add3A_16 = vector.broadcast %get3A_15 : vector<1x128xf32> to vector<2000x128xf32>
    %add3A_17 = arith.addf %mul3A_12, %add3A_16 : vector<2000x128xf32>
    %max3A = arith.constant 0.000000e+00 : f32
    %max3A_18 = vector.broadcast %max3A : f32 to vector<2000x128xf32>
    %max3A_19 = arith.maximumf %add3A_17, %max3A_18 : vector<2000x128xf32>
    %get3A_20 = arith.constant 0 : index
    %get3A_21 = arith.constant 0 : index
    %get3A_22 = vector.load %arg6[%get3A_20, %get3A_21] : memref<128x128xf32, #tpu.memory_space<vmem>>, vector<128x128xf32>
    %dot_general3A = arith.constant dense<0.000000e+00> : vector<2000x128xf32>
    %dot_general3A_23 = tpu.matmul %max3A_19, %get3A_22, %dot_general3A {dimension_numbers = #tpu.dot_dimension_numbers<[1], [0], [0], [1], [0, 0, 1, 1], [], []>, transpose_lhs_hint = false} : vector<2000x128xf32>, vector<128x128xf32>, vector<2000x128xf32> -> vector<2000x128xf32>
    %mul3A_24 = vector.broadcast %get3A_1 : vector<2000x1xf32> to vector<2000x128xf32>
    %mul3A_25 = arith.mulf %mul3A_24, %dot_general3A_23 : vector<2000x128xf32>
    %swap3A = arith.constant 0 : index
    %swap3A_26 = arith.constant 0 : index
    %swap3A_27 = vector.load %arg7[%swap3A, %swap3A_26] : memref<2000x128xf32, #tpu.memory_space<vmem>>, vector<2000x128xf32>
    tpu.vector_store %arg7[%swap3A, %swap3A_26], %mul3A_25 {strides = array<i32>} : memref<2000x128xf32, #tpu.memory_space<vmem>>, vector<2000x128xf32>,
    return
  }
  func.func @transform_0(%arg0: i32) -> (i32, i32) {
    %c0_i32 = arith.constant 0 : i32
    %c0_i32_0 = arith.constant 0 : i32
    return %arg0, %c0_i32 : i32, i32
  }
  func.func @transform_1(%arg0: i32) -> (i32, i32) {
    %c0_i32 = arith.constant 0 : i32
    %c0_i32_0 = arith.constant 0 : i32
    return %arg0, %c0_i32 : i32, i32
  }
  func.func @transform_2(%arg0: i32) -> (i32, i32) {
    %c0_i32 = arith.constant 0 : i32
    %c0_i32_0 = arith.constant 0 : i32
    return %arg0, %c0_i32 : i32, i32
  }
  func.func @transform_3(%arg0: i32) -> (i32, i32) {
    %c0_i32 = arith.constant 0 : i32
    %c0_i32_0 = arith.constant 0 : i32
    return %arg0, %c0_i32 : i32, i32
  }
  func.func @transform_4(%arg0: i32) -> (i32, i32) {
    %c0_i32 = arith.constant 0 : i32
    %c0_i32_0 = arith.constant 0 : i32
    %c0_i32_1 = arith.constant 0 : i32
    return %c0_i32, %c0_i32_0 : i32, i32
  }
  func.func @transform_5(%arg0: i32) -> (i32, i32) {
    %c0_i32 = arith.constant 0 : i32
    %c0_i32_0 = arith.constant 0 : i32
    %c0_i32_1 = arith.constant 0 : i32
    return %c0_i32, %c0_i32_0 : i32, i32
  }
  func.func @transform_6(%arg0: i32) -> (i32, i32) {
    %c0_i32 = arith.constant 0 : i32
    %c0_i32_0 = arith.constant 0 : i32
    return %arg0, %c0_i32 : i32, i32
  }
}

module attributes {stable_mosaic.version = 14 : i64} {
  func.func @_tc3_body(%arg0: i32, %arg1: memref<2000x128xf32, #tpu.memory_space<vmem>>, %arg2: memref<2000x128xf32, #tpu.memory_space<vmem>>, %arg3: memref<2000x128xf32, #tpu.memory_space<vmem>>, %arg4: memref<2000x1xf32, #tpu.memory_space<vmem>>, %arg5: memref<1x128xf32, #tpu.memory_space<vmem>>, %arg6: memref<2000x128xf32, #tpu.memory_space<vmem>>) attributes {dimension_semantics = [#tpu.dimension_semantics<arbitrary>], iteration_bounds = array<i64: 5>, scalar_prefetch = 0 : i64, scratch_operands = 0 : i64, tpu.core_type = #tpu.core_type<tc>, window_params = [{transform_indices = @transform_0, window_bounds = array<i64: 2000, 128>}, {transform_indices = @transform_1, window_bounds = array<i64: 2000, 128>}, {transform_indices = @transform_2, window_bounds = array<i64: 2000, 128>}, {transform_indices = @transform_3, window_bounds = array<i64: 2000, 1>}, {pipeline_mode = #tpu.pipeline_mode<synchronous>, transform_indices = @transform_4, window_bounds = array<i64: 1, 128>}, {transform_indices = @transform_5, window_bounds = array<i64: 2000, 128>}]} {
    %get3A = arith.constant 0 : index
    %get3A_0 = arith.constant 0 : index
    %get3A_1 = vector.load %arg1[%get3A, %get3A_0] : memref<2000x128xf32, #tpu.memory_space<vmem>>, vector<2000x128xf32>
    %get3A_2 = arith.constant 0 : index
    %get3A_3 = arith.constant 0 : index
    %get3A_4 = vector.load %arg2[%get3A_2, %get3A_3] : memref<2000x128xf32, #tpu.memory_space<vmem>>, vector<2000x128xf32>
    %add3A = arith.addf %get3A_1, %get3A_4 : vector<2000x128xf32>
    %get3A_5 = arith.constant 0 : index
    %get3A_6 = arith.constant 0 : index
    %get3A_7 = vector.load %arg3[%get3A_5, %get3A_6] : memref<2000x128xf32, #tpu.memory_space<vmem>>, vector<2000x128xf32>
    %add3A_8 = arith.addf %add3A, %get3A_7 : vector<2000x128xf32>
    %get3A_9 = arith.constant 0 : index
    %get3A_10 = arith.constant 0 : index
    %get3A_11 = vector.load %arg4[%get3A_9, %get3A_10] : memref<2000x1xf32, #tpu.memory_space<vmem>>, vector<2000x1xf32>
    %mul3A = vector.broadcast %get3A_11 : vector<2000x1xf32> to vector<2000x128xf32>
    %mul3A_12 = arith.mulf %add3A_8, %mul3A : vector<2000x128xf32>
    %get3A_13 = arith.constant 0 : index
    %get3A_14 = arith.constant 0 : index
    %get3A_15 = vector.load %arg5[%get3A_13, %get3A_14] : memref<1x128xf32, #tpu.memory_space<vmem>>, vector<1x128xf32>
    %add3A_16 = vector.broadcast %get3A_15 : vector<1x128xf32> to vector<2000x128xf32>
    %add3A_17 = arith.addf %mul3A_12, %add3A_16 : vector<2000x128xf32>
    %swap3A = arith.constant 0 : index
    %swap3A_18 = arith.constant 0 : index
    %swap3A_19 = vector.load %arg6[%swap3A, %swap3A_18] : memref<2000x128xf32, #tpu.memory_space<vmem>>, vector<2000x128xf32>
    tpu.vector_store %arg6[%swap3A, %swap3A_18], %add3A_17 {strides = array<i32>} : memref<2000x128xf32, #tpu.memory_space<vmem>>, vector<2000x128xf32>,
    return
  }
  func.func @transform_0(%arg0: i32) -> (i32, i32) {
    %c0_i32 = arith.constant 0 : i32
    %c0_i32_0 = arith.constant 0 : i32
    return %arg0, %c0_i32 : i32, i32
  }
  func.func @transform_1(%arg0: i32) -> (i32, i32) {
    %c0_i32 = arith.constant 0 : i32
    %c0_i32_0 = arith.constant 0 : i32
    return %arg0, %c0_i32 : i32, i32
  }
  func.func @transform_2(%arg0: i32) -> (i32, i32) {
    %c0_i32 = arith.constant 0 : i32
    %c0_i32_0 = arith.constant 0 : i32
    return %arg0, %c0_i32 : i32, i32
  }
  func.func @transform_3(%arg0: i32) -> (i32, i32) {
    %c0_i32 = arith.constant 0 : i32
    %c0_i32_0 = arith.constant 0 : i32
    return %arg0, %c0_i32 : i32, i32
  }
  func.func @transform_4(%arg0: i32) -> (i32, i32) {
    %c0_i32 = arith.constant 0 : i32
    %c0_i32_0 = arith.constant 0 : i32
    %c0_i32_1 = arith.constant 0 : i32
    return %c0_i32, %c0_i32_0 : i32, i32
  }
  func.func @transform_5(%arg0: i32) -> (i32, i32) {
    %c0_i32 = arith.constant 0 : i32
    %c0_i32_0 = arith.constant 0 : i32
    return %arg0, %c0_i32 : i32, i32
  }
}

</mosaic_0001>

<sc_bundles>
// kernel: kernel.11.cloned.1.call-start
scs
__scs_entry_jumppad:
0x0: {  	(pc) =	sbr.rel $0x88, $3  }
0x1: {  	(tag) =	ssettag $0x0;
	lr =	simm.s32 $0x1  }
0x2: {  	[smem:$0x3F9B] =	sst lr;
	_ =	strace $0xD0000000  }
0x3: {  	_ = 	snop  }
0x4: {  	_ = 	snop  }
0x5: {  	_ = 	snop  }
0x6: {  	_ = 	snop  }
0x7: {  	_ = 	snop  }
__scs_overlays_trampoline_lowered:
0x8: {  	[smem:$0x3FAA] =	sst s0  }
0x9: {  	[smem:$0x3FAB] =	sst s1  }
0xa: {  	[smem:$0x3FAC] =	sst s2  }
0xb: {  	[smem:$0x3FAD] =	sst s3  }
0xc: {  	[smem:$0x3FAE] =	sst s4  }
0xd: {  	[smem:$0x3FAF] =	sst s5  }
0xe: {  	[smem:$0x3FB0] =	sst s6  }
0xf: {  	[smem:$0x3FB1] =	sst s7  }
0x10: {  	[smem:$0x3FB2] =	sst s8  }
0x11: {  	[smem:$0x3FB3] =	sst s9;
	s0 =	simm.s32 @!p0 $0x0  }
0x12: {  	s1 =	sld [smem:$0x3F99];
	s0 =	simm.s32 @p0 $0x1  }
0x13: {  	[smem:$0x3FB4] =	sst s0;
	s0 =	simm.s32 @!p1 $0x0  }
0x14: {  	s2 =	sld [smem:$0x3F98];
	s0 =	simm.s32 @p1 $0x1  }
0x15: {  	[smem:$0x3FB5] =	sst s0;
	s0 =	simm.s32 @!p2 $0x0  }
0x16: {  	s3 =	sld [smem:$0x3FDB];
	s0 =	simm.s32 @p2 $0x1  }
0x17: {  	s4 =	simm.s32 $0x1BF5;
	[smem:$0x3FB7] =	sst s0  }
0x18: {  	s0 =	sld [smem:$0x3F9A];
	_ =	swait.ge [sflag:s4], $0x0  }
0x19: {  	s7 =	sld [smem:$0x3F9B]  }
0x1a: {  	s8 =	sadd.s32 $0xFFFFE003, lr  }
0x1b: {  	s9 =	sadd.s32 $0xFFFFFEF7, lr;
	s5 =	simm.s32 $0xFFFFFFFF;
	p2 =	slt.u32 s8, $0xFFFFF086  }
0x1c: {  	p1 =	slt.u32 s9, $0xF7A;
	s5 =	simm.s32 @!p2 $0x0  }
0x1d: {  	s5 =	simm.s32 @p1 $0x1;
	p0 =	seq.s32 s7, s2  }
0x1e: {  	s7 =	smul.u32 @!p0 $0xF7A, s2;
	p2 =	seq.s32 @!p0 s5, $0x0  }
0x1f: {  	s9 =	smul.u32 $0xF7A, s1;
	s8 =	simm.s32 @!p0 $0x1BF5;
	p2 =	por !p2, p0  }
0x20: {  	[sflag:s8] =	ssyncset.s32 @!p0 $0xFFFFF086;
	s6 =	sadd.s32 @!p0 s3, s7;
	s7 =	simm.s32 @!p0 $0x108  }
0x21: {  	s3 =	sadd.s32 s3, s9;
	s6 =	sadd.s32 @!p0 $0x88, s6;
	s7 =	simm.s32 @p2 $0x1082  }
0x22: {  	[simem:s7], [sflag:s8] =	dma.local @!p0 [hbm:s6], $0xF7A  }
0x23: {  	s9 =	sor.u32 $0xD0000000, s2;
	s6 =	simm.s32 $0x108;
	_ =	swait.ge @!p0 [sflag:s8], $0x0  }
0x24: {  	s3 =	sadd.s32 $0x88, s3;
	s6 =	simm.s32 @!p1 $0x1082;
	[sflag:s4] =	ssyncset.s32 $0xFFFFF086  }
0x25: {  	[simem:s6], [sflag:s4] =	dma.local [hbm:s3], $0xF7A  }
0x26: {  	[smem:$0x3F9B] =	sst s1;
	(tag) =	ssettag s2;
	_ =	strace s9  }
0x27: {  	s1 =	sld [smem:$0x3FAB]  }
0x28: {  	s2 =	sld [smem:$0x3FAC]  }
0x29: {  	s4 =	sld [smem:$0x3FAE]  }
0x2a: {  	p0 =	seq.s32 s5, $0x0;
	s5 =	sld [smem:$0x3FAF]  }
0x2b: {  	s6 =	sld [smem:$0x3FB0]  }
0x2c: {  	s7 =	sld [smem:$0x3FB1]  }
0x2d: {  	s3 =	simm.s32 $0x108;
	s8 =	sld [smem:$0x3FB2]  }
0x2e: {  	s3 =	simm.s32 @!p0 $0x1082;
	s9 =	sld [smem:$0x3FB3]  }
0x2f: {  	lr =	sadd.s32 s0, s3;
	s0 =	sld [smem:$0x3FAA]  }
0x30: {  	s3 =	sld [smem:$0x3FAD]  }
0x31: {  	[smem:$0x3FB6] =	sst s10  }
0x32: {  	s10 =	sld [smem:$0x3FB4];
	_ =	sdelay $0x3  }
0x33: {  	p0 =	seq.s32 s10, $0x1;
	s10 =	sld [smem:$0x3FB6];
	_ =	sdelay $0x3  }
0x34: {  	[smem:$0x3FB6] =	sst s10  }
0x35: {  	s10 =	sld [smem:$0x3FB5];
	_ =	sdelay $0x3  }
0x36: {  	p1 =	seq.s32 s10, $0x1;
	s10 =	sld [smem:$0x3FB6];
	_ =	sdelay $0x3  }
0x37: {  	[smem:$0x3FB6] =	sst s10  }
0x38: {  	s10 =	sld [smem:$0x3FB7]  }
0x39: {  	_ = 	snop;
	(pc) =	sbr.ind lr, $3  }
0x3a: {  	_ = 	snop  }
0x3b: {  	_ = 	snop  }
0x3c: {  	p2 =	seq.s32 s10, $0x1;
	s10 =	sld [smem:$0x3FB6]  }
0x3d: {  	_ =	shalt  }
0x3e: {  	_ =	shalt  }
0x3f: {  	_ =	shalt  }
0x40: {  	_ =	shalt  }
0x41: {  	_ =	shalt  }
0x42: {  	_ =	shalt  }
0x43: {  	_ =	shalt  }
0x44: {  	_ =	shalt  }
0x45: {  	_ =	shalt  }
0x46: {  	_ =	shalt  }
0x47: {  	_ =	shalt  }
0x48: {  	_ =	shalt  }
0x49: {  	_ =	shalt  }
0x4a: {  	_ =	shalt  }
0x4b: {  	_ =	shalt  }
0x4c: {  	_ =	shalt  }
0x4d: {  	_ =	shalt  }
0x4e: {  	_ =	shalt  }
0x4f: {  	_ =	shalt  }
0x50: {  	_ =	shalt  }
0x51: {  	_ =	shalt  }
0x52: {  	_ =	shalt  }
0x53: {  	_ =	shalt  }
0x54: {  	_ =	shalt  }
0x55: {  	_ =	shalt  }
0x56: {  	_ =	shalt  }
0x57: {  	_ =	shalt  }
0x58: {  	_ =	shalt  }
0x59: {  	_ =	shalt  }
0x5a: {  	_ =	shalt  }
0x5b: {  	_ =	shalt  }
0x5c: {  	_ =	shalt  }
0x5d: {  	_ =	shalt  }
0x5e: {  	_ =	shalt  }
0x5f: {  	_ =	shalt  }
0x60: {  	_ =	shalt  }
0x61: {  	_ =	shalt  }
0x62: {  	_ =	shalt  }
0x63: {  	_ =	shalt  }
0x64: {  	_ =	shalt  }
0x65: {  	_ =	shalt  }
0x66: {  	_ =	shalt  }
0x67: {  	_ =	shalt  }
0x68: {  	_ =	shalt  }
0x69: {  	_ =	shalt  }
0x6a: {  	_ =	shalt  }
0x6b: {  	_ =	shalt  }
0x6c: {  	_ =	shalt  }
0x6d: {  	_ =	shalt  }
0x6e: {  	_ =	shalt  }
0x6f: {  	_ =	shalt  }
0x70: {  	_ =	shalt  }
0x71: {  	_ =	shalt  }
0x72: {  	_ =	shalt  }
0x73: {  	_ =	shalt  }
0x74: {  	_ =	shalt  }
0x75: {  	_ =	shalt  }
0x76: {  	_ =	shalt  }
0x77: {  	_ =	shalt  }
0x78: {  	_ =	shalt  }
0x79: {  	_ =	shalt  }
0x7a: {  	_ =	shalt  }
0x7b: {  	_ =	shalt  }
0x7c: {  	_ =	shalt  }
0x7d: {  	_ =	shalt  }
0x7e: {  	_ =	shalt  }
0x7f: {  	_ =	shalt  }
0x80: {  	_ =	shalt  }
0x81: {  	_ =	shalt  }
0x82: {  	_ =	shalt  }
0x83: {  	_ =	shalt  }
0x84: {  	_ =	shalt  }
0x85: {  	_ =	shalt  }
0x86: {  	_ =	shalt  }
0x87: {  	_ =	shalt  }
.Lfunc_end0:
.L_simem_size_0:
called_computation.1_lowered:
.L_overlay_start_0:
0x88: {  	s2 =	sld [smem:$0x3FD9]  }
0x89: {  	s3 =	sld [smem:$0x3FFE];
	_ =	sdelay $0x1  }
0x8a: {  	s1 =	srdreg.scid  }
0x8b: {  	s0 =	sand.u32 $0x1, s1  }
0x8c: {  	s17 =	sshll.u32 s0, $0xA;
	s2 =	sadd.s32 s3, s2  }
0x8d: {  	s2 =	sadd.s32 s2, s17  }
0x8e: {  	[smem:$0x3FC2] =	sst s2  }
0x8f: {  	_ = 	snop  }
0x90: {  	s2 =	sld [smem:$0x3FD0];
	(tm) =	ssettm $0x1  }
0x91: {  	s18 =	sld [smem:$0x3FFB];
	_ =	sdelay $0x3  }
0x92: {  	_ =	strace s18  }
0x93: {  	s3 =	sld [smem:$0x3FFC];
	_ =	sdelay $0x3  }
0x94: {  	_ =	strace s3  }
0x95: {  	s3 =	sld [smem:$0x3FFD];
	_ =	sdelay $0x3  }
0x96: {  	_ =	strace s3  }
0x97: {  	_ =	strace $0x8FFFFFFF  }
0x98: {  	s19 =	sld [smem:$0x3FDB];
	_ =	sdelay $0x1  }
0x99: {  	s4 =	simm.s32 $_scs_section_size  }
0x9a: {  	s5 =	simm.s32 $_size__tile_overlayer_lowered;
	s6 =	simm.s32 $_tile_overlayer_lowered  }
0x9b: {  	s22 =	simm.s32 $0x1BFF;
	s21 =	sshll.u32 s6, $0x1;
	s3 =	sadd.s32 s4, s19  }
0x9c: {  	s7 =	simm.s32 $0x0;
	s20 =	sshll.u32 s5, $0x1;
	s5 =	sadd.s32 s21, s3  }
0x9d: {  	[timem:s7], [sflag:s22] =	dma.local [hbm:s5], s20  }
0x9e: {  	_ =	swait.ge [sflag:s22], s20  }
0x9f: {  	s4 =	ssub.s32 $0x0, s20;
	[sflag:s22] =	ssyncset.done $0x0  }
0xa0: {  	[sflag:s22] =	ssyncadd.s32 s4;
	_ =	sdelay $0x1  }
0xa1: {  	s23 =	simm.s32 $0x1B8B  }
0xa2: {  	_ =	swait.ge [sflag:s23], $0x1  }
0xa3: {  	[sflag:s23] =	ssyncset.done $0x0  }
0xa4: {  	s25 =	simm.s32 $0x1B8E;
	s24 =	sld [smem:$0x3FFE];
	[sflag:s23] =	ssyncadd.s32 $0xFFFFFFFF  }
0xa5: {  	s26 =	simm.s32 $execute0_lowered;
	[smem:$0x3FD2] =	sst s25  }
0xa6: {  	s5 =	sshll.u32 s26, $0x1;
	_ =	strace $0x80000049;
	[dreg:$0x1] =	wrdreg $0xFFFFFFFF  }
0xa7: {  	s28 =	simm.s32 $_size_execute0_lowered;
	s3 =	sadd.s32 s3, s5;
	[dreg:$0x0] =	wrdreg $0x0  }
0xa8: {  	s5 =	sshll.u32 s28, $0x1;
	[dreg:$0x2] =	wrdreg s3  }
0xa9: {  	[dreg:$0x3] =	wrdreg s5  }
0xaa: {  	[dreg:$0x4] =	wrdreg $0xC0  }
0xab: {  	_ =	task [dreg:s7], $0x5FFFF  }
0xac: {  	[dreg:$0x1] =	wrdreg $0xFFFFFFFF  }
0xad: {  	[dreg:$0x0] =	wrdreg $0x60  }
0xae: {  	[dreg:$0x2] =	wrdreg s2  }
0xaf: {  	[dreg:$0x3] =	wrdreg s24  }
0xb0: {  	[dreg:$0x4] =	wrdreg $0x83000  }
0xb1: {  	[dreg:$0x5] =	wrdreg $0x9  }
0xb2: {  	_ =	task.clear_ibuf [dreg:s7], $0x6FFFF;
	_ =	strace $0x90000049  }
0xb3: {  	s29 =	simm.s32 $0x9;
	_ =	strace $0x8000004B  }
0xb4: {  	_ =	swait.ge [sflag:s29], $0x1  }
0xb5: {  	[sflag:s29] =	ssyncadd.s32 $0xFFFFFFFF  }
0xb6: {  	_ =	strace $0x9000004B  }
0xb7: {  	_ =	sfence  }
0xb8: {  	s30 =	sld [smem:$0x0];
	_ =	sdelay $0x2  }
0xb9: {  	s31 =	sshll.u32 s1, $0xD;
	s1 =	sshrl.u32 s1, $0x2  }
0xba: {  	s3 =	sand.u32 $0x4000, s31;
	s1 =	sadd.s32 s1, s30  }
0xbb: {  	s0 =	sor.u32 s3, s0;
	s1 =	sshll.u32 s1, $0x11  }
0xbc: {  	s0 =	sor.u32 s1, s0  }
0xbd: {  	s0 =	sadd.s32 $0x8F2B, s0  }
0xbe: {  	[sflag:s0] =	ssyncadd.remote.s32 $0x1  }
0xbf: {  	_ =	sfence.sel $0xFFFF  }
0xc0: {  	[dreg:$0x0] =	wrdreg $0xFFFFFFFF;
	(pc) =	sbr.abs _section_cstart, $3  }
0xc1: {  	[dreg:$0x1] =	wrdreg $0xFFFFFFFF  }
0xc2: {  	_ =	task.clear_ibuf [dreg:s7], $0x2FFFF;
	_ =	strace $0x9FFFFFFF  }
0xc3: {  	(tm) =	ssettm $0x7FFFFFFF  }
tec
execute0_lowered:
.L_overlay_start_1:
0x0: {  	(tag) =	ssettag $0x1  }
0x1: {  	s1 =	rddreg [dreg:$0x0]  }
0x2: {  	s0 =	rddreg [dreg:$0x1]  }
0x3: {  	s2 =	srdreg.scid;
	s11 =	stileid.u32  }
0x4: {  	s3 =	rddreg [dreg:$0x2];
	s4 =	simm.s32 $0x0;
	s5 =	smul.u32 $0x280, s11  }
0x5: {  	s29 =	simm.s32 $0x100;
	s30 =	simm.s32 $0x80;
	s8 =	smul.u32 $0x50000, s11  }
0x6: {  	s2 =	sand.u32 $0x1, s2;
	[smem:$0x7FF] =	sst s4;
	s17 =	smul.u32 $0x500, s11  }
0x7: {  	s31 =	simm.s32 $0x180;
	s6 =	smul.u32 $0x2800, s2;
	_ =	strace $0x8000004A  }
0x8: {  	s23 =	sshll.u32 s2, $0x4;
	s9 =	ssub.s32 $0x2, s2;
	s2 =	smul.u32 $0x5000, s2  }
0x9: {  	s10 =	sor.u32 s11, s23;
	s24 =	sshrl.u32 s8, $0x2;
	s25 =	sshrl.u32 s9, $0x1  }
0xa: {  	s11 =	simm.s32 $0xB;
	s6 =	sadd.s32 s5, s6;
	s12 =	smul.u32 $0x500, s10  }
0xb: {  	s5 =	sadd.s32 $0x3600, s0;
	s2 =	sadd.s32 s17, s2;
	s7 =	sshll.u32 s6, $0x4  }
0xc: {  	s6 =	sadd.s32 $0xD600, s0;
	[dreg:$0x4] =	wrdreg s2;
	s14 =	sadd.s32 s5, s12  }
0xd: {  	s0 =	sadd.s32 s7, s0;
	s26 =	sadd.s32 s6, s12;
	[dreg:$0xa] =	wrdreg s14  }
0xe: {  	s7 =	sadd.s32 s24, s3;
	s13 =	sor.u32 $0x10, s12;
	[dreg:$0xb] =	wrdreg s26  }
0xf: {  	s8 =	ssub.s32 s9, s25;
	s28 =	sadd.s32 s5, s13;
	[dreg:$0x5] =	wrdreg s7  }
0x10: {  	s15 =	sor.u32 $0x20, s12;
	s13 =	sadd.s32 s6, s13;
	[dreg:$0xc] =	wrdreg s28  }
0x11: {  	s17 =	simm.s32 $0x4;
	s16 =	sadd.s32 s5, s15;
	[dreg:$0xd] =	wrdreg s13  }
0x12: {  	s12 =	sor.u32 $0x30, s12;
	s18 =	sadd.s32 s6, s15;
	[dreg:$0xe] =	wrdreg s16  }
0x13: {  	s2 =	simm.s32 $0x1;
	s19 =	sadd.s32 s5, s12;
	[dreg:$0xf] =	wrdreg s18  }
0x14: {  	s9 =	sadd.s32 $0x4000, s7;
	s20 =	sadd.s32 s6, s12;
	[dreg:$0x10] =	wrdreg s19  }
0x15: {  	s10 =	sadd.s32 $0x8000, s7;
	s21 =	sadd.s32 $0x3E800, s0;
	[dreg:$0x11] =	wrdreg s20  }
0x16: {  	s23 =	sadd.s32 $0xC000, s7;
	s22 =	sadd.s32 $0x3F000, s0;
	[dreg:$0x12] =	wrdreg s21  }
0x17: {  	s25 =	sadd.s32 $0x10000, s7;
	s24 =	sadd.s32 $0x3F800, s0;
	[dreg:$0x13] =	wrdreg s22  }
0x18: {  	s26 =	sadd.s32 $0x40000, s0;
	s0 =	sadd.s32 $0x40800, s0;
	[dreg:$0x14] =	wrdreg s24  }
0x19: {  	s12 =	simm.s32 $0x3;
	s14 =	simm.s32 $0x2;
	[dreg:$0x15] =	wrdreg s26  }
0x1a: {  	s15 =	simm.s32 $0x4300;
	[dreg:$0x16] =	wrdreg s0;
	s28 =	smax.u32 s8, $0x1  }
0x1b: {  	s26 =	simm.s32 $0x300;
	s0 =	simm.s32 $0x7;
	[dreg:$0x6] =	wrdreg s9  }
0x1c: {  	s13 =	simm.s32 $0x200;
	s16 =	simm.s32 $0x8;
	[dreg:$0x7] =	wrdreg s10  }
0x1d: {  	s18 =	simm.s32 $0x280;
	s19 =	simm.s32 $0x9;
	[dreg:$0x8] =	wrdreg s23  }
0x1e: {  	s20 =	simm.s32 $0x5;
	s21 =	simm.s32 $0xA;
	[dreg:$0x9] =	wrdreg s25  }
0x1f: {  	v0 =	vimm.f32 $0.0e+00;
	s22 =	simm.s32 $0x6;
	s24 =	simm.s32 $0x0;
	[dreg:$0x17] =	wrdreg s28  }
.LBB2_1:
0x20: {  	[dreg:$0x18] =	wrdreg s24;
	s8 =	simm.s32 $0x0;
	s24 =	simm.s32 $0x200  }
.LBB2_2:
0x21: {  	p0 =	sne.s32 s24, $0xFE00;
	[tilespmem:s8+$0x370] =	vst v0  }
0x22: {  	[tilespmem:s8+$0x300] =	vst v0  }
0x23: {  	[tilespmem:s8+$0x310] =	vst v0  }
.Ltmp0:
0x24: {  	[tilespmem:s8+$0x320] =	vst v0;
	(pc) =	sbr.rel @p0 .LBB2_2-.Ltmp0, $4  }
0x25: {  	[tilespmem:s8+$0x330] =	vst v0  }
0x26: {  	[tilespmem:s8+$0x340] =	vst v0  }
0x27: {  	[tilespmem:s8+$0x350] =	vst v0  }
0x28: {  	[tilespmem:s8+$0x360] =	vst v0;
	s8 =	sshra.s32 s24, $0x2;
	s24 =	sadd.s32 $0x200, s24  }
0x29: {  	[tilespmem:s8+$0x370] =	vst v0  }
0x2a: {  	[tilespmem:s8+$0x300] =	vst v0  }
0x2b: {  	[tilespmem:s8+$0x310] =	vst v0  }
0x2c: {  	[tilespmem:s8+$0x320] =	vst v0  }
0x2d: {  	[tilespmem:s8+$0x330] =	vst v0  }
0x2e: {  	[tilespmem:s8+$0x340] =	vst v0  }
0x2f: {  	[tilespmem:s8+$0x350] =	vst v0  }
0x30: {  	[tilespmem:s8+$0x360] =	vst v0  }
0x31: {  	[spmem:s7] =	stream.linear.scatter [tilespmem:s26], [sflag:$0xB], $0x4000, $0x38;
	[tilespmem:$0x1C300] =	vst v63  }
0x32: {  	_ =	swait.ge [sflag:s11], $0x4000  }
0x33: {  	[sflag:s11] =	ssyncset.done $0x0  }
0x34: {  	[sflag:s11] =	ssyncadd.s32 $0xFFFFC000  }
0x35: {  	[spmem:s9] =	stream.linear.scatter [tilespmem:s26], [sflag:$0xB], $0x4000, $0x38;
	[tilespmem:$0x1C300] =	vst v63  }
0x36: {  	_ =	swait.ge [sflag:s11], $0x4000  }
0x37: {  	[sflag:s11] =	ssyncset.done $0x0  }
0x38: {  	[sflag:s11] =	ssyncadd.s32 $0xFFFFC000  }
0x39: {  	[spmem:s10] =	stream.linear.scatter [tilespmem:s26], [sflag:$0xB], $0x4000, $0x38;
	[tilespmem:$0x1C300] =	vst v63  }
0x3a: {  	_ =	swait.ge [sflag:s11], $0x4000  }
0x3b: {  	[sflag:s11] =	ssyncset.done $0x0  }
0x3c: {  	[sflag:s11] =	ssyncadd.s32 $0xFFFFC000  }
0x3d: {  	[spmem:s23] =	stream.linear.scatter [tilespmem:s26], [sflag:$0xB], $0x4000, $0x38;
	[tilespmem:$0x1C300] =	vst v63  }
0x3e: {  	_ =	swait.ge [sflag:s11], $0x4000  }
0x3f: {  	[sflag:s11] =	ssyncset.done $0x0  }
0x40: {  	[sflag:s11] =	ssyncadd.s32 $0xFFFFC000  }
0x41: {  	[spmem:s25] =	stream.linear.scatter [tilespmem:s26], [sflag:$0xB], $0x4000, $0x38;
	[tilespmem:$0x1C300] =	vst v63  }
0x42: {  	_ =	swait.ge [sflag:s11], $0x4000  }
0x43: {  	[sflag:s11] =	ssyncset.done $0x0  }
0x44: {  	[sflag:s11] =	ssyncadd.s32 $0xFFFFC000  }
0x45: {  	[bflag:$0x0] =	sbarrier.arrive $0xFFFF  }
0x46: {  	s28 =	rddreg [dreg:$0xa]  }
0x47: {  	[tilespmem:s4], [sflag:$0x1] =	stream.linear.gather [hbm4b:s28+s4], $0x80, $0x38;
	[tilespmem:$0x1C300] =	vst v63  }
0x48: {  	s8 =	rddreg [dreg:$0xb]  }
0x49: {  	[tilespmem:s29], [sflag:$0x3] =	stream.linear.gather [hbm4b:s8+s4], $0x80, $0x38;
	[tilespmem:$0x1C300] =	vst v63  }
0x4a: {  	s9 =	rddreg [dreg:$0xc]  }
0x4b: {  	[tilespmem:s30], [sflag:$0x2] =	stream.linear.gather [hbm4b:s9+s4], $0x80, $0x38;
	[tilespmem:$0x1C300] =	vst v63  }
0x4c: {  	s10 =	rddreg [dreg:$0xd]  }
0x4d: {  	[tilespmem:s31], [sflag:$0x4] =	stream.linear.gather [hbm4b:s10+s4], $0x80, $0x38;
	[tilespmem:$0x1C300] =	vst v63  }
0x4e: {  	_ =	swait.ge [sflag:s2], $0x80  }
0x4f: {  	[sflag:s2] =	ssyncset.done $0x0  }
0x50: {  	[sflag:s2] =	ssyncadd.s32 $0xFFFFFF80  }
0x51: {  	[tilespmem:s26], [sflag:$0x7] =	stream.indirect.gather [hbm4b:s1+s30], $0x80, s4, s30, $0xb8;
	[tilespmem:$0x1C300] =	vst v63  }
0x52: {  	_ =	swait.ge [sflag:s0], $0x4000  }
0x53: {  	[sflag:s0] =	ssyncset.done $0x0  }
0x54: {  	[sflag:s0] =	ssyncadd.s32 $0xFFFFC000  }
0x55: {  	_ =	swait.ge [sflag:s12], $0x80  }
0x56: {  	[sflag:s12] =	ssyncset.done $0x0  }
0x57: {  	[sflag:s12] =	ssyncadd.s32 $0xFFFFFF80  }
0x58: {  	[spmem:s3] =	stream.indirect.scatter.add.f32 [tilespmem:s26], [sflag:$0x9], $0x80, s29, s30, $0xb8;
	[tilespmem:$0x1C300] =	vst v63  }
0x59: {  	s11 =	rddreg [dreg:$0xe]  }
0x5a: {  	[tilespmem:s4], [sflag:$0x1] =	stream.linear.gather [hbm4b:s11+s4], $0x80, $0x38;
	[tilespmem:$0x1C300] =	vst v63  }
0x5b: {  	s23 =	rddreg [dreg:$0xf]  }
0x5c: {  	[tilespmem:s13], [sflag:$0x5] =	stream.linear.gather [hbm4b:s23+s4], $0x80, $0x38;
	[tilespmem:$0x1C300] =	vst v63  }
0x5d: {  	_ =	swait.ge [sflag:s14], $0x80  }
0x5e: {  	[sflag:s14] =	ssyncset.done $0x0  }
0x5f: {  	[sflag:s14] =	ssyncadd.s32 $0xFFFFFF80  }
0x60: {  	[tilespmem:s15], [sflag:$0x8] =	stream.indirect.gather [hbm4b:s1+s30], $0x80, s30, s30, $0xb8;
	[tilespmem:$0x1C300] =	vst v63  }
0x61: {  	_ =	swait.ge [sflag:s16], $0x4000  }
0x62: {  	[sflag:s16] =	ssyncset.done $0x0  }
0x63: {  	[sflag:s16] =	ssyncadd.s32 $0xFFFFC000  }
0x64: {  	_ =	swait.ge [sflag:s17], $0x80  }
0x65: {  	[sflag:s17] =	ssyncset.done $0x0  }
0x66: {  	[sflag:s17] =	ssyncadd.s32 $0xFFFFFF80  }
0x67: {  	[spmem:s3] =	stream.indirect.scatter.add.f32 [tilespmem:s15], [sflag:$0xA], $0x80, s31, s30, $0xb8;
	[tilespmem:$0x1C300] =	vst v63  }
0x68: {  	s24 =	rddreg [dreg:$0x10]  }
0x69: {  	[tilespmem:s30], [sflag:$0x2] =	stream.linear.gather [hbm4b:s24+s4], $0x80, $0x38;
	[tilespmem:$0x1C300] =	vst v63  }
0x6a: {  	s25 =	rddreg [dreg:$0x11]  }
0x6b: {  	[tilespmem:s18], [sflag:$0x6] =	stream.linear.gather [hbm4b:s25+s4], $0x80, $0x38;
	[tilespmem:$0x1C300] =	vst v63  }
0x6c: {  	_ =	swait.ge [sflag:s19], $0x4000  }
0x6d: {  	[sflag:s19] =	ssyncset.done $0x0  }
0x6e: {  	[sflag:s19] =	ssyncadd.s32 $0xFFFFC000  }
0x6f: {  	_ =	swait.ge [sflag:s2], $0x80  }
0x70: {  	[sflag:s2] =	ssyncset.done $0x0  }
0x71: {  	[sflag:s2] =	ssyncadd.s32 $0xFFFFFF80  }
0x72: {  	[tilespmem:s26], [sflag:$0x7] =	stream.indirect.gather [hbm4b:s1+s30], $0x80, s4, s30, $0xb8;
	[tilespmem:$0x1C300] =	vst v63  }
0x73: {  	_ =	swait.ge [sflag:s0], $0x4000  }
0x74: {  	[sflag:s0] =	ssyncset.done $0x0  }
0x75: {  	[sflag:s0] =	ssyncadd.s32 $0xFFFFC000  }
0x76: {  	_ =	swait.ge [sflag:s20], $0x80  }
0x77: {  	[sflag:s20] =	ssyncset.done $0x0;
	s28 =	rddreg [dreg:$0x4]  }
0x78: {  	[sflag:s20] =	ssyncadd.s32 $0xFFFFFF80;
	s8 =	sadd.s32 $0x70, s28  }
0x79: {  	[spmem:s3] =	stream.indirect.scatter.add.f32 [tilespmem:s26], [sflag:$0x9], $0x80, s13, s30, $0xb8;
	[tilespmem:$0x1C300] =	vst v63  }
0x7a: {  	s7 =	simm.s32 $0x40;
	s24 =	sadd.s32 $0xFFFFFFD0, s8  }
0x7b: {  	s25 =	sand.u32 $0x40, s7;
	s24 =	sand.u32 $0xFFFFF80, s24  }
0x7c: {  	s24 =	sor.u32 s25, s24  }
0x7d: {  	s25 =	sadd.s32 s5, s24  }
0x7e: {  	[tilespmem:s4], [sflag:$0x1] =	stream.linear.gather [hbm4b:s25+s4], $0x80, $0x38;
	[tilespmem:$0x1C300] =	vst v63  }
0x7f: {  	s24 =	sadd.s32 s6, s24  }
0x80: {  	[tilespmem:s29], [sflag:$0x3] =	stream.linear.gather [hbm4b:s24+s4], $0x80, $0x38;
	[tilespmem:$0x1C300] =	vst v63  }
0x81: {  	_ =	swait.ge [sflag:s21], $0x4000  }
0x82: {  	[sflag:s21] =	ssyncset.done $0x0  }
0x83: {  	[sflag:s21] =	ssyncadd.s32 $0xFFFFC000  }
0x84: {  	_ =	swait.ge [sflag:s14], $0x80  }
0x85: {  	[sflag:s14] =	ssyncset.done $0x0  }
0x86: {  	[sflag:s14] =	ssyncadd.s32 $0xFFFFFF80  }
0x87: {  	[tilespmem:s15], [sflag:$0x8] =	stream.indirect.gather [hbm4b:s1+s30], $0x80, s30, s30, $0xb8;
	[tilespmem:$0x1C300] =	vst v63  }
0x88: {  	_ =	swait.ge [sflag:s16], $0x4000  }
0x89: {  	[sflag:s16] =	ssyncset.done $0x0  }
0x8a: {  	[sflag:s16] =	ssyncadd.s32 $0xFFFFC000  }
0x8b: {  	s9 =	simm.s32 $0x50;
	s10 =	sadd.s32 $0xFFFFFFE0, s8;
	_ =	swait.ge [sflag:s22], $0x80  }
0x8c: {  	s25 =	sand.u32 $0xFFFFF80, s10;
	s24 =	sand.u32 $0x50, s9;
	[sflag:s22] =	ssyncset.done $0x0  }
0x8d: {  	s24 =	sor.u32 s24, s25;
	[sflag:s22] =	ssyncadd.s32 $0xFFFFFF80  }
0x8e: {  	[spmem:s3] =	stream.indirect.scatter.add.f32 [tilespmem:s15], [sflag:$0xA], $0x80, s18, s30, $0xb8;
	[tilespmem:$0x1C300] =	vst v63  }
0x8f: {  	s25 =	sadd.s32 s5, s24  }
0x90: {  	[tilespmem:s30], [sflag:$0x2] =	stream.linear.gather [hbm4b:s25+s4], $0x80, $0x38;
	[tilespmem:$0x1C300] =	vst v63  }
0x91: {  	s24 =	sadd.s32 s6, s24  }
0x92: {  	[tilespmem:s31], [sflag:$0x4] =	stream.linear.gather [hbm4b:s24+s4], $0x80, $0x38;
	[tilespmem:$0x1C300] =	vst v63  }
0x93: {  	_ =	swait.ge [sflag:s19], $0x4000  }
0x94: {  	[sflag:s19] =	ssyncset.done $0x0  }
0x95: {  	[sflag:s19] =	ssyncadd.s32 $0xFFFFC000  }
0x96: {  	_ =	swait.ge [sflag:s2], $0x80  }
0x97: {  	[sflag:s2] =	ssyncset.done $0x0  }
0x98: {  	[sflag:s2] =	ssyncadd.s32 $0xFFFFFF80  }
0x99: {  	[tilespmem:s26], [sflag:$0x7] =	stream.indirect.gather [hbm4b:s1+s30], $0x80, s4, s30, $0xb8;
	[tilespmem:$0x1C300] =	vst v63  }
0x9a: {  	_ =	swait.ge [sflag:s0], $0x4000  }
0x9b: {  	[sflag:s0] =	ssyncset.done $0x0  }
0x9c: {  	[sflag:s0] =	ssyncadd.s32 $0xFFFFC000  }
0x9d: {  	s11 =	simm.s32 $0x60;
	s23 =	sadd.s32 $0xFFFFFFF0, s8;
	_ =	swait.ge [sflag:s12], $0x80  }
0x9e: {  	s25 =	sand.u32 $0xFFFFF80, s23;
	s24 =	sand.u32 $0x60, s11;
	[sflag:s12] =	ssyncset.done $0x0  }
0x9f: {  	s24 =	sor.u32 s24, s25;
	[sflag:s12] =	ssyncadd.s32 $0xFFFFFF80  }
0xa0: {  	[spmem:s3] =	stream.indirect.scatter.add.f32 [tilespmem:s26], [sflag:$0x9], $0x80, s29, s30, $0xb8;
	[tilespmem:$0x1C300] =	vst v63  }
0xa1: {  	s25 =	sadd.s32 s5, s24  }
0xa2: {  	[tilespmem:s4], [sflag:$0x1] =	stream.linear.gather [hbm4b:s25+s4], $0x80, $0x38;
	[tilespmem:$0x1C300] =	vst v63  }
0xa3: {  	s24 =	sadd.s32 s6, s24  }
0xa4: {  	[tilespmem:s13], [sflag:$0x5] =	stream.linear.gather [hbm4b:s24+s4], $0x80, $0x38;
	[tilespmem:$0x1C300] =	vst v63  }
0xa5: {  	_ =	swait.ge [sflag:s21], $0x4000  }
0xa6: {  	[sflag:s21] =	ssyncset.done $0x0  }
0xa7: {  	[sflag:s21] =	ssyncadd.s32 $0xFFFFC000  }
0xa8: {  	_ =	swait.ge [sflag:s14], $0x80  }
0xa9: {  	[sflag:s14] =	ssyncset.done $0x0  }
0xaa: {  	[sflag:s14] =	ssyncadd.s32 $0xFFFFFF80  }
0xab: {  	[tilespmem:s15], [sflag:$0x8] =	stream.indirect.gather [hbm4b:s1+s30], $0x80, s30, s30, $0xb8;
	[tilespmem:$0x1C300] =	vst v63  }
0xac: {  	_ =	swait.ge [sflag:s16], $0x4000  }
0xad: {  	[sflag:s16] =	ssyncset.done $0x0  }
0xae: {  	[sflag:s16] =	ssyncadd.s32 $0xFFFFC000  }
0xaf: {  	s28 =	simm.s32 $0x70;
	_ =	swait.ge [sflag:s17], $0x80  }
0xb0: {  	s8 =	sand.u32 $0xFFFFF80, s8;
	s24 =	sand.u32 $0x70, s28;
	[sflag:s17] =	ssyncset.done $0x0  }
0xb1: {  	s8 =	sor.u32 s24, s8;
	[sflag:s17] =	ssyncadd.s32 $0xFFFFFF80  }
0xb2: {  	[spmem:s3] =	stream.indirect.scatter.add.f32 [tilespmem:s15], [sflag:$0xA], $0x80, s31, s30, $0xb8;
	[tilespmem:$0x1C300] =	vst v63  }
0xb3: {  	s24 =	sadd.s32 s5, s8  }
0xb4: {  	[tilespmem:s30], [sflag:$0x2] =	stream.linear.gather [hbm4b:s24+s4], $0x80, $0x38;
	[tilespmem:$0x1C300] =	vst v63  }
0xb5: {  	s8 =	sadd.s32 s6, s8  }
0xb6: {  	[tilespmem:s18], [sflag:$0x6] =	stream.linear.gather [hbm4b:s8+s4], $0x80, $0x38;
	[tilespmem:$0x1C300] =	vst v63  }
0xb7: {  	_ =	swait.ge [sflag:s19], $0x4000  }
0xb8: {  	s24 =	simm.s32 $0xB0;
	[sflag:s19] =	ssyncset.done $0x0  }
.LBB2_4:
0xb9: {  	[sflag:s19] =	ssyncadd.s32 $0xFFFFC000  }
0xba: {  	_ =	swait.ge [sflag:s2], $0x80  }
0xbb: {  	[sflag:s2] =	ssyncset.done $0x0  }
0xbc: {  	[sflag:s2] =	ssyncadd.s32 $0xFFFFFF80  }
0xbd: {  	[tilespmem:s26], [sflag:$0x7] =	stream.indirect.gather [hbm4b:s1+s30], $0x80, s4, s30, $0xb8;
	[tilespmem:$0x1C300] =	vst v63  }
0xbe: {  	_ =	swait.ge [sflag:s0], $0x4000  }
0xbf: {  	[sflag:s0] =	ssyncset.done $0x0  }
0xc0: {  	[sflag:s0] =	ssyncadd.s32 $0xFFFFC000  }
0xc1: {  	_ =	swait.ge [sflag:s20], $0x80  }
0xc2: {  	s25 =	smov.u32 s24;
	[sflag:s20] =	ssyncset.done $0x0;
	s8 =	rddreg [dreg:$0x4]  }
0xc3: {  	[sflag:s20] =	ssyncadd.s32 $0xFFFFFF80;
	s9 =	sadd.s32 s25, s8  }
0xc4: {  	[spmem:s3] =	stream.indirect.scatter.add.f32 [tilespmem:s26], [sflag:$0x9], $0x80, s13, s30, $0xb8;
	[tilespmem:$0x1C300] =	vst v63  }
0xc5: {  	s7 =	sadd.s32 $0xFFFFFFD0, s25;
	s11 =	sadd.s32 $0xFFFFFFD0, s9  }
0xc6: {  	s7 =	sand.u32 $0x40, s7;
	s11 =	sand.u32 $0xFFFFF80, s11  }
0xc7: {  	s28 =	sadd.s32 $0xFFFFFFE0, s25;
	s7 =	sor.u32 s7, s11  }
0xc8: {  	s8 =	sand.u32 $0x50, s28;
	s28 =	sadd.s32 s5, s7  }
0xc9: {  	[tilespmem:s4], [sflag:$0x1] =	stream.linear.gather [hbm4b:s28+s4], $0x80, $0x38;
	[tilespmem:$0x1C300] =	vst v63  }
0xca: {  	s7 =	sadd.s32 s6, s7  }
0xcb: {  	[tilespmem:s29], [sflag:$0x3] =	stream.linear.gather [hbm4b:s7+s4], $0x80, $0x38;
	[tilespmem:$0x1C300] =	vst v63  }
0xcc: {  	_ =	swait.ge [sflag:s21], $0x4000  }
0xcd: {  	[sflag:s21] =	ssyncset.done $0x0  }
0xce: {  	[sflag:s21] =	ssyncadd.s32 $0xFFFFC000  }
0xcf: {  	_ =	swait.ge [sflag:s14], $0x80  }
0xd0: {  	[sflag:s14] =	ssyncset.done $0x0  }
0xd1: {  	[sflag:s14] =	ssyncadd.s32 $0xFFFFFF80  }
0xd2: {  	[tilespmem:s15], [sflag:$0x8] =	stream.indirect.gather [hbm4b:s1+s30], $0x80, s30, s30, $0xb8;
	[tilespmem:$0x1C300] =	vst v63  }
0xd3: {  	_ =	swait.ge [sflag:s16], $0x4000  }
0xd4: {  	[sflag:s16] =	ssyncset.done $0x0  }
0xd5: {  	[sflag:s16] =	ssyncadd.s32 $0xFFFFC000  }
0xd6: {  	s23 =	sadd.s32 $0xFFFFFFE0, s9;
	_ =	swait.ge [sflag:s22], $0x80  }
0xd7: {  	s10 =	sadd.s32 $0xFFFFFFF0, s25;
	s23 =	sand.u32 $0xFFFFF80, s23;
	[sflag:s22] =	ssyncset.done $0x0  }
0xd8: {  	s11 =	sadd.s32 $0xFFFFFFF0, s9;
	s23 =	sor.u32 s8, s23;
	[sflag:s22] =	ssyncadd.s32 $0xFFFFFF80  }
0xd9: {  	[spmem:s3] =	stream.indirect.scatter.add.f32 [tilespmem:s15], [sflag:$0xA], $0x80, s18, s30, $0xb8;
	[tilespmem:$0x1C300] =	vst v63  }
0xda: {  	s10 =	sand.u32 $0x60, s10;
	s11 =	sand.u32 $0xFFFFF80, s11;
	s28 =	sadd.s32 s5, s23  }
0xdb: {  	[tilespmem:s30], [sflag:$0x2] =	stream.linear.gather [hbm4b:s28+s4], $0x80, $0x38;
	[tilespmem:$0x1C300] =	vst v63  }
0xdc: {  	s8 =	sor.u32 s10, s11;
	s11 =	sand.u32 $0xFFFFF80, s9;
	s9 =	sadd.s32 s6, s23  }
0xdd: {  	[tilespmem:s31], [sflag:$0x4] =	stream.linear.gather [hbm4b:s9+s4], $0x80, $0x38;
	[tilespmem:$0x1C300] =	vst v63  }
0xde: {  	_ =	swait.ge [sflag:s19], $0x4000  }
0xdf: {  	[sflag:s19] =	ssyncset.done $0x0  }
0xe0: {  	[sflag:s19] =	ssyncadd.s32 $0xFFFFC000  }
0xe1: {  	_ =	swait.ge [sflag:s2], $0x80  }
0xe2: {  	[sflag:s2] =	ssyncset.done $0x0  }
0xe3: {  	[sflag:s2] =	ssyncadd.s32 $0xFFFFFF80  }
0xe4: {  	[tilespmem:s26], [sflag:$0x7] =	stream.indirect.gather [hbm4b:s1+s30], $0x80, s4, s30, $0xb8;
	[tilespmem:$0x1C300] =	vst v63  }
0xe5: {  	_ =	swait.ge [sflag:s0], $0x4000  }
0xe6: {  	[sflag:s0] =	ssyncset.done $0x0  }
0xe7: {  	[sflag:s0] =	ssyncadd.s32 $0xFFFFC000  }
0xe8: {  	_ =	swait.ge [sflag:s12], $0x80  }
0xe9: {  	[sflag:s12] =	ssyncset.done $0x0  }
0xea: {  	[sflag:s12] =	ssyncadd.s32 $0xFFFFFF80  }
0xeb: {  	[spmem:s3] =	stream.indirect.scatter.add.f32 [tilespmem:s26], [sflag:$0x9], $0x80, s29, s30, $0xb8;
	[tilespmem:$0x1C300] =	vst v63  }
0xec: {  	s25 =	sand.u32 $0x70, s25;
	s10 =	sadd.s32 s5, s8  }
0xed: {  	[tilespmem:s4], [sflag:$0x1] =	stream.linear.gather [hbm4b:s10+s4], $0x80, $0x38;
	[tilespmem:$0x1C300] =	vst v63  }
0xee: {  	s25 =	sor.u32 s25, s11;
	s11 =	sadd.s32 s6, s8  }
0xef: {  	[tilespmem:s13], [sflag:$0x5] =	stream.linear.gather [hbm4b:s11+s4], $0x80, $0x38;
	[tilespmem:$0x1C300] =	vst v63  }
0xf0: {  	_ =	swait.ge [sflag:s21], $0x4000  }
0xf1: {  	[sflag:s21] =	ssyncset.done $0x0  }
0xf2: {  	[sflag:s21] =	ssyncadd.s32 $0xFFFFC000  }
0xf3: {  	_ =	swait.ge [sflag:s14], $0x80  }
0xf4: {  	[sflag:s14] =	ssyncset.done $0x0  }
0xf5: {  	[sflag:s14] =	ssyncadd.s32 $0xFFFFFF80  }
0xf6: {  	[tilespmem:s15], [sflag:$0x8] =	stream.indirect.gather [hbm4b:s1+s30], $0x80, s30, s30, $0xb8;
	[tilespmem:$0x1C300] =	vst v63  }
0xf7: {  	_ =	swait.ge [sflag:s16], $0x4000  }
0xf8: {  	[sflag:s16] =	ssyncset.done $0x0  }
0xf9: {  	[sflag:s16] =	ssyncadd.s32 $0xFFFFC000  }
0xfa: {  	_ =	swait.ge [sflag:s17], $0x80  }
0xfb: {  	[sflag:s17] =	ssyncset.done $0x0  }
0xfc: {  	[sflag:s17] =	ssyncadd.s32 $0xFFFFFF80  }
0xfd: {  	[spmem:s3] =	stream.indirect.scatter.add.f32 [tilespmem:s15], [sflag:$0xA], $0x80, s31, s30, $0xb8;
	[tilespmem:$0x1C300] =	vst v63  }
0xfe: {  	p0 =	sne.s32 s24, $0x4F0;
	s23 =	sadd.s32 s5, s25  }
0xff: {  	[tilespmem:s30], [sflag:$0x2] =	stream.linear.gather [hbm4b:s23+s4], $0x80, $0x38;
	[tilespmem:$0x1C300] =	vst v63  }
.Ltmp1:
0x100: {  	_ = 	snop;
	(pc) =	sbr.rel @p0 .LBB2_4-.Ltmp1, $4  }
0x101: {  	s28 =	sadd.s32 s6, s25  }
0x102: {  	[tilespmem:s18], [sflag:$0x6] =	stream.linear.gather [hbm4b:s28+s4], $0x80, $0x38;
	[tilespmem:$0x1C300] =	vst v63  }
0x103: {  	_ =	swait.ge [sflag:s19], $0x4000  }
0x104: {  	s24 =	sadd.s32 $0x40, s24;
	[sflag:s19] =	ssyncset.done $0x0  }
0x105: {  	[sflag:s19] =	ssyncadd.s32 $0xFFFFC000  }
0x106: {  	_ =	swait.ge [sflag:s2], $0x80  }
0x107: {  	[sflag:s2] =	ssyncset.done $0x0  }
0x108: {  	[sflag:s2] =	ssyncadd.s32 $0xFFFFFF80  }
0x109: {  	[tilespmem:s26], [sflag:$0x7] =	stream.indirect.gather [hbm4b:s1+s30], $0x80, s4, s30, $0xb8;
	[tilespmem:$0x1C300] =	vst v63  }
0x10a: {  	_ =	swait.ge [sflag:s0], $0x4000  }
0x10b: {  	[sflag:s0] =	ssyncset.done $0x0  }
0x10c: {  	[sflag:s0] =	ssyncadd.s32 $0xFFFFC000  }
0x10d: {  	_ =	swait.ge [sflag:s20], $0x80  }
0x10e: {  	[sflag:s20] =	ssyncset.done $0x0  }
0x10f: {  	[sflag:s20] =	ssyncadd.s32 $0xFFFFFF80  }
0x110: {  	[spmem:s3] =	stream.indirect.scatter.add.f32 [tilespmem:s26], [sflag:$0x9], $0x80, s13, s30, $0xb8;
	[tilespmem:$0x1C300] =	vst v63  }
0x111: {  	_ =	swait.ge [sflag:s21], $0x4000  }
0x112: {  	[sflag:s21] =	ssyncset.done $0x0  }
0x113: {  	[sflag:s21] =	ssyncadd.s32 $0xFFFFC000  }
0x114: {  	_ =	swait.ge [sflag:s14], $0x80  }
0x115: {  	[sflag:s14] =	ssyncset.done $0x0  }
0x116: {  	[sflag:s14] =	ssyncadd.s32 $0xFFFFFF80  }
0x117: {  	[tilespmem:s15], [sflag:$0x8] =	stream.indirect.gather [hbm4b:s1+s30], $0x80, s30, s30, $0xb8;
	[tilespmem:$0x1C300] =	vst v63  }
0x118: {  	_ =	swait.ge [sflag:s16], $0x4000  }
0x119: {  	[sflag:s16] =	ssyncset.done $0x0  }
0x11a: {  	[sflag:s16] =	ssyncadd.s32 $0xFFFFC000  }
0x11b: {  	_ =	swait.ge [sflag:s22], $0x80  }
0x11c: {  	[sflag:s22] =	ssyncset.done $0x0  }
0x11d: {  	[sflag:s22] =	ssyncadd.s32 $0xFFFFFF80  }
0x11e: {  	[spmem:s3] =	stream.indirect.scatter.add.f32 [tilespmem:s15], [sflag:$0xA], $0x80, s18, s30, $0xb8;
	[tilespmem:$0x1C300] =	vst v63  }
0x11f: {  	_ =	swait.ge [sflag:s19], $0x4000  }
0x120: {  	[sflag:s19] =	ssyncset.done $0x0  }
0x121: {  	[sflag:s19] =	ssyncadd.s32 $0xFFFFC000  }
0x122: {  	_ =	swait.ge [sflag:s21], $0x4000  }
0x123: {  	[sflag:s21] =	ssyncset.done $0x0  }
0x124: {  	[sflag:s21] =	ssyncadd.s32 $0xFFFFC000  }
0x125: {  	[bflag:$0x0] =	sbarrier.arrive $0xFFFF  }
0x126: {  	s11 =	simm.s32 $0xB;
	s7 =	rddreg [dreg:$0x5]  }
0x127: {  	[tilespmem:s26], [sflag:$0xB] =	stream.linear.gather [spmem:s7], $0x4000, $0x38;
	[tilespmem:$0x1C300] =	vst v63  }
0x128: {  	_ =	swait.ge [sflag:s11], $0x4000  }
0x129: {  	[sflag:s11] =	ssyncset.done $0x0  }
0x12a: {  	s8 =	rddreg [dreg:$0x12];
	[sflag:s11] =	ssyncadd.s32 $0xFFFFC000  }
0x12b: {  	[hbm4b:s8+s4] =	stream.linear.scatter [tilespmem:s26], [sflag:$0xB], $0x4000, $0x38;
	[tilespmem:$0x1C300] =	vst v63  }
0x12c: {  	_ =	swait.ge [sflag:s11], $0x4000  }
0x12d: {  	[sflag:s11] =	ssyncset.done $0x0  }
0x12e: {  	s9 =	rddreg [dreg:$0x6];
	[sflag:s11] =	ssyncadd.s32 $0xFFFFC000  }
0x12f: {  	[tilespmem:s26], [sflag:$0xB] =	stream.linear.gather [spmem:s9], $0x4000, $0x38;
	[tilespmem:$0x1C300] =	vst v63  }
0x130: {  	_ =	swait.ge [sflag:s11], $0x4000  }
0x131: {  	[sflag:s11] =	ssyncset.done $0x0  }
0x132: {  	s24 =	rddreg [dreg:$0x13];
	[sflag:s11] =	ssyncadd.s32 $0xFFFFC000  }
0x133: {  	[hbm4b:s24+s4] =	stream.linear.scatter [tilespmem:s26], [sflag:$0xB], $0x4000, $0x38;
	[tilespmem:$0x1C300] =	vst v63  }
0x134: {  	_ =	swait.ge [sflag:s11], $0x4000  }
0x135: {  	[sflag:s11] =	ssyncset.done $0x0  }
0x136: {  	s10 =	rddreg [dreg:$0x7];
	[sflag:s11] =	ssyncadd.s32 $0xFFFFC000  }
0x137: {  	[tilespmem:s26], [sflag:$0xB] =	stream.linear.gather [spmem:s10], $0x4000, $0x38;
	[tilespmem:$0x1C300] =	vst v63  }
0x138: {  	_ =	swait.ge [sflag:s11], $0x4000  }
0x139: {  	[sflag:s11] =	ssyncset.done $0x0  }
0x13a: {  	s25 =	rddreg [dreg:$0x14];
	[sflag:s11] =	ssyncadd.s32 $0xFFFFC000  }
0x13b: {  	[hbm4b:s25+s4] =	stream.linear.scatter [tilespmem:s26], [sflag:$0xB], $0x4000, $0x38;
	[tilespmem:$0x1C300] =	vst v63  }
0x13c: {  	_ =	swait.ge [sflag:s11], $0x4000  }
0x13d: {  	[sflag:s11] =	ssyncset.done $0x0  }
0x13e: {  	s23 =	rddreg [dreg:$0x8];
	[sflag:s11] =	ssyncadd.s32 $0xFFFFC000  }
0x13f: {  	[tilespmem:s26], [sflag:$0xB] =	stream.linear.gather [spmem:s23], $0x4000, $0x38;
	[tilespmem:$0x1C300] =	vst v63  }
0x140: {  	_ =	swait.ge [sflag:s11], $0x4000  }
0x141: {  	[sflag:s11] =	ssyncset.done $0x0  }
0x142: {  	s28 =	rddreg [dreg:$0x15];
	[sflag:s11] =	ssyncadd.s32 $0xFFFFC000  }
0x143: {  	[hbm4b:s28+s4] =	stream.linear.scatter [tilespmem:s26], [sflag:$0xB], $0x4000, $0x38;
	[tilespmem:$0x1C300] =	vst v63  }
0x144: {  	_ =	swait.ge [sflag:s11], $0x4000  }
0x145: {  	[sflag:s11] =	ssyncset.done $0x0  }
0x146: {  	s25 =	rddreg [dreg:$0x9];
	[sflag:s11] =	ssyncadd.s32 $0xFFFFC000  }
0x147: {  	[tilespmem:s26], [sflag:$0xB] =	stream.linear.gather [spmem:s25], $0x4000, $0x38;
	[tilespmem:$0x1C300] =	vst v63  }
0x148: {  	_ =	swait.ge [sflag:s11], $0x4000  }
0x149: {  	[sflag:s11] =	ssyncset.done $0x0  }
0x14a: {  	s24 =	rddreg [dreg:$0x16];
	[sflag:s11] =	ssyncadd.s32 $0xFFFFC000  }
0x14b: {  	[hbm4b:s24+s4] =	stream.linear.scatter [tilespmem:s26], [sflag:$0xB], $0x4000, $0x38;
	[tilespmem:$0x1C300] =	vst v63  }
0x14c: {  	_ =	swait.ge [sflag:s11], $0x4000  }
0x14d: {  	s24 =	rddreg [dreg:$0x18]  }
0x14e: {  	s28 =	rddreg [dreg:$0x17];
	s24 =	sadd.s32 $0x1, s24  }
0x14f: {  	p0 =	sne.s32 s24, s28  }
.Ltmp2:
0x150: {  	_ = 	snop;
	(pc) =	sbr.rel @p0 .LBB2_1-.Ltmp2, $3  }
0x151: {  	_ =	sdelay $0x1  }
0x152: {  	[sflag:s11] =	ssyncset.done $0x0  }
0x153: {  	[sflag:s11] =	ssyncadd.s32 $0xFFFFC000  }
0x154: {  	_ =	sfence.sel $0x180000  }
0x155: {  	[bflag:$0x0] =	sbarrier.arrive $0xFFFF  }
0x156: {  	_ =	strace $0x9000004A  }
0x157: {  	s0 =	stileid.u32;
	[bflag:$0x2] =	sbarrier.arrive $0xFFFF  }
0x158: {  	p0 =	sne.s32 s0, $0x0;
	s0 =	rddreg [dreg:$0x3]  }
0x159: {  	s0 =	sadd.s32 @!p0 $0x100000, s0  }
0x15a: {  	[sflag:s0] =	ssyncadd.tile.s32 @!p0 $0x1;
	_ =	shalt  }
.Lfunc_end2:
_tile_overlayer_lowered:
.L_overlay_start_2:
0x15b: {  	(tag) =	ssettag $0x2  }
0x15c: {  	s0 =	rddreg [dreg:$0x0];
	s2 =	stileid.u32  }
0x15d: {  	s1 =	rddreg [dreg:$0x1];
	p0 =	sne.s32 s2, $0x0  }
0x15e: {  	s3 =	rddreg [dreg:$0x2];
	[bflag:$0x3] =	sbarrier.arrive $0xFFFF;
	s2 =	simm.s32 @!p0 $0x1C0B  }
0x15f: {  	[timem:s3], [sflag:s2] =	dma.local @!p0 [hbm:s0], s1  }
0x160: {  	s0 =	simm.s32 @!p0 $0xB  }
0x161: {  	_ =	swait.ge @!p0 [sflag:s0], s1  }
0x162: {  	s1 =	ssub.s32 @!p0 $0x0, s1;
	[sflag:s0] =	ssyncset.done @!p0 $0x0  }
0x163: {  	[sflag:s0] =	ssyncadd.s32 @!p0 s1  }
0x164: {  	[bflag:$0x3] =	sbarrier.arrive $0xFFFF  }
0x165: {  	_ =	shalt  }

// kernel: kernel.14.cloned.1.call-start
scs
__scs_entry_jumppad:
0x0: {  	(pc) =	sbr.rel $0x88, $3  }
0x1: {  	(tag) =	ssettag $0x0;
	lr =	simm.s32 $0x1  }
0x2: {  	[smem:$0x3F9B] =	sst lr;
	_ =	strace $0xD0000000  }
0x3: {  	_ = 	snop  }
0x4: {  	_ = 	snop  }
0x5: {  	_ = 	snop  }
0x6: {  	_ = 	snop  }
0x7: {  	_ = 	snop  }
__scs_overlays_trampoline_lowered:
0x8: {  	[smem:$0x3FAA] =	sst s0  }
0x9: {  	[smem:$0x3FAB] =	sst s1  }
0xa: {  	[smem:$0x3FAC] =	sst s2  }
0xb: {  	[smem:$0x3FAD] =	sst s3  }
0xc: {  	[smem:$0x3FAE] =	sst s4  }
0xd: {  	[smem:$0x3FAF] =	sst s5  }
0xe: {  	[smem:$0x3FB0] =	sst s6  }
0xf: {  	[smem:$0x3FB1] =	sst s7  }
0x10: {  	[smem:$0x3FB2] =	sst s8  }
0x11: {  	[smem:$0x3FB3] =	sst s9;
	s0 =	simm.s32 @!p0 $0x0  }
0x12: {  	s1 =	sld [smem:$0x3F99];
	s0 =	simm.s32 @p0 $0x1  }
0x13: {  	[smem:$0x3FB4] =	sst s0;
	s0 =	simm.s32 @!p1 $0x0  }
0x14: {  	s2 =	sld [smem:$0x3F98];
	s0 =	simm.s32 @p1 $0x1  }
0x15: {  	[smem:$0x3FB5] =	sst s0;
	s0 =	simm.s32 @!p2 $0x0  }
0x16: {  	s3 =	sld [smem:$0x3FDB];
	s0 =	simm.s32 @p2 $0x1  }
0x17: {  	s4 =	simm.s32 $0x1BF5;
	[smem:$0x3FB7] =	sst s0  }
0x18: {  	s0 =	sld [smem:$0x3F9A];
	_ =	swait.ge [sflag:s4], $0x0  }
0x19: {  	s7 =	sld [smem:$0x3F9B]  }
0x1a: {  	s8 =	sadd.s32 $0xFFFFE003, lr  }
0x1b: {  	s9 =	sadd.s32 $0xFFFFFEF7, lr;
	s5 =	simm.s32 $0xFFFFFFFF;
	p2 =	slt.u32 s8, $0xFFFFF086  }
0x1c: {  	p1 =	slt.u32 s9, $0xF7A;
	s5 =	simm.s32 @!p2 $0x0  }
0x1d: {  	s5 =	simm.s32 @p1 $0x1;
	p0 =	seq.s32 s7, s2  }
0x1e: {  	s7 =	smul.u32 @!p0 $0xF7A, s2;
	p2 =	seq.s32 @!p0 s5, $0x0  }
0x1f: {  	s9 =	smul.u32 $0xF7A, s1;
	s8 =	simm.s32 @!p0 $0x1BF5;
	p2 =	por !p2, p0  }
0x20: {  	[sflag:s8] =	ssyncset.s32 @!p0 $0xFFFFF086;
	s6 =	sadd.s32 @!p0 s3, s7;
	s7 =	simm.s32 @!p0 $0x108  }
0x21: {  	s3 =	sadd.s32 s3, s9;
	s6 =	sadd.s32 @!p0 $0x88, s6;
	s7 =	simm.s32 @p2 $0x1082  }
0x22: {  	[simem:s7], [sflag:s8] =	dma.local @!p0 [hbm:s6], $0xF7A  }
0x23: {  	s9 =	sor.u32 $0xD0000000, s2;
	s6 =	simm.s32 $0x108;
	_ =	swait.ge @!p0 [sflag:s8], $0x0  }
0x24: {  	s3 =	sadd.s32 $0x88, s3;
	s6 =	simm.s32 @!p1 $0x1082;
	[sflag:s4] =	ssyncset.s32 $0xFFFFF086  }
0x25: {  	[simem:s6], [sflag:s4] =	dma.local [hbm:s3], $0xF7A  }
0x26: {  	[smem:$0x3F9B] =	sst s1;
	(tag) =	ssettag s2;
	_ =	strace s9  }
0x27: {  	s1 =	sld [smem:$0x3FAB]  }
0x28: {  	s2 =	sld [smem:$0x3FAC]  }
0x29: {  	s4 =	sld [smem:$0x3FAE]  }
0x2a: {  	p0 =	seq.s32 s5, $0x0;
	s5 =	sld [smem:$0x3FAF]  }
0x2b: {  	s6 =	sld [smem:$0x3FB0]  }
0x2c: {  	s7 =	sld [smem:$0x3FB1]  }
0x2d: {  	s3 =	simm.s32 $0x108;
	s8 =	sld [smem:$0x3FB2]  }
0x2e: {  	s3 =	simm.s32 @!p0 $0x1082;
	s9 =	sld [smem:$0x3FB3]  }
0x2f: {  	lr =	sadd.s32 s0, s3;
	s0 =	sld [smem:$0x3FAA]  }
0x30: {  	s3 =	sld [smem:$0x3FAD]  }
0x31: {  	[smem:$0x3FB6] =	sst s10  }
0x32: {  	s10 =	sld [smem:$0x3FB4];
	_ =	sdelay $0x3  }
0x33: {  	p0 =	seq.s32 s10, $0x1;
	s10 =	sld [smem:$0x3FB6];
	_ =	sdelay $0x3  }
0x34: {  	[smem:$0x3FB6] =	sst s10  }
0x35: {  	s10 =	sld [smem:$0x3FB5];
	_ =	sdelay $0x3  }
0x36: {  	p1 =	seq.s32 s10, $0x1;
	s10 =	sld [smem:$0x3FB6];
	_ =	sdelay $0x3  }
0x37: {  	[smem:$0x3FB6] =	sst s10  }
0x38: {  	s10 =	sld [smem:$0x3FB7]  }
0x39: {  	_ = 	snop;
	(pc) =	sbr.ind lr, $3  }
0x3a: {  	_ = 	snop  }
0x3b: {  	_ = 	snop  }
0x3c: {  	p2 =	seq.s32 s10, $0x1;
	s10 =	sld [smem:$0x3FB6]  }
0x3d: {  	_ =	shalt  }
0x3e: {  	_ =	shalt  }
0x3f: {  	_ =	shalt  }
0x40: {  	_ =	shalt  }
0x41: {  	_ =	shalt  }
0x42: {  	_ =	shalt  }
0x43: {  	_ =	shalt  }
0x44: {  	_ =	shalt  }
0x45: {  	_ =	shalt  }
0x46: {  	_ =	shalt  }
0x47: {  	_ =	shalt  }
0x48: {  	_ =	shalt  }
0x49: {  	_ =	shalt  }
0x4a: {  	_ =	shalt  }
0x4b: {  	_ =	shalt  }
0x4c: {  	_ =	shalt  }
0x4d: {  	_ =	shalt  }
0x4e: {  	_ =	shalt  }
0x4f: {  	_ =	shalt  }
0x50: {  	_ =	shalt  }
0x51: {  	_ =	shalt  }
0x52: {  	_ =	shalt  }
0x53: {  	_ =	shalt  }
0x54: {  	_ =	shalt  }
0x55: {  	_ =	shalt  }
0x56: {  	_ =	shalt  }
0x57: {  	_ =	shalt  }
0x58: {  	_ =	shalt  }
0x59: {  	_ =	shalt  }
0x5a: {  	_ =	shalt  }
0x5b: {  	_ =	shalt  }
0x5c: {  	_ =	shalt  }
0x5d: {  	_ =	shalt  }
0x5e: {  	_ =	shalt  }
0x5f: {  	_ =	shalt  }
0x60: {  	_ =	shalt  }
0x61: {  	_ =	shalt  }
0x62: {  	_ =	shalt  }
0x63: {  	_ =	shalt  }
0x64: {  	_ =	shalt  }
0x65: {  	_ =	shalt  }
0x66: {  	_ =	shalt  }
0x67: {  	_ =	shalt  }
0x68: {  	_ =	shalt  }
0x69: {  	_ =	shalt  }
0x6a: {  	_ =	shalt  }
0x6b: {  	_ =	shalt  }
0x6c: {  	_ =	shalt  }
0x6d: {  	_ =	shalt  }
0x6e: {  	_ =	shalt  }
0x6f: {  	_ =	shalt  }
0x70: {  	_ =	shalt  }
0x71: {  	_ =	shalt  }
0x72: {  	_ =	shalt  }
0x73: {  	_ =	shalt  }
0x74: {  	_ =	shalt  }
0x75: {  	_ =	shalt  }
0x76: {  	_ =	shalt  }
0x77: {  	_ =	shalt  }
0x78: {  	_ =	shalt  }
0x79: {  	_ =	shalt  }
0x7a: {  	_ =	shalt  }
0x7b: {  	_ =	shalt  }
0x7c: {  	_ =	shalt  }
0x7d: {  	_ =	shalt  }
0x7e: {  	_ =	shalt  }
0x7f: {  	_ =	shalt  }
0x80: {  	_ =	shalt  }
0x81: {  	_ =	shalt  }
0x82: {  	_ =	shalt  }
0x83: {  	_ =	shalt  }
0x84: {  	_ =	shalt  }
0x85: {  	_ =	shalt  }
0x86: {  	_ =	shalt  }
0x87: {  	_ =	shalt  }
.Lfunc_end0:
.L_simem_size_0:
called_computation.2_lowered:
.L_overlay_start_0:
0x88: {  	s2 =	sld [smem:$0x3FD9]  }
0x89: {  	s3 =	sld [smem:$0x3FFE];
	_ =	sdelay $0x1  }
0x8a: {  	s1 =	srdreg.scid  }
0x8b: {  	s0 =	sand.u32 $0x1, s1  }
0x8c: {  	s17 =	sshll.u32 s0, $0xA;
	s2 =	sadd.s32 s3, s2  }
0x8d: {  	s2 =	sadd.s32 s2, s17  }
0x8e: {  	[smem:$0x3FC2] =	sst s2  }
0x8f: {  	_ = 	snop  }
0x90: {  	s2 =	sld [smem:$0x3FD0];
	(tm) =	ssettm $0x1  }
0x91: {  	s18 =	sld [smem:$0x3FFB];
	_ =	sdelay $0x3  }
0x92: {  	_ =	strace s18  }
0x93: {  	s3 =	sld [smem:$0x3FFC];
	_ =	sdelay $0x3  }
0x94: {  	_ =	strace s3  }
0x95: {  	s3 =	sld [smem:$0x3FFD];
	_ =	sdelay $0x3  }
0x96: {  	_ =	strace s3  }
0x97: {  	_ =	strace $0x8FFFFFFF  }
0x98: {  	s19 =	sld [smem:$0x3FDB];
	_ =	sdelay $0x1  }
0x99: {  	s4 =	simm.s32 $_scs_section_size  }
0x9a: {  	s5 =	simm.s32 $_size__tile_overlayer_lowered;
	s6 =	simm.s32 $_tile_overlayer_lowered  }
0x9b: {  	s22 =	simm.s32 $0x1BFF;
	s21 =	sshll.u32 s6, $0x1;
	s3 =	sadd.s32 s4, s19  }
0x9c: {  	s7 =	simm.s32 $0x0;
	s20 =	sshll.u32 s5, $0x1;
	s5 =	sadd.s32 s21, s3  }
0x9d: {  	[timem:s7], [sflag:s22] =	dma.local [hbm:s5], s20  }
0x9e: {  	_ =	swait.ge [sflag:s22], s20  }
0x9f: {  	s4 =	ssub.s32 $0x0, s20;
	[sflag:s22] =	ssyncset.done $0x0  }
0xa0: {  	[sflag:s22] =	ssyncadd.s32 s4;
	_ =	sdelay $0x1  }
0xa1: {  	s23 =	simm.s32 $0x1B8B  }
0xa2: {  	_ =	swait.ge [sflag:s23], $0x1  }
0xa3: {  	[sflag:s23] =	ssyncset.done $0x0  }
0xa4: {  	s25 =	simm.s32 $0x1B8E;
	s24 =	sld [smem:$0x3FFE];
	[sflag:s23] =	ssyncadd.s32 $0xFFFFFFFF  }
0xa5: {  	s26 =	simm.s32 $execute0_lowered;
	[smem:$0x3FD2] =	sst s25  }
0xa6: {  	s5 =	sshll.u32 s26, $0x1;
	_ =	strace $0x8000004C;
	[dreg:$0x1] =	wrdreg $0xFFFFFFFF  }
0xa7: {  	s28 =	simm.s32 $_size_execute0_lowered;
	s3 =	sadd.s32 s3, s5;
	[dreg:$0x0] =	wrdreg $0x0  }
0xa8: {  	s5 =	sshll.u32 s28, $0x1;
	[dreg:$0x2] =	wrdreg s3  }
0xa9: {  	[dreg:$0x3] =	wrdreg s5  }
0xaa: {  	[dreg:$0x4] =	wrdreg $0xC0  }
0xab: {  	_ =	task [dreg:s7], $0x5FFFF  }
0xac: {  	[dreg:$0x1] =	wrdreg $0xFFFFFFFF  }
0xad: {  	[dreg:$0x0] =	wrdreg $0x60  }
0xae: {  	[dreg:$0x2] =	wrdreg s2  }
0xaf: {  	[dreg:$0x3] =	wrdreg s24  }
0xb0: {  	[dreg:$0x4] =	wrdreg $0x83000  }
0xb1: {  	[dreg:$0x5] =	wrdreg $0x9  }
0xb2: {  	_ =	task.clear_ibuf [dreg:s7], $0x6FFFF;
	_ =	strace $0x9000004C  }
0xb3: {  	s29 =	simm.s32 $0x9;
	_ =	strace $0x8000004E  }
0xb4: {  	_ =	swait.ge [sflag:s29], $0x1  }
0xb5: {  	[sflag:s29] =	ssyncadd.s32 $0xFFFFFFFF  }
0xb6: {  	_ =	strace $0x9000004E  }
0xb7: {  	_ =	sfence  }
0xb8: {  	s30 =	sld [smem:$0x0];
	_ =	sdelay $0x2  }
0xb9: {  	s31 =	sshll.u32 s1, $0xD;
	s1 =	sshrl.u32 s1, $0x2  }
0xba: {  	s3 =	sand.u32 $0x4000, s31;
	s1 =	sadd.s32 s1, s30  }
0xbb: {  	s0 =	sor.u32 s3, s0;
	s1 =	sshll.u32 s1, $0x11  }
0xbc: {  	s0 =	sor.u32 s1, s0  }
0xbd: {  	s0 =	sadd.s32 $0x8F2B, s0  }
0xbe: {  	[sflag:s0] =	ssyncadd.remote.s32 $0x1  }
0xbf: {  	_ =	sfence.sel $0xFFFF  }
0xc0: {  	[dreg:$0x0] =	wrdreg $0xFFFFFFFF;
	(pc) =	sbr.abs _section_cstart, $3  }
0xc1: {  	[dreg:$0x1] =	wrdreg $0xFFFFFFFF  }
0xc2: {  	_ =	task.clear_ibuf [dreg:s7], $0x2FFFF;
	_ =	strace $0x9FFFFFFF  }
0xc3: {  	(tm) =	ssettm $0x7FFFFFFF  }
tec
execute0_lowered:
.L_overlay_start_1:
0x0: {  	(tag) =	ssettag $0x1  }
0x1: {  	s1 =	rddreg [dreg:$0x0]  }
0x2: {  	s0 =	rddreg [dreg:$0x1]  }
0x3: {  	s2 =	srdreg.scid;
	s11 =	stileid.u32  }
0x4: {  	s3 =	rddreg [dreg:$0x2];
	s4 =	simm.s32 $0x0;
	s5 =	smul.u32 $0x280, s11  }
0x5: {  	s29 =	simm.s32 $0x100;
	s30 =	simm.s32 $0x80;
	s8 =	smul.u32 $0x50000, s11  }
0x6: {  	s2 =	sand.u32 $0x1, s2;
	[smem:$0x7FF] =	sst s4;
	s17 =	smul.u32 $0x500, s11  }
0x7: {  	s31 =	simm.s32 $0x180;
	s6 =	smul.u32 $0x2800, s2;
	_ =	strace $0x8000004D  }
0x8: {  	s23 =	sshll.u32 s2, $0x4;
	s9 =	ssub.s32 $0x2, s2;
	s2 =	smul.u32 $0x5000, s2  }
0x9: {  	s10 =	sor.u32 s11, s23;
	s24 =	sshrl.u32 s8, $0x2;
	s25 =	sshrl.u32 s9, $0x1  }
0xa: {  	s11 =	simm.s32 $0xB;
	s6 =	sadd.s32 s5, s6;
	s12 =	smul.u32 $0x500, s10  }
0xb: {  	s5 =	sadd.s32 $0x3600, s0;
	s2 =	sadd.s32 s17, s2;
	s7 =	sshll.u32 s6, $0x4  }
0xc: {  	s6 =	sadd.s32 $0xD600, s0;
	[dreg:$0x4] =	wrdreg s2;
	s14 =	sadd.s32 s5, s12  }
0xd: {  	s0 =	sadd.s32 s7, s0;
	s26 =	sadd.s32 s6, s12;
	[dreg:$0xa] =	wrdreg s14  }
0xe: {  	s7 =	sadd.s32 s24, s3;
	s13 =	sor.u32 $0x10, s12;
	[dreg:$0xb] =	wrdreg s26  }
0xf: {  	s8 =	ssub.s32 s9, s25;
	s28 =	sadd.s32 s5, s13;
	[dreg:$0x5] =	wrdreg s7  }
0x10: {  	s15 =	sor.u32 $0x20, s12;
	s13 =	sadd.s32 s6, s13;
	[dreg:$0xc] =	wrdreg s28  }
0x11: {  	s17 =	simm.s32 $0x4;
	s16 =	sadd.s32 s5, s15;
	[dreg:$0xd] =	wrdreg s13  }
0x12: {  	s12 =	sor.u32 $0x30, s12;
	s18 =	sadd.s32 s6, s15;
	[dreg:$0xe] =	wrdreg s16  }
0x13: {  	s2 =	simm.s32 $0x1;
	s19 =	sadd.s32 s5, s12;
	[dreg:$0xf] =	wrdreg s18  }
0x14: {  	s9 =	sadd.s32 $0x4000, s7;
	s20 =	sadd.s32 s6, s12;
	[dreg:$0x10] =	wrdreg s19  }
0x15: {  	s10 =	sadd.s32 $0x8000, s7;
	s21 =	sadd.s32 $0x3E800, s0;
	[dreg:$0x11] =	wrdreg s20  }
0x16: {  	s23 =	sadd.s32 $0xC000, s7;
	s22 =	sadd.s32 $0x3F000, s0;
	[dreg:$0x12] =	wrdreg s21  }
0x17: {  	s25 =	sadd.s32 $0x10000, s7;
	s24 =	sadd.s32 $0x3F800, s0;
	[dreg:$0x13] =	wrdreg s22  }
0x18: {  	s26 =	sadd.s32 $0x40000, s0;
	s0 =	sadd.s32 $0x40800, s0;
	[dreg:$0x14] =	wrdreg s24  }
0x19: {  	s12 =	simm.s32 $0x3;
	s14 =	simm.s32 $0x2;
	[dreg:$0x15] =	wrdreg s26  }
0x1a: {  	s15 =	simm.s32 $0x4300;
	[dreg:$0x16] =	wrdreg s0;
	s28 =	smax.u32 s8, $0x1  }
0x1b: {  	s26 =	simm.s32 $0x300;
	s0 =	simm.s32 $0x7;
	[dreg:$0x6] =	wrdreg s9  }
0x1c: {  	s13 =	simm.s32 $0x200;
	s16 =	simm.s32 $0x8;
	[dreg:$0x7] =	wrdreg s10  }
0x1d: {  	s18 =	simm.s32 $0x280;
	s19 =	simm.s32 $0x9;
	[dreg:$0x8] =	wrdreg s23  }
0x1e: {  	s20 =	simm.s32 $0x5;
	s21 =	simm.s32 $0xA;
	[dreg:$0x9] =	wrdreg s25  }
0x1f: {  	v0 =	vimm.f32 $0.0e+00;
	s22 =	simm.s32 $0x6;
	s24 =	simm.s32 $0x0;
	[dreg:$0x17] =	wrdreg s28  }
.LBB2_1:
0x20: {  	[dreg:$0x18] =	wrdreg s24;
	s8 =	simm.s32 $0x0;
	s24 =	simm.s32 $0x200  }
.LBB2_2:
0x21: {  	p0 =	sne.s32 s24, $0xFE00;
	[tilespmem:s8+$0x370] =	vst v0  }
0x22: {  	[tilespmem:s8+$0x300] =	vst v0  }
0x23: {  	[tilespmem:s8+$0x310] =	vst v0  }
.Ltmp0:
0x24: {  	[tilespmem:s8+$0x320] =	vst v0;
	(pc) =	sbr.rel @p0 .LBB2_2-.Ltmp0, $4  }
0x25: {  	[tilespmem:s8+$0x330] =	vst v0  }
0x26: {  	[tilespmem:s8+$0x340] =	vst v0  }
0x27: {  	[tilespmem:s8+$0x350] =	vst v0  }
0x28: {  	[tilespmem:s8+$0x360] =	vst v0;
	s8 =	sshra.s32 s24, $0x2;
	s24 =	sadd.s32 $0x200, s24  }
0x29: {  	[tilespmem:s8+$0x370] =	vst v0  }
0x2a: {  	[tilespmem:s8+$0x300] =	vst v0  }
0x2b: {  	[tilespmem:s8+$0x310] =	vst v0  }
0x2c: {  	[tilespmem:s8+$0x320] =	vst v0  }
0x2d: {  	[tilespmem:s8+$0x330] =	vst v0  }
0x2e: {  	[tilespmem:s8+$0x340] =	vst v0  }
0x2f: {  	[tilespmem:s8+$0x350] =	vst v0  }
0x30: {  	[tilespmem:s8+$0x360] =	vst v0  }
0x31: {  	[spmem:s7] =	stream.linear.scatter [tilespmem:s26], [sflag:$0xB], $0x4000, $0x38;
	[tilespmem:$0x1C300] =	vst v63  }
0x32: {  	_ =	swait.ge [sflag:s11], $0x4000  }
0x33: {  	[sflag:s11] =	ssyncset.done $0x0  }
0x34: {  	[sflag:s11] =	ssyncadd.s32 $0xFFFFC000  }
0x35: {  	[spmem:s9] =	stream.linear.scatter [tilespmem:s26], [sflag:$0xB], $0x4000, $0x38;
	[tilespmem:$0x1C300] =	vst v63  }
0x36: {  	_ =	swait.ge [sflag:s11], $0x4000  }
0x37: {  	[sflag:s11] =	ssyncset.done $0x0  }
0x38: {  	[sflag:s11] =	ssyncadd.s32 $0xFFFFC000  }
0x39: {  	[spmem:s10] =	stream.linear.scatter [tilespmem:s26], [sflag:$0xB], $0x4000, $0x38;
	[tilespmem:$0x1C300] =	vst v63  }
0x3a: {  	_ =	swait.ge [sflag:s11], $0x4000  }
0x3b: {  	[sflag:s11] =	ssyncset.done $0x0  }
0x3c: {  	[sflag:s11] =	ssyncadd.s32 $0xFFFFC000  }
0x3d: {  	[spmem:s23] =	stream.linear.scatter [tilespmem:s26], [sflag:$0xB], $0x4000, $0x38;
	[tilespmem:$0x1C300] =	vst v63  }
0x3e: {  	_ =	swait.ge [sflag:s11], $0x4000  }
0x3f: {  	[sflag:s11] =	ssyncset.done $0x0  }
0x40: {  	[sflag:s11] =	ssyncadd.s32 $0xFFFFC000  }
0x41: {  	[spmem:s25] =	stream.linear.scatter [tilespmem:s26], [sflag:$0xB], $0x4000, $0x38;
	[tilespmem:$0x1C300] =	vst v63  }
0x42: {  	_ =	swait.ge [sflag:s11], $0x4000  }
0x43: {  	[sflag:s11] =	ssyncset.done $0x0  }
0x44: {  	[sflag:s11] =	ssyncadd.s32 $0xFFFFC000  }
0x45: {  	[bflag:$0x0] =	sbarrier.arrive $0xFFFF  }
0x46: {  	s28 =	rddreg [dreg:$0xa]  }
0x47: {  	[tilespmem:s4], [sflag:$0x1] =	stream.linear.gather [hbm4b:s28+s4], $0x80, $0x38;
	[tilespmem:$0x1C300] =	vst v63  }
0x48: {  	s8 =	rddreg [dreg:$0xb]  }
0x49: {  	[tilespmem:s29], [sflag:$0x3] =	stream.linear.gather [hbm4b:s8+s4], $0x80, $0x38;
	[tilespmem:$0x1C300] =	vst v63  }
0x4a: {  	s9 =	rddreg [dreg:$0xc]  }
0x4b: {  	[tilespmem:s30], [sflag:$0x2] =	stream.linear.gather [hbm4b:s9+s4], $0x80, $0x38;
	[tilespmem:$0x1C300] =	vst v63  }
0x4c: {  	s10 =	rddreg [dreg:$0xd]  }
0x4d: {  	[tilespmem:s31], [sflag:$0x4] =	stream.linear.gather [hbm4b:s10+s4], $0x80, $0x38;
	[tilespmem:$0x1C300] =	vst v63  }
0x4e: {  	_ =	swait.ge [sflag:s2], $0x80  }
0x4f: {  	[sflag:s2] =	ssyncset.done $0x0  }
0x50: {  	[sflag:s2] =	ssyncadd.s32 $0xFFFFFF80  }
0x51: {  	[tilespmem:s26], [sflag:$0x7] =	stream.indirect.gather [hbm4b:s1+s30], $0x80, s4, s30, $0xb8;
	[tilespmem:$0x1C300] =	vst v63  }
0x52: {  	_ =	swait.ge [sflag:s0], $0x4000  }
0x53: {  	[sflag:s0] =	ssyncset.done $0x0  }
0x54: {  	[sflag:s0] =	ssyncadd.s32 $0xFFFFC000  }
0x55: {  	_ =	swait.ge [sflag:s12], $0x80  }
0x56: {  	[sflag:s12] =	ssyncset.done $0x0  }
0x57: {  	[sflag:s12] =	ssyncadd.s32 $0xFFFFFF80  }
0x58: {  	[spmem:s3] =	stream.indirect.scatter.add.f32 [tilespmem:s26], [sflag:$0x9], $0x80, s29, s30, $0xb8;
	[tilespmem:$0x1C300] =	vst v63  }
0x59: {  	s11 =	rddreg [dreg:$0xe]  }
0x5a: {  	[tilespmem:s4], [sflag:$0x1] =	stream.linear.gather [hbm4b:s11+s4], $0x80, $0x38;
	[tilespmem:$0x1C300] =	vst v63  }
0x5b: {  	s23 =	rddreg [dreg:$0xf]  }
0x5c: {  	[tilespmem:s13], [sflag:$0x5] =	stream.linear.gather [hbm4b:s23+s4], $0x80, $0x38;
	[tilespmem:$0x1C300] =	vst v63  }
0x5d: {  	_ =	swait.ge [sflag:s14], $0x80  }
0x5e: {  	[sflag:s14] =	ssyncset.done $0x0  }
0x5f: {  	[sflag:s14] =	ssyncadd.s32 $0xFFFFFF80  }
0x60: {  	[tilespmem:s15], [sflag:$0x8] =	stream.indirect.gather [hbm4b:s1+s30], $0x80, s30, s30, $0xb8;
	[tilespmem:$0x1C300] =	vst v63  }
0x61: {  	_ =	swait.ge [sflag:s16], $0x4000  }
0x62: {  	[sflag:s16] =	ssyncset.done $0x0  }
0x63: {  	[sflag:s16] =	ssyncadd.s32 $0xFFFFC000  }
0x64: {  	_ =	swait.ge [sflag:s17], $0x80  }
0x65: {  	[sflag:s17] =	ssyncset.done $0x0  }
0x66: {  	[sflag:s17] =	ssyncadd.s32 $0xFFFFFF80  }
0x67: {  	[spmem:s3] =	stream.indirect.scatter.add.f32 [tilespmem:s15], [sflag:$0xA], $0x80, s31, s30, $0xb8;
	[tilespmem:$0x1C300] =	vst v63  }
0x68: {  	s24 =	rddreg [dreg:$0x10]  }
0x69: {  	[tilespmem:s30], [sflag:$0x2] =	stream.linear.gather [hbm4b:s24+s4], $0x80, $0x38;
	[tilespmem:$0x1C300] =	vst v63  }
0x6a: {  	s25 =	rddreg [dreg:$0x11]  }
0x6b: {  	[tilespmem:s18], [sflag:$0x6] =	stream.linear.gather [hbm4b:s25+s4], $0x80, $0x38;
	[tilespmem:$0x1C300] =	vst v63  }
0x6c: {  	_ =	swait.ge [sflag:s19], $0x4000  }
0x6d: {  	[sflag:s19] =	ssyncset.done $0x0  }
0x6e: {  	[sflag:s19] =	ssyncadd.s32 $0xFFFFC000  }
0x6f: {  	_ =	swait.ge [sflag:s2], $0x80  }
0x70: {  	[sflag:s2] =	ssyncset.done $0x0  }
0x71: {  	[sflag:s2] =	ssyncadd.s32 $0xFFFFFF80  }
0x72: {  	[tilespmem:s26], [sflag:$0x7] =	stream.indirect.gather [hbm4b:s1+s30], $0x80, s4, s30, $0xb8;
	[tilespmem:$0x1C300] =	vst v63  }
0x73: {  	_ =	swait.ge [sflag:s0], $0x4000  }
0x74: {  	[sflag:s0] =	ssyncset.done $0x0  }
0x75: {  	[sflag:s0] =	ssyncadd.s32 $0xFFFFC000  }
0x76: {  	_ =	swait.ge [sflag:s20], $0x80  }
0x77: {  	[sflag:s20] =	ssyncset.done $0x0;
	s28 =	rddreg [dreg:$0x4]  }
0x78: {  	[sflag:s20] =	ssyncadd.s32 $0xFFFFFF80;
	s8 =	sadd.s32 $0x70, s28  }
0x79: {  	[spmem:s3] =	stream.indirect.scatter.add.f32 [tilespmem:s26], [sflag:$0x9], $0x80, s13, s30, $0xb8;
	[tilespmem:$0x1C300] =	vst v63  }
0x7a: {  	s7 =	simm.s32 $0x40;
	s24 =	sadd.s32 $0xFFFFFFD0, s8  }
0x7b: {  	s25 =	sand.u32 $0x40, s7;
	s24 =	sand.u32 $0xFFFFF80, s24  }
0x7c: {  	s24 =	sor.u32 s25, s24  }
0x7d: {  	s25 =	sadd.s32 s5, s24  }
0x7e: {  	[tilespmem:s4], [sflag:$0x1] =	stream.linear.gather [hbm4b:s25+s4], $0x80, $0x38;
	[tilespmem:$0x1C300] =	vst v63  }
0x7f: {  	s24 =	sadd.s32 s6, s24  }
0x80: {  	[tilespmem:s29], [sflag:$0x3] =	stream.linear.gather [hbm4b:s24+s4], $0x80, $0x38;
	[tilespmem:$0x1C300] =	vst v63  }
0x81: {  	_ =	swait.ge [sflag:s21], $0x4000  }
0x82: {  	[sflag:s21] =	ssyncset.done $0x0  }
0x83: {  	[sflag:s21] =	ssyncadd.s32 $0xFFFFC000  }
0x84: {  	_ =	swait.ge [sflag:s14], $0x80  }
0x85: {  	[sflag:s14] =	ssyncset.done $0x0  }
0x86: {  	[sflag:s14] =	ssyncadd.s32 $0xFFFFFF80  }
0x87: {  	[tilespmem:s15], [sflag:$0x8] =	stream.indirect.gather [hbm4b:s1+s30], $0x80, s30, s30, $0xb8;
	[tilespmem:$0x1C300] =	vst v63  }
0x88: {  	_ =	swait.ge [sflag:s16], $0x4000  }
0x89: {  	[sflag:s16] =	ssyncset.done $0x0  }
0x8a: {  	[sflag:s16] =	ssyncadd.s32 $0xFFFFC000  }
0x8b: {  	s9 =	simm.s32 $0x50;
	s10 =	sadd.s32 $0xFFFFFFE0, s8;
	_ =	swait.ge [sflag:s22], $0x80  }
0x8c: {  	s25 =	sand.u32 $0xFFFFF80, s10;
	s24 =	sand.u32 $0x50, s9;
	[sflag:s22] =	ssyncset.done $0x0  }
0x8d: {  	s24 =	sor.u32 s24, s25;
	[sflag:s22] =	ssyncadd.s32 $0xFFFFFF80  }
0x8e: {  	[spmem:s3] =	stream.indirect.scatter.add.f32 [tilespmem:s15], [sflag:$0xA], $0x80, s18, s30, $0xb8;
	[tilespmem:$0x1C300] =	vst v63  }
0x8f: {  	s25 =	sadd.s32 s5, s24  }
0x90: {  	[tilespmem:s30], [sflag:$0x2] =	stream.linear.gather [hbm4b:s25+s4], $0x80, $0x38;
	[tilespmem:$0x1C300] =	vst v63  }
0x91: {  	s24 =	sadd.s32 s6, s24  }
0x92: {  	[tilespmem:s31], [sflag:$0x4] =	stream.linear.gather [hbm4b:s24+s4], $0x80, $0x38;
	[tilespmem:$0x1C300] =	vst v63  }
0x93: {  	_ =	swait.ge [sflag:s19], $0x4000  }
0x94: {  	[sflag:s19] =	ssyncset.done $0x0  }
0x95: {  	[sflag:s19] =	ssyncadd.s32 $0xFFFFC000  }
0x96: {  	_ =	swait.ge [sflag:s2], $0x80  }
0x97: {  	[sflag:s2] =	ssyncset.done $0x0  }
0x98: {  	[sflag:s2] =	ssyncadd.s32 $0xFFFFFF80  }
0x99: {  	[tilespmem:s26], [sflag:$0x7] =	stream.indirect.gather [hbm4b:s1+s30], $0x80, s4, s30, $0xb8;
	[tilespmem:$0x1C300] =	vst v63  }
0x9a: {  	_ =	swait.ge [sflag:s0], $0x4000  }
0x9b: {  	[sflag:s0] =	ssyncset.done $0x0  }
0x9c: {  	[sflag:s0] =	ssyncadd.s32 $0xFFFFC000  }
0x9d: {  	s11 =	simm.s32 $0x60;
	s23 =	sadd.s32 $0xFFFFFFF0, s8;
	_ =	swait.ge [sflag:s12], $0x80  }
0x9e: {  	s25 =	sand.u32 $0xFFFFF80, s23;
	s24 =	sand.u32 $0x60, s11;
	[sflag:s12] =	ssyncset.done $0x0  }
0x9f: {  	s24 =	sor.u32 s24, s25;
	[sflag:s12] =	ssyncadd.s32 $0xFFFFFF80  }
0xa0: {  	[spmem:s3] =	stream.indirect.scatter.add.f32 [tilespmem:s26], [sflag:$0x9], $0x80, s29, s30, $0xb8;
	[tilespmem:$0x1C300] =	vst v63  }
0xa1: {  	s25 =	sadd.s32 s5, s24  }
0xa2: {  	[tilespmem:s4], [sflag:$0x1] =	stream.linear.gather [hbm4b:s25+s4], $0x80, $0x38;
	[tilespmem:$0x1C300] =	vst v63  }
0xa3: {  	s24 =	sadd.s32 s6, s24  }
0xa4: {  	[tilespmem:s13], [sflag:$0x5] =	stream.linear.gather [hbm4b:s24+s4], $0x80, $0x38;
	[tilespmem:$0x1C300] =	vst v63  }
0xa5: {  	_ =	swait.ge [sflag:s21], $0x4000  }
0xa6: {  	[sflag:s21] =	ssyncset.done $0x0  }
0xa7: {  	[sflag:s21] =	ssyncadd.s32 $0xFFFFC000  }
0xa8: {  	_ =	swait.ge [sflag:s14], $0x80  }
0xa9: {  	[sflag:s14] =	ssyncset.done $0x0  }
0xaa: {  	[sflag:s14] =	ssyncadd.s32 $0xFFFFFF80  }
0xab: {  	[tilespmem:s15], [sflag:$0x8] =	stream.indirect.gather [hbm4b:s1+s30], $0x80, s30, s30, $0xb8;
	[tilespmem:$0x1C300] =	vst v63  }
0xac: {  	_ =	swait.ge [sflag:s16], $0x4000  }
0xad: {  	[sflag:s16] =	ssyncset.done $0x0  }
0xae: {  	[sflag:s16] =	ssyncadd.s32 $0xFFFFC000  }
0xaf: {  	s28 =	simm.s32 $0x70;
	_ =	swait.ge [sflag:s17], $0x80  }
0xb0: {  	s8 =	sand.u32 $0xFFFFF80, s8;
	s24 =	sand.u32 $0x70, s28;
	[sflag:s17] =	ssyncset.done $0x0  }
0xb1: {  	s8 =	sor.u32 s24, s8;
	[sflag:s17] =	ssyncadd.s32 $0xFFFFFF80  }
0xb2: {  	[spmem:s3] =	stream.indirect.scatter.add.f32 [tilespmem:s15], [sflag:$0xA], $0x80, s31, s30, $0xb8;
	[tilespmem:$0x1C300] =	vst v63  }
0xb3: {  	s24 =	sadd.s32 s5, s8  }
0xb4: {  	[tilespmem:s30], [sflag:$0x2] =	stream.linear.gather [hbm4b:s24+s4], $0x80, $0x38;
	[tilespmem:$0x1C300] =	vst v63  }
0xb5: {  	s8 =	sadd.s32 s6, s8  }
0xb6: {  	[tilespmem:s18], [sflag:$0x6] =	stream.linear.gather [hbm4b:s8+s4], $0x80, $0x38;
	[tilespmem:$0x1C300] =	vst v63  }
0xb7: {  	_ =	swait.ge [sflag:s19], $0x4000  }
0xb8: {  	s24 =	simm.s32 $0xB0;
	[sflag:s19] =	ssyncset.done $0x0  }
.LBB2_4:
0xb9: {  	[sflag:s19] =	ssyncadd.s32 $0xFFFFC000  }
0xba: {  	_ =	swait.ge [sflag:s2], $0x80  }
0xbb: {  	[sflag:s2] =	ssyncset.done $0x0  }
0xbc: {  	[sflag:s2] =	ssyncadd.s32 $0xFFFFFF80  }
0xbd: {  	[tilespmem:s26], [sflag:$0x7] =	stream.indirect.gather [hbm4b:s1+s30], $0x80, s4, s30, $0xb8;
	[tilespmem:$0x1C300] =	vst v63  }
0xbe: {  	_ =	swait.ge [sflag:s0], $0x4000  }
0xbf: {  	[sflag:s0] =	ssyncset.done $0x0  }
0xc0: {  	[sflag:s0] =	ssyncadd.s32 $0xFFFFC000  }
0xc1: {  	_ =	swait.ge [sflag:s20], $0x80  }
0xc2: {  	s25 =	smov.u32 s24;
	[sflag:s20] =	ssyncset.done $0x0;
	s8 =	rddreg [dreg:$0x4]  }
0xc3: {  	[sflag:s20] =	ssyncadd.s32 $0xFFFFFF80;
	s9 =	sadd.s32 s25, s8  }
0xc4: {  	[spmem:s3] =	stream.indirect.scatter.add.f32 [tilespmem:s26], [sflag:$0x9], $0x80, s13, s30, $0xb8;
	[tilespmem:$0x1C300] =	vst v63  }
0xc5: {  	s7 =	sadd.s32 $0xFFFFFFD0, s25;
	s11 =	sadd.s32 $0xFFFFFFD0, s9  }
0xc6: {  	s7 =	sand.u32 $0x40, s7;
	s11 =	sand.u32 $0xFFFFF80, s11  }
0xc7: {  	s28 =	sadd.s32 $0xFFFFFFE0, s25;
	s7 =	sor.u32 s7, s11  }
0xc8: {  	s8 =	sand.u32 $0x50, s28;
	s28 =	sadd.s32 s5, s7  }
0xc9: {  	[tilespmem:s4], [sflag:$0x1] =	stream.linear.gather [hbm4b:s28+s4], $0x80, $0x38;
	[tilespmem:$0x1C300] =	vst v63  }
0xca: {  	s7 =	sadd.s32 s6, s7  }
0xcb: {  	[tilespmem:s29], [sflag:$0x3] =	stream.linear.gather [hbm4b:s7+s4], $0x80, $0x38;
	[tilespmem:$0x1C300] =	vst v63  }
0xcc: {  	_ =	swait.ge [sflag:s21], $0x4000  }
0xcd: {  	[sflag:s21] =	ssyncset.done $0x0  }
0xce: {  	[sflag:s21] =	ssyncadd.s32 $0xFFFFC000  }
0xcf: {  	_ =	swait.ge [sflag:s14], $0x80  }
0xd0: {  	[sflag:s14] =	ssyncset.done $0x0  }
0xd1: {  	[sflag:s14] =	ssyncadd.s32 $0xFFFFFF80  }
0xd2: {  	[tilespmem:s15], [sflag:$0x8] =	stream.indirect.gather [hbm4b:s1+s30], $0x80, s30, s30, $0xb8;
	[tilespmem:$0x1C300] =	vst v63  }
0xd3: {  	_ =	swait.ge [sflag:s16], $0x4000  }
0xd4: {  	[sflag:s16] =	ssyncset.done $0x0  }
0xd5: {  	[sflag:s16] =	ssyncadd.s32 $0xFFFFC000  }
0xd6: {  	s23 =	sadd.s32 $0xFFFFFFE0, s9;
	_ =	swait.ge [sflag:s22], $0x80  }
0xd7: {  	s10 =	sadd.s32 $0xFFFFFFF0, s25;
	s23 =	sand.u32 $0xFFFFF80, s23;
	[sflag:s22] =	ssyncset.done $0x0  }
0xd8: {  	s11 =	sadd.s32 $0xFFFFFFF0, s9;
	s23 =	sor.u32 s8, s23;
	[sflag:s22] =	ssyncadd.s32 $0xFFFFFF80  }
0xd9: {  	[spmem:s3] =	stream.indirect.scatter.add.f32 [tilespmem:s15], [sflag:$0xA], $0x80, s18, s30, $0xb8;
	[tilespmem:$0x1C300] =	vst v63  }
0xda: {  	s10 =	sand.u32 $0x60, s10;
	s11 =	sand.u32 $0xFFFFF80, s11;
	s28 =	sadd.s32 s5, s23  }
0xdb: {  	[tilespmem:s30], [sflag:$0x2] =	stream.linear.gather [hbm4b:s28+s4], $0x80, $0x38;
	[tilespmem:$0x1C300] =	vst v63  }
0xdc: {  	s8 =	sor.u32 s10, s11;
	s11 =	sand.u32 $0xFFFFF80, s9;
	s9 =	sadd.s32 s6, s23  }
0xdd: {  	[tilespmem:s31], [sflag:$0x4] =	stream.linear.gather [hbm4b:s9+s4], $0x80, $0x38;
	[tilespmem:$0x1C300] =	vst v63  }
0xde: {  	_ =	swait.ge [sflag:s19], $0x4000  }
0xdf: {  	[sflag:s19] =	ssyncset.done $0x0  }
0xe0: {  	[sflag:s19] =	ssyncadd.s32 $0xFFFFC000  }
0xe1: {  	_ =	swait.ge [sflag:s2], $0x80  }
0xe2: {  	[sflag:s2] =	ssyncset.done $0x0  }
0xe3: {  	[sflag:s2] =	ssyncadd.s32 $0xFFFFFF80  }
0xe4: {  	[tilespmem:s26], [sflag:$0x7] =	stream.indirect.gather [hbm4b:s1+s30], $0x80, s4, s30, $0xb8;
	[tilespmem:$0x1C300] =	vst v63  }
0xe5: {  	_ =	swait.ge [sflag:s0], $0x4000  }
0xe6: {  	[sflag:s0] =	ssyncset.done $0x0  }
0xe7: {  	[sflag:s0] =	ssyncadd.s32 $0xFFFFC000  }
0xe8: {  	_ =	swait.ge [sflag:s12], $0x80  }
0xe9: {  	[sflag:s12] =	ssyncset.done $0x0  }
0xea: {  	[sflag:s12] =	ssyncadd.s32 $0xFFFFFF80  }
0xeb: {  	[spmem:s3] =	stream.indirect.scatter.add.f32 [tilespmem:s26], [sflag:$0x9], $0x80, s29, s30, $0xb8;
	[tilespmem:$0x1C300] =	vst v63  }
0xec: {  	s25 =	sand.u32 $0x70, s25;
	s10 =	sadd.s32 s5, s8  }
0xed: {  	[tilespmem:s4], [sflag:$0x1] =	stream.linear.gather [hbm4b:s10+s4], $0x80, $0x38;
	[tilespmem:$0x1C300] =	vst v63  }
0xee: {  	s25 =	sor.u32 s25, s11;
	s11 =	sadd.s32 s6, s8  }
0xef: {  	[tilespmem:s13], [sflag:$0x5] =	stream.linear.gather [hbm4b:s11+s4], $0x80, $0x38;
	[tilespmem:$0x1C300] =	vst v63  }
0xf0: {  	_ =	swait.ge [sflag:s21], $0x4000  }
0xf1: {  	[sflag:s21] =	ssyncset.done $0x0  }
0xf2: {  	[sflag:s21] =	ssyncadd.s32 $0xFFFFC000  }
0xf3: {  	_ =	swait.ge [sflag:s14], $0x80  }
0xf4: {  	[sflag:s14] =	ssyncset.done $0x0  }
0xf5: {  	[sflag:s14] =	ssyncadd.s32 $0xFFFFFF80  }
0xf6: {  	[tilespmem:s15], [sflag:$0x8] =	stream.indirect.gather [hbm4b:s1+s30], $0x80, s30, s30, $0xb8;
	[tilespmem:$0x1C300] =	vst v63  }
0xf7: {  	_ =	swait.ge [sflag:s16], $0x4000  }
0xf8: {  	[sflag:s16] =	ssyncset.done $0x0  }
0xf9: {  	[sflag:s16] =	ssyncadd.s32 $0xFFFFC000  }
0xfa: {  	_ =	swait.ge [sflag:s17], $0x80  }
0xfb: {  	[sflag:s17] =	ssyncset.done $0x0  }
0xfc: {  	[sflag:s17] =	ssyncadd.s32 $0xFFFFFF80  }
0xfd: {  	[spmem:s3] =	stream.indirect.scatter.add.f32 [tilespmem:s15], [sflag:$0xA], $0x80, s31, s30, $0xb8;
	[tilespmem:$0x1C300] =	vst v63  }
0xfe: {  	p0 =	sne.s32 s24, $0x4F0;
	s23 =	sadd.s32 s5, s25  }
0xff: {  	[tilespmem:s30], [sflag:$0x2] =	stream.linear.gather [hbm4b:s23+s4], $0x80, $0x38;
	[tilespmem:$0x1C300] =	vst v63  }
.Ltmp1:
0x100: {  	_ = 	snop;
	(pc) =	sbr.rel @p0 .LBB2_4-.Ltmp1, $4  }
0x101: {  	s28 =	sadd.s32 s6, s25  }
0x102: {  	[tilespmem:s18], [sflag:$0x6] =	stream.linear.gather [hbm4b:s28+s4], $0x80, $0x38;
	[tilespmem:$0x1C300] =	vst v63  }
0x103: {  	_ =	swait.ge [sflag:s19], $0x4000  }
0x104: {  	s24 =	sadd.s32 $0x40, s24;
	[sflag:s19] =	ssyncset.done $0x0  }
0x105: {  	[sflag:s19] =	ssyncadd.s32 $0xFFFFC000  }
0x106: {  	_ =	swait.ge [sflag:s2], $0x80  }
0x107: {  	[sflag:s2] =	ssyncset.done $0x0  }
0x108: {  	[sflag:s2] =	ssyncadd.s32 $0xFFFFFF80  }
0x109: {  	[tilespmem:s26], [sflag:$0x7] =	stream.indirect.gather [hbm4b:s1+s30], $0x80, s4, s30, $0xb8;
	[tilespmem:$0x1C300] =	vst v63  }
0x10a: {  	_ =	swait.ge [sflag:s0], $0x4000  }
0x10b: {  	[sflag:s0] =	ssyncset.done $0x0  }
0x10c: {  	[sflag:s0] =	ssyncadd.s32 $0xFFFFC000  }
0x10d: {  	_ =	swait.ge [sflag:s20], $0x80  }
0x10e: {  	[sflag:s20] =	ssyncset.done $0x0  }
0x10f: {  	[sflag:s20] =	ssyncadd.s32 $0xFFFFFF80  }
0x110: {  	[spmem:s3] =	stream.indirect.scatter.add.f32 [tilespmem:s26], [sflag:$0x9], $0x80, s13, s30, $0xb8;
	[tilespmem:$0x1C300] =	vst v63  }
0x111: {  	_ =	swait.ge [sflag:s21], $0x4000  }
0x112: {  	[sflag:s21] =	ssyncset.done $0x0  }
0x113: {  	[sflag:s21] =	ssyncadd.s32 $0xFFFFC000  }
0x114: {  	_ =	swait.ge [sflag:s14], $0x80  }
0x115: {  	[sflag:s14] =	ssyncset.done $0x0  }
0x116: {  	[sflag:s14] =	ssyncadd.s32 $0xFFFFFF80  }
0x117: {  	[tilespmem:s15], [sflag:$0x8] =	stream.indirect.gather [hbm4b:s1+s30], $0x80, s30, s30, $0xb8;
	[tilespmem:$0x1C300] =	vst v63  }
0x118: {  	_ =	swait.ge [sflag:s16], $0x4000  }
0x119: {  	[sflag:s16] =	ssyncset.done $0x0  }
0x11a: {  	[sflag:s16] =	ssyncadd.s32 $0xFFFFC000  }
0x11b: {  	_ =	swait.ge [sflag:s22], $0x80  }
0x11c: {  	[sflag:s22] =	ssyncset.done $0x0  }
0x11d: {  	[sflag:s22] =	ssyncadd.s32 $0xFFFFFF80  }
0x11e: {  	[spmem:s3] =	stream.indirect.scatter.add.f32 [tilespmem:s15], [sflag:$0xA], $0x80, s18, s30, $0xb8;
	[tilespmem:$0x1C300] =	vst v63  }
0x11f: {  	_ =	swait.ge [sflag:s19], $0x4000  }
0x120: {  	[sflag:s19] =	ssyncset.done $0x0  }
0x121: {  	[sflag:s19] =	ssyncadd.s32 $0xFFFFC000  }
0x122: {  	_ =	swait.ge [sflag:s21], $0x4000  }
0x123: {  	[sflag:s21] =	ssyncset.done $0x0  }
0x124: {  	[sflag:s21] =	ssyncadd.s32 $0xFFFFC000  }
0x125: {  	[bflag:$0x0] =	sbarrier.arrive $0xFFFF  }
0x126: {  	s11 =	simm.s32 $0xB;
	s7 =	rddreg [dreg:$0x5]  }
0x127: {  	[tilespmem:s26], [sflag:$0xB] =	stream.linear.gather [spmem:s7], $0x4000, $0x38;
	[tilespmem:$0x1C300] =	vst v63  }
0x128: {  	_ =	swait.ge [sflag:s11], $0x4000  }
0x129: {  	[sflag:s11] =	ssyncset.done $0x0  }
0x12a: {  	s8 =	rddreg [dreg:$0x12];
	[sflag:s11] =	ssyncadd.s32 $0xFFFFC000  }
0x12b: {  	[hbm4b:s8+s4] =	stream.linear.scatter [tilespmem:s26], [sflag:$0xB], $0x4000, $0x38;
	[tilespmem:$0x1C300] =	vst v63  }
0x12c: {  	_ =	swait.ge [sflag:s11], $0x4000  }
0x12d: {  	[sflag:s11] =	ssyncset.done $0x0  }
0x12e: {  	s9 =	rddreg [dreg:$0x6];
	[sflag:s11] =	ssyncadd.s32 $0xFFFFC000  }
0x12f: {  	[tilespmem:s26], [sflag:$0xB] =	stream.linear.gather [spmem:s9], $0x4000, $0x38;
	[tilespmem:$0x1C300] =	vst v63  }
0x130: {  	_ =	swait.ge [sflag:s11], $0x4000  }
0x131: {  	[sflag:s11] =	ssyncset.done $0x0  }
0x132: {  	s24 =	rddreg [dreg:$0x13];
	[sflag:s11] =	ssyncadd.s32 $0xFFFFC000  }
0x133: {  	[hbm4b:s24+s4] =	stream.linear.scatter [tilespmem:s26], [sflag:$0xB], $0x4000, $0x38;
	[tilespmem:$0x1C300] =	vst v63  }
0x134: {  	_ =	swait.ge [sflag:s11], $0x4000  }
0x135: {  	[sflag:s11] =	ssyncset.done $0x0  }
0x136: {  	s10 =	rddreg [dreg:$0x7];
	[sflag:s11] =	ssyncadd.s32 $0xFFFFC000  }
0x137: {  	[tilespmem:s26], [sflag:$0xB] =	stream.linear.gather [spmem:s10], $0x4000, $0x38;
	[tilespmem:$0x1C300] =	vst v63  }
0x138: {  	_ =	swait.ge [sflag:s11], $0x4000  }
0x139: {  	[sflag:s11] =	ssyncset.done $0x0  }
0x13a: {  	s25 =	rddreg [dreg:$0x14];
	[sflag:s11] =	ssyncadd.s32 $0xFFFFC000  }
0x13b: {  	[hbm4b:s25+s4] =	stream.linear.scatter [tilespmem:s26], [sflag:$0xB], $0x4000, $0x38;
	[tilespmem:$0x1C300] =	vst v63  }
0x13c: {  	_ =	swait.ge [sflag:s11], $0x4000  }
0x13d: {  	[sflag:s11] =	ssyncset.done $0x0  }
0x13e: {  	s23 =	rddreg [dreg:$0x8];
	[sflag:s11] =	ssyncadd.s32 $0xFFFFC000  }
0x13f: {  	[tilespmem:s26], [sflag:$0xB] =	stream.linear.gather [spmem:s23], $0x4000, $0x38;
	[tilespmem:$0x1C300] =	vst v63  }
0x140: {  	_ =	swait.ge [sflag:s11], $0x4000  }
0x141: {  	[sflag:s11] =	ssyncset.done $0x0  }
0x142: {  	s28 =	rddreg [dreg:$0x15];
	[sflag:s11] =	ssyncadd.s32 $0xFFFFC000  }
0x143: {  	[hbm4b:s28+s4] =	stream.linear.scatter [tilespmem:s26], [sflag:$0xB], $0x4000, $0x38;
	[tilespmem:$0x1C300] =	vst v63  }
0x144: {  	_ =	swait.ge [sflag:s11], $0x4000  }
0x145: {  	[sflag:s11] =	ssyncset.done $0x0  }
0x146: {  	s25 =	rddreg [dreg:$0x9];
	[sflag:s11] =	ssyncadd.s32 $0xFFFFC000  }
0x147: {  	[tilespmem:s26], [sflag:$0xB] =	stream.linear.gather [spmem:s25], $0x4000, $0x38;
	[tilespmem:$0x1C300] =	vst v63  }
0x148: {  	_ =	swait.ge [sflag:s11], $0x4000  }
0x149: {  	[sflag:s11] =	ssyncset.done $0x0  }
0x14a: {  	s24 =	rddreg [dreg:$0x16];
	[sflag:s11] =	ssyncadd.s32 $0xFFFFC000  }
0x14b: {  	[hbm4b:s24+s4] =	stream.linear.scatter [tilespmem:s26], [sflag:$0xB], $0x4000, $0x38;
	[tilespmem:$0x1C300] =	vst v63  }
0x14c: {  	_ =	swait.ge [sflag:s11], $0x4000  }
0x14d: {  	s24 =	rddreg [dreg:$0x18]  }
0x14e: {  	s28 =	rddreg [dreg:$0x17];
	s24 =	sadd.s32 $0x1, s24  }
0x14f: {  	p0 =	sne.s32 s24, s28  }
.Ltmp2:
0x150: {  	_ = 	snop;
	(pc) =	sbr.rel @p0 .LBB2_1-.Ltmp2, $3  }
0x151: {  	_ =	sdelay $0x1  }
0x152: {  	[sflag:s11] =	ssyncset.done $0x0  }
0x153: {  	[sflag:s11] =	ssyncadd.s32 $0xFFFFC000  }
0x154: {  	_ =	sfence.sel $0x180000  }
0x155: {  	[bflag:$0x0] =	sbarrier.arrive $0xFFFF  }
0x156: {  	_ =	strace $0x9000004D  }
0x157: {  	s0 =	stileid.u32;
	[bflag:$0x2] =	sbarrier.arrive $0xFFFF  }
0x158: {  	p0 =	sne.s32 s0, $0x0;
	s0 =	rddreg [dreg:$0x3]  }
0x159: {  	s0 =	sadd.s32 @!p0 $0x100000, s0  }
0x15a: {  	[sflag:s0] =	ssyncadd.tile.s32 @!p0 $0x1;
	_ =	shalt  }
.Lfunc_end2:
_tile_overlayer_lowered:
.L_overlay_start_2:
0x15b: {  	(tag) =	ssettag $0x2  }
0x15c: {  	s0 =	rddreg [dreg:$0x0];
	s2 =	stileid.u32  }
0x15d: {  	s1 =	rddreg [dreg:$0x1];
	p0 =	sne.s32 s2, $0x0  }
0x15e: {  	s3 =	rddreg [dreg:$0x2];
	[bflag:$0x3] =	sbarrier.arrive $0xFFFF;
	s2 =	simm.s32 @!p0 $0x1C0B  }
0x15f: {  	[timem:s3], [sflag:s2] =	dma.local @!p0 [hbm:s0], s1  }
0x160: {  	s0 =	simm.s32 @!p0 $0xB  }
0x161: {  	_ =	swait.ge @!p0 [sflag:s0], s1  }
0x162: {  	s1 =	ssub.s32 @!p0 $0x0, s1;
	[sflag:s0] =	ssyncset.done @!p0 $0x0  }
0x163: {  	[sflag:s0] =	ssyncadd.s32 @!p0 s1  }
0x164: {  	[bflag:$0x3] =	sbarrier.arrive $0xFFFF  }
0x165: {  	_ =	shalt  }

// kernel: kernel.8.cloned.1.call-start
scs
__scs_entry_jumppad:
0x0: {  	(pc) =	sbr.rel $0x88, $3  }
0x1: {  	(tag) =	ssettag $0x0;
	lr =	simm.s32 $0x1  }
0x2: {  	[smem:$0x3F9B] =	sst lr;
	_ =	strace $0xD0000000  }
0x3: {  	_ = 	snop  }
0x4: {  	_ = 	snop  }
0x5: {  	_ = 	snop  }
0x6: {  	_ = 	snop  }
0x7: {  	_ = 	snop  }
__scs_overlays_trampoline_lowered:
0x8: {  	[smem:$0x3FAA] =	sst s0  }
0x9: {  	[smem:$0x3FAB] =	sst s1  }
0xa: {  	[smem:$0x3FAC] =	sst s2  }
0xb: {  	[smem:$0x3FAD] =	sst s3  }
0xc: {  	[smem:$0x3FAE] =	sst s4  }
0xd: {  	[smem:$0x3FAF] =	sst s5  }
0xe: {  	[smem:$0x3FB0] =	sst s6  }
0xf: {  	[smem:$0x3FB1] =	sst s7  }
0x10: {  	[smem:$0x3FB2] =	sst s8  }
0x11: {  	[smem:$0x3FB3] =	sst s9;
	s0 =	simm.s32 @!p0 $0x0  }
0x12: {  	s1 =	sld [smem:$0x3F99];
	s0 =	simm.s32 @p0 $0x1  }
0x13: {  	[smem:$0x3FB4] =	sst s0;
	s0 =	simm.s32 @!p1 $0x0  }
0x14: {  	s2 =	sld [smem:$0x3F98];
	s0 =	simm.s32 @p1 $0x1  }
0x15: {  	[smem:$0x3FB5] =	sst s0;
	s0 =	simm.s32 @!p2 $0x0  }
0x16: {  	s3 =	sld [smem:$0x3FDB];
	s0 =	simm.s32 @p2 $0x1  }
0x17: {  	s4 =	simm.s32 $0x1BF5;
	[smem:$0x3FB7] =	sst s0  }
0x18: {  	s0 =	sld [smem:$0x3F9A];
	_ =	swait.ge [sflag:s4], $0x0  }
0x19: {  	s7 =	sld [smem:$0x3F9B]  }
0x1a: {  	s8 =	sadd.s32 $0xFFFFE003, lr  }
0x1b: {  	s9 =	sadd.s32 $0xFFFFFEF7, lr;
	s5 =	simm.s32 $0xFFFFFFFF;
	p2 =	slt.u32 s8, $0xFFFFF086  }
0x1c: {  	p1 =	slt.u32 s9, $0xF7A;
	s5 =	simm.s32 @!p2 $0x0  }
0x1d: {  	s5 =	simm.s32 @p1 $0x1;
	p0 =	seq.s32 s7, s2  }
0x1e: {  	s7 =	smul.u32 @!p0 $0xF7A, s2;
	p2 =	seq.s32 @!p0 s5, $0x0  }
0x1f: {  	s9 =	smul.u32 $0xF7A, s1;
	s8 =	simm.s32 @!p0 $0x1BF5;
	p2 =	por !p2, p0  }
0x20: {  	[sflag:s8] =	ssyncset.s32 @!p0 $0xFFFFF086;
	s6 =	sadd.s32 @!p0 s3, s7;
	s7 =	simm.s32 @!p0 $0x108  }
0x21: {  	s3 =	sadd.s32 s3, s9;
	s6 =	sadd.s32 @!p0 $0x88, s6;
	s7 =	simm.s32 @p2 $0x1082  }
0x22: {  	[simem:s7], [sflag:s8] =	dma.local @!p0 [hbm:s6], $0xF7A  }
0x23: {  	s9 =	sor.u32 $0xD0000000, s2;
	s6 =	simm.s32 $0x108;
	_ =	swait.ge @!p0 [sflag:s8], $0x0  }
0x24: {  	s3 =	sadd.s32 $0x88, s3;
	s6 =	simm.s32 @!p1 $0x1082;
	[sflag:s4] =	ssyncset.s32 $0xFFFFF086  }
0x25: {  	[simem:s6], [sflag:s4] =	dma.local [hbm:s3], $0xF7A  }
0x26: {  	[smem:$0x3F9B] =	sst s1;
	(tag) =	ssettag s2;
	_ =	strace s9  }
0x27: {  	s1 =	sld [smem:$0x3FAB]  }
0x28: {  	s2 =	sld [smem:$0x3FAC]  }
0x29: {  	s4 =	sld [smem:$0x3FAE]  }
0x2a: {  	p0 =	seq.s32 s5, $0x0;
	s5 =	sld [smem:$0x3FAF]  }
0x2b: {  	s6 =	sld [smem:$0x3FB0]  }
0x2c: {  	s7 =	sld [smem:$0x3FB1]  }
0x2d: {  	s3 =	simm.s32 $0x108;
	s8 =	sld [smem:$0x3FB2]  }
0x2e: {  	s3 =	simm.s32 @!p0 $0x1082;
	s9 =	sld [smem:$0x3FB3]  }
0x2f: {  	lr =	sadd.s32 s0, s3;
	s0 =	sld [smem:$0x3FAA]  }
0x30: {  	s3 =	sld [smem:$0x3FAD]  }
0x31: {  	[smem:$0x3FB6] =	sst s10  }
0x32: {  	s10 =	sld [smem:$0x3FB4];
	_ =	sdelay $0x3  }
0x33: {  	p0 =	seq.s32 s10, $0x1;
	s10 =	sld [smem:$0x3FB6];
	_ =	sdelay $0x3  }
0x34: {  	[smem:$0x3FB6] =	sst s10  }
0x35: {  	s10 =	sld [smem:$0x3FB5];
	_ =	sdelay $0x3  }
0x36: {  	p1 =	seq.s32 s10, $0x1;
	s10 =	sld [smem:$0x3FB6];
	_ =	sdelay $0x3  }
0x37: {  	[smem:$0x3FB6] =	sst s10  }
0x38: {  	s10 =	sld [smem:$0x3FB7]  }
0x39: {  	_ = 	snop;
	(pc) =	sbr.ind lr, $3  }
0x3a: {  	_ = 	snop  }
0x3b: {  	_ = 	snop  }
0x3c: {  	p2 =	seq.s32 s10, $0x1;
	s10 =	sld [smem:$0x3FB6]  }
0x3d: {  	_ =	shalt  }
0x3e: {  	_ =	shalt  }
0x3f: {  	_ =	shalt  }
0x40: {  	_ =	shalt  }
0x41: {  	_ =	shalt  }
0x42: {  	_ =	shalt  }
0x43: {  	_ =	shalt  }
0x44: {  	_ =	shalt  }
0x45: {  	_ =	shalt  }
0x46: {  	_ =	shalt  }
0x47: {  	_ =	shalt  }
0x48: {  	_ =	shalt  }
0x49: {  	_ =	shalt  }
0x4a: {  	_ =	shalt  }
0x4b: {  	_ =	shalt  }
0x4c: {  	_ =	shalt  }
0x4d: {  	_ =	shalt  }
0x4e: {  	_ =	shalt  }
0x4f: {  	_ =	shalt  }
0x50: {  	_ =	shalt  }
0x51: {  	_ =	shalt  }
0x52: {  	_ =	shalt  }
0x53: {  	_ =	shalt  }
0x54: {  	_ =	shalt  }
0x55: {  	_ =	shalt  }
0x56: {  	_ =	shalt  }
0x57: {  	_ =	shalt  }
0x58: {  	_ =	shalt  }
0x59: {  	_ =	shalt  }
0x5a: {  	_ =	shalt  }
0x5b: {  	_ =	shalt  }
0x5c: {  	_ =	shalt  }
0x5d: {  	_ =	shalt  }
0x5e: {  	_ =	shalt  }
0x5f: {  	_ =	shalt  }
0x60: {  	_ =	shalt  }
0x61: {  	_ =	shalt  }
0x62: {  	_ =	shalt  }
0x63: {  	_ =	shalt  }
0x64: {  	_ =	shalt  }
0x65: {  	_ =	shalt  }
0x66: {  	_ =	shalt  }
0x67: {  	_ =	shalt  }
0x68: {  	_ =	shalt  }
0x69: {  	_ =	shalt  }
0x6a: {  	_ =	shalt  }
0x6b: {  	_ =	shalt  }
0x6c: {  	_ =	shalt  }
0x6d: {  	_ =	shalt  }
0x6e: {  	_ =	shalt  }
0x6f: {  	_ =	shalt  }
0x70: {  	_ =	shalt  }
0x71: {  	_ =	shalt  }
0x72: {  	_ =	shalt  }
0x73: {  	_ =	shalt  }
0x74: {  	_ =	shalt  }
0x75: {  	_ =	shalt  }
0x76: {  	_ =	shalt  }
0x77: {  	_ =	shalt  }
0x78: {  	_ =	shalt  }
0x79: {  	_ =	shalt  }
0x7a: {  	_ =	shalt  }
0x7b: {  	_ =	shalt  }
0x7c: {  	_ =	shalt  }
0x7d: {  	_ =	shalt  }
0x7e: {  	_ =	shalt  }
0x7f: {  	_ =	shalt  }
0x80: {  	_ =	shalt  }
0x81: {  	_ =	shalt  }
0x82: {  	_ =	shalt  }
0x83: {  	_ =	shalt  }
0x84: {  	_ =	shalt  }
0x85: {  	_ =	shalt  }
0x86: {  	_ =	shalt  }
0x87: {  	_ =	shalt  }
.Lfunc_end0:
.L_simem_size_0:
called_computation_lowered:
.L_overlay_start_0:
0x88: {  	s2 =	sld [smem:$0x3FD9]  }
0x89: {  	s3 =	sld [smem:$0x3FFE];
	_ =	sdelay $0x1  }
0x8a: {  	s1 =	srdreg.scid  }
0x8b: {  	s0 =	sand.u32 $0x1, s1  }
0x8c: {  	s17 =	sshll.u32 s0, $0xA;
	s2 =	sadd.s32 s3, s2  }
0x8d: {  	s2 =	sadd.s32 s2, s17  }
0x8e: {  	[smem:$0x3FC2] =	sst s2  }
0x8f: {  	_ = 	snop  }
0x90: {  	s2 =	sld [smem:$0x3FD0];
	(tm) =	ssettm $0x1  }
0x91: {  	s18 =	sld [smem:$0x3FFB];
	_ =	sdelay $0x3  }
0x92: {  	_ =	strace s18  }
0x93: {  	s3 =	sld [smem:$0x3FFC];
	_ =	sdelay $0x3  }
0x94: {  	_ =	strace s3  }
0x95: {  	s3 =	sld [smem:$0x3FFD];
	_ =	sdelay $0x3  }
0x96: {  	_ =	strace s3  }
0x97: {  	_ =	strace $0x8FFFFFFF  }
0x98: {  	s19 =	sld [smem:$0x3FDB];
	_ =	sdelay $0x1  }
0x99: {  	s4 =	simm.s32 $_scs_section_size  }
0x9a: {  	s5 =	simm.s32 $_size__tile_overlayer_lowered;
	s6 =	simm.s32 $_tile_overlayer_lowered  }
0x9b: {  	s22 =	simm.s32 $0x1BFF;
	s21 =	sshll.u32 s6, $0x1;
	s3 =	sadd.s32 s4, s19  }
0x9c: {  	s7 =	simm.s32 $0x0;
	s20 =	sshll.u32 s5, $0x1;
	s5 =	sadd.s32 s21, s3  }
0x9d: {  	[timem:s7], [sflag:s22] =	dma.local [hbm:s5], s20  }
0x9e: {  	_ =	swait.ge [sflag:s22], s20  }
0x9f: {  	s4 =	ssub.s32 $0x0, s20;
	[sflag:s22] =	ssyncset.done $0x0  }
0xa0: {  	[sflag:s22] =	ssyncadd.s32 s4;
	_ =	sdelay $0x1  }
0xa1: {  	s23 =	simm.s32 $0x1B8B  }
0xa2: {  	_ =	swait.ge [sflag:s23], $0x1  }
0xa3: {  	[sflag:s23] =	ssyncset.done $0x0  }
0xa4: {  	s25 =	simm.s32 $0x1B8E;
	s24 =	sld [smem:$0x3FFE];
	[sflag:s23] =	ssyncadd.s32 $0xFFFFFFFF  }
0xa5: {  	s26 =	simm.s32 $execute0_lowered;
	[smem:$0x3FD2] =	sst s25  }
0xa6: {  	s5 =	sshll.u32 s26, $0x1;
	_ =	strace $0x80000046;
	[dreg:$0x1] =	wrdreg $0xFFFFFFFF  }
0xa7: {  	s28 =	simm.s32 $_size_execute0_lowered;
	s3 =	sadd.s32 s3, s5;
	[dreg:$0x0] =	wrdreg $0x0  }
0xa8: {  	s5 =	sshll.u32 s28, $0x1;
	[dreg:$0x2] =	wrdreg s3  }
0xa9: {  	[dreg:$0x3] =	wrdreg s5  }
0xaa: {  	[dreg:$0x4] =	wrdreg $0xC0  }
0xab: {  	_ =	task [dreg:s7], $0x5FFFF  }
0xac: {  	[dreg:$0x1] =	wrdreg $0xFFFFFFFF  }
0xad: {  	[dreg:$0x0] =	wrdreg $0x60  }
0xae: {  	[dreg:$0x2] =	wrdreg s24  }
0xaf: {  	[dreg:$0x3] =	wrdreg s2  }
0xb0: {  	[dreg:$0x4] =	wrdreg $0x5000  }
0xb1: {  	[dreg:$0x5] =	wrdreg $0x9  }
0xb2: {  	_ =	task.clear_ibuf [dreg:s7], $0x6FFFF;
	_ =	strace $0x90000046  }
0xb3: {  	s29 =	simm.s32 $0x9;
	_ =	strace $0x80000048  }
0xb4: {  	_ =	swait.ge [sflag:s29], $0x1  }
0xb5: {  	[sflag:s29] =	ssyncadd.s32 $0xFFFFFFFF  }
0xb6: {  	_ =	strace $0x90000048  }
0xb7: {  	_ =	sfence  }
0xb8: {  	s30 =	sld [smem:$0x0];
	_ =	sdelay $0x2  }
0xb9: {  	s31 =	sshll.u32 s1, $0xD;
	s1 =	sshrl.u32 s1, $0x2  }
0xba: {  	s3 =	sand.u32 $0x4000, s31;
	s1 =	sadd.s32 s1, s30  }
0xbb: {  	s0 =	sor.u32 s3, s0;
	s1 =	sshll.u32 s1, $0x11  }
0xbc: {  	s0 =	sor.u32 s1, s0  }
0xbd: {  	s0 =	sadd.s32 $0x8F2B, s0  }
0xbe: {  	[sflag:s0] =	ssyncadd.remote.s32 $0x1  }
0xbf: {  	_ =	sfence.sel $0xFFFF  }
0xc0: {  	[dreg:$0x0] =	wrdreg $0xFFFFFFFF;
	(pc) =	sbr.abs _section_cstart, $3  }
0xc1: {  	[dreg:$0x1] =	wrdreg $0xFFFFFFFF  }
0xc2: {  	_ =	task.clear_ibuf [dreg:s7], $0x2FFFF;
	_ =	strace $0x9FFFFFFF  }
0xc3: {  	(tm) =	ssettm $0x7FFFFFFF  }
tec
execute0_lowered:
.L_overlay_start_1:
0x0: {  	(tag) =	ssettag $0x1  }
0x1: {  	s4 =	rddreg [dreg:$0x0]  }
0x2: {  	s10 =	rddreg [dreg:$0x1]  }
0x3: {  	s1 =	rddreg [dreg:$0x2];
	s2 =	srdreg.scid;
	s3 =	simm.s32 $0x0  }
0x4: {  	s15 =	simm.s32 $0x1;
	s16 =	simm.s32 $0x200;
	s17 =	simm.s32 $0x100  }
0x5: {  	s18 =	simm.s32 $0x2;
	s19 =	simm.s32 $0x180;
	s20 =	simm.s32 $0x3  }
0x6: {  	s21 =	simm.s32 $0x5;
	s6 =	sand.u32 $0x1, s2;
	s2 =	stileid.u32  }
0x7: {  	s22 =	simm.s32 $0x4;
	s23 =	simm.s32 $0x6;
	s7 =	smul.u32 $0x280, s2  }
0x8: {  	s24 =	simm.s32 $0x0;
	[smem:$0x7FF] =	sst s3;
	s11 =	smul.u32 $0x2800, s6  }
0x9: {  	s4 =	sadd.s32 $0xD600, s4;
	s5 =	sshll.u32 s6, $0x4;
	s13 =	smul.u32 $0x5000, s6  }
0xa: {  	s8 =	ssub.s32 $0x2, s6;
	s31 =	smul.u32 $0x500, s2;
	s5 =	sor.u32 s2, s5  }
0xb: {  	_ =	strace $0x80000047;
	s29 =	sshrl.u32 s8, $0x1;
	s9 =	smul.u32 $0x500, s5  }
0xc: {  	s12 =	ssub.s32 s8, s29;
	s5 =	sadd.s32 s7, s1;
	s30 =	sadd.s32 s7, s11  }
0xd: {  	s13 =	sadd.s32 s31, s13;
	s14 =	sshrl.u32 s30, $0x3;
	s11 =	smax.u32 s12, $0x1  }
0xe: {  	[dreg:$0x4] =	wrdreg s13;
	s12 =	simm.s32 $0x280;
	s13 =	simm.s32 $0x7  }
0xf: {  	s6 =	sadd.s32 s4, s9;
	s10 =	sadd.s32 s10, s14;
	s14 =	simm.s32 $0x80  }
0x10: {  	v0 =	vimm.f32 $1.000000000e+00;
	v1 =	vimm.f32 $0.0e+00;
	s7 =	sadd.s32 $0x10, s6;
	s8 =	sadd.s32 $0x20, s6;
	s9 =	sadd.s32 $0x30, s6  }
.LBB2_1:
0x11: {  	[tilespmem:$0x200] =	vst v0  }
0x12: {  	[tilespmem:$0x210] =	vst v0  }
0x13: {  	[tilespmem:$0x220] =	vst v0  }
0x14: {  	[tilespmem:$0x230] =	vst v0  }
0x15: {  	[tilespmem:$0x240] =	vst v0  }
0x16: {  	[tilespmem:$0x250] =	vst v0  }
0x17: {  	[tilespmem:$0x260] =	vst v0  }
0x18: {  	[tilespmem:$0x270] =	vst v0  }
0x19: {  	[tilespmem:$0x280] =	vst v1  }
0x1a: {  	[tilespmem:$0x290] =	vst v1  }
0x1b: {  	[tilespmem:$0x2A0] =	vst v1  }
0x1c: {  	[tilespmem:$0x2B0] =	vst v1  }
0x1d: {  	[tilespmem:$0x2C0] =	vst v1  }
0x1e: {  	[tilespmem:$0x2D0] =	vst v1  }
0x1f: {  	[tilespmem:$0x2E0] =	vst v1  }
0x20: {  	[tilespmem:$0x2F0] =	vst v1  }
0x21: {  	[tilespmem:$0x300] =	vst v1  }
0x22: {  	[tilespmem:$0x310] =	vst v1  }
0x23: {  	[tilespmem:$0x320] =	vst v1  }
0x24: {  	[tilespmem:$0x330] =	vst v1  }
0x25: {  	[tilespmem:$0x340] =	vst v1  }
0x26: {  	[tilespmem:$0x350] =	vst v1  }
0x27: {  	[tilespmem:$0x360] =	vst v1  }
0x28: {  	[tilespmem:$0x370] =	vst v1  }
0x29: {  	[tilespmem:$0x380] =	vst v1  }
0x2a: {  	[tilespmem:$0x390] =	vst v1  }
0x2b: {  	[tilespmem:$0x3A0] =	vst v1  }
0x2c: {  	[tilespmem:$0x3B0] =	vst v1  }
0x2d: {  	[tilespmem:$0x3C0] =	vst v1  }
0x2e: {  	[tilespmem:$0x3D0] =	vst v1  }
0x2f: {  	[tilespmem:$0x3E0] =	vst v1  }
0x30: {  	[tilespmem:$0x3F0] =	vst v1  }
0x31: {  	[tilespmem:$0x400] =	vst v1  }
0x32: {  	[tilespmem:$0x410] =	vst v1  }
0x33: {  	[tilespmem:$0x420] =	vst v1  }
0x34: {  	[tilespmem:$0x430] =	vst v1  }
0x35: {  	[tilespmem:$0x440] =	vst v1  }
0x36: {  	[tilespmem:$0x450] =	vst v1  }
0x37: {  	[tilespmem:$0x460] =	vst v1  }
0x38: {  	[tilespmem:$0x470] =	vst v1  }
0x39: {  	[tilespmem:$0x480] =	vst v1  }
0x3a: {  	[tilespmem:$0x490] =	vst v1  }
0x3b: {  	[tilespmem:$0x4A0] =	vst v1  }
0x3c: {  	[tilespmem:$0x4B0] =	vst v1  }
0x3d: {  	[tilespmem:$0x4C0] =	vst v1  }
0x3e: {  	[tilespmem:$0x4D0] =	vst v1  }
0x3f: {  	[tilespmem:$0x4E0] =	vst v1  }
0x40: {  	[tilespmem:$0x4F0] =	vst v1  }
0x41: {  	[spmem:s5] =	stream.linear.scatter [tilespmem:s12], [sflag:$0x7], $0x280, $0x38;
	[tilespmem:$0x780] =	vst v63  }
0x42: {  	_ =	swait.ge [sflag:s13], $0x280  }
0x43: {  	[sflag:s13] =	ssyncset.done $0x0  }
0x44: {  	[sflag:s13] =	ssyncadd.s32 $0xFFFFFD80  }
0x45: {  	[bflag:$0x0] =	sbarrier.arrive $0xFFFF  }
0x46: {  	[tilespmem:s3], [sflag:$0x1] =	stream.linear.gather [hbm4b:s6+s3], $0x80, $0x38;
	[tilespmem:$0x780] =	vst v63  }
0x47: {  	_ = 	snop  }
0x48: {  	[tilespmem:s14], [sflag:$0x2] =	stream.linear.gather [hbm4b:s7+s3], $0x80, $0x38;
	[tilespmem:$0x780] =	vst v63  }
0x49: {  	_ =	swait.ge [sflag:s15], $0x80  }
0x4a: {  	[sflag:s15] =	ssyncset.done $0x0  }
0x4b: {  	[sflag:s15] =	ssyncadd.s32 $0xFFFFFF80  }
0x4c: {  	[spmem:s1] =	stream.indirect.scatter.add.f32 [tilespmem:s16], [sflag:$0x5], $0x1, s3, s14, $0xb8;
	[tilespmem:$0x780] =	vst v63  }
0x4d: {  	_ = 	snop  }
0x4e: {  	[tilespmem:s17], [sflag:$0x3] =	stream.linear.gather [hbm4b:s8+s3], $0x80, $0x38;
	[tilespmem:$0x780] =	vst v63  }
0x4f: {  	_ =	swait.ge [sflag:s18], $0x80  }
0x50: {  	[sflag:s18] =	ssyncset.done $0x0  }
0x51: {  	[sflag:s18] =	ssyncadd.s32 $0xFFFFFF80  }
0x52: {  	[spmem:s1] =	stream.indirect.scatter.add.f32 [tilespmem:s16], [sflag:$0x6], $0x1, s14, s14, $0xb8;
	[tilespmem:$0x780] =	vst v63  }
0x53: {  	_ = 	snop  }
0x54: {  	[tilespmem:s19], [sflag:$0x4] =	stream.linear.gather [hbm4b:s9+s3], $0x80, $0x38;
	[tilespmem:$0x780] =	vst v63  }
0x55: {  	_ =	swait.ge [sflag:s20], $0x80  }
0x56: {  	[sflag:s20] =	ssyncset.done $0x0  }
0x57: {  	[sflag:s20] =	ssyncadd.s32 $0xFFFFFF80  }
0x58: {  	_ =	swait.ge [sflag:s21], $0x80  }
0x59: {  	[sflag:s21] =	ssyncset.done $0x0;
	s25 =	rddreg [dreg:$0x4]  }
0x5a: {  	s26 =	simm.s32 $0x40;
	[sflag:s21] =	ssyncadd.s32 $0xFFFFFF80;
	s28 =	sadd.s32 $0x70, s25  }
0x5b: {  	[spmem:s1] =	stream.indirect.scatter.add.f32 [tilespmem:s16], [sflag:$0x5], $0x1, s17, s14, $0xb8;
	[tilespmem:$0x780] =	vst v63  }
0x5c: {  	s29 =	sand.u32 $0x40, s26;
	s30 =	sadd.s32 $0xFFFFFFD0, s28  }
0x5d: {  	s25 =	sadd.s32 s4, s29;
	s26 =	sand.u32 $0xFFFFF80, s30  }
0x5e: {  	s25 =	sadd.s32 s26, s25  }
0x5f: {  	[tilespmem:s3], [sflag:$0x1] =	stream.linear.gather [hbm4b:s25+s3], $0x80, $0x38;
	[tilespmem:$0x780] =	vst v63  }
0x60: {  	_ =	swait.ge [sflag:s22], $0x80  }
0x61: {  	[sflag:s22] =	ssyncset.done $0x0  }
0x62: {  	[sflag:s22] =	ssyncadd.s32 $0xFFFFFF80  }
0x63: {  	s31 =	simm.s32 $0x50;
	_ =	swait.ge [sflag:s23], $0x80  }
0x64: {  	s0 =	sadd.s32 $0xFFFFFFE0, s28;
	s25 =	sand.u32 $0x50, s31;
	[sflag:s23] =	ssyncset.done $0x0  }
0x65: {  	s26 =	sand.u32 $0xFFFFF80, s0;
	s25 =	sadd.s32 s4, s25;
	[sflag:s23] =	ssyncadd.s32 $0xFFFFFF80  }
0x66: {  	[spmem:s1] =	stream.indirect.scatter.add.f32 [tilespmem:s16], [sflag:$0x6], $0x1, s19, s14, $0xb8;
	[tilespmem:$0x780] =	vst v63  }
0x67: {  	s25 =	sadd.s32 s26, s25  }
0x68: {  	[tilespmem:s14], [sflag:$0x2] =	stream.linear.gather [hbm4b:s25+s3], $0x80, $0x38;
	[tilespmem:$0x780] =	vst v63  }
0x69: {  	_ =	swait.ge [sflag:s15], $0x80  }
0x6a: {  	[sflag:s15] =	ssyncset.done $0x0  }
0x6b: {  	[sflag:s15] =	ssyncadd.s32 $0xFFFFFF80  }
0x6c: {  	s29 =	simm.s32 $0x60;
	_ =	swait.ge [sflag:s21], $0x80  }
0x6d: {  	s30 =	sadd.s32 $0xFFFFFFF0, s28;
	s25 =	sand.u32 $0x60, s29;
	[sflag:s21] =	ssyncset.done $0x0  }
0x6e: {  	s26 =	sand.u32 $0xFFFFF80, s30;
	s25 =	sadd.s32 s4, s25;
	[sflag:s21] =	ssyncadd.s32 $0xFFFFFF80  }
0x6f: {  	[spmem:s1] =	stream.indirect.scatter.add.f32 [tilespmem:s16], [sflag:$0x5], $0x1, s3, s14, $0xb8;
	[tilespmem:$0x780] =	vst v63  }
0x70: {  	s25 =	sadd.s32 s26, s25  }
0x71: {  	[tilespmem:s17], [sflag:$0x3] =	stream.linear.gather [hbm4b:s25+s3], $0x80, $0x38;
	[tilespmem:$0x780] =	vst v63  }
0x72: {  	_ =	swait.ge [sflag:s18], $0x80  }
0x73: {  	[sflag:s18] =	ssyncset.done $0x0  }
0x74: {  	s31 =	simm.s32 $0x70;
	[sflag:s18] =	ssyncadd.s32 $0xFFFFFF80  }
0x75: {  	s28 =	sand.u32 $0xFFFFF80, s28;
	s26 =	sand.u32 $0x70, s31;
	_ =	swait.ge [sflag:s23], $0x80  }
0x76: {  	s26 =	sadd.s32 s4, s26;
	s25 =	simm.s32 $0xB0;
	[sflag:s23] =	ssyncset.done $0x0  }
.LBB2_2:
0x77: {  	[sflag:s23] =	ssyncadd.s32 $0xFFFFFF80  }
0x78: {  	[spmem:s1] =	stream.indirect.scatter.add.f32 [tilespmem:s16], [sflag:$0x6], $0x1, s14, s14, $0xb8;
	[tilespmem:$0x780] =	vst v63  }
0x79: {  	s28 =	sadd.s32 s28, s26  }
0x7a: {  	[tilespmem:s19], [sflag:$0x4] =	stream.linear.gather [hbm4b:s28+s3], $0x80, $0x38;
	[tilespmem:$0x780] =	vst v63  }
0x7b: {  	_ =	swait.ge [sflag:s20], $0x80  }
0x7c: {  	[sflag:s20] =	ssyncset.done $0x0  }
0x7d: {  	[sflag:s20] =	ssyncadd.s32 $0xFFFFFF80  }
0x7e: {  	_ =	swait.ge [sflag:s21], $0x80  }
0x7f: {  	s26 =	smov.u32 s25;
	[sflag:s21] =	ssyncset.done $0x0;
	s28 =	rddreg [dreg:$0x4]  }
0x80: {  	s29 =	sadd.s32 $0xFFFFFFD0, s26;
	[sflag:s21] =	ssyncadd.s32 $0xFFFFFF80;
	s28 =	sadd.s32 s26, s28  }
0x81: {  	[spmem:s1] =	stream.indirect.scatter.add.f32 [tilespmem:s16], [sflag:$0x5], $0x1, s17, s14, $0xb8;
	[tilespmem:$0x780] =	vst v63  }
0x82: {  	s29 =	sand.u32 $0x40, s29;
	s30 =	sadd.s32 $0xFFFFFFD0, s28  }
0x83: {  	s29 =	sadd.s32 s4, s29;
	s30 =	sand.u32 $0xFFFFF80, s30  }
0x84: {  	s29 =	sadd.s32 s30, s29  }
0x85: {  	[tilespmem:s3], [sflag:$0x1] =	stream.linear.gather [hbm4b:s29+s3], $0x80, $0x38;
	[tilespmem:$0x780] =	vst v63  }
0x86: {  	_ =	swait.ge [sflag:s22], $0x80  }
0x87: {  	[sflag:s22] =	ssyncset.done $0x0  }
0x88: {  	[sflag:s22] =	ssyncadd.s32 $0xFFFFFF80  }
0x89: {  	s30 =	sadd.s32 $0xFFFFFFE0, s26;
	_ =	swait.ge [sflag:s23], $0x80  }
0x8a: {  	s31 =	sadd.s32 $0xFFFFFFE0, s28;
	s29 =	sand.u32 $0x50, s30;
	[sflag:s23] =	ssyncset.done $0x0  }
0x8b: {  	s31 =	sand.u32 $0xFFFFF80, s31;
	s29 =	sadd.s32 s4, s29;
	[sflag:s23] =	ssyncadd.s32 $0xFFFFFF80  }
0x8c: {  	[spmem:s1] =	stream.indirect.scatter.add.f32 [tilespmem:s16], [sflag:$0x6], $0x1, s19, s14, $0xb8;
	[tilespmem:$0x780] =	vst v63  }
0x8d: {  	s29 =	sadd.s32 s31, s29  }
0x8e: {  	[tilespmem:s14], [sflag:$0x2] =	stream.linear.gather [hbm4b:s29+s3], $0x80, $0x38;
	[tilespmem:$0x780] =	vst v63  }
0x8f: {  	_ =	swait.ge [sflag:s15], $0x80  }
0x90: {  	[sflag:s15] =	ssyncset.done $0x0  }
0x91: {  	[sflag:s15] =	ssyncadd.s32 $0xFFFFFF80  }
0x92: {  	s30 =	sadd.s32 $0xFFFFFFF0, s26;
	_ =	swait.ge [sflag:s21], $0x80  }
0x93: {  	s0 =	sadd.s32 $0xFFFFFFF0, s28;
	s29 =	sand.u32 $0x60, s30;
	[sflag:s21] =	ssyncset.done $0x0  }
0x94: {  	s0 =	sand.u32 $0xFFFFF80, s0;
	s29 =	sadd.s32 s4, s29;
	[sflag:s21] =	ssyncadd.s32 $0xFFFFFF80  }
0x95: {  	[spmem:s1] =	stream.indirect.scatter.add.f32 [tilespmem:s16], [sflag:$0x5], $0x1, s3, s14, $0xb8;
	[tilespmem:$0x780] =	vst v63  }
0x96: {  	p0 =	sne.s32 s25, $0x4F0;
	s0 =	sadd.s32 s0, s29  }
0x97: {  	[tilespmem:s17], [sflag:$0x3] =	stream.linear.gather [hbm4b:s0+s3], $0x80, $0x38;
	[tilespmem:$0x780] =	vst v63  }
.Ltmp0:
0x98: {  	_ =	swait.ge [sflag:s18], $0x80;
	(pc) =	sbr.rel @p0 .LBB2_2-.Ltmp0, $4  }
0x99: {  	[sflag:s18] =	ssyncset.done $0x0  }
0x9a: {  	[sflag:s18] =	ssyncadd.s32 $0xFFFFFF80  }
0x9b: {  	s25 =	sadd.s32 $0x40, s25;
	s31 =	sand.u32 $0x70, s26;
	_ =	swait.ge [sflag:s23], $0x80  }
0x9c: {  	s28 =	sand.u32 $0xFFFFF80, s28;
	s26 =	sadd.s32 s4, s31;
	[sflag:s23] =	ssyncset.done $0x0  }
0x9d: {  	[sflag:s23] =	ssyncadd.s32 $0xFFFFFF80  }
0x9e: {  	[spmem:s1] =	stream.indirect.scatter.add.f32 [tilespmem:s16], [sflag:$0x6], $0x1, s14, s14, $0xb8;
	[tilespmem:$0x780] =	vst v63  }
0x9f: {  	s0 =	sadd.s32 s28, s26  }
0xa0: {  	[tilespmem:s19], [sflag:$0x4] =	stream.linear.gather [hbm4b:s0+s3], $0x80, $0x38;
	[tilespmem:$0x780] =	vst v63  }
0xa1: {  	_ =	swait.ge [sflag:s20], $0x80  }
0xa2: {  	[sflag:s20] =	ssyncset.done $0x0  }
0xa3: {  	[sflag:s20] =	ssyncadd.s32 $0xFFFFFF80  }
0xa4: {  	_ =	swait.ge [sflag:s21], $0x80  }
0xa5: {  	[sflag:s21] =	ssyncset.done $0x0  }
0xa6: {  	[sflag:s21] =	ssyncadd.s32 $0xFFFFFF80  }
0xa7: {  	[spmem:s1] =	stream.indirect.scatter.add.f32 [tilespmem:s16], [sflag:$0x5], $0x1, s17, s14, $0xb8;
	[tilespmem:$0x780] =	vst v63  }
0xa8: {  	_ =	swait.ge [sflag:s22], $0x80  }
0xa9: {  	[sflag:s22] =	ssyncset.done $0x0  }
0xaa: {  	[sflag:s22] =	ssyncadd.s32 $0xFFFFFF80  }
0xab: {  	_ =	swait.ge [sflag:s23], $0x80  }
0xac: {  	[sflag:s23] =	ssyncset.done $0x0  }
0xad: {  	[sflag:s23] =	ssyncadd.s32 $0xFFFFFF80  }
0xae: {  	[spmem:s1] =	stream.indirect.scatter.add.f32 [tilespmem:s16], [sflag:$0x6], $0x1, s19, s14, $0xb8;
	[tilespmem:$0x780] =	vst v63  }
0xaf: {  	_ =	swait.ge [sflag:s21], $0x80  }
0xb0: {  	[sflag:s21] =	ssyncset.done $0x0  }
0xb1: {  	[sflag:s21] =	ssyncadd.s32 $0xFFFFFF80  }
0xb2: {  	_ =	swait.ge [sflag:s23], $0x80  }
0xb3: {  	[sflag:s23] =	ssyncset.done $0x0  }
0xb4: {  	[sflag:s23] =	ssyncadd.s32 $0xFFFFFF80  }
0xb5: {  	[bflag:$0x0] =	sbarrier.arrive $0xFFFF  }
0xb6: {  	[tilespmem:s12], [sflag:$0x7] =	stream.linear.gather [spmem:s5], $0x280, $0x38;
	[tilespmem:$0x780] =	vst v63  }
0xb7: {  	s24 =	sadd.s32 $0x1, s24;
	_ =	swait.ge [sflag:s13], $0x280  }
0xb8: {  	p0 =	sne.s32 s24, s11;
	[sflag:s13] =	ssyncset.done $0x0  }
.Ltmp1:
0xb9: {  	[sflag:s13] =	ssyncadd.s32 $0xFFFFFD80;
	(pc) =	sbr.rel @p0 .LBB2_1-.Ltmp1, $4  }
0xba: {  	[hbm4b:s10+s3] =	stream.linear.scatter [tilespmem:s12], [sflag:$0x7], $0x280, $0x38;
	[tilespmem:$0x780] =	vst v63  }
0xbb: {  	_ =	swait.ge [sflag:s13], $0x280  }
0xbc: {  	[sflag:s13] =	ssyncset.done $0x0  }
0xbd: {  	[sflag:s13] =	ssyncadd.s32 $0xFFFFFD80  }
0xbe: {  	_ =	sfence.sel $0x180000  }
0xbf: {  	[bflag:$0x0] =	sbarrier.arrive $0xFFFF  }
0xc0: {  	_ =	strace $0x90000047  }
0xc1: {  	[bflag:$0x2] =	sbarrier.arrive $0xFFFF  }
0xc2: {  	p0 =	sne.s32 s2, $0x0;
	s0 =	rddreg [dreg:$0x3]  }
0xc3: {  	s0 =	sadd.s32 @!p0 $0x100000, s0  }
0xc4: {  	[sflag:s0] =	ssyncadd.tile.s32 @!p0 $0x1;
	_ =	shalt  }
.Lfunc_end2:
_tile_overlayer_lowered:
.L_overlay_start_2:
0xc5: {  	(tag) =	ssettag $0x2  }
0xc6: {  	s0 =	rddreg [dreg:$0x0];
	s2 =	stileid.u32  }
0xc7: {  	s1 =	rddreg [dreg:$0x1];
	p0 =	sne.s32 s2, $0x0  }
0xc8: {  	s3 =	rddreg [dreg:$0x2];
	[bflag:$0x3] =	sbarrier.arrive $0xFFFF;
	s2 =	simm.s32 @!p0 $0x1C07  }
0xc9: {  	[timem:s3], [sflag:s2] =	dma.local @!p0 [hbm:s0], s1  }
0xca: {  	s0 =	simm.s32 @!p0 $0x7  }
0xcb: {  	_ =	swait.ge @!p0 [sflag:s0], s1  }
0xcc: {  	s1 =	ssub.s32 @!p0 $0x0, s1;
	[sflag:s0] =	ssyncset.done @!p0 $0x0  }
0xcd: {  	[sflag:s0] =	ssyncadd.s32 @!p0 s1  }
0xce: {  	[bflag:$0x3] =	sbarrier.arrive $0xFFFF  }
0xcf: {  	_ =	shalt  }

</sc_bundles>
